<compile_context>
chip_gen: v7x
topology: tpu7x:2x2x1
jax: 0.10.2.dev20260603
libtpu: 0.0.44.dev20260713+nightly
codegen_flags: <defaults>
</compile_context>

<pallas_src>
import functools

import jax
import jax.numpy as jnp
from jax import lax
from jax.experimental import pallas as pl
from jax.experimental.pallas import tpu as pltpu
from jax.experimental.pallas import tpu_sc as plsc

N = 10000
E = 320000
D = 128
H = 128
C = 2
G = 64

NC = 2
NS = 16
NW = NC * NS
EK = 128
EPT = 10240
ECHUNKS = EPT // EK
NP = 10240
TRASH = N + 200
ROWS_PER_TILE = NP // NS

BN = 1000
NB = N // BN

_f32 = jnp.float32


def _zero_vmem_rows(buf, nrows, width):
    zv = jnp.zeros((16,), _f32)

    def body(r, _):
        for f in range(width // 16):
            buf[r, pl.ds(f * 16, 16)] = zv
        return 0

    lax.fori_loop(0, nrows, body, 0)


DW = 128


def _deg_body(dst_hbm, out, dstb, ones, s_sh, sem):
    c = lax.axis_index("c")
    s = lax.axis_index("s")
    w = c * NS + s
    base = s * ROWS_PER_TILE

    pltpu.sync_copy(dst_hbm.at[w], dstb)

    _zero_vmem_rows(ones, EK, DW)
    for q in range(ROWS_PER_TILE // EK):
        pltpu.sync_copy(ones, s_sh.at[pl.ds(base + q * EK, EK)])
    plsc.subcore_barrier()

    ov = jnp.ones((16,), _f32)

    def fill_ones(r, _):
        for f in range(DW // 16):
            ones[r, pl.ds(f * 16, 16)] = ov
        return 0

    lax.fori_loop(0, EK, fill_ones, 0)

    def chunk(j, _):
        pltpu.sync_copy(ones, s_sh.at[dstb.at[j]], add=True)
        return 0

    lax.fori_loop(0, ECHUNKS, chunk, 0)
    plsc.subcore_barrier()

    sl = pl.ds(base, ROWS_PER_TILE)
    pltpu.sync_copy(s_sh.at[sl], out.at[c, sl])


_deg_call = functools.partial(
    pl.kernel,
    mesh=plsc.VectorSubcoreMesh(core_axis_name="c", subcore_axis_name="s"),
    out_type=jax.ShapeDtypeStruct((NC, NP, DW), _f32),
    scratch_types=[
        pltpu.VMEM((ECHUNKS, EK), jnp.int32),
        pltpu.VMEM((EK, DW), _f32),
        pltpu.VMEM_SHARED((NP, DW), _f32),
        pltpu.SemaphoreType.DMA,
    ],
)(_deg_body)


NBUF = 1
SBC = 16
NSB = ECHUNKS // SBC
SBPAIR = SBC // (2 * NBUF)


def _scatter_body(hp_hbm, src_hbm, dst_hbm, out,
                  srcb, dstb, a0, b0,
                  s_sh, gsem, ssem):
    c = lax.axis_index("c")
    s = lax.axis_index("s")
    w = c * NS + s
    base = s * ROWS_PER_TILE
    bankA = (a0,)
    bankB = (b0,)

    def drain_adds(bank):
        for b in bank:
            pltpu.make_async_copy(b, s_sh.at[pl.ds(0, EK)], ssem).wait()

    def fire_gathers(bank, j0):
        return [pltpu.async_copy(hp_hbm.at[srcb.at[j0 + i]], bank[i], gsem)
                for i in range(NBUF)]

    def fire_adds(bank, j0):
        for i in range(NBUF):
            pltpu.async_copy(bank[i], s_sh.at[dstb.at[j0 + i]], ssem,
                             add=True)

    _zero_vmem_rows(a0, EK, H)
    for q in range(ROWS_PER_TILE // EK):
        pltpu.sync_copy(a0, s_sh.at[pl.ds(base + q * EK, EK)])
    plsc.subcore_barrier()

    def superblock(sb, _):
        pltpu.sync_copy(src_hbm.at[w, sb], srcb)
        pltpu.sync_copy(dst_hbm.at[w, sb], dstb)

        def pair(p, _):
            j0 = p * 2 * NBUF
            hs = fire_gathers(bankA, j0)
            for h in hs:
                h.wait()
            fire_adds(bankA, j0)

            @pl.when(p > 0)
            def _():
                drain_adds(bankB)

            hs2 = fire_gathers(bankB, j0 + NBUF)
            for h in hs2:
                h.wait()
            fire_adds(bankB, j0 + NBUF)
            drain_adds(bankA)
            return 0

        lax.fori_loop(0, SBPAIR, pair, 0)
        drain_adds(bankB)
        return 0

    lax.fori_loop(0, NSB, superblock, 0)
    plsc.subcore_barrier()

    sl = pl.ds(base, ROWS_PER_TILE)
    pltpu.sync_copy(s_sh.at[sl], out.at[c, sl])


_scatter_call = functools.partial(
    pl.kernel,
    mesh=plsc.VectorSubcoreMesh(core_axis_name="c", subcore_axis_name="s"),
    out_type=jax.ShapeDtypeStruct((NC, NP, H), _f32),
    scratch_types=[
        pltpu.VMEM((SBC, EK), jnp.int32),
        pltpu.VMEM((SBC, EK), jnp.int32),
        pltpu.VMEM((EK, H), _f32),
        pltpu.VMEM((EK, H), _f32),
        pltpu.VMEM_SHARED((NP, H), _f32),
        pltpu.SemaphoreType.DMA,
        pltpu.SemaphoreType.DMA,
    ],
)(_scatter_body)


def _prep_body(x_ref, w_ref, d0_ref, d1_ref, dinv_ref, hp_ref):
    deg = d0_ref[0, :, 0:1] + d1_ref[0, :, 0:1] + 1.0
    dinv = lax.rsqrt(deg)
    dinv_ref[...] = dinv
    hp_ref[...] = dinv * jnp.dot(x_ref[...], w_ref[...],
                                 preferred_element_type=_f32)


def _prep_call(x, W, degp):
    return pl.pallas_call(
        _prep_body,
        grid=(NB,),
        in_specs=[
            pl.BlockSpec((BN, D), lambda i: (i, 0)),
            pl.BlockSpec((D, H), lambda i: (0, 0)),
            pl.BlockSpec((1, BN, DW), lambda i: (0, i, 0)),
            pl.BlockSpec((1, BN, DW), lambda i: (1, i, 0)),
        ],
        out_specs=[
            pl.BlockSpec((BN, 1), lambda i: (i, 0)),
            pl.BlockSpec((BN, H), lambda i: (i, 0)),
        ],
        out_shape=[
            jax.ShapeDtypeStruct((N, 1), _f32),
            jax.ShapeDtypeStruct((N, H), _f32),
        ],
    )(x, W, degp, degp)


def _mid_body(s0_ref, s1_ref, hp_ref, dinv_ref, b_ref, w_ref, out_ref):
    dinv = dinv_ref[...]
    h = dinv * (s0_ref[0] + s1_ref[0] + hp_ref[...]) + b_ref[...]
    h = jnp.maximum(h, 0.0)
    out_ref[...] = dinv * jnp.dot(h, w_ref[...], preferred_element_type=_f32)


def _mid_call(S, hp, dinv, b, W):
    return pl.pallas_call(
        _mid_body,
        grid=(NB,),
        in_specs=[
            pl.BlockSpec((1, BN, H), lambda i: (0, i, 0)),
            pl.BlockSpec((1, BN, H), lambda i: (1, i, 0)),
            pl.BlockSpec((BN, H), lambda i: (i, 0)),
            pl.BlockSpec((BN, 1), lambda i: (i, 0)),
            pl.BlockSpec((1, H), lambda i: (0, 0)),
            pl.BlockSpec((H, H), lambda i: (0, 0)),
        ],
        out_specs=pl.BlockSpec((BN, H), lambda i: (i, 0)),
        out_shape=jax.ShapeDtypeStruct((N, H), _f32),
    )(S, S, hp, dinv, b, W)


def _final_body(s0_ref, s1_ref, hp_ref, dinv_ref, b_ref, batch_ref,
                wc1_ref, bc1_ref, wc2_ref, bc2_ref, out_ref, acc, cnt):
    i = pl.program_id(0)

    @pl.when(i == 0)
    def _():
        acc[...] = jnp.zeros((G, H), _f32)
        cnt[...] = jnp.zeros((G, H), _f32)

    dinv = dinv_ref[...]
    agg = dinv * (s0_ref[0] + s1_ref[0] + hp_ref[...]) + b_ref[...]
    bb = batch_ref[0, 0, :]
    gids = lax.broadcasted_iota(jnp.int32, (G, BN), 0)
    onehot = (bb[None, :] == gids).astype(_f32)
    acc[...] += jnp.dot(onehot, agg, preferred_element_type=_f32)
    cnt[...] += jnp.broadcast_to(jnp.sum(onehot, axis=1, keepdims=True), (G, H))

    @pl.when(i == NB - 1)
    def _():
        pooled = acc[...] / jnp.maximum(cnt[...], 1.0)
        z = jnp.maximum(
            jnp.dot(pooled, wc1_ref[...], preferred_element_type=_f32)
            + bc1_ref[...], 0.0)
        out_ref[...] = (jnp.dot(z, wc2_ref[...], preferred_element_type=_f32)
                        + bc2_ref[...])


def _final_call(S, hp, dinv, b, batch3, Wc1p, bc1p, Wc2p, bc2p):
    return pl.pallas_call(
        _final_body,
        grid=(NB,),
        in_specs=[
            pl.BlockSpec((1, BN, H), lambda i: (0, i, 0)),
            pl.BlockSpec((1, BN, H), lambda i: (1, i, 0)),
            pl.BlockSpec((BN, H), lambda i: (i, 0)),
            pl.BlockSpec((BN, 1), lambda i: (i, 0)),
            pl.BlockSpec((1, H), lambda i: (0, 0)),
            pl.BlockSpec((1, 1, BN), lambda i: (i, 0, 0)),
            pl.BlockSpec((H, H), lambda i: (0, 0)),
            pl.BlockSpec((1, H), lambda i: (0, 0)),
            pl.BlockSpec((H, H), lambda i: (0, 0)),
            pl.BlockSpec((1, H), lambda i: (0, 0)),
        ],
        out_specs=pl.BlockSpec((G, H), lambda i: (0, 0)),
        out_shape=jax.ShapeDtypeStruct((G, H), _f32),
        scratch_shapes=[
            pltpu.VMEM((G, H), _f32),
            pltpu.VMEM((G, H), _f32),
        ],
    )(S, S, hp, dinv, b, batch3, Wc1p, bc1p, Wc2p, bc2p)


def kernel(x, edge_index, batch, W0, b0, W1, b1, W2, b2, Wc1, bc1, Wc2, bc2):
    pad = EPT - E // NW
    src_p = jnp.pad(edge_index[0].reshape(NW, E // NW), ((0, 0), (0, pad)))
    dst_p = jnp.pad(edge_index[1].reshape(NW, E // NW), ((0, 0), (0, pad)),
                    constant_values=TRASH)
    src4d = src_p.reshape(NW, NSB, SBC, EK)
    dst4d = dst_p.reshape(NW, NSB, SBC, EK)
    dst2d = dst_p.reshape(NW, ECHUNKS, EK)
    batch3 = batch.reshape(NB, 1, BN)

    Wc1p = jnp.zeros((H, H), _f32).at[:, : H // 2].set(Wc1)
    bc1p = jnp.zeros((1, H), _f32).at[0, : H // 2].set(bc1)
    Wc2p = jnp.zeros((H, H), _f32).at[: H // 2, :C].set(Wc2)
    bc2p = jnp.zeros((1, H), _f32).at[0, :C].set(bc2)

    degp = _deg_call(dst2d)
    dinv, hp0 = _prep_call(x, W0, degp)
    S0 = _scatter_call(hp0, src4d, dst4d)
    hp1 = _mid_call(S0, hp0, dinv, b0.reshape(1, H), W1)
    S1 = _scatter_call(hp1, src4d, dst4d)
    hp2 = _mid_call(S1, hp1, dinv, b1.reshape(1, H), W2)
    S2 = _scatter_call(hp2, src4d, dst4d)
    out = _final_call(S2, hp2, dinv, b2.reshape(1, H), batch3,
                      Wc1p, bc1p, Wc2p, bc2p)
    return out[:, :C]

# --- scband reference (transcript-rebuilt; emitter-appended) ---
"""Pipeline reference for scband-vuln-gcn-75531294867784 (READ-ONLY COPY).

The authoritative reference and input builder live on the scoring server;
editing this copy changes nothing except your own understanding.
"""

import jax, jax.numpy as jnp
import numpy as np

N = 10000
E = 320000
D = 128
H = 128
C = 2
G = 64


def setup_inputs(seed: int = 0) -> dict:
    key = jax.random.key(seed)
    ks = jax.random.split(key, 12)
    x = jax.random.normal(ks[0], (N, D), dtype=jnp.float32)
    edge_index = jax.random.randint(ks[1], (2, E), 0, N, dtype=jnp.int32)
    batch = jnp.sort(jax.random.randint(ks[2], (N,), 0, G, dtype=jnp.int32))

    def lin(k, fi, fo):
        return (jax.random.normal(k, (fi, fo), dtype=jnp.float32) / np.sqrt(fi)).astype(jnp.float32)

    W0 = lin(ks[3], D, H)
    b0 = jnp.zeros((H,), jnp.float32)
    W1 = lin(ks[4], H, H)
    b1 = jnp.zeros((H,), jnp.float32)
    W2 = lin(ks[5], H, H)
    b2 = jnp.zeros((H,), jnp.float32)
    Wc1 = lin(ks[6], H, H // 2)
    bc1 = jnp.zeros((H // 2,), jnp.float32)
    Wc2 = lin(ks[7], H // 2, C)
    bc2 = jnp.zeros((C,), jnp.float32)
    return {"x": x, "edge_index": edge_index, "batch": batch,
            "W0": W0, "b0": b0, "W1": W1, "b1": b1, "W2": W2, "b2": b2,
            "Wc1": Wc1, "bc1": bc1, "Wc2": Wc2, "bc2": bc2}


def reference(x, edge_index, batch, W0, b0, W1, b1, W2, b2, Wc1, bc1, Wc2, bc2):
    # GCNConv with added self-loops and symmetric normalization (eval mode: dropout = identity)
    src = edge_index[0]
    dst = edge_index[1]
    loop = jnp.arange(N, dtype=src.dtype)
    src = jnp.concatenate([src, loop])
    dst = jnp.concatenate([dst, loop])
    deg = jnp.zeros((N,), jnp.float32).at[dst].add(1.0)
    dinv = jnp.where(deg > 0, 1.0 / jnp.sqrt(deg), 0.0)
    norm = dinv[src] * dinv[dst]

    def conv(h, W, b):
        h = h @ W
        msg = h[src] * norm[:, None]
        agg = jnp.zeros((N, W.shape[1]), h.dtype).at[dst].add(msg)
        return agg + b

    h = jax.nn.relu(conv(x, W0, b0))
    h = jax.nn.relu(conv(h, W1, b1))
    h = conv(h, W2, b2)
    # global_mean_pool over graph ids
    sums = jax.ops.segment_sum(h, batch, num_segments=G)
    cnt = jax.ops.segment_sum(jnp.ones((N, 1), jnp.float32), batch, num_segments=G)
    pooled = sums / jnp.maximum(cnt, 1.0)
    z = jax.nn.relu(pooled @ Wc1 + bc1)
    return z @ Wc2 + bc2

if __name__ == "__main__":
    import jax
    _d = setup_inputs()
    print(jax.jit(kernel)(*tuple(_d.values())))

</pallas_src>

<mosaic_0001>
#map = affine_map<(d0, d1) -> (0, 0, 0)>
module attributes {stable_mosaic.version = 14 : i64} {
  func.func @_deg_body(%arg0: i32, %arg1: i32, %arg2: memref<32x80x128xi32, #tpu.memory_space<hbm>>, %arg3: memref<2x10240x128xf32, #tpu.memory_space<hbm>>, %arg4: memref<80x128xi32, #tpu.memory_space<vmem>>, %arg5: memref<128x128xf32, #tpu.memory_space<vmem>>, %arg6: memref<10240x128xf32, #tpu.memory_space<vmem_shared>>, %arg7: memref<!tpu.dma_semaphore, #tpu.memory_space<semaphore_mem>>) attributes {dimension_semantics = [#tpu.dimension_semantics<core_parallel>, #tpu.dimension_semantics<subcore_parallel>], iteration_bounds = array<i64: 2, 16>, scalar_prefetch = 0 : i64, scratch_operands = 4 : i64, tpu.core_type = #tpu.core_type<sc_vector_subcore>, window_params = [{transform_indices = #map}, {transform_indices = #map}]} {
    %mul3A = arith.constant 16 : i32
    %mul3A_0 = arith.muli %arg0, %mul3A : i32
    %add3A = arith.addi %mul3A_0, %arg1 : i32
    %mul3A_1 = arith.constant 640 : i32
    %mul3A_2 = arith.muli %arg1, %mul3A_1 : i32
    "tpu.region"() ({
      %run_scoped3A = tpu.sem_alloc : memref<!tpu.dma_semaphore, #tpu.memory_space<semaphore_mem>>
      %dma_start3A = arith.constant 0 : i32
      %dma_start3A_37 = arith.constant 0 : i32
      %dma_start3A_38 = tpu.memref_slice %arg2[%add3A, %dma_start3A, %dma_start3A_37] : memref<32x80x128xi32, #tpu.memory_space<hbm>> -> memref<1x80x128xi32, #tpu.memory_space<hbm>>
      %dma_start3A_39 = tpu.memref_squeeze %dma_start3A_38 : memref<1x80x128xi32, #tpu.memory_space<hbm>> -> memref<80x128xi32, #tpu.memory_space<hbm>>
      %dma_start3A_40 = arith.constant 0 : i32
      %dma_start3A_41 = arith.constant 0 : i32
      %dma_start3A_42 = tpu.memref_slice %arg2[%add3A, %dma_start3A_40, %dma_start3A_41] : memref<32x80x128xi32, #tpu.memory_space<hbm>> -> memref<1x80x128xi32, #tpu.memory_space<hbm>>
      %dma_start3A_43 = tpu.memref_squeeze %dma_start3A_42 : memref<1x80x128xi32, #tpu.memory_space<hbm>> -> memref<80x128xi32, #tpu.memory_space<hbm>>
      tpu.enqueue_dma source(%dma_start3A_43 : memref<80x128xi32, #tpu.memory_space<hbm>>) target(%arg4 : memref<80x128xi32, #tpu.memory_space<vmem>>) target_semaphore(%run_scoped3A : memref<!tpu.dma_semaphore, #tpu.memory_space<semaphore_mem>>)
      %dma_wait3A = arith.constant 0 : i32
      %dma_wait3A_44 = arith.constant 0 : i32
      %dma_wait3A_45 = tpu.memref_slice %arg2[%add3A, %dma_wait3A, %dma_wait3A_44] : memref<32x80x128xi32, #tpu.memory_space<hbm>> -> memref<1x80x128xi32, #tpu.memory_space<hbm>>
      %dma_wait3A_46 = tpu.memref_squeeze %dma_wait3A_45 : memref<1x80x128xi32, #tpu.memory_space<hbm>> -> memref<80x128xi32, #tpu.memory_space<hbm>>
      %dma_wait3A_47 = arith.constant 0 : i32
      %dma_wait3A_48 = arith.constant 0 : i32
      %dma_wait3A_49 = tpu.memref_slice %arg2[%add3A, %dma_wait3A_47, %dma_wait3A_48] : memref<32x80x128xi32, #tpu.memory_space<hbm>> -> memref<1x80x128xi32, #tpu.memory_space<hbm>>
      %dma_wait3A_50 = tpu.memref_squeeze %dma_wait3A_49 : memref<1x80x128xi32, #tpu.memory_space<hbm>> -> memref<80x128xi32, #tpu.memory_space<hbm>>
      tpu.wait_dma2 semaphore(%run_scoped3A : memref<!tpu.dma_semaphore, #tpu.memory_space<semaphore_mem>>) src(%dma_wait3A_50 : memref<80x128xi32, #tpu.memory_space<hbm>>) dst(%arg4 : memref<80x128xi32, #tpu.memory_space<vmem>>)
      tpu.yield
    }) : () -> ()
    %broadcast_in_dim3A = arith.constant 0.000000e+00 : f32
    %broadcast_in_dim3A_3 = vector.broadcast %broadcast_in_dim3A : f32 to vector<16xf32>
    %scan3A = arith.constant 0 : i32
    %scan3A_4 = arith.constant 0 : i32
    %scan3A_5 = arith.constant 128 : i32
    %scan3A_6 = arith.addi %scan3A_4, %scan3A_5 : i32
    %scan3A_7 = arith.constant 1 : i32
    %scan3A_8 = scf.for %scan3A_37 = %scan3A_4 to %scan3A_6 step %scan3A_7 iter_args(%scan3A_38 = %scan3A) -> (i32)  : i32 {
      %swap3A = arith.index_cast %scan3A_37 : i32 to index
      %swap3A_39 = arith.constant 0 : index
      %swap3A_40 = tpu.vector_load %arg5[%swap3A, %swap3A_39] {strides = array<i32>} : memref<128x128xf32, #tpu.memory_space<vmem>>, vector<1x16xf32>,
      %swap3A_41 = vector.shape_cast %swap3A_40 : vector<1x16xf32> to vector<16xf32>
      %swap3A_42 = vector.shape_cast %broadcast_in_dim3A_3 : vector<16xf32> to vector<1x16xf32>
      tpu.vector_store %arg5[%swap3A, %swap3A_39], %swap3A_42 {strides = array<i32>} : memref<128x128xf32, #tpu.memory_space<vmem>>, vector<1x16xf32>,
      %swap3A_43 = arith.index_cast %scan3A_37 : i32 to index
      %swap3A_44 = arith.constant 16 : index
      %swap3A_45 = tpu.vector_load %arg5[%swap3A_43, %swap3A_44] {strides = array<i32>} : memref<128x128xf32, #tpu.memory_space<vmem>>, vector<1x16xf32>,
      %swap3A_46 = vector.shape_cast %swap3A_45 : vector<1x16xf32> to vector<16xf32>
      %swap3A_47 = vector.shape_cast %broadcast_in_dim3A_3 : vector<16xf32> to vector<1x16xf32>
      tpu.vector_store %arg5[%swap3A_43, %swap3A_44], %swap3A_47 {strides = array<i32>} : memref<128x128xf32, #tpu.memory_space<vmem>>, vector<1x16xf32>,
      %swap3A_48 = arith.index_cast %scan3A_37 : i32 to index
      %swap3A_49 = arith.constant 32 : index
      %swap3A_50 = tpu.vector_load %arg5[%swap3A_48, %swap3A_49] {strides = array<i32>} : memref<128x128xf32, #tpu.memory_space<vmem>>, vector<1x16xf32>,
      %swap3A_51 = vector.shape_cast %swap3A_50 : vector<1x16xf32> to vector<16xf32>
      %swap3A_52 = vector.shape_cast %broadcast_in_dim3A_3 : vector<16xf32> to vector<1x16xf32>
      tpu.vector_store %arg5[%swap3A_48, %swap3A_49], %swap3A_52 {strides = array<i32>} : memref<128x128xf32, #tpu.memory_space<vmem>>, vector<1x16xf32>,
      %swap3A_53 = arith.index_cast %scan3A_37 : i32 to index
      %swap3A_54 = arith.constant 48 : index
      %swap3A_55 = tpu.vector_load %arg5[%swap3A_53, %swap3A_54] {strides = array<i32>} : memref<128x128xf32, #tpu.memory_space<vmem>>, vector<1x16xf32>,
      %swap3A_56 = vector.shape_cast %swap3A_55 : vector<1x16xf32> to vector<16xf32>
      %swap3A_57 = vector.shape_cast %broadcast_in_dim3A_3 : vector<16xf32> to vector<1x16xf32>
      tpu.vector_store %arg5[%swap3A_53, %swap3A_54], %swap3A_57 {strides = array<i32>} : memref<128x128xf32, #tpu.memory_space<vmem>>, vector<1x16xf32>,
      %swap3A_58 = arith.index_cast %scan3A_37 : i32 to index
      %swap3A_59 = arith.constant 64 : index
      %swap3A_60 = tpu.vector_load %arg5[%swap3A_58, %swap3A_59] {strides = array<i32>} : memref<128x128xf32, #tpu.memory_space<vmem>>, vector<1x16xf32>,
      %swap3A_61 = vector.shape_cast %swap3A_60 : vector<1x16xf32> to vector<16xf32>
      %swap3A_62 = vector.shape_cast %broadcast_in_dim3A_3 : vector<16xf32> to vector<1x16xf32>
      tpu.vector_store %arg5[%swap3A_58, %swap3A_59], %swap3A_62 {strides = array<i32>} : memref<128x128xf32, #tpu.memory_space<vmem>>, vector<1x16xf32>,
      %swap3A_63 = arith.index_cast %scan3A_37 : i32 to index
      %swap3A_64 = arith.constant 80 : index
      %swap3A_65 = tpu.vector_load %arg5[%swap3A_63, %swap3A_64] {strides = array<i32>} : memref<128x128xf32, #tpu.memory_space<vmem>>, vector<1x16xf32>,
      %swap3A_66 = vector.shape_cast %swap3A_65 : vector<1x16xf32> to vector<16xf32>
      %swap3A_67 = vector.shape_cast %broadcast_in_dim3A_3 : vector<16xf32> to vector<1x16xf32>
      tpu.vector_store %arg5[%swap3A_63, %swap3A_64], %swap3A_67 {strides = array<i32>} : memref<128x128xf32, #tpu.memory_space<vmem>>, vector<1x16xf32>,
      %swap3A_68 = arith.index_cast %scan3A_37 : i32 to index
      %swap3A_69 = arith.constant 96 : index
      %swap3A_70 = tpu.vector_load %arg5[%swap3A_68, %swap3A_69] {strides = array<i32>} : memref<128x128xf32, #tpu.memory_space<vmem>>, vector<1x16xf32>,
      %swap3A_71 = vector.shape_cast %swap3A_70 : vector<1x16xf32> to vector<16xf32>
      %swap3A_72 = vector.shape_cast %broadcast_in_dim3A_3 : vector<16xf32> to vector<1x16xf32>
      tpu.vector_store %arg5[%swap3A_68, %swap3A_69], %swap3A_72 {strides = array<i32>} : memref<128x128xf32, #tpu.memory_space<vmem>>, vector<1x16xf32>,
      %swap3A_73 = arith.index_cast %scan3A_37 : i32 to index
      %swap3A_74 = arith.constant 112 : index
      %swap3A_75 = tpu.vector_load %arg5[%swap3A_73, %swap3A_74] {strides = array<i32>} : memref<128x128xf32, #tpu.memory_space<vmem>>, vector<1x16xf32>,
      %swap3A_76 = vector.shape_cast %swap3A_75 : vector<1x16xf32> to vector<16xf32>
      %swap3A_77 = vector.shape_cast %broadcast_in_dim3A_3 : vector<16xf32> to vector<1x16xf32>
      tpu.vector_store %arg5[%swap3A_73, %swap3A_74], %swap3A_77 {strides = array<i32>} : memref<128x128xf32, #tpu.memory_space<vmem>>, vector<1x16xf32>,
      %scan3A_78 = arith.constant 0 : i32
      scf.yield %scan3A_78 : i32
    }
    %scan3A_9 = arith.constant 128 : i32
    %add3A_10 = arith.constant 0 : i32
    %add3A_11 = arith.addi %mul3A_2, %add3A_10 : i32
    "tpu.region"() ({
      %run_scoped3A = tpu.sem_alloc : memref<!tpu.dma_semaphore, #tpu.memory_space<semaphore_mem>>
      %dma_start3A = arith.constant 0 : i32
      %dma_start3A_37 = tpu.memref_slice %arg6[%add3A_11, %dma_start3A] : memref<10240x128xf32, #tpu.memory_space<vmem_shared>> -> memref<128x128xf32, #tpu.memory_space<vmem_shared>>
      %dma_start3A_38 = arith.constant 0 : i32
      %dma_start3A_39 = tpu.memref_slice %arg6[%add3A_11, %dma_start3A_38] : memref<10240x128xf32, #tpu.memory_space<vmem_shared>> -> memref<128x128xf32, #tpu.memory_space<vmem_shared>>
      tpu.enqueue_dma source(%arg5 : memref<128x128xf32, #tpu.memory_space<vmem>>) target(%dma_start3A_39 : memref<128x128xf32, #tpu.memory_space<vmem_shared>>) target_semaphore(%run_scoped3A : memref<!tpu.dma_semaphore, #tpu.memory_space<semaphore_mem>>)
      %dma_wait3A = arith.constant 0 : i32
      %dma_wait3A_40 = tpu.memref_slice %arg6[%add3A_11, %dma_wait3A] : memref<10240x128xf32, #tpu.memory_space<vmem_shared>> -> memref<128x128xf32, #tpu.memory_space<vmem_shared>>
      %dma_wait3A_41 = arith.constant 0 : i32
      %dma_wait3A_42 = tpu.memref_slice %arg6[%add3A_11, %dma_wait3A_41] : memref<10240x128xf32, #tpu.memory_space<vmem_shared>> -> memref<128x128xf32, #tpu.memory_space<vmem_shared>>
      tpu.wait_dma2 semaphore(%run_scoped3A : memref<!tpu.dma_semaphore, #tpu.memory_space<semaphore_mem>>) src(%arg5 : memref<128x128xf32, #tpu.memory_space<vmem>>) dst(%dma_wait3A_42 : memref<128x128xf32, #tpu.memory_space<vmem_shared>>)
      tpu.yield
    }) : () -> ()
    %add3A_12 = arith.constant 128 : i32
    %add3A_13 = arith.addi %mul3A_2, %add3A_12 : i32
    "tpu.region"() ({
      %run_scoped3A = tpu.sem_alloc : memref<!tpu.dma_semaphore, #tpu.memory_space<semaphore_mem>>
      %dma_start3A = arith.constant 0 : i32
      %dma_start3A_37 = tpu.memref_slice %arg6[%add3A_13, %dma_start3A] : memref<10240x128xf32, #tpu.memory_space<vmem_shared>> -> memref<128x128xf32, #tpu.memory_space<vmem_shared>>
      %dma_start3A_38 = arith.constant 0 : i32
      %dma_start3A_39 = tpu.memref_slice %arg6[%add3A_13, %dma_start3A_38] : memref<10240x128xf32, #tpu.memory_space<vmem_shared>> -> memref<128x128xf32, #tpu.memory_space<vmem_shared>>
      tpu.enqueue_dma source(%arg5 : memref<128x128xf32, #tpu.memory_space<vmem>>) target(%dma_start3A_39 : memref<128x128xf32, #tpu.memory_space<vmem_shared>>) target_semaphore(%run_scoped3A : memref<!tpu.dma_semaphore, #tpu.memory_space<semaphore_mem>>)
      %dma_wait3A = arith.constant 0 : i32
      %dma_wait3A_40 = tpu.memref_slice %arg6[%add3A_13, %dma_wait3A] : memref<10240x128xf32, #tpu.memory_space<vmem_shared>> -> memref<128x128xf32, #tpu.memory_space<vmem_shared>>
      %dma_wait3A_41 = arith.constant 0 : i32
      %dma_wait3A_42 = tpu.memref_slice %arg6[%add3A_13, %dma_wait3A_41] : memref<10240x128xf32, #tpu.memory_space<vmem_shared>> -> memref<128x128xf32, #tpu.memory_space<vmem_shared>>
      tpu.wait_dma2 semaphore(%run_scoped3A : memref<!tpu.dma_semaphore, #tpu.memory_space<semaphore_mem>>) src(%arg5 : memref<128x128xf32, #tpu.memory_space<vmem>>) dst(%dma_wait3A_42 : memref<128x128xf32, #tpu.memory_space<vmem_shared>>)
      tpu.yield
    }) : () -> ()
    %add3A_14 = arith.constant 256 : i32
    %add3A_15 = arith.addi %mul3A_2, %add3A_14 : i32
    "tpu.region"() ({
      %run_scoped3A = tpu.sem_alloc : memref<!tpu.dma_semaphore, #tpu.memory_space<semaphore_mem>>
      %dma_start3A = arith.constant 0 : i32
      %dma_start3A_37 = tpu.memref_slice %arg6[%add3A_15, %dma_start3A] : memref<10240x128xf32, #tpu.memory_space<vmem_shared>> -> memref<128x128xf32, #tpu.memory_space<vmem_shared>>
      %dma_start3A_38 = arith.constant 0 : i32
      %dma_start3A_39 = tpu.memref_slice %arg6[%add3A_15, %dma_start3A_38] : memref<10240x128xf32, #tpu.memory_space<vmem_shared>> -> memref<128x128xf32, #tpu.memory_space<vmem_shared>>
      tpu.enqueue_dma source(%arg5 : memref<128x128xf32, #tpu.memory_space<vmem>>) target(%dma_start3A_39 : memref<128x128xf32, #tpu.memory_space<vmem_shared>>) target_semaphore(%run_scoped3A : memref<!tpu.dma_semaphore, #tpu.memory_space<semaphore_mem>>)
      %dma_wait3A = arith.constant 0 : i32
      %dma_wait3A_40 = tpu.memref_slice %arg6[%add3A_15, %dma_wait3A] : memref<10240x128xf32, #tpu.memory_space<vmem_shared>> -> memref<128x128xf32, #tpu.memory_space<vmem_shared>>
      %dma_wait3A_41 = arith.constant 0 : i32
      %dma_wait3A_42 = tpu.memref_slice %arg6[%add3A_15, %dma_wait3A_41] : memref<10240x128xf32, #tpu.memory_space<vmem_shared>> -> memref<128x128xf32, #tpu.memory_space<vmem_shared>>
      tpu.wait_dma2 semaphore(%run_scoped3A : memref<!tpu.dma_semaphore, #tpu.memory_space<semaphore_mem>>) src(%arg5 : memref<128x128xf32, #tpu.memory_space<vmem>>) dst(%dma_wait3A_42 : memref<128x128xf32, #tpu.memory_space<vmem_shared>>)
      tpu.yield
    }) : () -> ()
    %add3A_16 = arith.constant 384 : i32
    %add3A_17 = arith.addi %mul3A_2, %add3A_16 : i32
    "tpu.region"() ({
      %run_scoped3A = tpu.sem_alloc : memref<!tpu.dma_semaphore, #tpu.memory_space<semaphore_mem>>
      %dma_start3A = arith.constant 0 : i32
      %dma_start3A_37 = tpu.memref_slice %arg6[%add3A_17, %dma_start3A] : memref<10240x128xf32, #tpu.memory_space<vmem_shared>> -> memref<128x128xf32, #tpu.memory_space<vmem_shared>>
      %dma_start3A_38 = arith.constant 0 : i32
      %dma_start3A_39 = tpu.memref_slice %arg6[%add3A_17, %dma_start3A_38] : memref<10240x128xf32, #tpu.memory_space<vmem_shared>> -> memref<128x128xf32, #tpu.memory_space<vmem_shared>>
      tpu.enqueue_dma source(%arg5 : memref<128x128xf32, #tpu.memory_space<vmem>>) target(%dma_start3A_39 : memref<128x128xf32, #tpu.memory_space<vmem_shared>>) target_semaphore(%run_scoped3A : memref<!tpu.dma_semaphore, #tpu.memory_space<semaphore_mem>>)
      %dma_wait3A = arith.constant 0 : i32
      %dma_wait3A_40 = tpu.memref_slice %arg6[%add3A_17, %dma_wait3A] : memref<10240x128xf32, #tpu.memory_space<vmem_shared>> -> memref<128x128xf32, #tpu.memory_space<vmem_shared>>
      %dma_wait3A_41 = arith.constant 0 : i32
      %dma_wait3A_42 = tpu.memref_slice %arg6[%add3A_17, %dma_wait3A_41] : memref<10240x128xf32, #tpu.memory_space<vmem_shared>> -> memref<128x128xf32, #tpu.memory_space<vmem_shared>>
      tpu.wait_dma2 semaphore(%run_scoped3A : memref<!tpu.dma_semaphore, #tpu.memory_space<semaphore_mem>>) src(%arg5 : memref<128x128xf32, #tpu.memory_space<vmem>>) dst(%dma_wait3A_42 : memref<128x128xf32, #tpu.memory_space<vmem_shared>>)
      tpu.yield
    }) : () -> ()
    %add3A_18 = arith.constant 512 : i32
    %add3A_19 = arith.addi %mul3A_2, %add3A_18 : i32
    "tpu.region"() ({
      %run_scoped3A = tpu.sem_alloc : memref<!tpu.dma_semaphore, #tpu.memory_space<semaphore_mem>>
      %dma_start3A = arith.constant 0 : i32
      %dma_start3A_37 = tpu.memref_slice %arg6[%add3A_19, %dma_start3A] : memref<10240x128xf32, #tpu.memory_space<vmem_shared>> -> memref<128x128xf32, #tpu.memory_space<vmem_shared>>
      %dma_start3A_38 = arith.constant 0 : i32
      %dma_start3A_39 = tpu.memref_slice %arg6[%add3A_19, %dma_start3A_38] : memref<10240x128xf32, #tpu.memory_space<vmem_shared>> -> memref<128x128xf32, #tpu.memory_space<vmem_shared>>
      tpu.enqueue_dma source(%arg5 : memref<128x128xf32, #tpu.memory_space<vmem>>) target(%dma_start3A_39 : memref<128x128xf32, #tpu.memory_space<vmem_shared>>) target_semaphore(%run_scoped3A : memref<!tpu.dma_semaphore, #tpu.memory_space<semaphore_mem>>)
      %dma_wait3A = arith.constant 0 : i32
      %dma_wait3A_40 = tpu.memref_slice %arg6[%add3A_19, %dma_wait3A] : memref<10240x128xf32, #tpu.memory_space<vmem_shared>> -> memref<128x128xf32, #tpu.memory_space<vmem_shared>>
      %dma_wait3A_41 = arith.constant 0 : i32
      %dma_wait3A_42 = tpu.memref_slice %arg6[%add3A_19, %dma_wait3A_41] : memref<10240x128xf32, #tpu.memory_space<vmem_shared>> -> memref<128x128xf32, #tpu.memory_space<vmem_shared>>
      tpu.wait_dma2 semaphore(%run_scoped3A : memref<!tpu.dma_semaphore, #tpu.memory_space<semaphore_mem>>) src(%arg5 : memref<128x128xf32, #tpu.memory_space<vmem>>) dst(%dma_wait3A_42 : memref<128x128xf32, #tpu.memory_space<vmem_shared>>)
      tpu.yield
    }) : () -> ()
    %barrier3A = arith.constant 0 : index
    tpu.barrier barrier_id(%barrier3A)
    %broadcast_in_dim3A_20 = arith.constant 1.000000e+00 : f32
    %broadcast_in_dim3A_21 = vector.broadcast %broadcast_in_dim3A_20 : f32 to vector<16xf32>
    %scan3A_22 = arith.constant 0 : i32
    %scan3A_23 = arith.constant 0 : i32
    %scan3A_24 = arith.constant 128 : i32
    %scan3A_25 = arith.addi %scan3A_23, %scan3A_24 : i32
    %scan3A_26 = arith.constant 1 : i32
    %scan3A_27 = scf.for %scan3A_37 = %scan3A_23 to %scan3A_25 step %scan3A_26 iter_args(%scan3A_38 = %scan3A_22) -> (i32)  : i32 {
      %swap3A = arith.index_cast %scan3A_37 : i32 to index
      %swap3A_39 = arith.constant 0 : index
      %swap3A_40 = tpu.vector_load %arg5[%swap3A, %swap3A_39] {strides = array<i32>} : memref<128x128xf32, #tpu.memory_space<vmem>>, vector<1x16xf32>,
      %swap3A_41 = vector.shape_cast %swap3A_40 : vector<1x16xf32> to vector<16xf32>
      %swap3A_42 = vector.shape_cast %broadcast_in_dim3A_21 : vector<16xf32> to vector<1x16xf32>
      tpu.vector_store %arg5[%swap3A, %swap3A_39], %swap3A_42 {strides = array<i32>} : memref<128x128xf32, #tpu.memory_space<vmem>>, vector<1x16xf32>,
      %swap3A_43 = arith.index_cast %scan3A_37 : i32 to index
      %swap3A_44 = arith.constant 16 : index
      %swap3A_45 = tpu.vector_load %arg5[%swap3A_43, %swap3A_44] {strides = array<i32>} : memref<128x128xf32, #tpu.memory_space<vmem>>, vector<1x16xf32>,
      %swap3A_46 = vector.shape_cast %swap3A_45 : vector<1x16xf32> to vector<16xf32>
      %swap3A_47 = vector.shape_cast %broadcast_in_dim3A_21 : vector<16xf32> to vector<1x16xf32>
      tpu.vector_store %arg5[%swap3A_43, %swap3A_44], %swap3A_47 {strides = array<i32>} : memref<128x128xf32, #tpu.memory_space<vmem>>, vector<1x16xf32>,
      %swap3A_48 = arith.index_cast %scan3A_37 : i32 to index
      %swap3A_49 = arith.constant 32 : index
      %swap3A_50 = tpu.vector_load %arg5[%swap3A_48, %swap3A_49] {strides = array<i32>} : memref<128x128xf32, #tpu.memory_space<vmem>>, vector<1x16xf32>,
      %swap3A_51 = vector.shape_cast %swap3A_50 : vector<1x16xf32> to vector<16xf32>
      %swap3A_52 = vector.shape_cast %broadcast_in_dim3A_21 : vector<16xf32> to vector<1x16xf32>
      tpu.vector_store %arg5[%swap3A_48, %swap3A_49], %swap3A_52 {strides = array<i32>} : memref<128x128xf32, #tpu.memory_space<vmem>>, vector<1x16xf32>,
      %swap3A_53 = arith.index_cast %scan3A_37 : i32 to index
      %swap3A_54 = arith.constant 48 : index
      %swap3A_55 = tpu.vector_load %arg5[%swap3A_53, %swap3A_54] {strides = array<i32>} : memref<128x128xf32, #tpu.memory_space<vmem>>, vector<1x16xf32>,
      %swap3A_56 = vector.shape_cast %swap3A_55 : vector<1x16xf32> to vector<16xf32>
      %swap3A_57 = vector.shape_cast %broadcast_in_dim3A_21 : vector<16xf32> to vector<1x16xf32>
      tpu.vector_store %arg5[%swap3A_53, %swap3A_54], %swap3A_57 {strides = array<i32>} : memref<128x128xf32, #tpu.memory_space<vmem>>, vector<1x16xf32>,
      %swap3A_58 = arith.index_cast %scan3A_37 : i32 to index
      %swap3A_59 = arith.constant 64 : index
      %swap3A_60 = tpu.vector_load %arg5[%swap3A_58, %swap3A_59] {strides = array<i32>} : memref<128x128xf32, #tpu.memory_space<vmem>>, vector<1x16xf32>,
      %swap3A_61 = vector.shape_cast %swap3A_60 : vector<1x16xf32> to vector<16xf32>
      %swap3A_62 = vector.shape_cast %broadcast_in_dim3A_21 : vector<16xf32> to vector<1x16xf32>
      tpu.vector_store %arg5[%swap3A_58, %swap3A_59], %swap3A_62 {strides = array<i32>} : memref<128x128xf32, #tpu.memory_space<vmem>>, vector<1x16xf32>,
      %swap3A_63 = arith.index_cast %scan3A_37 : i32 to index
      %swap3A_64 = arith.constant 80 : index
      %swap3A_65 = tpu.vector_load %arg5[%swap3A_63, %swap3A_64] {strides = array<i32>} : memref<128x128xf32, #tpu.memory_space<vmem>>, vector<1x16xf32>,
      %swap3A_66 = vector.shape_cast %swap3A_65 : vector<1x16xf32> to vector<16xf32>
      %swap3A_67 = vector.shape_cast %broadcast_in_dim3A_21 : vector<16xf32> to vector<1x16xf32>
      tpu.vector_store %arg5[%swap3A_63, %swap3A_64], %swap3A_67 {strides = array<i32>} : memref<128x128xf32, #tpu.memory_space<vmem>>, vector<1x16xf32>,
      %swap3A_68 = arith.index_cast %scan3A_37 : i32 to index
      %swap3A_69 = arith.constant 96 : index
      %swap3A_70 = tpu.vector_load %arg5[%swap3A_68, %swap3A_69] {strides = array<i32>} : memref<128x128xf32, #tpu.memory_space<vmem>>, vector<1x16xf32>,
      %swap3A_71 = vector.shape_cast %swap3A_70 : vector<1x16xf32> to vector<16xf32>
      %swap3A_72 = vector.shape_cast %broadcast_in_dim3A_21 : vector<16xf32> to vector<1x16xf32>
      tpu.vector_store %arg5[%swap3A_68, %swap3A_69], %swap3A_72 {strides = array<i32>} : memref<128x128xf32, #tpu.memory_space<vmem>>, vector<1x16xf32>,
      %swap3A_73 = arith.index_cast %scan3A_37 : i32 to index
      %swap3A_74 = arith.constant 112 : index
      %swap3A_75 = tpu.vector_load %arg5[%swap3A_73, %swap3A_74] {strides = array<i32>} : memref<128x128xf32, #tpu.memory_space<vmem>>, vector<1x16xf32>,
      %swap3A_76 = vector.shape_cast %swap3A_75 : vector<1x16xf32> to vector<16xf32>
      %swap3A_77 = vector.shape_cast %broadcast_in_dim3A_21 : vector<16xf32> to vector<1x16xf32>
      tpu.vector_store %arg5[%swap3A_73, %swap3A_74], %swap3A_77 {strides = array<i32>} : memref<128x128xf32, #tpu.memory_space<vmem>>, vector<1x16xf32>,
      %scan3A_78 = arith.constant 0 : i32
      scf.yield %scan3A_78 : i32
    }
    %scan3A_28 = arith.constant 128 : i32
    %scan3A_29 = arith.constant 0 : i32
    %scan3A_30 = arith.constant 0 : i32
    %scan3A_31 = arith.constant 80 : i32
    %scan3A_32 = arith.addi %scan3A_30, %scan3A_31 : i32
    %scan3A_33 = arith.constant 1 : i32
    %scan3A_34 = scf.for %scan3A_37 = %scan3A_30 to %scan3A_32 step %scan3A_33 iter_args(%scan3A_38 = %scan3A_29) -> (i32)  : i32 {
      "tpu.region"() ({
        %run_scoped3A = tpu.sem_alloc : memref<!tpu.dma_semaphore, #tpu.memory_space<semaphore_mem>>
        %dma_start3A = arith.constant 0 : i32
        %dma_start3A_40 = tpu.memref_slice %arg4[%scan3A_37, %dma_start3A] : memref<80x128xi32, #tpu.memory_space<vmem>> -> memref<1x128xi32, #tpu.memory_space<vmem>>
        %dma_start3A_41 = tpu.memref_squeeze %dma_start3A_40 : memref<1x128xi32, #tpu.memory_space<vmem>> -> memref<128xi32, #tpu.memory_space<vmem>>
        %dma_start3A_42 = arith.constant 0 : i32
        %dma_start3A_43 = arith.constant 0 : i32
        %dma_start3A_44 = tpu.memref_slice %arg6[%dma_start3A_42, %dma_start3A_43] : memref<10240x128xf32, #tpu.memory_space<vmem_shared>> -> memref<10240x128xf32, #tpu.memory_space<vmem_shared>>
        tpu.enqueue_indirect_dma source(%arg5 : memref<128x128xf32, #tpu.memory_space<vmem>>) target(%dma_start3A_44 : memref<10240x128xf32, #tpu.memory_space<vmem_shared>>) offsets(%dma_start3A_41 : memref<128xi32, #tpu.memory_space<vmem>>) semaphore(%run_scoped3A : memref<!tpu.dma_semaphore, #tpu.memory_space<semaphore_mem>>) {add = true}
        %dma_wait3A = arith.constant 0 : i32
        %dma_wait3A_45 = tpu.memref_slice %arg4[%scan3A_37, %dma_wait3A] : memref<80x128xi32, #tpu.memory_space<vmem>> -> memref<1x128xi32, #tpu.memory_space<vmem>>
        %dma_wait3A_46 = tpu.memref_squeeze %dma_wait3A_45 : memref<1x128xi32, #tpu.memory_space<vmem>> -> memref<128xi32, #tpu.memory_space<vmem>>
        %dma_wait3A_47 = arith.constant 0 : i32
        %dma_wait3A_48 = arith.constant 0 : i32
        %dma_wait3A_49 = tpu.memref_slice %arg6[%dma_wait3A_47, %dma_wait3A_48] : memref<10240x128xf32, #tpu.memory_space<vmem_shared>> -> memref<10240x128xf32, #tpu.memory_space<vmem_shared>>
        tpu.wait_indirect_dma semaphore(%run_scoped3A : memref<!tpu.dma_semaphore, #tpu.memory_space<semaphore_mem>>) src(%arg5 : memref<128x128xf32, #tpu.memory_space<vmem>>) dst(%dma_wait3A_49 : memref<10240x128xf32, #tpu.memory_space<vmem_shared>>)
        tpu.yield
      }) : () -> ()
      %scan3A_39 = arith.constant 0 : i32
      scf.yield %scan3A_39 : i32
    }
    %scan3A_35 = arith.constant 80 : i32
    %barrier3A_36 = arith.constant 0 : index
    tpu.barrier barrier_id(%barrier3A_36)
    "tpu.region"() ({
      %run_scoped3A = tpu.sem_alloc : memref<!tpu.dma_semaphore, #tpu.memory_space<semaphore_mem>>
      %dma_start3A = arith.constant 0 : i32
      %dma_start3A_37 = tpu.memref_slice %arg3[%arg0, %mul3A_2, %dma_start3A] : memref<2x10240x128xf32, #tpu.memory_space<hbm>> -> memref<1x640x128xf32, #tpu.memory_space<hbm>>
      %dma_start3A_38 = tpu.memref_squeeze %dma_start3A_37 : memref<1x640x128xf32, #tpu.memory_space<hbm>> -> memref<640x128xf32, #tpu.memory_space<hbm>>
      %dma_start3A_39 = arith.constant 0 : i32
      %dma_start3A_40 = tpu.memref_slice %arg6[%mul3A_2, %dma_start3A_39] : memref<10240x128xf32, #tpu.memory_space<vmem_shared>> -> memref<640x128xf32, #tpu.memory_space<vmem_shared>>
      tpu.enqueue_dma source(%dma_start3A_40 : memref<640x128xf32, #tpu.memory_space<vmem_shared>>) target(%dma_start3A_38 : memref<640x128xf32, #tpu.memory_space<hbm>>) target_semaphore(%run_scoped3A : memref<!tpu.dma_semaphore, #tpu.memory_space<semaphore_mem>>)
      %dma_wait3A = arith.constant 0 : i32
      %dma_wait3A_41 = tpu.memref_slice %arg3[%arg0, %mul3A_2, %dma_wait3A] : memref<2x10240x128xf32, #tpu.memory_space<hbm>> -> memref<1x640x128xf32, #tpu.memory_space<hbm>>
      %dma_wait3A_42 = tpu.memref_squeeze %dma_wait3A_41 : memref<1x640x128xf32, #tpu.memory_space<hbm>> -> memref<640x128xf32, #tpu.memory_space<hbm>>
      %dma_wait3A_43 = arith.constant 0 : i32
      %dma_wait3A_44 = tpu.memref_slice %arg6[%mul3A_2, %dma_wait3A_43] : memref<10240x128xf32, #tpu.memory_space<vmem_shared>> -> memref<640x128xf32, #tpu.memory_space<vmem_shared>>
      tpu.wait_dma2 semaphore(%run_scoped3A : memref<!tpu.dma_semaphore, #tpu.memory_space<semaphore_mem>>) src(%dma_wait3A_44 : memref<640x128xf32, #tpu.memory_space<vmem_shared>>) dst(%dma_wait3A_42 : memref<640x128xf32, #tpu.memory_space<hbm>>)
      tpu.yield
    }) : () -> ()
    return
  }
}

#map = affine_map<(d0, d1) -> (0, 0)>
#map1 = affine_map<(d0, d1) -> (0, 0, 0, 0)>
#map2 = affine_map<(d0, d1) -> (0, 0, 0)>
module attributes {stable_mosaic.version = 14 : i64} {
  func.func @_scatter_body(%arg0: i32, %arg1: i32, %arg2: memref<10000x128xf32, #tpu.memory_space<hbm>>, %arg3: memref<32x5x16x128xi32, #tpu.memory_space<hbm>>, %arg4: memref<32x5x16x128xi32, #tpu.memory_space<hbm>>, %arg5: memref<2x10240x128xf32, #tpu.memory_space<hbm>>, %arg6: memref<16x128xi32, #tpu.memory_space<vmem>>, %arg7: memref<16x128xi32, #tpu.memory_space<vmem>>, %arg8: memref<128x128xf32, #tpu.memory_space<vmem>>, %arg9: memref<128x128xf32, #tpu.memory_space<vmem>>, %arg10: memref<10240x128xf32, #tpu.memory_space<vmem_shared>>, %arg11: memref<!tpu.dma_semaphore, #tpu.memory_space<semaphore_mem>>, %arg12: memref<!tpu.dma_semaphore, #tpu.memory_space<semaphore_mem>>) attributes {dimension_semantics = [#tpu.dimension_semantics<core_parallel>, #tpu.dimension_semantics<subcore_parallel>], iteration_bounds = array<i64: 2, 16>, scalar_prefetch = 0 : i64, scratch_operands = 7 : i64, tpu.core_type = #tpu.core_type<sc_vector_subcore>, window_params = [{transform_indices = #map}, {transform_indices = #map1}, {transform_indices = #map1}, {transform_indices = #map2}]} {
    %mul3A = arith.constant 16 : i32
    %mul3A_0 = arith.muli %arg0, %mul3A : i32
    %add3A = arith.addi %mul3A_0, %arg1 : i32
    %mul3A_1 = arith.constant 640 : i32
    %mul3A_2 = arith.muli %arg1, %mul3A_1 : i32
    %broadcast_in_dim3A = arith.constant 0.000000e+00 : f32
    %broadcast_in_dim3A_3 = vector.broadcast %broadcast_in_dim3A : f32 to vector<16xf32>
    %scan3A = arith.constant 0 : i32
    %scan3A_4 = arith.constant 0 : i32
    %scan3A_5 = arith.constant 128 : i32
    %scan3A_6 = arith.addi %scan3A_4, %scan3A_5 : i32
    %scan3A_7 = arith.constant 1 : i32
    %scan3A_8 = scf.for %scan3A_28 = %scan3A_4 to %scan3A_6 step %scan3A_7 iter_args(%scan3A_29 = %scan3A) -> (i32)  : i32 {
      %swap3A = arith.index_cast %scan3A_28 : i32 to index
      %swap3A_30 = arith.constant 0 : index
      %swap3A_31 = tpu.vector_load %arg8[%swap3A, %swap3A_30] {strides = array<i32>} : memref<128x128xf32, #tpu.memory_space<vmem>>, vector<1x16xf32>,
      %swap3A_32 = vector.shape_cast %swap3A_31 : vector<1x16xf32> to vector<16xf32>
      %swap3A_33 = vector.shape_cast %broadcast_in_dim3A_3 : vector<16xf32> to vector<1x16xf32>
      tpu.vector_store %arg8[%swap3A, %swap3A_30], %swap3A_33 {strides = array<i32>} : memref<128x128xf32, #tpu.memory_space<vmem>>, vector<1x16xf32>,
      %swap3A_34 = arith.index_cast %scan3A_28 : i32 to index
      %swap3A_35 = arith.constant 16 : index
      %swap3A_36 = tpu.vector_load %arg8[%swap3A_34, %swap3A_35] {strides = array<i32>} : memref<128x128xf32, #tpu.memory_space<vmem>>, vector<1x16xf32>,
      %swap3A_37 = vector.shape_cast %swap3A_36 : vector<1x16xf32> to vector<16xf32>
      %swap3A_38 = vector.shape_cast %broadcast_in_dim3A_3 : vector<16xf32> to vector<1x16xf32>
      tpu.vector_store %arg8[%swap3A_34, %swap3A_35], %swap3A_38 {strides = array<i32>} : memref<128x128xf32, #tpu.memory_space<vmem>>, vector<1x16xf32>,
      %swap3A_39 = arith.index_cast %scan3A_28 : i32 to index
      %swap3A_40 = arith.constant 32 : index
      %swap3A_41 = tpu.vector_load %arg8[%swap3A_39, %swap3A_40] {strides = array<i32>} : memref<128x128xf32, #tpu.memory_space<vmem>>, vector<1x16xf32>,
      %swap3A_42 = vector.shape_cast %swap3A_41 : vector<1x16xf32> to vector<16xf32>
      %swap3A_43 = vector.shape_cast %broadcast_in_dim3A_3 : vector<16xf32> to vector<1x16xf32>
      tpu.vector_store %arg8[%swap3A_39, %swap3A_40], %swap3A_43 {strides = array<i32>} : memref<128x128xf32, #tpu.memory_space<vmem>>, vector<1x16xf32>,
      %swap3A_44 = arith.index_cast %scan3A_28 : i32 to index
      %swap3A_45 = arith.constant 48 : index
      %swap3A_46 = tpu.vector_load %arg8[%swap3A_44, %swap3A_45] {strides = array<i32>} : memref<128x128xf32, #tpu.memory_space<vmem>>, vector<1x16xf32>,
      %swap3A_47 = vector.shape_cast %swap3A_46 : vector<1x16xf32> to vector<16xf32>
      %swap3A_48 = vector.shape_cast %broadcast_in_dim3A_3 : vector<16xf32> to vector<1x16xf32>
      tpu.vector_store %arg8[%swap3A_44, %swap3A_45], %swap3A_48 {strides = array<i32>} : memref<128x128xf32, #tpu.memory_space<vmem>>, vector<1x16xf32>,
      %swap3A_49 = arith.index_cast %scan3A_28 : i32 to index
      %swap3A_50 = arith.constant 64 : index
      %swap3A_51 = tpu.vector_load %arg8[%swap3A_49, %swap3A_50] {strides = array<i32>} : memref<128x128xf32, #tpu.memory_space<vmem>>, vector<1x16xf32>,
      %swap3A_52 = vector.shape_cast %swap3A_51 : vector<1x16xf32> to vector<16xf32>
      %swap3A_53 = vector.shape_cast %broadcast_in_dim3A_3 : vector<16xf32> to vector<1x16xf32>
      tpu.vector_store %arg8[%swap3A_49, %swap3A_50], %swap3A_53 {strides = array<i32>} : memref<128x128xf32, #tpu.memory_space<vmem>>, vector<1x16xf32>,
      %swap3A_54 = arith.index_cast %scan3A_28 : i32 to index
      %swap3A_55 = arith.constant 80 : index
      %swap3A_56 = tpu.vector_load %arg8[%swap3A_54, %swap3A_55] {strides = array<i32>} : memref<128x128xf32, #tpu.memory_space<vmem>>, vector<1x16xf32>,
      %swap3A_57 = vector.shape_cast %swap3A_56 : vector<1x16xf32> to vector<16xf32>
      %swap3A_58 = vector.shape_cast %broadcast_in_dim3A_3 : vector<16xf32> to vector<1x16xf32>
      tpu.vector_store %arg8[%swap3A_54, %swap3A_55], %swap3A_58 {strides = array<i32>} : memref<128x128xf32, #tpu.memory_space<vmem>>, vector<1x16xf32>,
      %swap3A_59 = arith.index_cast %scan3A_28 : i32 to index
      %swap3A_60 = arith.constant 96 : index
      %swap3A_61 = tpu.vector_load %arg8[%swap3A_59, %swap3A_60] {strides = array<i32>} : memref<128x128xf32, #tpu.memory_space<vmem>>, vector<1x16xf32>,
      %swap3A_62 = vector.shape_cast %swap3A_61 : vector<1x16xf32> to vector<16xf32>
      %swap3A_63 = vector.shape_cast %broadcast_in_dim3A_3 : vector<16xf32> to vector<1x16xf32>
      tpu.vector_store %arg8[%swap3A_59, %swap3A_60], %swap3A_63 {strides = array<i32>} : memref<128x128xf32, #tpu.memory_space<vmem>>, vector<1x16xf32>,
      %swap3A_64 = arith.index_cast %scan3A_28 : i32 to index
      %swap3A_65 = arith.constant 112 : index
      %swap3A_66 = tpu.vector_load %arg8[%swap3A_64, %swap3A_65] {strides = array<i32>} : memref<128x128xf32, #tpu.memory_space<vmem>>, vector<1x16xf32>,
      %swap3A_67 = vector.shape_cast %swap3A_66 : vector<1x16xf32> to vector<16xf32>
      %swap3A_68 = vector.shape_cast %broadcast_in_dim3A_3 : vector<16xf32> to vector<1x16xf32>
      tpu.vector_store %arg8[%swap3A_64, %swap3A_65], %swap3A_68 {strides = array<i32>} : memref<128x128xf32, #tpu.memory_space<vmem>>, vector<1x16xf32>,
      %scan3A_69 = arith.constant 0 : i32
      scf.yield %scan3A_69 : i32
    }
    %scan3A_9 = arith.constant 128 : i32
    %add3A_10 = arith.constant 0 : i32
    %add3A_11 = arith.addi %mul3A_2, %add3A_10 : i32
    "tpu.region"() ({
      %run_scoped3A = tpu.sem_alloc : memref<!tpu.dma_semaphore, #tpu.memory_space<semaphore_mem>>
      %dma_start3A = arith.constant 0 : i32
      %dma_start3A_28 = tpu.memref_slice %arg10[%add3A_11, %dma_start3A] : memref<10240x128xf32, #tpu.memory_space<vmem_shared>> -> memref<128x128xf32, #tpu.memory_space<vmem_shared>>
      %dma_start3A_29 = arith.constant 0 : i32
      %dma_start3A_30 = tpu.memref_slice %arg10[%add3A_11, %dma_start3A_29] : memref<10240x128xf32, #tpu.memory_space<vmem_shared>> -> memref<128x128xf32, #tpu.memory_space<vmem_shared>>
      tpu.enqueue_dma source(%arg8 : memref<128x128xf32, #tpu.memory_space<vmem>>) target(%dma_start3A_30 : memref<128x128xf32, #tpu.memory_space<vmem_shared>>) target_semaphore(%run_scoped3A : memref<!tpu.dma_semaphore, #tpu.memory_space<semaphore_mem>>)
      %dma_wait3A = arith.constant 0 : i32
      %dma_wait3A_31 = tpu.memref_slice %arg10[%add3A_11, %dma_wait3A] : memref<10240x128xf32, #tpu.memory_space<vmem_shared>> -> memref<128x128xf32, #tpu.memory_space<vmem_shared>>
      %dma_wait3A_32 = arith.constant 0 : i32
      %dma_wait3A_33 = tpu.memref_slice %arg10[%add3A_11, %dma_wait3A_32] : memref<10240x128xf32, #tpu.memory_space<vmem_shared>> -> memref<128x128xf32, #tpu.memory_space<vmem_shared>>
      tpu.wait_dma2 semaphore(%run_scoped3A : memref<!tpu.dma_semaphore, #tpu.memory_space<semaphore_mem>>) src(%arg8 : memref<128x128xf32, #tpu.memory_space<vmem>>) dst(%dma_wait3A_33 : memref<128x128xf32, #tpu.memory_space<vmem_shared>>)
      tpu.yield
    }) : () -> ()
    %add3A_12 = arith.constant 128 : i32
    %add3A_13 = arith.addi %mul3A_2, %add3A_12 : i32
    "tpu.region"() ({
      %run_scoped3A = tpu.sem_alloc : memref<!tpu.dma_semaphore, #tpu.memory_space<semaphore_mem>>
      %dma_start3A = arith.constant 0 : i32
      %dma_start3A_28 = tpu.memref_slice %arg10[%add3A_13, %dma_start3A] : memref<10240x128xf32, #tpu.memory_space<vmem_shared>> -> memref<128x128xf32, #tpu.memory_space<vmem_shared>>
      %dma_start3A_29 = arith.constant 0 : i32
      %dma_start3A_30 = tpu.memref_slice %arg10[%add3A_13, %dma_start3A_29] : memref<10240x128xf32, #tpu.memory_space<vmem_shared>> -> memref<128x128xf32, #tpu.memory_space<vmem_shared>>
      tpu.enqueue_dma source(%arg8 : memref<128x128xf32, #tpu.memory_space<vmem>>) target(%dma_start3A_30 : memref<128x128xf32, #tpu.memory_space<vmem_shared>>) target_semaphore(%run_scoped3A : memref<!tpu.dma_semaphore, #tpu.memory_space<semaphore_mem>>)
      %dma_wait3A = arith.constant 0 : i32
      %dma_wait3A_31 = tpu.memref_slice %arg10[%add3A_13, %dma_wait3A] : memref<10240x128xf32, #tpu.memory_space<vmem_shared>> -> memref<128x128xf32, #tpu.memory_space<vmem_shared>>
      %dma_wait3A_32 = arith.constant 0 : i32
      %dma_wait3A_33 = tpu.memref_slice %arg10[%add3A_13, %dma_wait3A_32] : memref<10240x128xf32, #tpu.memory_space<vmem_shared>> -> memref<128x128xf32, #tpu.memory_space<vmem_shared>>
      tpu.wait_dma2 semaphore(%run_scoped3A : memref<!tpu.dma_semaphore, #tpu.memory_space<semaphore_mem>>) src(%arg8 : memref<128x128xf32, #tpu.memory_space<vmem>>) dst(%dma_wait3A_33 : memref<128x128xf32, #tpu.memory_space<vmem_shared>>)
      tpu.yield
    }) : () -> ()
    %add3A_14 = arith.constant 256 : i32
    %add3A_15 = arith.addi %mul3A_2, %add3A_14 : i32
    "tpu.region"() ({
      %run_scoped3A = tpu.sem_alloc : memref<!tpu.dma_semaphore, #tpu.memory_space<semaphore_mem>>
      %dma_start3A = arith.constant 0 : i32
      %dma_start3A_28 = tpu.memref_slice %arg10[%add3A_15, %dma_start3A] : memref<10240x128xf32, #tpu.memory_space<vmem_shared>> -> memref<128x128xf32, #tpu.memory_space<vmem_shared>>
      %dma_start3A_29 = arith.constant 0 : i32
      %dma_start3A_30 = tpu.memref_slice %arg10[%add3A_15, %dma_start3A_29] : memref<10240x128xf32, #tpu.memory_space<vmem_shared>> -> memref<128x128xf32, #tpu.memory_space<vmem_shared>>
      tpu.enqueue_dma source(%arg8 : memref<128x128xf32, #tpu.memory_space<vmem>>) target(%dma_start3A_30 : memref<128x128xf32, #tpu.memory_space<vmem_shared>>) target_semaphore(%run_scoped3A : memref<!tpu.dma_semaphore, #tpu.memory_space<semaphore_mem>>)
      %dma_wait3A = arith.constant 0 : i32
      %dma_wait3A_31 = tpu.memref_slice %arg10[%add3A_15, %dma_wait3A] : memref<10240x128xf32, #tpu.memory_space<vmem_shared>> -> memref<128x128xf32, #tpu.memory_space<vmem_shared>>
      %dma_wait3A_32 = arith.constant 0 : i32
      %dma_wait3A_33 = tpu.memref_slice %arg10[%add3A_15, %dma_wait3A_32] : memref<10240x128xf32, #tpu.memory_space<vmem_shared>> -> memref<128x128xf32, #tpu.memory_space<vmem_shared>>
      tpu.wait_dma2 semaphore(%run_scoped3A : memref<!tpu.dma_semaphore, #tpu.memory_space<semaphore_mem>>) src(%arg8 : memref<128x128xf32, #tpu.memory_space<vmem>>) dst(%dma_wait3A_33 : memref<128x128xf32, #tpu.memory_space<vmem_shared>>)
      tpu.yield
    }) : () -> ()
    %add3A_16 = arith.constant 384 : i32
    %add3A_17 = arith.addi %mul3A_2, %add3A_16 : i32
    "tpu.region"() ({
      %run_scoped3A = tpu.sem_alloc : memref<!tpu.dma_semaphore, #tpu.memory_space<semaphore_mem>>
      %dma_start3A = arith.constant 0 : i32
      %dma_start3A_28 = tpu.memref_slice %arg10[%add3A_17, %dma_start3A] : memref<10240x128xf32, #tpu.memory_space<vmem_shared>> -> memref<128x128xf32, #tpu.memory_space<vmem_shared>>
      %dma_start3A_29 = arith.constant 0 : i32
      %dma_start3A_30 = tpu.memref_slice %arg10[%add3A_17, %dma_start3A_29] : memref<10240x128xf32, #tpu.memory_space<vmem_shared>> -> memref<128x128xf32, #tpu.memory_space<vmem_shared>>
      tpu.enqueue_dma source(%arg8 : memref<128x128xf32, #tpu.memory_space<vmem>>) target(%dma_start3A_30 : memref<128x128xf32, #tpu.memory_space<vmem_shared>>) target_semaphore(%run_scoped3A : memref<!tpu.dma_semaphore, #tpu.memory_space<semaphore_mem>>)
      %dma_wait3A = arith.constant 0 : i32
      %dma_wait3A_31 = tpu.memref_slice %arg10[%add3A_17, %dma_wait3A] : memref<10240x128xf32, #tpu.memory_space<vmem_shared>> -> memref<128x128xf32, #tpu.memory_space<vmem_shared>>
      %dma_wait3A_32 = arith.constant 0 : i32
      %dma_wait3A_33 = tpu.memref_slice %arg10[%add3A_17, %dma_wait3A_32] : memref<10240x128xf32, #tpu.memory_space<vmem_shared>> -> memref<128x128xf32, #tpu.memory_space<vmem_shared>>
      tpu.wait_dma2 semaphore(%run_scoped3A : memref<!tpu.dma_semaphore, #tpu.memory_space<semaphore_mem>>) src(%arg8 : memref<128x128xf32, #tpu.memory_space<vmem>>) dst(%dma_wait3A_33 : memref<128x128xf32, #tpu.memory_space<vmem_shared>>)
      tpu.yield
    }) : () -> ()
    %add3A_18 = arith.constant 512 : i32
    %add3A_19 = arith.addi %mul3A_2, %add3A_18 : i32
    "tpu.region"() ({
      %run_scoped3A = tpu.sem_alloc : memref<!tpu.dma_semaphore, #tpu.memory_space<semaphore_mem>>
      %dma_start3A = arith.constant 0 : i32
      %dma_start3A_28 = tpu.memref_slice %arg10[%add3A_19, %dma_start3A] : memref<10240x128xf32, #tpu.memory_space<vmem_shared>> -> memref<128x128xf32, #tpu.memory_space<vmem_shared>>
      %dma_start3A_29 = arith.constant 0 : i32
      %dma_start3A_30 = tpu.memref_slice %arg10[%add3A_19, %dma_start3A_29] : memref<10240x128xf32, #tpu.memory_space<vmem_shared>> -> memref<128x128xf32, #tpu.memory_space<vmem_shared>>
      tpu.enqueue_dma source(%arg8 : memref<128x128xf32, #tpu.memory_space<vmem>>) target(%dma_start3A_30 : memref<128x128xf32, #tpu.memory_space<vmem_shared>>) target_semaphore(%run_scoped3A : memref<!tpu.dma_semaphore, #tpu.memory_space<semaphore_mem>>)
      %dma_wait3A = arith.constant 0 : i32
      %dma_wait3A_31 = tpu.memref_slice %arg10[%add3A_19, %dma_wait3A] : memref<10240x128xf32, #tpu.memory_space<vmem_shared>> -> memref<128x128xf32, #tpu.memory_space<vmem_shared>>
      %dma_wait3A_32 = arith.constant 0 : i32
      %dma_wait3A_33 = tpu.memref_slice %arg10[%add3A_19, %dma_wait3A_32] : memref<10240x128xf32, #tpu.memory_space<vmem_shared>> -> memref<128x128xf32, #tpu.memory_space<vmem_shared>>
      tpu.wait_dma2 semaphore(%run_scoped3A : memref<!tpu.dma_semaphore, #tpu.memory_space<semaphore_mem>>) src(%arg8 : memref<128x128xf32, #tpu.memory_space<vmem>>) dst(%dma_wait3A_33 : memref<128x128xf32, #tpu.memory_space<vmem_shared>>)
      tpu.yield
    }) : () -> ()
    %barrier3A = arith.constant 0 : index
    tpu.barrier barrier_id(%barrier3A)
    %scan3A_20 = arith.constant 0 : i32
    %scan3A_21 = arith.constant 0 : i32
    %scan3A_22 = arith.constant 5 : i32
    %scan3A_23 = arith.addi %scan3A_21, %scan3A_22 : i32
    %scan3A_24 = arith.constant 1 : i32
    %scan3A_25 = scf.for %scan3A_28 = %scan3A_21 to %scan3A_23 step %scan3A_24 iter_args(%scan3A_29 = %scan3A_20) -> (i32)  : i32 {
      "tpu.region"() ({
        %run_scoped3A = tpu.sem_alloc : memref<!tpu.dma_semaphore, #tpu.memory_space<semaphore_mem>>
        %dma_start3A = arith.constant 0 : i32
        %dma_start3A_43 = arith.constant 0 : i32
        %dma_start3A_44 = tpu.memref_slice %arg3[%add3A, %scan3A_28, %dma_start3A, %dma_start3A_43] : memref<32x5x16x128xi32, #tpu.memory_space<hbm>> -> memref<1x1x16x128xi32, #tpu.memory_space<hbm>>
        %dma_start3A_45 = tpu.memref_squeeze %dma_start3A_44 : memref<1x1x16x128xi32, #tpu.memory_space<hbm>> -> memref<16x128xi32, #tpu.memory_space<hbm>>
        %dma_start3A_46 = arith.constant 0 : i32
        %dma_start3A_47 = arith.constant 0 : i32
        %dma_start3A_48 = tpu.memref_slice %arg3[%add3A, %scan3A_28, %dma_start3A_46, %dma_start3A_47] : memref<32x5x16x128xi32, #tpu.memory_space<hbm>> -> memref<1x1x16x128xi32, #tpu.memory_space<hbm>>
        %dma_start3A_49 = tpu.memref_squeeze %dma_start3A_48 : memref<1x1x16x128xi32, #tpu.memory_space<hbm>> -> memref<16x128xi32, #tpu.memory_space<hbm>>
        tpu.enqueue_dma source(%dma_start3A_49 : memref<16x128xi32, #tpu.memory_space<hbm>>) target(%arg6 : memref<16x128xi32, #tpu.memory_space<vmem>>) target_semaphore(%run_scoped3A : memref<!tpu.dma_semaphore, #tpu.memory_space<semaphore_mem>>)
        %dma_wait3A_50 = arith.constant 0 : i32
        %dma_wait3A_51 = arith.constant 0 : i32
        %dma_wait3A_52 = tpu.memref_slice %arg3[%add3A, %scan3A_28, %dma_wait3A_50, %dma_wait3A_51] : memref<32x5x16x128xi32, #tpu.memory_space<hbm>> -> memref<1x1x16x128xi32, #tpu.memory_space<hbm>>
        %dma_wait3A_53 = tpu.memref_squeeze %dma_wait3A_52 : memref<1x1x16x128xi32, #tpu.memory_space<hbm>> -> memref<16x128xi32, #tpu.memory_space<hbm>>
        %dma_wait3A_54 = arith.constant 0 : i32
        %dma_wait3A_55 = arith.constant 0 : i32
        %dma_wait3A_56 = tpu.memref_slice %arg3[%add3A, %scan3A_28, %dma_wait3A_54, %dma_wait3A_55] : memref<32x5x16x128xi32, #tpu.memory_space<hbm>> -> memref<1x1x16x128xi32, #tpu.memory_space<hbm>>
        %dma_wait3A_57 = tpu.memref_squeeze %dma_wait3A_56 : memref<1x1x16x128xi32, #tpu.memory_space<hbm>> -> memref<16x128xi32, #tpu.memory_space<hbm>>
        tpu.wait_dma2 semaphore(%run_scoped3A : memref<!tpu.dma_semaphore, #tpu.memory_space<semaphore_mem>>) src(%dma_wait3A_57 : memref<16x128xi32, #tpu.memory_space<hbm>>) dst(%arg6 : memref<16x128xi32, #tpu.memory_space<vmem>>)
        tpu.yield
      }) : () -> ()
      "tpu.region"() ({
        %run_scoped3A = tpu.sem_alloc : memref<!tpu.dma_semaphore, #tpu.memory_space<semaphore_mem>>
        %dma_start3A = arith.constant 0 : i32
        %dma_start3A_43 = arith.constant 0 : i32
        %dma_start3A_44 = tpu.memref_slice %arg4[%add3A, %scan3A_28, %dma_start3A, %dma_start3A_43] : memref<32x5x16x128xi32, #tpu.memory_space<hbm>> -> memref<1x1x16x128xi32, #tpu.memory_space<hbm>>
        %dma_start3A_45 = tpu.memref_squeeze %dma_start3A_44 : memref<1x1x16x128xi32, #tpu.memory_space<hbm>> -> memref<16x128xi32, #tpu.memory_space<hbm>>
        %dma_start3A_46 = arith.constant 0 : i32
        %dma_start3A_47 = arith.constant 0 : i32
        %dma_start3A_48 = tpu.memref_slice %arg4[%add3A, %scan3A_28, %dma_start3A_46, %dma_start3A_47] : memref<32x5x16x128xi32, #tpu.memory_space<hbm>> -> memref<1x1x16x128xi32, #tpu.memory_space<hbm>>
        %dma_start3A_49 = tpu.memref_squeeze %dma_start3A_48 : memref<1x1x16x128xi32, #tpu.memory_space<hbm>> -> memref<16x128xi32, #tpu.memory_space<hbm>>
        tpu.enqueue_dma source(%dma_start3A_49 : memref<16x128xi32, #tpu.memory_space<hbm>>) target(%arg7 : memref<16x128xi32, #tpu.memory_space<vmem>>) target_semaphore(%run_scoped3A : memref<!tpu.dma_semaphore, #tpu.memory_space<semaphore_mem>>)
        %dma_wait3A_50 = arith.constant 0 : i32
        %dma_wait3A_51 = arith.constant 0 : i32
        %dma_wait3A_52 = tpu.memref_slice %arg4[%add3A, %scan3A_28, %dma_wait3A_50, %dma_wait3A_51] : memref<32x5x16x128xi32, #tpu.memory_space<hbm>> -> memref<1x1x16x128xi32, #tpu.memory_space<hbm>>
        %dma_wait3A_53 = tpu.memref_squeeze %dma_wait3A_52 : memref<1x1x16x128xi32, #tpu.memory_space<hbm>> -> memref<16x128xi32, #tpu.memory_space<hbm>>
        %dma_wait3A_54 = arith.constant 0 : i32
        %dma_wait3A_55 = arith.constant 0 : i32
        %dma_wait3A_56 = tpu.memref_slice %arg4[%add3A, %scan3A_28, %dma_wait3A_54, %dma_wait3A_55] : memref<32x5x16x128xi32, #tpu.memory_space<hbm>> -> memref<1x1x16x128xi32, #tpu.memory_space<hbm>>
        %dma_wait3A_57 = tpu.memref_squeeze %dma_wait3A_56 : memref<1x1x16x128xi32, #tpu.memory_space<hbm>> -> memref<16x128xi32, #tpu.memory_space<hbm>>
        tpu.wait_dma2 semaphore(%run_scoped3A : memref<!tpu.dma_semaphore, #tpu.memory_space<semaphore_mem>>) src(%dma_wait3A_57 : memref<16x128xi32, #tpu.memory_space<hbm>>) dst(%arg7 : memref<16x128xi32, #tpu.memory_space<vmem>>)
        tpu.yield
      }) : () -> ()
      %scan3A_30 = arith.constant 0 : i32
      %scan3A_31 = arith.constant 0 : i32
      %scan3A_32 = arith.constant 8 : i32
      %scan3A_33 = arith.addi %scan3A_31, %scan3A_32 : i32
      %scan3A_34 = arith.constant 1 : i32
      %scan3A_35 = scf.for %scan3A_43 = %scan3A_31 to %scan3A_33 step %scan3A_34 iter_args(%scan3A_44 = %scan3A_30) -> (i32)  : i32 {
        %mul3A_45 = arith.constant 2 : i32
        %mul3A_46 = arith.muli %scan3A_43, %mul3A_45 : i32
        %mul3A_47 = arith.constant 1 : i32
        %mul3A_48 = arith.muli %mul3A_46, %mul3A_47 : i32
        %add3A_49 = arith.constant 0 : i32
        %add3A_50 = arith.addi %mul3A_48, %add3A_49 : i32
        %dma_start3A = arith.constant 0 : i32
        %dma_start3A_51 = tpu.memref_slice %arg6[%add3A_50, %dma_start3A] : memref<16x128xi32, #tpu.memory_space<vmem>> -> memref<1x128xi32, #tpu.memory_space<vmem>>
        %dma_start3A_52 = tpu.memref_squeeze %dma_start3A_51 : memref<1x128xi32, #tpu.memory_space<vmem>> -> memref<128xi32, #tpu.memory_space<vmem>>
        %dma_start3A_53 = arith.constant 0 : i32
        %dma_start3A_54 = arith.constant 0 : i32
        %dma_start3A_55 = tpu.memref_slice %arg2[%dma_start3A_53, %dma_start3A_54] : memref<10000x128xf32, #tpu.memory_space<hbm>> -> memref<10000x128xf32, #tpu.memory_space<hbm>>
        tpu.enqueue_indirect_dma source(%dma_start3A_55 : memref<10000x128xf32, #tpu.memory_space<hbm>>) target(%arg8 : memref<128x128xf32, #tpu.memory_space<vmem>>) offsets(%dma_start3A_52 : memref<128xi32, #tpu.memory_space<vmem>>) semaphore(%arg11 : memref<!tpu.dma_semaphore, #tpu.memory_space<semaphore_mem>>)
        %dma_wait3A_56 = arith.constant 0 : i32
        %dma_wait3A_57 = tpu.memref_slice %arg6[%add3A_50, %dma_wait3A_56] : memref<16x128xi32, #tpu.memory_space<vmem>> -> memref<1x128xi32, #tpu.memory_space<vmem>>
        %dma_wait3A_58 = tpu.memref_squeeze %dma_wait3A_57 : memref<1x128xi32, #tpu.memory_space<vmem>> -> memref<128xi32, #tpu.memory_space<vmem>>
        %dma_wait3A_59 = arith.constant 0 : i32
        %dma_wait3A_60 = arith.constant 0 : i32
        %dma_wait3A_61 = tpu.memref_slice %arg2[%dma_wait3A_59, %dma_wait3A_60] : memref<10000x128xf32, #tpu.memory_space<hbm>> -> memref<10000x128xf32, #tpu.memory_space<hbm>>
        tpu.wait_indirect_dma semaphore(%arg11 : memref<!tpu.dma_semaphore, #tpu.memory_space<semaphore_mem>>) src(%dma_wait3A_61 : memref<10000x128xf32, #tpu.memory_space<hbm>>) dst(%arg8 : memref<128x128xf32, #tpu.memory_space<vmem>>)
        %add3A_62 = arith.constant 0 : i32
        %add3A_63 = arith.addi %mul3A_48, %add3A_62 : i32
        %dma_start3A_64 = arith.constant 0 : i32
        %dma_start3A_65 = tpu.memref_slice %arg7[%add3A_63, %dma_start3A_64] : memref<16x128xi32, #tpu.memory_space<vmem>> -> memref<1x128xi32, #tpu.memory_space<vmem>>
        %dma_start3A_66 = tpu.memref_squeeze %dma_start3A_65 : memref<1x128xi32, #tpu.memory_space<vmem>> -> memref<128xi32, #tpu.memory_space<vmem>>
        %dma_start3A_67 = arith.constant 0 : i32
        %dma_start3A_68 = arith.constant 0 : i32
        %dma_start3A_69 = tpu.memref_slice %arg10[%dma_start3A_67, %dma_start3A_68] : memref<10240x128xf32, #tpu.memory_space<vmem_shared>> -> memref<10240x128xf32, #tpu.memory_space<vmem_shared>>
        tpu.enqueue_indirect_dma source(%arg8 : memref<128x128xf32, #tpu.memory_space<vmem>>) target(%dma_start3A_69 : memref<10240x128xf32, #tpu.memory_space<vmem_shared>>) offsets(%dma_start3A_66 : memref<128xi32, #tpu.memory_space<vmem>>) semaphore(%arg12 : memref<!tpu.dma_semaphore, #tpu.memory_space<semaphore_mem>>) {add = true}
        %gt3A = arith.constant 0 : i32
        %gt3A_70 = arith.cmpi sgt, %scan3A_43, %gt3A : i32
        %convert_element_type3A = arith.extui %gt3A_70 : i1 to i32
        %cond3A = arith.constant 0 : i32
        %cond3A_71 = arith.cmpi ne, %convert_element_type3A, %cond3A : i32
        scf.if %cond3A_71 {
          %dma_wait3A_105 = arith.constant 0 : i32
          %dma_wait3A_106 = arith.constant 0 : i32
          %dma_wait3A_107 = tpu.memref_slice %arg10[%dma_wait3A_105, %dma_wait3A_106] : memref<10240x128xf32, #tpu.memory_space<vmem_shared>> -> memref<128x128xf32, #tpu.memory_space<vmem_shared>>
          %dma_wait3A_108 = arith.constant 0 : i32
          %dma_wait3A_109 = arith.constant 0 : i32
          %dma_wait3A_110 = tpu.memref_slice %arg10[%dma_wait3A_108, %dma_wait3A_109] : memref<10240x128xf32, #tpu.memory_space<vmem_shared>> -> memref<128x128xf32, #tpu.memory_space<vmem_shared>>
          tpu.wait_dma2 semaphore(%arg12 : memref<!tpu.dma_semaphore, #tpu.memory_space<semaphore_mem>>) src(%arg9 : memref<128x128xf32, #tpu.memory_space<vmem>>) dst(%dma_wait3A_110 : memref<128x128xf32, #tpu.memory_space<vmem_shared>>)
        } else {
        }
        %add3A_72 = arith.constant 1 : i32
        %add3A_73 = arith.addi %mul3A_48, %add3A_72 : i32
        %add3A_74 = arith.constant 0 : i32
        %add3A_75 = arith.addi %add3A_73, %add3A_74 : i32
        %dma_start3A_76 = arith.constant 0 : i32
        %dma_start3A_77 = tpu.memref_slice %arg6[%add3A_75, %dma_start3A_76] : memref<16x128xi32, #tpu.memory_space<vmem>> -> memref<1x128xi32, #tpu.memory_space<vmem>>
        %dma_start3A_78 = tpu.memref_squeeze %dma_start3A_77 : memref<1x128xi32, #tpu.memory_space<vmem>> -> memref<128xi32, #tpu.memory_space<vmem>>
        %dma_start3A_79 = arith.constant 0 : i32
        %dma_start3A_80 = arith.constant 0 : i32
        %dma_start3A_81 = tpu.memref_slice %arg2[%dma_start3A_79, %dma_start3A_80] : memref<10000x128xf32, #tpu.memory_space<hbm>> -> memref<10000x128xf32, #tpu.memory_space<hbm>>
        tpu.enqueue_indirect_dma source(%dma_start3A_81 : memref<10000x128xf32, #tpu.memory_space<hbm>>) target(%arg9 : memref<128x128xf32, #tpu.memory_space<vmem>>) offsets(%dma_start3A_78 : memref<128xi32, #tpu.memory_space<vmem>>) semaphore(%arg11 : memref<!tpu.dma_semaphore, #tpu.memory_space<semaphore_mem>>)
        %dma_wait3A_82 = arith.constant 0 : i32
        %dma_wait3A_83 = tpu.memref_slice %arg6[%add3A_75, %dma_wait3A_82] : memref<16x128xi32, #tpu.memory_space<vmem>> -> memref<1x128xi32, #tpu.memory_space<vmem>>
        %dma_wait3A_84 = tpu.memref_squeeze %dma_wait3A_83 : memref<1x128xi32, #tpu.memory_space<vmem>> -> memref<128xi32, #tpu.memory_space<vmem>>
        %dma_wait3A_85 = arith.constant 0 : i32
        %dma_wait3A_86 = arith.constant 0 : i32
        %dma_wait3A_87 = tpu.memref_slice %arg2[%dma_wait3A_85, %dma_wait3A_86] : memref<10000x128xf32, #tpu.memory_space<hbm>> -> memref<10000x128xf32, #tpu.memory_space<hbm>>
        tpu.wait_indirect_dma semaphore(%arg11 : memref<!tpu.dma_semaphore, #tpu.memory_space<semaphore_mem>>) src(%dma_wait3A_87 : memref<10000x128xf32, #tpu.memory_space<hbm>>) dst(%arg9 : memref<128x128xf32, #tpu.memory_space<vmem>>)
        %add3A_88 = arith.constant 1 : i32
        %add3A_89 = arith.addi %mul3A_48, %add3A_88 : i32
        %add3A_90 = arith.constant 0 : i32
        %add3A_91 = arith.addi %add3A_89, %add3A_90 : i32
        %dma_start3A_92 = arith.constant 0 : i32
        %dma_start3A_93 = tpu.memref_slice %arg7[%add3A_91, %dma_start3A_92] : memref<16x128xi32, #tpu.memory_space<vmem>> -> memref<1x128xi32, #tpu.memory_space<vmem>>
        %dma_start3A_94 = tpu.memref_squeeze %dma_start3A_93 : memref<1x128xi32, #tpu.memory_space<vmem>> -> memref<128xi32, #tpu.memory_space<vmem>>
        %dma_start3A_95 = arith.constant 0 : i32
        %dma_start3A_96 = arith.constant 0 : i32
        %dma_start3A_97 = tpu.memref_slice %arg10[%dma_start3A_95, %dma_start3A_96] : memref<10240x128xf32, #tpu.memory_space<vmem_shared>> -> memref<10240x128xf32, #tpu.memory_space<vmem_shared>>
        tpu.enqueue_indirect_dma source(%arg9 : memref<128x128xf32, #tpu.memory_space<vmem>>) target(%dma_start3A_97 : memref<10240x128xf32, #tpu.memory_space<vmem_shared>>) offsets(%dma_start3A_94 : memref<128xi32, #tpu.memory_space<vmem>>) semaphore(%arg12 : memref<!tpu.dma_semaphore, #tpu.memory_space<semaphore_mem>>) {add = true}
        %dma_wait3A_98 = arith.constant 0 : i32
        %dma_wait3A_99 = arith.constant 0 : i32
        %dma_wait3A_100 = tpu.memref_slice %arg10[%dma_wait3A_98, %dma_wait3A_99] : memref<10240x128xf32, #tpu.memory_space<vmem_shared>> -> memref<128x128xf32, #tpu.memory_space<vmem_shared>>
        %dma_wait3A_101 = arith.constant 0 : i32
        %dma_wait3A_102 = arith.constant 0 : i32
        %dma_wait3A_103 = tpu.memref_slice %arg10[%dma_wait3A_101, %dma_wait3A_102] : memref<10240x128xf32, #tpu.memory_space<vmem_shared>> -> memref<128x128xf32, #tpu.memory_space<vmem_shared>>
        tpu.wait_dma2 semaphore(%arg12 : memref<!tpu.dma_semaphore, #tpu.memory_space<semaphore_mem>>) src(%arg8 : memref<128x128xf32, #tpu.memory_space<vmem>>) dst(%dma_wait3A_103 : memref<128x128xf32, #tpu.memory_space<vmem_shared>>)
        %scan3A_104 = arith.constant 0 : i32
        scf.yield %scan3A_104 : i32
      }
      %scan3A_36 = arith.constant 8 : i32
      %dma_wait3A = arith.constant 0 : i32
      %dma_wait3A_37 = arith.constant 0 : i32
      %dma_wait3A_38 = tpu.memref_slice %arg10[%dma_wait3A, %dma_wait3A_37] : memref<10240x128xf32, #tpu.memory_space<vmem_shared>> -> memref<128x128xf32, #tpu.memory_space<vmem_shared>>
      %dma_wait3A_39 = arith.constant 0 : i32
      %dma_wait3A_40 = arith.constant 0 : i32
      %dma_wait3A_41 = tpu.memref_slice %arg10[%dma_wait3A_39, %dma_wait3A_40] : memref<10240x128xf32, #tpu.memory_space<vmem_shared>> -> memref<128x128xf32, #tpu.memory_space<vmem_shared>>
      tpu.wait_dma2 semaphore(%arg12 : memref<!tpu.dma_semaphore, #tpu.memory_space<semaphore_mem>>) src(%arg9 : memref<128x128xf32, #tpu.memory_space<vmem>>) dst(%dma_wait3A_41 : memref<128x128xf32, #tpu.memory_space<vmem_shared>>)
      %scan3A_42 = arith.constant 0 : i32
      scf.yield %scan3A_42 : i32
    }
    %scan3A_26 = arith.constant 5 : i32
    %barrier3A_27 = arith.constant 0 : index
    tpu.barrier barrier_id(%barrier3A_27)
    "tpu.region"() ({
      %run_scoped3A = tpu.sem_alloc : memref<!tpu.dma_semaphore, #tpu.memory_space<semaphore_mem>>
      %dma_start3A = arith.constant 0 : i32
      %dma_start3A_28 = tpu.memref_slice %arg5[%arg0, %mul3A_2, %dma_start3A] : memref<2x10240x128xf32, #tpu.memory_space<hbm>> -> memref<1x640x128xf32, #tpu.memory_space<hbm>>
      %dma_start3A_29 = tpu.memref_squeeze %dma_start3A_28 : memref<1x640x128xf32, #tpu.memory_space<hbm>> -> memref<640x128xf32, #tpu.memory_space<hbm>>
      %dma_start3A_30 = arith.constant 0 : i32
      %dma_start3A_31 = tpu.memref_slice %arg10[%mul3A_2, %dma_start3A_30] : memref<10240x128xf32, #tpu.memory_space<vmem_shared>> -> memref<640x128xf32, #tpu.memory_space<vmem_shared>>
      tpu.enqueue_dma source(%dma_start3A_31 : memref<640x128xf32, #tpu.memory_space<vmem_shared>>) target(%dma_start3A_29 : memref<640x128xf32, #tpu.memory_space<hbm>>) target_semaphore(%run_scoped3A : memref<!tpu.dma_semaphore, #tpu.memory_space<semaphore_mem>>)
      %dma_wait3A = arith.constant 0 : i32
      %dma_wait3A_32 = tpu.memref_slice %arg5[%arg0, %mul3A_2, %dma_wait3A] : memref<2x10240x128xf32, #tpu.memory_space<hbm>> -> memref<1x640x128xf32, #tpu.memory_space<hbm>>
      %dma_wait3A_33 = tpu.memref_squeeze %dma_wait3A_32 : memref<1x640x128xf32, #tpu.memory_space<hbm>> -> memref<640x128xf32, #tpu.memory_space<hbm>>
      %dma_wait3A_34 = arith.constant 0 : i32
      %dma_wait3A_35 = tpu.memref_slice %arg10[%mul3A_2, %dma_wait3A_34] : memref<10240x128xf32, #tpu.memory_space<vmem_shared>> -> memref<640x128xf32, #tpu.memory_space<vmem_shared>>
      tpu.wait_dma2 semaphore(%run_scoped3A : memref<!tpu.dma_semaphore, #tpu.memory_space<semaphore_mem>>) src(%dma_wait3A_35 : memref<640x128xf32, #tpu.memory_space<vmem_shared>>) dst(%dma_wait3A_33 : memref<640x128xf32, #tpu.memory_space<hbm>>)
      tpu.yield
    }) : () -> ()
    return
  }
}

#map = affine_map<(d0, d1) -> (0, 0)>
#map1 = affine_map<(d0, d1) -> (0, 0, 0, 0)>
#map2 = affine_map<(d0, d1) -> (0, 0, 0)>
module attributes {stable_mosaic.version = 14 : i64} {
  func.func @_scatter_body(%arg0: i32, %arg1: i32, %arg2: memref<10000x128xf32, #tpu.memory_space<hbm>>, %arg3: memref<32x5x16x128xi32, #tpu.memory_space<hbm>>, %arg4: memref<32x5x16x128xi32, #tpu.memory_space<hbm>>, %arg5: memref<2x10240x128xf32, #tpu.memory_space<hbm>>, %arg6: memref<16x128xi32, #tpu.memory_space<vmem>>, %arg7: memref<16x128xi32, #tpu.memory_space<vmem>>, %arg8: memref<128x128xf32, #tpu.memory_space<vmem>>, %arg9: memref<128x128xf32, #tpu.memory_space<vmem>>, %arg10: memref<10240x128xf32, #tpu.memory_space<vmem_shared>>, %arg11: memref<!tpu.dma_semaphore, #tpu.memory_space<semaphore_mem>>, %arg12: memref<!tpu.dma_semaphore, #tpu.memory_space<semaphore_mem>>) attributes {dimension_semantics = [#tpu.dimension_semantics<core_parallel>, #tpu.dimension_semantics<subcore_parallel>], iteration_bounds = array<i64: 2, 16>, scalar_prefetch = 0 : i64, scratch_operands = 7 : i64, tpu.core_type = #tpu.core_type<sc_vector_subcore>, window_params = [{transform_indices = #map}, {transform_indices = #map1}, {transform_indices = #map1}, {transform_indices = #map2}]} {
    %mul3A = arith.constant 16 : i32
    %mul3A_0 = arith.muli %arg0, %mul3A : i32
    %add3A = arith.addi %mul3A_0, %arg1 : i32
    %mul3A_1 = arith.constant 640 : i32
    %mul3A_2 = arith.muli %arg1, %mul3A_1 : i32
    %broadcast_in_dim3A = arith.constant 0.000000e+00 : f32
    %broadcast_in_dim3A_3 = vector.broadcast %broadcast_in_dim3A : f32 to vector<16xf32>
    %scan3A = arith.constant 0 : i32
    %scan3A_4 = arith.constant 0 : i32
    %scan3A_5 = arith.constant 128 : i32
    %scan3A_6 = arith.addi %scan3A_4, %scan3A_5 : i32
    %scan3A_7 = arith.constant 1 : i32
    %scan3A_8 = scf.for %scan3A_28 = %scan3A_4 to %scan3A_6 step %scan3A_7 iter_args(%scan3A_29 = %scan3A) -> (i32)  : i32 {
      %swap3A = arith.index_cast %scan3A_28 : i32 to index
      %swap3A_30 = arith.constant 0 : index
      %swap3A_31 = tpu.vector_load %arg8[%swap3A, %swap3A_30] {strides = array<i32>} : memref<128x128xf32, #tpu.memory_space<vmem>>, vector<1x16xf32>,
      %swap3A_32 = vector.shape_cast %swap3A_31 : vector<1x16xf32> to vector<16xf32>
      %swap3A_33 = vector.shape_cast %broadcast_in_dim3A_3 : vector<16xf32> to vector<1x16xf32>
      tpu.vector_store %arg8[%swap3A, %swap3A_30], %swap3A_33 {strides = array<i32>} : memref<128x128xf32, #tpu.memory_space<vmem>>, vector<1x16xf32>,
      %swap3A_34 = arith.index_cast %scan3A_28 : i32 to index
      %swap3A_35 = arith.constant 16 : index
      %swap3A_36 = tpu.vector_load %arg8[%swap3A_34, %swap3A_35] {strides = array<i32>} : memref<128x128xf32, #tpu.memory_space<vmem>>, vector<1x16xf32>,
      %swap3A_37 = vector.shape_cast %swap3A_36 : vector<1x16xf32> to vector<16xf32>
      %swap3A_38 = vector.shape_cast %broadcast_in_dim3A_3 : vector<16xf32> to vector<1x16xf32>
      tpu.vector_store %arg8[%swap3A_34, %swap3A_35], %swap3A_38 {strides = array<i32>} : memref<128x128xf32, #tpu.memory_space<vmem>>, vector<1x16xf32>,
      %swap3A_39 = arith.index_cast %scan3A_28 : i32 to index
      %swap3A_40 = arith.constant 32 : index
      %swap3A_41 = tpu.vector_load %arg8[%swap3A_39, %swap3A_40] {strides = array<i32>} : memref<128x128xf32, #tpu.memory_space<vmem>>, vector<1x16xf32>,
      %swap3A_42 = vector.shape_cast %swap3A_41 : vector<1x16xf32> to vector<16xf32>
      %swap3A_43 = vector.shape_cast %broadcast_in_dim3A_3 : vector<16xf32> to vector<1x16xf32>
      tpu.vector_store %arg8[%swap3A_39, %swap3A_40], %swap3A_43 {strides = array<i32>} : memref<128x128xf32, #tpu.memory_space<vmem>>, vector<1x16xf32>,
      %swap3A_44 = arith.index_cast %scan3A_28 : i32 to index
      %swap3A_45 = arith.constant 48 : index
      %swap3A_46 = tpu.vector_load %arg8[%swap3A_44, %swap3A_45] {strides = array<i32>} : memref<128x128xf32, #tpu.memory_space<vmem>>, vector<1x16xf32>,
      %swap3A_47 = vector.shape_cast %swap3A_46 : vector<1x16xf32> to vector<16xf32>
      %swap3A_48 = vector.shape_cast %broadcast_in_dim3A_3 : vector<16xf32> to vector<1x16xf32>
      tpu.vector_store %arg8[%swap3A_44, %swap3A_45], %swap3A_48 {strides = array<i32>} : memref<128x128xf32, #tpu.memory_space<vmem>>, vector<1x16xf32>,
      %swap3A_49 = arith.index_cast %scan3A_28 : i32 to index
      %swap3A_50 = arith.constant 64 : index
      %swap3A_51 = tpu.vector_load %arg8[%swap3A_49, %swap3A_50] {strides = array<i32>} : memref<128x128xf32, #tpu.memory_space<vmem>>, vector<1x16xf32>,
      %swap3A_52 = vector.shape_cast %swap3A_51 : vector<1x16xf32> to vector<16xf32>
      %swap3A_53 = vector.shape_cast %broadcast_in_dim3A_3 : vector<16xf32> to vector<1x16xf32>
      tpu.vector_store %arg8[%swap3A_49, %swap3A_50], %swap3A_53 {strides = array<i32>} : memref<128x128xf32, #tpu.memory_space<vmem>>, vector<1x16xf32>,
      %swap3A_54 = arith.index_cast %scan3A_28 : i32 to index
      %swap3A_55 = arith.constant 80 : index
      %swap3A_56 = tpu.vector_load %arg8[%swap3A_54, %swap3A_55] {strides = array<i32>} : memref<128x128xf32, #tpu.memory_space<vmem>>, vector<1x16xf32>,
      %swap3A_57 = vector.shape_cast %swap3A_56 : vector<1x16xf32> to vector<16xf32>
      %swap3A_58 = vector.shape_cast %broadcast_in_dim3A_3 : vector<16xf32> to vector<1x16xf32>
      tpu.vector_store %arg8[%swap3A_54, %swap3A_55], %swap3A_58 {strides = array<i32>} : memref<128x128xf32, #tpu.memory_space<vmem>>, vector<1x16xf32>,
      %swap3A_59 = arith.index_cast %scan3A_28 : i32 to index
      %swap3A_60 = arith.constant 96 : index
      %swap3A_61 = tpu.vector_load %arg8[%swap3A_59, %swap3A_60] {strides = array<i32>} : memref<128x128xf32, #tpu.memory_space<vmem>>, vector<1x16xf32>,
      %swap3A_62 = vector.shape_cast %swap3A_61 : vector<1x16xf32> to vector<16xf32>
      %swap3A_63 = vector.shape_cast %broadcast_in_dim3A_3 : vector<16xf32> to vector<1x16xf32>
      tpu.vector_store %arg8[%swap3A_59, %swap3A_60], %swap3A_63 {strides = array<i32>} : memref<128x128xf32, #tpu.memory_space<vmem>>, vector<1x16xf32>,
      %swap3A_64 = arith.index_cast %scan3A_28 : i32 to index
      %swap3A_65 = arith.constant 112 : index
      %swap3A_66 = tpu.vector_load %arg8[%swap3A_64, %swap3A_65] {strides = array<i32>} : memref<128x128xf32, #tpu.memory_space<vmem>>, vector<1x16xf32>,
      %swap3A_67 = vector.shape_cast %swap3A_66 : vector<1x16xf32> to vector<16xf32>
      %swap3A_68 = vector.shape_cast %broadcast_in_dim3A_3 : vector<16xf32> to vector<1x16xf32>
      tpu.vector_store %arg8[%swap3A_64, %swap3A_65], %swap3A_68 {strides = array<i32>} : memref<128x128xf32, #tpu.memory_space<vmem>>, vector<1x16xf32>,
      %scan3A_69 = arith.constant 0 : i32
      scf.yield %scan3A_69 : i32
    }
    %scan3A_9 = arith.constant 128 : i32
    %add3A_10 = arith.constant 0 : i32
    %add3A_11 = arith.addi %mul3A_2, %add3A_10 : i32
    "tpu.region"() ({
      %run_scoped3A = tpu.sem_alloc : memref<!tpu.dma_semaphore, #tpu.memory_space<semaphore_mem>>
      %dma_start3A = arith.constant 0 : i32
      %dma_start3A_28 = tpu.memref_slice %arg10[%add3A_11, %dma_start3A] : memref<10240x128xf32, #tpu.memory_space<vmem_shared>> -> memref<128x128xf32, #tpu.memory_space<vmem_shared>>
      %dma_start3A_29 = arith.constant 0 : i32
      %dma_start3A_30 = tpu.memref_slice %arg10[%add3A_11, %dma_start3A_29] : memref<10240x128xf32, #tpu.memory_space<vmem_shared>> -> memref<128x128xf32, #tpu.memory_space<vmem_shared>>
      tpu.enqueue_dma source(%arg8 : memref<128x128xf32, #tpu.memory_space<vmem>>) target(%dma_start3A_30 : memref<128x128xf32, #tpu.memory_space<vmem_shared>>) target_semaphore(%run_scoped3A : memref<!tpu.dma_semaphore, #tpu.memory_space<semaphore_mem>>)
      %dma_wait3A = arith.constant 0 : i32
      %dma_wait3A_31 = tpu.memref_slice %arg10[%add3A_11, %dma_wait3A] : memref<10240x128xf32, #tpu.memory_space<vmem_shared>> -> memref<128x128xf32, #tpu.memory_space<vmem_shared>>
      %dma_wait3A_32 = arith.constant 0 : i32
      %dma_wait3A_33 = tpu.memref_slice %arg10[%add3A_11, %dma_wait3A_32] : memref<10240x128xf32, #tpu.memory_space<vmem_shared>> -> memref<128x128xf32, #tpu.memory_space<vmem_shared>>
      tpu.wait_dma2 semaphore(%run_scoped3A : memref<!tpu.dma_semaphore, #tpu.memory_space<semaphore_mem>>) src(%arg8 : memref<128x128xf32, #tpu.memory_space<vmem>>) dst(%dma_wait3A_33 : memref<128x128xf32, #tpu.memory_space<vmem_shared>>)
      tpu.yield
    }) : () -> ()
    %add3A_12 = arith.constant 128 : i32
    %add3A_13 = arith.addi %mul3A_2, %add3A_12 : i32
    "tpu.region"() ({
      %run_scoped3A = tpu.sem_alloc : memref<!tpu.dma_semaphore, #tpu.memory_space<semaphore_mem>>
      %dma_start3A = arith.constant 0 : i32
      %dma_start3A_28 = tpu.memref_slice %arg10[%add3A_13, %dma_start3A] : memref<10240x128xf32, #tpu.memory_space<vmem_shared>> -> memref<128x128xf32, #tpu.memory_space<vmem_shared>>
      %dma_start3A_29 = arith.constant 0 : i32
      %dma_start3A_30 = tpu.memref_slice %arg10[%add3A_13, %dma_start3A_29] : memref<10240x128xf32, #tpu.memory_space<vmem_shared>> -> memref<128x128xf32, #tpu.memory_space<vmem_shared>>
      tpu.enqueue_dma source(%arg8 : memref<128x128xf32, #tpu.memory_space<vmem>>) target(%dma_start3A_30 : memref<128x128xf32, #tpu.memory_space<vmem_shared>>) target_semaphore(%run_scoped3A : memref<!tpu.dma_semaphore, #tpu.memory_space<semaphore_mem>>)
      %dma_wait3A = arith.constant 0 : i32
      %dma_wait3A_31 = tpu.memref_slice %arg10[%add3A_13, %dma_wait3A] : memref<10240x128xf32, #tpu.memory_space<vmem_shared>> -> memref<128x128xf32, #tpu.memory_space<vmem_shared>>
      %dma_wait3A_32 = arith.constant 0 : i32
      %dma_wait3A_33 = tpu.memref_slice %arg10[%add3A_13, %dma_wait3A_32] : memref<10240x128xf32, #tpu.memory_space<vmem_shared>> -> memref<128x128xf32, #tpu.memory_space<vmem_shared>>
      tpu.wait_dma2 semaphore(%run_scoped3A : memref<!tpu.dma_semaphore, #tpu.memory_space<semaphore_mem>>) src(%arg8 : memref<128x128xf32, #tpu.memory_space<vmem>>) dst(%dma_wait3A_33 : memref<128x128xf32, #tpu.memory_space<vmem_shared>>)
      tpu.yield
    }) : () -> ()
    %add3A_14 = arith.constant 256 : i32
    %add3A_15 = arith.addi %mul3A_2, %add3A_14 : i32
    "tpu.region"() ({
      %run_scoped3A = tpu.sem_alloc : memref<!tpu.dma_semaphore, #tpu.memory_space<semaphore_mem>>
      %dma_start3A = arith.constant 0 : i32
      %dma_start3A_28 = tpu.memref_slice %arg10[%add3A_15, %dma_start3A] : memref<10240x128xf32, #tpu.memory_space<vmem_shared>> -> memref<128x128xf32, #tpu.memory_space<vmem_shared>>
      %dma_start3A_29 = arith.constant 0 : i32
      %dma_start3A_30 = tpu.memref_slice %arg10[%add3A_15, %dma_start3A_29] : memref<10240x128xf32, #tpu.memory_space<vmem_shared>> -> memref<128x128xf32, #tpu.memory_space<vmem_shared>>
      tpu.enqueue_dma source(%arg8 : memref<128x128xf32, #tpu.memory_space<vmem>>) target(%dma_start3A_30 : memref<128x128xf32, #tpu.memory_space<vmem_shared>>) target_semaphore(%run_scoped3A : memref<!tpu.dma_semaphore, #tpu.memory_space<semaphore_mem>>)
      %dma_wait3A = arith.constant 0 : i32
      %dma_wait3A_31 = tpu.memref_slice %arg10[%add3A_15, %dma_wait3A] : memref<10240x128xf32, #tpu.memory_space<vmem_shared>> -> memref<128x128xf32, #tpu.memory_space<vmem_shared>>
      %dma_wait3A_32 = arith.constant 0 : i32
      %dma_wait3A_33 = tpu.memref_slice %arg10[%add3A_15, %dma_wait3A_32] : memref<10240x128xf32, #tpu.memory_space<vmem_shared>> -> memref<128x128xf32, #tpu.memory_space<vmem_shared>>
      tpu.wait_dma2 semaphore(%run_scoped3A : memref<!tpu.dma_semaphore, #tpu.memory_space<semaphore_mem>>) src(%arg8 : memref<128x128xf32, #tpu.memory_space<vmem>>) dst(%dma_wait3A_33 : memref<128x128xf32, #tpu.memory_space<vmem_shared>>)
      tpu.yield
    }) : () -> ()
    %add3A_16 = arith.constant 384 : i32
    %add3A_17 = arith.addi %mul3A_2, %add3A_16 : i32
    "tpu.region"() ({
      %run_scoped3A = tpu.sem_alloc : memref<!tpu.dma_semaphore, #tpu.memory_space<semaphore_mem>>
      %dma_start3A = arith.constant 0 : i32
      %dma_start3A_28 = tpu.memref_slice %arg10[%add3A_17, %dma_start3A] : memref<10240x128xf32, #tpu.memory_space<vmem_shared>> -> memref<128x128xf32, #tpu.memory_space<vmem_shared>>
      %dma_start3A_29 = arith.constant 0 : i32
      %dma_start3A_30 = tpu.memref_slice %arg10[%add3A_17, %dma_start3A_29] : memref<10240x128xf32, #tpu.memory_space<vmem_shared>> -> memref<128x128xf32, #tpu.memory_space<vmem_shared>>
      tpu.enqueue_dma source(%arg8 : memref<128x128xf32, #tpu.memory_space<vmem>>) target(%dma_start3A_30 : memref<128x128xf32, #tpu.memory_space<vmem_shared>>) target_semaphore(%run_scoped3A : memref<!tpu.dma_semaphore, #tpu.memory_space<semaphore_mem>>)
      %dma_wait3A = arith.constant 0 : i32
      %dma_wait3A_31 = tpu.memref_slice %arg10[%add3A_17, %dma_wait3A] : memref<10240x128xf32, #tpu.memory_space<vmem_shared>> -> memref<128x128xf32, #tpu.memory_space<vmem_shared>>
      %dma_wait3A_32 = arith.constant 0 : i32
      %dma_wait3A_33 = tpu.memref_slice %arg10[%add3A_17, %dma_wait3A_32] : memref<10240x128xf32, #tpu.memory_space<vmem_shared>> -> memref<128x128xf32, #tpu.memory_space<vmem_shared>>
      tpu.wait_dma2 semaphore(%run_scoped3A : memref<!tpu.dma_semaphore, #tpu.memory_space<semaphore_mem>>) src(%arg8 : memref<128x128xf32, #tpu.memory_space<vmem>>) dst(%dma_wait3A_33 : memref<128x128xf32, #tpu.memory_space<vmem_shared>>)
      tpu.yield
    }) : () -> ()
    %add3A_18 = arith.constant 512 : i32
    %add3A_19 = arith.addi %mul3A_2, %add3A_18 : i32
    "tpu.region"() ({
      %run_scoped3A = tpu.sem_alloc : memref<!tpu.dma_semaphore, #tpu.memory_space<semaphore_mem>>
      %dma_start3A = arith.constant 0 : i32
      %dma_start3A_28 = tpu.memref_slice %arg10[%add3A_19, %dma_start3A] : memref<10240x128xf32, #tpu.memory_space<vmem_shared>> -> memref<128x128xf32, #tpu.memory_space<vmem_shared>>
      %dma_start3A_29 = arith.constant 0 : i32
      %dma_start3A_30 = tpu.memref_slice %arg10[%add3A_19, %dma_start3A_29] : memref<10240x128xf32, #tpu.memory_space<vmem_shared>> -> memref<128x128xf32, #tpu.memory_space<vmem_shared>>
      tpu.enqueue_dma source(%arg8 : memref<128x128xf32, #tpu.memory_space<vmem>>) target(%dma_start3A_30 : memref<128x128xf32, #tpu.memory_space<vmem_shared>>) target_semaphore(%run_scoped3A : memref<!tpu.dma_semaphore, #tpu.memory_space<semaphore_mem>>)
      %dma_wait3A = arith.constant 0 : i32
      %dma_wait3A_31 = tpu.memref_slice %arg10[%add3A_19, %dma_wait3A] : memref<10240x128xf32, #tpu.memory_space<vmem_shared>> -> memref<128x128xf32, #tpu.memory_space<vmem_shared>>
      %dma_wait3A_32 = arith.constant 0 : i32
      %dma_wait3A_33 = tpu.memref_slice %arg10[%add3A_19, %dma_wait3A_32] : memref<10240x128xf32, #tpu.memory_space<vmem_shared>> -> memref<128x128xf32, #tpu.memory_space<vmem_shared>>
      tpu.wait_dma2 semaphore(%run_scoped3A : memref<!tpu.dma_semaphore, #tpu.memory_space<semaphore_mem>>) src(%arg8 : memref<128x128xf32, #tpu.memory_space<vmem>>) dst(%dma_wait3A_33 : memref<128x128xf32, #tpu.memory_space<vmem_shared>>)
      tpu.yield
    }) : () -> ()
    %barrier3A = arith.constant 0 : index
    tpu.barrier barrier_id(%barrier3A)
    %scan3A_20 = arith.constant 0 : i32
    %scan3A_21 = arith.constant 0 : i32
    %scan3A_22 = arith.constant 5 : i32
    %scan3A_23 = arith.addi %scan3A_21, %scan3A_22 : i32
    %scan3A_24 = arith.constant 1 : i32
    %scan3A_25 = scf.for %scan3A_28 = %scan3A_21 to %scan3A_23 step %scan3A_24 iter_args(%scan3A_29 = %scan3A_20) -> (i32)  : i32 {
      "tpu.region"() ({
        %run_scoped3A = tpu.sem_alloc : memref<!tpu.dma_semaphore, #tpu.memory_space<semaphore_mem>>
        %dma_start3A = arith.constant 0 : i32
        %dma_start3A_43 = arith.constant 0 : i32
        %dma_start3A_44 = tpu.memref_slice %arg3[%add3A, %scan3A_28, %dma_start3A, %dma_start3A_43] : memref<32x5x16x128xi32, #tpu.memory_space<hbm>> -> memref<1x1x16x128xi32, #tpu.memory_space<hbm>>
        %dma_start3A_45 = tpu.memref_squeeze %dma_start3A_44 : memref<1x1x16x128xi32, #tpu.memory_space<hbm>> -> memref<16x128xi32, #tpu.memory_space<hbm>>
        %dma_start3A_46 = arith.constant 0 : i32
        %dma_start3A_47 = arith.constant 0 : i32
        %dma_start3A_48 = tpu.memref_slice %arg3[%add3A, %scan3A_28, %dma_start3A_46, %dma_start3A_47] : memref<32x5x16x128xi32, #tpu.memory_space<hbm>> -> memref<1x1x16x128xi32, #tpu.memory_space<hbm>>
        %dma_start3A_49 = tpu.memref_squeeze %dma_start3A_48 : memref<1x1x16x128xi32, #tpu.memory_space<hbm>> -> memref<16x128xi32, #tpu.memory_space<hbm>>
        tpu.enqueue_dma source(%dma_start3A_49 : memref<16x128xi32, #tpu.memory_space<hbm>>) target(%arg6 : memref<16x128xi32, #tpu.memory_space<vmem>>) target_semaphore(%run_scoped3A : memref<!tpu.dma_semaphore, #tpu.memory_space<semaphore_mem>>)
        %dma_wait3A_50 = arith.constant 0 : i32
        %dma_wait3A_51 = arith.constant 0 : i32
        %dma_wait3A_52 = tpu.memref_slice %arg3[%add3A, %scan3A_28, %dma_wait3A_50, %dma_wait3A_51] : memref<32x5x16x128xi32, #tpu.memory_space<hbm>> -> memref<1x1x16x128xi32, #tpu.memory_space<hbm>>
        %dma_wait3A_53 = tpu.memref_squeeze %dma_wait3A_52 : memref<1x1x16x128xi32, #tpu.memory_space<hbm>> -> memref<16x128xi32, #tpu.memory_space<hbm>>
        %dma_wait3A_54 = arith.constant 0 : i32
        %dma_wait3A_55 = arith.constant 0 : i32
        %dma_wait3A_56 = tpu.memref_slice %arg3[%add3A, %scan3A_28, %dma_wait3A_54, %dma_wait3A_55] : memref<32x5x16x128xi32, #tpu.memory_space<hbm>> -> memref<1x1x16x128xi32, #tpu.memory_space<hbm>>
        %dma_wait3A_57 = tpu.memref_squeeze %dma_wait3A_56 : memref<1x1x16x128xi32, #tpu.memory_space<hbm>> -> memref<16x128xi32, #tpu.memory_space<hbm>>
        tpu.wait_dma2 semaphore(%run_scoped3A : memref<!tpu.dma_semaphore, #tpu.memory_space<semaphore_mem>>) src(%dma_wait3A_57 : memref<16x128xi32, #tpu.memory_space<hbm>>) dst(%arg6 : memref<16x128xi32, #tpu.memory_space<vmem>>)
        tpu.yield
      }) : () -> ()
      "tpu.region"() ({
        %run_scoped3A = tpu.sem_alloc : memref<!tpu.dma_semaphore, #tpu.memory_space<semaphore_mem>>
        %dma_start3A = arith.constant 0 : i32
        %dma_start3A_43 = arith.constant 0 : i32
        %dma_start3A_44 = tpu.memref_slice %arg4[%add3A, %scan3A_28, %dma_start3A, %dma_start3A_43] : memref<32x5x16x128xi32, #tpu.memory_space<hbm>> -> memref<1x1x16x128xi32, #tpu.memory_space<hbm>>
        %dma_start3A_45 = tpu.memref_squeeze %dma_start3A_44 : memref<1x1x16x128xi32, #tpu.memory_space<hbm>> -> memref<16x128xi32, #tpu.memory_space<hbm>>
        %dma_start3A_46 = arith.constant 0 : i32
        %dma_start3A_47 = arith.constant 0 : i32
        %dma_start3A_48 = tpu.memref_slice %arg4[%add3A, %scan3A_28, %dma_start3A_46, %dma_start3A_47] : memref<32x5x16x128xi32, #tpu.memory_space<hbm>> -> memref<1x1x16x128xi32, #tpu.memory_space<hbm>>
        %dma_start3A_49 = tpu.memref_squeeze %dma_start3A_48 : memref<1x1x16x128xi32, #tpu.memory_space<hbm>> -> memref<16x128xi32, #tpu.memory_space<hbm>>
        tpu.enqueue_dma source(%dma_start3A_49 : memref<16x128xi32, #tpu.memory_space<hbm>>) target(%arg7 : memref<16x128xi32, #tpu.memory_space<vmem>>) target_semaphore(%run_scoped3A : memref<!tpu.dma_semaphore, #tpu.memory_space<semaphore_mem>>)
        %dma_wait3A_50 = arith.constant 0 : i32
        %dma_wait3A_51 = arith.constant 0 : i32
        %dma_wait3A_52 = tpu.memref_slice %arg4[%add3A, %scan3A_28, %dma_wait3A_50, %dma_wait3A_51] : memref<32x5x16x128xi32, #tpu.memory_space<hbm>> -> memref<1x1x16x128xi32, #tpu.memory_space<hbm>>
        %dma_wait3A_53 = tpu.memref_squeeze %dma_wait3A_52 : memref<1x1x16x128xi32, #tpu.memory_space<hbm>> -> memref<16x128xi32, #tpu.memory_space<hbm>>
        %dma_wait3A_54 = arith.constant 0 : i32
        %dma_wait3A_55 = arith.constant 0 : i32
        %dma_wait3A_56 = tpu.memref_slice %arg4[%add3A, %scan3A_28, %dma_wait3A_54, %dma_wait3A_55] : memref<32x5x16x128xi32, #tpu.memory_space<hbm>> -> memref<1x1x16x128xi32, #tpu.memory_space<hbm>>
        %dma_wait3A_57 = tpu.memref_squeeze %dma_wait3A_56 : memref<1x1x16x128xi32, #tpu.memory_space<hbm>> -> memref<16x128xi32, #tpu.memory_space<hbm>>
        tpu.wait_dma2 semaphore(%run_scoped3A : memref<!tpu.dma_semaphore, #tpu.memory_space<semaphore_mem>>) src(%dma_wait3A_57 : memref<16x128xi32, #tpu.memory_space<hbm>>) dst(%arg7 : memref<16x128xi32, #tpu.memory_space<vmem>>)
        tpu.yield
      }) : () -> ()
      %scan3A_30 = arith.constant 0 : i32
      %scan3A_31 = arith.constant 0 : i32
      %scan3A_32 = arith.constant 8 : i32
      %scan3A_33 = arith.addi %scan3A_31, %scan3A_32 : i32
      %scan3A_34 = arith.constant 1 : i32
      %scan3A_35 = scf.for %scan3A_43 = %scan3A_31 to %scan3A_33 step %scan3A_34 iter_args(%scan3A_44 = %scan3A_30) -> (i32)  : i32 {
        %mul3A_45 = arith.constant 2 : i32
        %mul3A_46 = arith.muli %scan3A_43, %mul3A_45 : i32
        %mul3A_47 = arith.constant 1 : i32
        %mul3A_48 = arith.muli %mul3A_46, %mul3A_47 : i32
        %add3A_49 = arith.constant 0 : i32
        %add3A_50 = arith.addi %mul3A_48, %add3A_49 : i32
        %dma_start3A = arith.constant 0 : i32
        %dma_start3A_51 = tpu.memref_slice %arg6[%add3A_50, %dma_start3A] : memref<16x128xi32, #tpu.memory_space<vmem>> -> memref<1x128xi32, #tpu.memory_space<vmem>>
        %dma_start3A_52 = tpu.memref_squeeze %dma_start3A_51 : memref<1x128xi32, #tpu.memory_space<vmem>> -> memref<128xi32, #tpu.memory_space<vmem>>
        %dma_start3A_53 = arith.constant 0 : i32
        %dma_start3A_54 = arith.constant 0 : i32
        %dma_start3A_55 = tpu.memref_slice %arg2[%dma_start3A_53, %dma_start3A_54] : memref<10000x128xf32, #tpu.memory_space<hbm>> -> memref<10000x128xf32, #tpu.memory_space<hbm>>
        tpu.enqueue_indirect_dma source(%dma_start3A_55 : memref<10000x128xf32, #tpu.memory_space<hbm>>) target(%arg8 : memref<128x128xf32, #tpu.memory_space<vmem>>) offsets(%dma_start3A_52 : memref<128xi32, #tpu.memory_space<vmem>>) semaphore(%arg11 : memref<!tpu.dma_semaphore, #tpu.memory_space<semaphore_mem>>)
        %dma_wait3A_56 = arith.constant 0 : i32
        %dma_wait3A_57 = tpu.memref_slice %arg6[%add3A_50, %dma_wait3A_56] : memref<16x128xi32, #tpu.memory_space<vmem>> -> memref<1x128xi32, #tpu.memory_space<vmem>>
        %dma_wait3A_58 = tpu.memref_squeeze %dma_wait3A_57 : memref<1x128xi32, #tpu.memory_space<vmem>> -> memref<128xi32, #tpu.memory_space<vmem>>
        %dma_wait3A_59 = arith.constant 0 : i32
        %dma_wait3A_60 = arith.constant 0 : i32
        %dma_wait3A_61 = tpu.memref_slice %arg2[%dma_wait3A_59, %dma_wait3A_60] : memref<10000x128xf32, #tpu.memory_space<hbm>> -> memref<10000x128xf32, #tpu.memory_space<hbm>>
        tpu.wait_indirect_dma semaphore(%arg11 : memref<!tpu.dma_semaphore, #tpu.memory_space<semaphore_mem>>) src(%dma_wait3A_61 : memref<10000x128xf32, #tpu.memory_space<hbm>>) dst(%arg8 : memref<128x128xf32, #tpu.memory_space<vmem>>)
        %add3A_62 = arith.constant 0 : i32
        %add3A_63 = arith.addi %mul3A_48, %add3A_62 : i32
        %dma_start3A_64 = arith.constant 0 : i32
        %dma_start3A_65 = tpu.memref_slice %arg7[%add3A_63, %dma_start3A_64] : memref<16x128xi32, #tpu.memory_space<vmem>> -> memref<1x128xi32, #tpu.memory_space<vmem>>
        %dma_start3A_66 = tpu.memref_squeeze %dma_start3A_65 : memref<1x128xi32, #tpu.memory_space<vmem>> -> memref<128xi32, #tpu.memory_space<vmem>>
        %dma_start3A_67 = arith.constant 0 : i32
        %dma_start3A_68 = arith.constant 0 : i32
        %dma_start3A_69 = tpu.memref_slice %arg10[%dma_start3A_67, %dma_start3A_68] : memref<10240x128xf32, #tpu.memory_space<vmem_shared>> -> memref<10240x128xf32, #tpu.memory_space<vmem_shared>>
        tpu.enqueue_indirect_dma source(%arg8 : memref<128x128xf32, #tpu.memory_space<vmem>>) target(%dma_start3A_69 : memref<10240x128xf32, #tpu.memory_space<vmem_shared>>) offsets(%dma_start3A_66 : memref<128xi32, #tpu.memory_space<vmem>>) semaphore(%arg12 : memref<!tpu.dma_semaphore, #tpu.memory_space<semaphore_mem>>) {add = true}
        %gt3A = arith.constant 0 : i32
        %gt3A_70 = arith.cmpi sgt, %scan3A_43, %gt3A : i32
        %convert_element_type3A = arith.extui %gt3A_70 : i1 to i32
        %cond3A = arith.constant 0 : i32
        %cond3A_71 = arith.cmpi ne, %convert_element_type3A, %cond3A : i32
        scf.if %cond3A_71 {
          %dma_wait3A_105 = arith.constant 0 : i32
          %dma_wait3A_106 = arith.constant 0 : i32
          %dma_wait3A_107 = tpu.memref_slice %arg10[%dma_wait3A_105, %dma_wait3A_106] : memref<10240x128xf32, #tpu.memory_space<vmem_shared>> -> memref<128x128xf32, #tpu.memory_space<vmem_shared>>
          %dma_wait3A_108 = arith.constant 0 : i32
          %dma_wait3A_109 = arith.constant 0 : i32
          %dma_wait3A_110 = tpu.memref_slice %arg10[%dma_wait3A_108, %dma_wait3A_109] : memref<10240x128xf32, #tpu.memory_space<vmem_shared>> -> memref<128x128xf32, #tpu.memory_space<vmem_shared>>
          tpu.wait_dma2 semaphore(%arg12 : memref<!tpu.dma_semaphore, #tpu.memory_space<semaphore_mem>>) src(%arg9 : memref<128x128xf32, #tpu.memory_space<vmem>>) dst(%dma_wait3A_110 : memref<128x128xf32, #tpu.memory_space<vmem_shared>>)
        } else {
        }
        %add3A_72 = arith.constant 1 : i32
        %add3A_73 = arith.addi %mul3A_48, %add3A_72 : i32
        %add3A_74 = arith.constant 0 : i32
        %add3A_75 = arith.addi %add3A_73, %add3A_74 : i32
        %dma_start3A_76 = arith.constant 0 : i32
        %dma_start3A_77 = tpu.memref_slice %arg6[%add3A_75, %dma_start3A_76] : memref<16x128xi32, #tpu.memory_space<vmem>> -> memref<1x128xi32, #tpu.memory_space<vmem>>
        %dma_start3A_78 = tpu.memref_squeeze %dma_start3A_77 : memref<1x128xi32, #tpu.memory_space<vmem>> -> memref<128xi32, #tpu.memory_space<vmem>>
        %dma_start3A_79 = arith.constant 0 : i32
        %dma_start3A_80 = arith.constant 0 : i32
        %dma_start3A_81 = tpu.memref_slice %arg2[%dma_start3A_79, %dma_start3A_80] : memref<10000x128xf32, #tpu.memory_space<hbm>> -> memref<10000x128xf32, #tpu.memory_space<hbm>>
        tpu.enqueue_indirect_dma source(%dma_start3A_81 : memref<10000x128xf32, #tpu.memory_space<hbm>>) target(%arg9 : memref<128x128xf32, #tpu.memory_space<vmem>>) offsets(%dma_start3A_78 : memref<128xi32, #tpu.memory_space<vmem>>) semaphore(%arg11 : memref<!tpu.dma_semaphore, #tpu.memory_space<semaphore_mem>>)
        %dma_wait3A_82 = arith.constant 0 : i32
        %dma_wait3A_83 = tpu.memref_slice %arg6[%add3A_75, %dma_wait3A_82] : memref<16x128xi32, #tpu.memory_space<vmem>> -> memref<1x128xi32, #tpu.memory_space<vmem>>
        %dma_wait3A_84 = tpu.memref_squeeze %dma_wait3A_83 : memref<1x128xi32, #tpu.memory_space<vmem>> -> memref<128xi32, #tpu.memory_space<vmem>>
        %dma_wait3A_85 = arith.constant 0 : i32
        %dma_wait3A_86 = arith.constant 0 : i32
        %dma_wait3A_87 = tpu.memref_slice %arg2[%dma_wait3A_85, %dma_wait3A_86] : memref<10000x128xf32, #tpu.memory_space<hbm>> -> memref<10000x128xf32, #tpu.memory_space<hbm>>
        tpu.wait_indirect_dma semaphore(%arg11 : memref<!tpu.dma_semaphore, #tpu.memory_space<semaphore_mem>>) src(%dma_wait3A_87 : memref<10000x128xf32, #tpu.memory_space<hbm>>) dst(%arg9 : memref<128x128xf32, #tpu.memory_space<vmem>>)
        %add3A_88 = arith.constant 1 : i32
        %add3A_89 = arith.addi %mul3A_48, %add3A_88 : i32
        %add3A_90 = arith.constant 0 : i32
        %add3A_91 = arith.addi %add3A_89, %add3A_90 : i32
        %dma_start3A_92 = arith.constant 0 : i32
        %dma_start3A_93 = tpu.memref_slice %arg7[%add3A_91, %dma_start3A_92] : memref<16x128xi32, #tpu.memory_space<vmem>> -> memref<1x128xi32, #tpu.memory_space<vmem>>
        %dma_start3A_94 = tpu.memref_squeeze %dma_start3A_93 : memref<1x128xi32, #tpu.memory_space<vmem>> -> memref<128xi32, #tpu.memory_space<vmem>>
        %dma_start3A_95 = arith.constant 0 : i32
        %dma_start3A_96 = arith.constant 0 : i32
        %dma_start3A_97 = tpu.memref_slice %arg10[%dma_start3A_95, %dma_start3A_96] : memref<10240x128xf32, #tpu.memory_space<vmem_shared>> -> memref<10240x128xf32, #tpu.memory_space<vmem_shared>>
        tpu.enqueue_indirect_dma source(%arg9 : memref<128x128xf32, #tpu.memory_space<vmem>>) target(%dma_start3A_97 : memref<10240x128xf32, #tpu.memory_space<vmem_shared>>) offsets(%dma_start3A_94 : memref<128xi32, #tpu.memory_space<vmem>>) semaphore(%arg12 : memref<!tpu.dma_semaphore, #tpu.memory_space<semaphore_mem>>) {add = true}
        %dma_wait3A_98 = arith.constant 0 : i32
        %dma_wait3A_99 = arith.constant 0 : i32
        %dma_wait3A_100 = tpu.memref_slice %arg10[%dma_wait3A_98, %dma_wait3A_99] : memref<10240x128xf32, #tpu.memory_space<vmem_shared>> -> memref<128x128xf32, #tpu.memory_space<vmem_shared>>
        %dma_wait3A_101 = arith.constant 0 : i32
        %dma_wait3A_102 = arith.constant 0 : i32
        %dma_wait3A_103 = tpu.memref_slice %arg10[%dma_wait3A_101, %dma_wait3A_102] : memref<10240x128xf32, #tpu.memory_space<vmem_shared>> -> memref<128x128xf32, #tpu.memory_space<vmem_shared>>
        tpu.wait_dma2 semaphore(%arg12 : memref<!tpu.dma_semaphore, #tpu.memory_space<semaphore_mem>>) src(%arg8 : memref<128x128xf32, #tpu.memory_space<vmem>>) dst(%dma_wait3A_103 : memref<128x128xf32, #tpu.memory_space<vmem_shared>>)
        %scan3A_104 = arith.constant 0 : i32
        scf.yield %scan3A_104 : i32
      }
      %scan3A_36 = arith.constant 8 : i32
      %dma_wait3A = arith.constant 0 : i32
      %dma_wait3A_37 = arith.constant 0 : i32
      %dma_wait3A_38 = tpu.memref_slice %arg10[%dma_wait3A, %dma_wait3A_37] : memref<10240x128xf32, #tpu.memory_space<vmem_shared>> -> memref<128x128xf32, #tpu.memory_space<vmem_shared>>
      %dma_wait3A_39 = arith.constant 0 : i32
      %dma_wait3A_40 = arith.constant 0 : i32
      %dma_wait3A_41 = tpu.memref_slice %arg10[%dma_wait3A_39, %dma_wait3A_40] : memref<10240x128xf32, #tpu.memory_space<vmem_shared>> -> memref<128x128xf32, #tpu.memory_space<vmem_shared>>
      tpu.wait_dma2 semaphore(%arg12 : memref<!tpu.dma_semaphore, #tpu.memory_space<semaphore_mem>>) src(%arg9 : memref<128x128xf32, #tpu.memory_space<vmem>>) dst(%dma_wait3A_41 : memref<128x128xf32, #tpu.memory_space<vmem_shared>>)
      %scan3A_42 = arith.constant 0 : i32
      scf.yield %scan3A_42 : i32
    }
    %scan3A_26 = arith.constant 5 : i32
    %barrier3A_27 = arith.constant 0 : index
    tpu.barrier barrier_id(%barrier3A_27)
    "tpu.region"() ({
      %run_scoped3A = tpu.sem_alloc : memref<!tpu.dma_semaphore, #tpu.memory_space<semaphore_mem>>
      %dma_start3A = arith.constant 0 : i32
      %dma_start3A_28 = tpu.memref_slice %arg5[%arg0, %mul3A_2, %dma_start3A] : memref<2x10240x128xf32, #tpu.memory_space<hbm>> -> memref<1x640x128xf32, #tpu.memory_space<hbm>>
      %dma_start3A_29 = tpu.memref_squeeze %dma_start3A_28 : memref<1x640x128xf32, #tpu.memory_space<hbm>> -> memref<640x128xf32, #tpu.memory_space<hbm>>
      %dma_start3A_30 = arith.constant 0 : i32
      %dma_start3A_31 = tpu.memref_slice %arg10[%mul3A_2, %dma_start3A_30] : memref<10240x128xf32, #tpu.memory_space<vmem_shared>> -> memref<640x128xf32, #tpu.memory_space<vmem_shared>>
      tpu.enqueue_dma source(%dma_start3A_31 : memref<640x128xf32, #tpu.memory_space<vmem_shared>>) target(%dma_start3A_29 : memref<640x128xf32, #tpu.memory_space<hbm>>) target_semaphore(%run_scoped3A : memref<!tpu.dma_semaphore, #tpu.memory_space<semaphore_mem>>)
      %dma_wait3A = arith.constant 0 : i32
      %dma_wait3A_32 = tpu.memref_slice %arg5[%arg0, %mul3A_2, %dma_wait3A] : memref<2x10240x128xf32, #tpu.memory_space<hbm>> -> memref<1x640x128xf32, #tpu.memory_space<hbm>>
      %dma_wait3A_33 = tpu.memref_squeeze %dma_wait3A_32 : memref<1x640x128xf32, #tpu.memory_space<hbm>> -> memref<640x128xf32, #tpu.memory_space<hbm>>
      %dma_wait3A_34 = arith.constant 0 : i32
      %dma_wait3A_35 = tpu.memref_slice %arg10[%mul3A_2, %dma_wait3A_34] : memref<10240x128xf32, #tpu.memory_space<vmem_shared>> -> memref<640x128xf32, #tpu.memory_space<vmem_shared>>
      tpu.wait_dma2 semaphore(%run_scoped3A : memref<!tpu.dma_semaphore, #tpu.memory_space<semaphore_mem>>) src(%dma_wait3A_35 : memref<640x128xf32, #tpu.memory_space<vmem_shared>>) dst(%dma_wait3A_33 : memref<640x128xf32, #tpu.memory_space<hbm>>)
      tpu.yield
    }) : () -> ()
    return
  }
}

#map = affine_map<(d0, d1) -> (0, 0)>
#map1 = affine_map<(d0, d1) -> (0, 0, 0, 0)>
#map2 = affine_map<(d0, d1) -> (0, 0, 0)>
module attributes {stable_mosaic.version = 14 : i64} {
  func.func @_scatter_body(%arg0: i32, %arg1: i32, %arg2: memref<10000x128xf32, #tpu.memory_space<hbm>>, %arg3: memref<32x5x16x128xi32, #tpu.memory_space<hbm>>, %arg4: memref<32x5x16x128xi32, #tpu.memory_space<hbm>>, %arg5: memref<2x10240x128xf32, #tpu.memory_space<hbm>>, %arg6: memref<16x128xi32, #tpu.memory_space<vmem>>, %arg7: memref<16x128xi32, #tpu.memory_space<vmem>>, %arg8: memref<128x128xf32, #tpu.memory_space<vmem>>, %arg9: memref<128x128xf32, #tpu.memory_space<vmem>>, %arg10: memref<10240x128xf32, #tpu.memory_space<vmem_shared>>, %arg11: memref<!tpu.dma_semaphore, #tpu.memory_space<semaphore_mem>>, %arg12: memref<!tpu.dma_semaphore, #tpu.memory_space<semaphore_mem>>) attributes {dimension_semantics = [#tpu.dimension_semantics<core_parallel>, #tpu.dimension_semantics<subcore_parallel>], iteration_bounds = array<i64: 2, 16>, scalar_prefetch = 0 : i64, scratch_operands = 7 : i64, tpu.core_type = #tpu.core_type<sc_vector_subcore>, window_params = [{transform_indices = #map}, {transform_indices = #map1}, {transform_indices = #map1}, {transform_indices = #map2}]} {
    %mul3A = arith.constant 16 : i32
    %mul3A_0 = arith.muli %arg0, %mul3A : i32
    %add3A = arith.addi %mul3A_0, %arg1 : i32
    %mul3A_1 = arith.constant 640 : i32
    %mul3A_2 = arith.muli %arg1, %mul3A_1 : i32
    %broadcast_in_dim3A = arith.constant 0.000000e+00 : f32
    %broadcast_in_dim3A_3 = vector.broadcast %broadcast_in_dim3A : f32 to vector<16xf32>
    %scan3A = arith.constant 0 : i32
    %scan3A_4 = arith.constant 0 : i32
    %scan3A_5 = arith.constant 128 : i32
    %scan3A_6 = arith.addi %scan3A_4, %scan3A_5 : i32
    %scan3A_7 = arith.constant 1 : i32
    %scan3A_8 = scf.for %scan3A_28 = %scan3A_4 to %scan3A_6 step %scan3A_7 iter_args(%scan3A_29 = %scan3A) -> (i32)  : i32 {
      %swap3A = arith.index_cast %scan3A_28 : i32 to index
      %swap3A_30 = arith.constant 0 : index
      %swap3A_31 = tpu.vector_load %arg8[%swap3A, %swap3A_30] {strides = array<i32>} : memref<128x128xf32, #tpu.memory_space<vmem>>, vector<1x16xf32>,
      %swap3A_32 = vector.shape_cast %swap3A_31 : vector<1x16xf32> to vector<16xf32>
      %swap3A_33 = vector.shape_cast %broadcast_in_dim3A_3 : vector<16xf32> to vector<1x16xf32>
      tpu.vector_store %arg8[%swap3A, %swap3A_30], %swap3A_33 {strides = array<i32>} : memref<128x128xf32, #tpu.memory_space<vmem>>, vector<1x16xf32>,
      %swap3A_34 = arith.index_cast %scan3A_28 : i32 to index
      %swap3A_35 = arith.constant 16 : index
      %swap3A_36 = tpu.vector_load %arg8[%swap3A_34, %swap3A_35] {strides = array<i32>} : memref<128x128xf32, #tpu.memory_space<vmem>>, vector<1x16xf32>,
      %swap3A_37 = vector.shape_cast %swap3A_36 : vector<1x16xf32> to vector<16xf32>
      %swap3A_38 = vector.shape_cast %broadcast_in_dim3A_3 : vector<16xf32> to vector<1x16xf32>
      tpu.vector_store %arg8[%swap3A_34, %swap3A_35], %swap3A_38 {strides = array<i32>} : memref<128x128xf32, #tpu.memory_space<vmem>>, vector<1x16xf32>,
      %swap3A_39 = arith.index_cast %scan3A_28 : i32 to index
      %swap3A_40 = arith.constant 32 : index
      %swap3A_41 = tpu.vector_load %arg8[%swap3A_39, %swap3A_40] {strides = array<i32>} : memref<128x128xf32, #tpu.memory_space<vmem>>, vector<1x16xf32>,
      %swap3A_42 = vector.shape_cast %swap3A_41 : vector<1x16xf32> to vector<16xf32>
      %swap3A_43 = vector.shape_cast %broadcast_in_dim3A_3 : vector<16xf32> to vector<1x16xf32>
      tpu.vector_store %arg8[%swap3A_39, %swap3A_40], %swap3A_43 {strides = array<i32>} : memref<128x128xf32, #tpu.memory_space<vmem>>, vector<1x16xf32>,
      %swap3A_44 = arith.index_cast %scan3A_28 : i32 to index
      %swap3A_45 = arith.constant 48 : index
      %swap3A_46 = tpu.vector_load %arg8[%swap3A_44, %swap3A_45] {strides = array<i32>} : memref<128x128xf32, #tpu.memory_space<vmem>>, vector<1x16xf32>,
      %swap3A_47 = vector.shape_cast %swap3A_46 : vector<1x16xf32> to vector<16xf32>
      %swap3A_48 = vector.shape_cast %broadcast_in_dim3A_3 : vector<16xf32> to vector<1x16xf32>
      tpu.vector_store %arg8[%swap3A_44, %swap3A_45], %swap3A_48 {strides = array<i32>} : memref<128x128xf32, #tpu.memory_space<vmem>>, vector<1x16xf32>,
      %swap3A_49 = arith.index_cast %scan3A_28 : i32 to index
      %swap3A_50 = arith.constant 64 : index
      %swap3A_51 = tpu.vector_load %arg8[%swap3A_49, %swap3A_50] {strides = array<i32>} : memref<128x128xf32, #tpu.memory_space<vmem>>, vector<1x16xf32>,
      %swap3A_52 = vector.shape_cast %swap3A_51 : vector<1x16xf32> to vector<16xf32>
      %swap3A_53 = vector.shape_cast %broadcast_in_dim3A_3 : vector<16xf32> to vector<1x16xf32>
      tpu.vector_store %arg8[%swap3A_49, %swap3A_50], %swap3A_53 {strides = array<i32>} : memref<128x128xf32, #tpu.memory_space<vmem>>, vector<1x16xf32>,
      %swap3A_54 = arith.index_cast %scan3A_28 : i32 to index
      %swap3A_55 = arith.constant 80 : index
      %swap3A_56 = tpu.vector_load %arg8[%swap3A_54, %swap3A_55] {strides = array<i32>} : memref<128x128xf32, #tpu.memory_space<vmem>>, vector<1x16xf32>,
      %swap3A_57 = vector.shape_cast %swap3A_56 : vector<1x16xf32> to vector<16xf32>
      %swap3A_58 = vector.shape_cast %broadcast_in_dim3A_3 : vector<16xf32> to vector<1x16xf32>
      tpu.vector_store %arg8[%swap3A_54, %swap3A_55], %swap3A_58 {strides = array<i32>} : memref<128x128xf32, #tpu.memory_space<vmem>>, vector<1x16xf32>,
      %swap3A_59 = arith.index_cast %scan3A_28 : i32 to index
      %swap3A_60 = arith.constant 96 : index
      %swap3A_61 = tpu.vector_load %arg8[%swap3A_59, %swap3A_60] {strides = array<i32>} : memref<128x128xf32, #tpu.memory_space<vmem>>, vector<1x16xf32>,
      %swap3A_62 = vector.shape_cast %swap3A_61 : vector<1x16xf32> to vector<16xf32>
      %swap3A_63 = vector.shape_cast %broadcast_in_dim3A_3 : vector<16xf32> to vector<1x16xf32>
      tpu.vector_store %arg8[%swap3A_59, %swap3A_60], %swap3A_63 {strides = array<i32>} : memref<128x128xf32, #tpu.memory_space<vmem>>, vector<1x16xf32>,
      %swap3A_64 = arith.index_cast %scan3A_28 : i32 to index
      %swap3A_65 = arith.constant 112 : index
      %swap3A_66 = tpu.vector_load %arg8[%swap3A_64, %swap3A_65] {strides = array<i32>} : memref<128x128xf32, #tpu.memory_space<vmem>>, vector<1x16xf32>,
      %swap3A_67 = vector.shape_cast %swap3A_66 : vector<1x16xf32> to vector<16xf32>
      %swap3A_68 = vector.shape_cast %broadcast_in_dim3A_3 : vector<16xf32> to vector<1x16xf32>
      tpu.vector_store %arg8[%swap3A_64, %swap3A_65], %swap3A_68 {strides = array<i32>} : memref<128x128xf32, #tpu.memory_space<vmem>>, vector<1x16xf32>,
      %scan3A_69 = arith.constant 0 : i32
      scf.yield %scan3A_69 : i32
    }
    %scan3A_9 = arith.constant 128 : i32
    %add3A_10 = arith.constant 0 : i32
    %add3A_11 = arith.addi %mul3A_2, %add3A_10 : i32
    "tpu.region"() ({
      %run_scoped3A = tpu.sem_alloc : memref<!tpu.dma_semaphore, #tpu.memory_space<semaphore_mem>>
      %dma_start3A = arith.constant 0 : i32
      %dma_start3A_28 = tpu.memref_slice %arg10[%add3A_11, %dma_start3A] : memref<10240x128xf32, #tpu.memory_space<vmem_shared>> -> memref<128x128xf32, #tpu.memory_space<vmem_shared>>
      %dma_start3A_29 = arith.constant 0 : i32
      %dma_start3A_30 = tpu.memref_slice %arg10[%add3A_11, %dma_start3A_29] : memref<10240x128xf32, #tpu.memory_space<vmem_shared>> -> memref<128x128xf32, #tpu.memory_space<vmem_shared>>
      tpu.enqueue_dma source(%arg8 : memref<128x128xf32, #tpu.memory_space<vmem>>) target(%dma_start3A_30 : memref<128x128xf32, #tpu.memory_space<vmem_shared>>) target_semaphore(%run_scoped3A : memref<!tpu.dma_semaphore, #tpu.memory_space<semaphore_mem>>)
      %dma_wait3A = arith.constant 0 : i32
      %dma_wait3A_31 = tpu.memref_slice %arg10[%add3A_11, %dma_wait3A] : memref<10240x128xf32, #tpu.memory_space<vmem_shared>> -> memref<128x128xf32, #tpu.memory_space<vmem_shared>>
      %dma_wait3A_32 = arith.constant 0 : i32
      %dma_wait3A_33 = tpu.memref_slice %arg10[%add3A_11, %dma_wait3A_32] : memref<10240x128xf32, #tpu.memory_space<vmem_shared>> -> memref<128x128xf32, #tpu.memory_space<vmem_shared>>
      tpu.wait_dma2 semaphore(%run_scoped3A : memref<!tpu.dma_semaphore, #tpu.memory_space<semaphore_mem>>) src(%arg8 : memref<128x128xf32, #tpu.memory_space<vmem>>) dst(%dma_wait3A_33 : memref<128x128xf32, #tpu.memory_space<vmem_shared>>)
      tpu.yield
    }) : () -> ()
    %add3A_12 = arith.constant 128 : i32
    %add3A_13 = arith.addi %mul3A_2, %add3A_12 : i32
    "tpu.region"() ({
      %run_scoped3A = tpu.sem_alloc : memref<!tpu.dma_semaphore, #tpu.memory_space<semaphore_mem>>
      %dma_start3A = arith.constant 0 : i32
      %dma_start3A_28 = tpu.memref_slice %arg10[%add3A_13, %dma_start3A] : memref<10240x128xf32, #tpu.memory_space<vmem_shared>> -> memref<128x128xf32, #tpu.memory_space<vmem_shared>>
      %dma_start3A_29 = arith.constant 0 : i32
      %dma_start3A_30 = tpu.memref_slice %arg10[%add3A_13, %dma_start3A_29] : memref<10240x128xf32, #tpu.memory_space<vmem_shared>> -> memref<128x128xf32, #tpu.memory_space<vmem_shared>>
      tpu.enqueue_dma source(%arg8 : memref<128x128xf32, #tpu.memory_space<vmem>>) target(%dma_start3A_30 : memref<128x128xf32, #tpu.memory_space<vmem_shared>>) target_semaphore(%run_scoped3A : memref<!tpu.dma_semaphore, #tpu.memory_space<semaphore_mem>>)
      %dma_wait3A = arith.constant 0 : i32
      %dma_wait3A_31 = tpu.memref_slice %arg10[%add3A_13, %dma_wait3A] : memref<10240x128xf32, #tpu.memory_space<vmem_shared>> -> memref<128x128xf32, #tpu.memory_space<vmem_shared>>
      %dma_wait3A_32 = arith.constant 0 : i32
      %dma_wait3A_33 = tpu.memref_slice %arg10[%add3A_13, %dma_wait3A_32] : memref<10240x128xf32, #tpu.memory_space<vmem_shared>> -> memref<128x128xf32, #tpu.memory_space<vmem_shared>>
      tpu.wait_dma2 semaphore(%run_scoped3A : memref<!tpu.dma_semaphore, #tpu.memory_space<semaphore_mem>>) src(%arg8 : memref<128x128xf32, #tpu.memory_space<vmem>>) dst(%dma_wait3A_33 : memref<128x128xf32, #tpu.memory_space<vmem_shared>>)
      tpu.yield
    }) : () -> ()
    %add3A_14 = arith.constant 256 : i32
    %add3A_15 = arith.addi %mul3A_2, %add3A_14 : i32
    "tpu.region"() ({
      %run_scoped3A = tpu.sem_alloc : memref<!tpu.dma_semaphore, #tpu.memory_space<semaphore_mem>>
      %dma_start3A = arith.constant 0 : i32
      %dma_start3A_28 = tpu.memref_slice %arg10[%add3A_15, %dma_start3A] : memref<10240x128xf32, #tpu.memory_space<vmem_shared>> -> memref<128x128xf32, #tpu.memory_space<vmem_shared>>
      %dma_start3A_29 = arith.constant 0 : i32
      %dma_start3A_30 = tpu.memref_slice %arg10[%add3A_15, %dma_start3A_29] : memref<10240x128xf32, #tpu.memory_space<vmem_shared>> -> memref<128x128xf32, #tpu.memory_space<vmem_shared>>
      tpu.enqueue_dma source(%arg8 : memref<128x128xf32, #tpu.memory_space<vmem>>) target(%dma_start3A_30 : memref<128x128xf32, #tpu.memory_space<vmem_shared>>) target_semaphore(%run_scoped3A : memref<!tpu.dma_semaphore, #tpu.memory_space<semaphore_mem>>)
      %dma_wait3A = arith.constant 0 : i32
      %dma_wait3A_31 = tpu.memref_slice %arg10[%add3A_15, %dma_wait3A] : memref<10240x128xf32, #tpu.memory_space<vmem_shared>> -> memref<128x128xf32, #tpu.memory_space<vmem_shared>>
      %dma_wait3A_32 = arith.constant 0 : i32
      %dma_wait3A_33 = tpu.memref_slice %arg10[%add3A_15, %dma_wait3A_32] : memref<10240x128xf32, #tpu.memory_space<vmem_shared>> -> memref<128x128xf32, #tpu.memory_space<vmem_shared>>
      tpu.wait_dma2 semaphore(%run_scoped3A : memref<!tpu.dma_semaphore, #tpu.memory_space<semaphore_mem>>) src(%arg8 : memref<128x128xf32, #tpu.memory_space<vmem>>) dst(%dma_wait3A_33 : memref<128x128xf32, #tpu.memory_space<vmem_shared>>)
      tpu.yield
    }) : () -> ()
    %add3A_16 = arith.constant 384 : i32
    %add3A_17 = arith.addi %mul3A_2, %add3A_16 : i32
    "tpu.region"() ({
      %run_scoped3A = tpu.sem_alloc : memref<!tpu.dma_semaphore, #tpu.memory_space<semaphore_mem>>
      %dma_start3A = arith.constant 0 : i32
      %dma_start3A_28 = tpu.memref_slice %arg10[%add3A_17, %dma_start3A] : memref<10240x128xf32, #tpu.memory_space<vmem_shared>> -> memref<128x128xf32, #tpu.memory_space<vmem_shared>>
      %dma_start3A_29 = arith.constant 0 : i32
      %dma_start3A_30 = tpu.memref_slice %arg10[%add3A_17, %dma_start3A_29] : memref<10240x128xf32, #tpu.memory_space<vmem_shared>> -> memref<128x128xf32, #tpu.memory_space<vmem_shared>>
      tpu.enqueue_dma source(%arg8 : memref<128x128xf32, #tpu.memory_space<vmem>>) target(%dma_start3A_30 : memref<128x128xf32, #tpu.memory_space<vmem_shared>>) target_semaphore(%run_scoped3A : memref<!tpu.dma_semaphore, #tpu.memory_space<semaphore_mem>>)
      %dma_wait3A = arith.constant 0 : i32
      %dma_wait3A_31 = tpu.memref_slice %arg10[%add3A_17, %dma_wait3A] : memref<10240x128xf32, #tpu.memory_space<vmem_shared>> -> memref<128x128xf32, #tpu.memory_space<vmem_shared>>
      %dma_wait3A_32 = arith.constant 0 : i32
      %dma_wait3A_33 = tpu.memref_slice %arg10[%add3A_17, %dma_wait3A_32] : memref<10240x128xf32, #tpu.memory_space<vmem_shared>> -> memref<128x128xf32, #tpu.memory_space<vmem_shared>>
      tpu.wait_dma2 semaphore(%run_scoped3A : memref<!tpu.dma_semaphore, #tpu.memory_space<semaphore_mem>>) src(%arg8 : memref<128x128xf32, #tpu.memory_space<vmem>>) dst(%dma_wait3A_33 : memref<128x128xf32, #tpu.memory_space<vmem_shared>>)
      tpu.yield
    }) : () -> ()
    %add3A_18 = arith.constant 512 : i32
    %add3A_19 = arith.addi %mul3A_2, %add3A_18 : i32
    "tpu.region"() ({
      %run_scoped3A = tpu.sem_alloc : memref<!tpu.dma_semaphore, #tpu.memory_space<semaphore_mem>>
      %dma_start3A = arith.constant 0 : i32
      %dma_start3A_28 = tpu.memref_slice %arg10[%add3A_19, %dma_start3A] : memref<10240x128xf32, #tpu.memory_space<vmem_shared>> -> memref<128x128xf32, #tpu.memory_space<vmem_shared>>
      %dma_start3A_29 = arith.constant 0 : i32
      %dma_start3A_30 = tpu.memref_slice %arg10[%add3A_19, %dma_start3A_29] : memref<10240x128xf32, #tpu.memory_space<vmem_shared>> -> memref<128x128xf32, #tpu.memory_space<vmem_shared>>
      tpu.enqueue_dma source(%arg8 : memref<128x128xf32, #tpu.memory_space<vmem>>) target(%dma_start3A_30 : memref<128x128xf32, #tpu.memory_space<vmem_shared>>) target_semaphore(%run_scoped3A : memref<!tpu.dma_semaphore, #tpu.memory_space<semaphore_mem>>)
      %dma_wait3A = arith.constant 0 : i32
      %dma_wait3A_31 = tpu.memref_slice %arg10[%add3A_19, %dma_wait3A] : memref<10240x128xf32, #tpu.memory_space<vmem_shared>> -> memref<128x128xf32, #tpu.memory_space<vmem_shared>>
      %dma_wait3A_32 = arith.constant 0 : i32
      %dma_wait3A_33 = tpu.memref_slice %arg10[%add3A_19, %dma_wait3A_32] : memref<10240x128xf32, #tpu.memory_space<vmem_shared>> -> memref<128x128xf32, #tpu.memory_space<vmem_shared>>
      tpu.wait_dma2 semaphore(%run_scoped3A : memref<!tpu.dma_semaphore, #tpu.memory_space<semaphore_mem>>) src(%arg8 : memref<128x128xf32, #tpu.memory_space<vmem>>) dst(%dma_wait3A_33 : memref<128x128xf32, #tpu.memory_space<vmem_shared>>)
      tpu.yield
    }) : () -> ()
    %barrier3A = arith.constant 0 : index
    tpu.barrier barrier_id(%barrier3A)
    %scan3A_20 = arith.constant 0 : i32
    %scan3A_21 = arith.constant 0 : i32
    %scan3A_22 = arith.constant 5 : i32
    %scan3A_23 = arith.addi %scan3A_21, %scan3A_22 : i32
    %scan3A_24 = arith.constant 1 : i32
    %scan3A_25 = scf.for %scan3A_28 = %scan3A_21 to %scan3A_23 step %scan3A_24 iter_args(%scan3A_29 = %scan3A_20) -> (i32)  : i32 {
      "tpu.region"() ({
        %run_scoped3A = tpu.sem_alloc : memref<!tpu.dma_semaphore, #tpu.memory_space<semaphore_mem>>
        %dma_start3A = arith.constant 0 : i32
        %dma_start3A_43 = arith.constant 0 : i32
        %dma_start3A_44 = tpu.memref_slice %arg3[%add3A, %scan3A_28, %dma_start3A, %dma_start3A_43] : memref<32x5x16x128xi32, #tpu.memory_space<hbm>> -> memref<1x1x16x128xi32, #tpu.memory_space<hbm>>
        %dma_start3A_45 = tpu.memref_squeeze %dma_start3A_44 : memref<1x1x16x128xi32, #tpu.memory_space<hbm>> -> memref<16x128xi32, #tpu.memory_space<hbm>>
        %dma_start3A_46 = arith.constant 0 : i32
        %dma_start3A_47 = arith.constant 0 : i32
        %dma_start3A_48 = tpu.memref_slice %arg3[%add3A, %scan3A_28, %dma_start3A_46, %dma_start3A_47] : memref<32x5x16x128xi32, #tpu.memory_space<hbm>> -> memref<1x1x16x128xi32, #tpu.memory_space<hbm>>
        %dma_start3A_49 = tpu.memref_squeeze %dma_start3A_48 : memref<1x1x16x128xi32, #tpu.memory_space<hbm>> -> memref<16x128xi32, #tpu.memory_space<hbm>>
        tpu.enqueue_dma source(%dma_start3A_49 : memref<16x128xi32, #tpu.memory_space<hbm>>) target(%arg6 : memref<16x128xi32, #tpu.memory_space<vmem>>) target_semaphore(%run_scoped3A : memref<!tpu.dma_semaphore, #tpu.memory_space<semaphore_mem>>)
        %dma_wait3A_50 = arith.constant 0 : i32
        %dma_wait3A_51 = arith.constant 0 : i32
        %dma_wait3A_52 = tpu.memref_slice %arg3[%add3A, %scan3A_28, %dma_wait3A_50, %dma_wait3A_51] : memref<32x5x16x128xi32, #tpu.memory_space<hbm>> -> memref<1x1x16x128xi32, #tpu.memory_space<hbm>>
        %dma_wait3A_53 = tpu.memref_squeeze %dma_wait3A_52 : memref<1x1x16x128xi32, #tpu.memory_space<hbm>> -> memref<16x128xi32, #tpu.memory_space<hbm>>
        %dma_wait3A_54 = arith.constant 0 : i32
        %dma_wait3A_55 = arith.constant 0 : i32
        %dma_wait3A_56 = tpu.memref_slice %arg3[%add3A, %scan3A_28, %dma_wait3A_54, %dma_wait3A_55] : memref<32x5x16x128xi32, #tpu.memory_space<hbm>> -> memref<1x1x16x128xi32, #tpu.memory_space<hbm>>
        %dma_wait3A_57 = tpu.memref_squeeze %dma_wait3A_56 : memref<1x1x16x128xi32, #tpu.memory_space<hbm>> -> memref<16x128xi32, #tpu.memory_space<hbm>>
        tpu.wait_dma2 semaphore(%run_scoped3A : memref<!tpu.dma_semaphore, #tpu.memory_space<semaphore_mem>>) src(%dma_wait3A_57 : memref<16x128xi32, #tpu.memory_space<hbm>>) dst(%arg6 : memref<16x128xi32, #tpu.memory_space<vmem>>)
        tpu.yield
      }) : () -> ()
      "tpu.region"() ({
        %run_scoped3A = tpu.sem_alloc : memref<!tpu.dma_semaphore, #tpu.memory_space<semaphore_mem>>
        %dma_start3A = arith.constant 0 : i32
        %dma_start3A_43 = arith.constant 0 : i32
        %dma_start3A_44 = tpu.memref_slice %arg4[%add3A, %scan3A_28, %dma_start3A, %dma_start3A_43] : memref<32x5x16x128xi32, #tpu.memory_space<hbm>> -> memref<1x1x16x128xi32, #tpu.memory_space<hbm>>
        %dma_start3A_45 = tpu.memref_squeeze %dma_start3A_44 : memref<1x1x16x128xi32, #tpu.memory_space<hbm>> -> memref<16x128xi32, #tpu.memory_space<hbm>>
        %dma_start3A_46 = arith.constant 0 : i32
        %dma_start3A_47 = arith.constant 0 : i32
        %dma_start3A_48 = tpu.memref_slice %arg4[%add3A, %scan3A_28, %dma_start3A_46, %dma_start3A_47] : memref<32x5x16x128xi32, #tpu.memory_space<hbm>> -> memref<1x1x16x128xi32, #tpu.memory_space<hbm>>
        %dma_start3A_49 = tpu.memref_squeeze %dma_start3A_48 : memref<1x1x16x128xi32, #tpu.memory_space<hbm>> -> memref<16x128xi32, #tpu.memory_space<hbm>>
        tpu.enqueue_dma source(%dma_start3A_49 : memref<16x128xi32, #tpu.memory_space<hbm>>) target(%arg7 : memref<16x128xi32, #tpu.memory_space<vmem>>) target_semaphore(%run_scoped3A : memref<!tpu.dma_semaphore, #tpu.memory_space<semaphore_mem>>)
        %dma_wait3A_50 = arith.constant 0 : i32
        %dma_wait3A_51 = arith.constant 0 : i32
        %dma_wait3A_52 = tpu.memref_slice %arg4[%add3A, %scan3A_28, %dma_wait3A_50, %dma_wait3A_51] : memref<32x5x16x128xi32, #tpu.memory_space<hbm>> -> memref<1x1x16x128xi32, #tpu.memory_space<hbm>>
        %dma_wait3A_53 = tpu.memref_squeeze %dma_wait3A_52 : memref<1x1x16x128xi32, #tpu.memory_space<hbm>> -> memref<16x128xi32, #tpu.memory_space<hbm>>
        %dma_wait3A_54 = arith.constant 0 : i32
        %dma_wait3A_55 = arith.constant 0 : i32
        %dma_wait3A_56 = tpu.memref_slice %arg4[%add3A, %scan3A_28, %dma_wait3A_54, %dma_wait3A_55] : memref<32x5x16x128xi32, #tpu.memory_space<hbm>> -> memref<1x1x16x128xi32, #tpu.memory_space<hbm>>
        %dma_wait3A_57 = tpu.memref_squeeze %dma_wait3A_56 : memref<1x1x16x128xi32, #tpu.memory_space<hbm>> -> memref<16x128xi32, #tpu.memory_space<hbm>>
        tpu.wait_dma2 semaphore(%run_scoped3A : memref<!tpu.dma_semaphore, #tpu.memory_space<semaphore_mem>>) src(%dma_wait3A_57 : memref<16x128xi32, #tpu.memory_space<hbm>>) dst(%arg7 : memref<16x128xi32, #tpu.memory_space<vmem>>)
        tpu.yield
      }) : () -> ()
      %scan3A_30 = arith.constant 0 : i32
      %scan3A_31 = arith.constant 0 : i32
      %scan3A_32 = arith.constant 8 : i32
      %scan3A_33 = arith.addi %scan3A_31, %scan3A_32 : i32
      %scan3A_34 = arith.constant 1 : i32
      %scan3A_35 = scf.for %scan3A_43 = %scan3A_31 to %scan3A_33 step %scan3A_34 iter_args(%scan3A_44 = %scan3A_30) -> (i32)  : i32 {
        %mul3A_45 = arith.constant 2 : i32
        %mul3A_46 = arith.muli %scan3A_43, %mul3A_45 : i32
        %mul3A_47 = arith.constant 1 : i32
        %mul3A_48 = arith.muli %mul3A_46, %mul3A_47 : i32
        %add3A_49 = arith.constant 0 : i32
        %add3A_50 = arith.addi %mul3A_48, %add3A_49 : i32
        %dma_start3A = arith.constant 0 : i32
        %dma_start3A_51 = tpu.memref_slice %arg6[%add3A_50, %dma_start3A] : memref<16x128xi32, #tpu.memory_space<vmem>> -> memref<1x128xi32, #tpu.memory_space<vmem>>
        %dma_start3A_52 = tpu.memref_squeeze %dma_start3A_51 : memref<1x128xi32, #tpu.memory_space<vmem>> -> memref<128xi32, #tpu.memory_space<vmem>>
        %dma_start3A_53 = arith.constant 0 : i32
        %dma_start3A_54 = arith.constant 0 : i32
        %dma_start3A_55 = tpu.memref_slice %arg2[%dma_start3A_53, %dma_start3A_54] : memref<10000x128xf32, #tpu.memory_space<hbm>> -> memref<10000x128xf32, #tpu.memory_space<hbm>>
        tpu.enqueue_indirect_dma source(%dma_start3A_55 : memref<10000x128xf32, #tpu.memory_space<hbm>>) target(%arg8 : memref<128x128xf32, #tpu.memory_space<vmem>>) offsets(%dma_start3A_52 : memref<128xi32, #tpu.memory_space<vmem>>) semaphore(%arg11 : memref<!tpu.dma_semaphore, #tpu.memory_space<semaphore_mem>>)
        %dma_wait3A_56 = arith.constant 0 : i32
        %dma_wait3A_57 = tpu.memref_slice %arg6[%add3A_50, %dma_wait3A_56] : memref<16x128xi32, #tpu.memory_space<vmem>> -> memref<1x128xi32, #tpu.memory_space<vmem>>
        %dma_wait3A_58 = tpu.memref_squeeze %dma_wait3A_57 : memref<1x128xi32, #tpu.memory_space<vmem>> -> memref<128xi32, #tpu.memory_space<vmem>>
        %dma_wait3A_59 = arith.constant 0 : i32
        %dma_wait3A_60 = arith.constant 0 : i32
        %dma_wait3A_61 = tpu.memref_slice %arg2[%dma_wait3A_59, %dma_wait3A_60] : memref<10000x128xf32, #tpu.memory_space<hbm>> -> memref<10000x128xf32, #tpu.memory_space<hbm>>
        tpu.wait_indirect_dma semaphore(%arg11 : memref<!tpu.dma_semaphore, #tpu.memory_space<semaphore_mem>>) src(%dma_wait3A_61 : memref<10000x128xf32, #tpu.memory_space<hbm>>) dst(%arg8 : memref<128x128xf32, #tpu.memory_space<vmem>>)
        %add3A_62 = arith.constant 0 : i32
        %add3A_63 = arith.addi %mul3A_48, %add3A_62 : i32
        %dma_start3A_64 = arith.constant 0 : i32
        %dma_start3A_65 = tpu.memref_slice %arg7[%add3A_63, %dma_start3A_64] : memref<16x128xi32, #tpu.memory_space<vmem>> -> memref<1x128xi32, #tpu.memory_space<vmem>>
        %dma_start3A_66 = tpu.memref_squeeze %dma_start3A_65 : memref<1x128xi32, #tpu.memory_space<vmem>> -> memref<128xi32, #tpu.memory_space<vmem>>
        %dma_start3A_67 = arith.constant 0 : i32
        %dma_start3A_68 = arith.constant 0 : i32
        %dma_start3A_69 = tpu.memref_slice %arg10[%dma_start3A_67, %dma_start3A_68] : memref<10240x128xf32, #tpu.memory_space<vmem_shared>> -> memref<10240x128xf32, #tpu.memory_space<vmem_shared>>
        tpu.enqueue_indirect_dma source(%arg8 : memref<128x128xf32, #tpu.memory_space<vmem>>) target(%dma_start3A_69 : memref<10240x128xf32, #tpu.memory_space<vmem_shared>>) offsets(%dma_start3A_66 : memref<128xi32, #tpu.memory_space<vmem>>) semaphore(%arg12 : memref<!tpu.dma_semaphore, #tpu.memory_space<semaphore_mem>>) {add = true}
        %gt3A = arith.constant 0 : i32
        %gt3A_70 = arith.cmpi sgt, %scan3A_43, %gt3A : i32
        %convert_element_type3A = arith.extui %gt3A_70 : i1 to i32
        %cond3A = arith.constant 0 : i32
        %cond3A_71 = arith.cmpi ne, %convert_element_type3A, %cond3A : i32
        scf.if %cond3A_71 {
          %dma_wait3A_105 = arith.constant 0 : i32
          %dma_wait3A_106 = arith.constant 0 : i32
          %dma_wait3A_107 = tpu.memref_slice %arg10[%dma_wait3A_105, %dma_wait3A_106] : memref<10240x128xf32, #tpu.memory_space<vmem_shared>> -> memref<128x128xf32, #tpu.memory_space<vmem_shared>>
          %dma_wait3A_108 = arith.constant 0 : i32
          %dma_wait3A_109 = arith.constant 0 : i32
          %dma_wait3A_110 = tpu.memref_slice %arg10[%dma_wait3A_108, %dma_wait3A_109] : memref<10240x128xf32, #tpu.memory_space<vmem_shared>> -> memref<128x128xf32, #tpu.memory_space<vmem_shared>>
          tpu.wait_dma2 semaphore(%arg12 : memref<!tpu.dma_semaphore, #tpu.memory_space<semaphore_mem>>) src(%arg9 : memref<128x128xf32, #tpu.memory_space<vmem>>) dst(%dma_wait3A_110 : memref<128x128xf32, #tpu.memory_space<vmem_shared>>)
        } else {
        }
        %add3A_72 = arith.constant 1 : i32
        %add3A_73 = arith.addi %mul3A_48, %add3A_72 : i32
        %add3A_74 = arith.constant 0 : i32
        %add3A_75 = arith.addi %add3A_73, %add3A_74 : i32
        %dma_start3A_76 = arith.constant 0 : i32
        %dma_start3A_77 = tpu.memref_slice %arg6[%add3A_75, %dma_start3A_76] : memref<16x128xi32, #tpu.memory_space<vmem>> -> memref<1x128xi32, #tpu.memory_space<vmem>>
        %dma_start3A_78 = tpu.memref_squeeze %dma_start3A_77 : memref<1x128xi32, #tpu.memory_space<vmem>> -> memref<128xi32, #tpu.memory_space<vmem>>
        %dma_start3A_79 = arith.constant 0 : i32
        %dma_start3A_80 = arith.constant 0 : i32
        %dma_start3A_81 = tpu.memref_slice %arg2[%dma_start3A_79, %dma_start3A_80] : memref<10000x128xf32, #tpu.memory_space<hbm>> -> memref<10000x128xf32, #tpu.memory_space<hbm>>
        tpu.enqueue_indirect_dma source(%dma_start3A_81 : memref<10000x128xf32, #tpu.memory_space<hbm>>) target(%arg9 : memref<128x128xf32, #tpu.memory_space<vmem>>) offsets(%dma_start3A_78 : memref<128xi32, #tpu.memory_space<vmem>>) semaphore(%arg11 : memref<!tpu.dma_semaphore, #tpu.memory_space<semaphore_mem>>)
        %dma_wait3A_82 = arith.constant 0 : i32
        %dma_wait3A_83 = tpu.memref_slice %arg6[%add3A_75, %dma_wait3A_82] : memref<16x128xi32, #tpu.memory_space<vmem>> -> memref<1x128xi32, #tpu.memory_space<vmem>>
        %dma_wait3A_84 = tpu.memref_squeeze %dma_wait3A_83 : memref<1x128xi32, #tpu.memory_space<vmem>> -> memref<128xi32, #tpu.memory_space<vmem>>
        %dma_wait3A_85 = arith.constant 0 : i32
        %dma_wait3A_86 = arith.constant 0 : i32
        %dma_wait3A_87 = tpu.memref_slice %arg2[%dma_wait3A_85, %dma_wait3A_86] : memref<10000x128xf32, #tpu.memory_space<hbm>> -> memref<10000x128xf32, #tpu.memory_space<hbm>>
        tpu.wait_indirect_dma semaphore(%arg11 : memref<!tpu.dma_semaphore, #tpu.memory_space<semaphore_mem>>) src(%dma_wait3A_87 : memref<10000x128xf32, #tpu.memory_space<hbm>>) dst(%arg9 : memref<128x128xf32, #tpu.memory_space<vmem>>)
        %add3A_88 = arith.constant 1 : i32
        %add3A_89 = arith.addi %mul3A_48, %add3A_88 : i32
        %add3A_90 = arith.constant 0 : i32
        %add3A_91 = arith.addi %add3A_89, %add3A_90 : i32
        %dma_start3A_92 = arith.constant 0 : i32
        %dma_start3A_93 = tpu.memref_slice %arg7[%add3A_91, %dma_start3A_92] : memref<16x128xi32, #tpu.memory_space<vmem>> -> memref<1x128xi32, #tpu.memory_space<vmem>>
        %dma_start3A_94 = tpu.memref_squeeze %dma_start3A_93 : memref<1x128xi32, #tpu.memory_space<vmem>> -> memref<128xi32, #tpu.memory_space<vmem>>
        %dma_start3A_95 = arith.constant 0 : i32
        %dma_start3A_96 = arith.constant 0 : i32
        %dma_start3A_97 = tpu.memref_slice %arg10[%dma_start3A_95, %dma_start3A_96] : memref<10240x128xf32, #tpu.memory_space<vmem_shared>> -> memref<10240x128xf32, #tpu.memory_space<vmem_shared>>
        tpu.enqueue_indirect_dma source(%arg9 : memref<128x128xf32, #tpu.memory_space<vmem>>) target(%dma_start3A_97 : memref<10240x128xf32, #tpu.memory_space<vmem_shared>>) offsets(%dma_start3A_94 : memref<128xi32, #tpu.memory_space<vmem>>) semaphore(%arg12 : memref<!tpu.dma_semaphore, #tpu.memory_space<semaphore_mem>>) {add = true}
        %dma_wait3A_98 = arith.constant 0 : i32
        %dma_wait3A_99 = arith.constant 0 : i32
        %dma_wait3A_100 = tpu.memref_slice %arg10[%dma_wait3A_98, %dma_wait3A_99] : memref<10240x128xf32, #tpu.memory_space<vmem_shared>> -> memref<128x128xf32, #tpu.memory_space<vmem_shared>>
        %dma_wait3A_101 = arith.constant 0 : i32
        %dma_wait3A_102 = arith.constant 0 : i32
        %dma_wait3A_103 = tpu.memref_slice %arg10[%dma_wait3A_101, %dma_wait3A_102] : memref<10240x128xf32, #tpu.memory_space<vmem_shared>> -> memref<128x128xf32, #tpu.memory_space<vmem_shared>>
        tpu.wait_dma2 semaphore(%arg12 : memref<!tpu.dma_semaphore, #tpu.memory_space<semaphore_mem>>) src(%arg8 : memref<128x128xf32, #tpu.memory_space<vmem>>) dst(%dma_wait3A_103 : memref<128x128xf32, #tpu.memory_space<vmem_shared>>)
        %scan3A_104 = arith.constant 0 : i32
        scf.yield %scan3A_104 : i32
      }
      %scan3A_36 = arith.constant 8 : i32
      %dma_wait3A = arith.constant 0 : i32
      %dma_wait3A_37 = arith.constant 0 : i32
      %dma_wait3A_38 = tpu.memref_slice %arg10[%dma_wait3A, %dma_wait3A_37] : memref<10240x128xf32, #tpu.memory_space<vmem_shared>> -> memref<128x128xf32, #tpu.memory_space<vmem_shared>>
      %dma_wait3A_39 = arith.constant 0 : i32
      %dma_wait3A_40 = arith.constant 0 : i32
      %dma_wait3A_41 = tpu.memref_slice %arg10[%dma_wait3A_39, %dma_wait3A_40] : memref<10240x128xf32, #tpu.memory_space<vmem_shared>> -> memref<128x128xf32, #tpu.memory_space<vmem_shared>>
      tpu.wait_dma2 semaphore(%arg12 : memref<!tpu.dma_semaphore, #tpu.memory_space<semaphore_mem>>) src(%arg9 : memref<128x128xf32, #tpu.memory_space<vmem>>) dst(%dma_wait3A_41 : memref<128x128xf32, #tpu.memory_space<vmem_shared>>)
      %scan3A_42 = arith.constant 0 : i32
      scf.yield %scan3A_42 : i32
    }
    %scan3A_26 = arith.constant 5 : i32
    %barrier3A_27 = arith.constant 0 : index
    tpu.barrier barrier_id(%barrier3A_27)
    "tpu.region"() ({
      %run_scoped3A = tpu.sem_alloc : memref<!tpu.dma_semaphore, #tpu.memory_space<semaphore_mem>>
      %dma_start3A = arith.constant 0 : i32
      %dma_start3A_28 = tpu.memref_slice %arg5[%arg0, %mul3A_2, %dma_start3A] : memref<2x10240x128xf32, #tpu.memory_space<hbm>> -> memref<1x640x128xf32, #tpu.memory_space<hbm>>
      %dma_start3A_29 = tpu.memref_squeeze %dma_start3A_28 : memref<1x640x128xf32, #tpu.memory_space<hbm>> -> memref<640x128xf32, #tpu.memory_space<hbm>>
      %dma_start3A_30 = arith.constant 0 : i32
      %dma_start3A_31 = tpu.memref_slice %arg10[%mul3A_2, %dma_start3A_30] : memref<10240x128xf32, #tpu.memory_space<vmem_shared>> -> memref<640x128xf32, #tpu.memory_space<vmem_shared>>
      tpu.enqueue_dma source(%dma_start3A_31 : memref<640x128xf32, #tpu.memory_space<vmem_shared>>) target(%dma_start3A_29 : memref<640x128xf32, #tpu.memory_space<hbm>>) target_semaphore(%run_scoped3A : memref<!tpu.dma_semaphore, #tpu.memory_space<semaphore_mem>>)
      %dma_wait3A = arith.constant 0 : i32
      %dma_wait3A_32 = tpu.memref_slice %arg5[%arg0, %mul3A_2, %dma_wait3A] : memref<2x10240x128xf32, #tpu.memory_space<hbm>> -> memref<1x640x128xf32, #tpu.memory_space<hbm>>
      %dma_wait3A_33 = tpu.memref_squeeze %dma_wait3A_32 : memref<1x640x128xf32, #tpu.memory_space<hbm>> -> memref<640x128xf32, #tpu.memory_space<hbm>>
      %dma_wait3A_34 = arith.constant 0 : i32
      %dma_wait3A_35 = tpu.memref_slice %arg10[%mul3A_2, %dma_wait3A_34] : memref<10240x128xf32, #tpu.memory_space<vmem_shared>> -> memref<640x128xf32, #tpu.memory_space<vmem_shared>>
      tpu.wait_dma2 semaphore(%run_scoped3A : memref<!tpu.dma_semaphore, #tpu.memory_space<semaphore_mem>>) src(%dma_wait3A_35 : memref<640x128xf32, #tpu.memory_space<vmem_shared>>) dst(%dma_wait3A_33 : memref<640x128xf32, #tpu.memory_space<hbm>>)
      tpu.yield
    }) : () -> ()
    return
  }
}

module attributes {stable_mosaic.version = 14 : i64} {
  func.func @_prep_body(%arg0: i32, %arg1: memref<1000x128xf32, #tpu.memory_space<vmem>>, %arg2: memref<128x128xf32, #tpu.memory_space<vmem>>, %arg3: memref<1x1000x128xf32, #tpu.memory_space<vmem>>, %arg4: memref<1x1000x128xf32, #tpu.memory_space<vmem>>, %arg5: memref<1000x1xf32, #tpu.memory_space<vmem>>, %arg6: memref<1000x128xf32, #tpu.memory_space<vmem>>) attributes {dimension_semantics = [#tpu.dimension_semantics<arbitrary>], iteration_bounds = array<i64: 10>, scalar_prefetch = 0 : i64, scratch_operands = 0 : i64, tpu.core_type = #tpu.core_type<tc>, window_params = [{transform_indices = @transform_0, window_bounds = array<i64: 1000, 128>}, {pipeline_mode = #tpu.pipeline_mode<synchronous>, transform_indices = @transform_1, window_bounds = array<i64: 128, 128>}, {transform_indices = @transform_2, window_bounds = array<i64: 1, 1000, 128>}, {transform_indices = @transform_3, window_bounds = array<i64: 1, 1000, 128>}, {transform_indices = @transform_4, window_bounds = array<i64: 1000, 1>}, {transform_indices = @transform_5, window_bounds = array<i64: 1000, 128>}]} {
    %get3A = arith.constant 0 : index
    %get3A_0 = arith.constant 0 : index
    %get3A_1 = arith.constant 0 : index
    %get3A_2 = vector.load %arg3[%get3A, %get3A_0, %get3A_1] : memref<1x1000x128xf32, #tpu.memory_space<vmem>>, vector<1x1000x1xf32>
    %get3A_3 = vector.shape_cast %get3A_2 : vector<1x1000x1xf32> to vector<1000x1xf32>
    %get3A_4 = arith.constant 0 : index
    %get3A_5 = arith.constant 0 : index
    %get3A_6 = arith.constant 0 : index
    %get3A_7 = vector.load %arg4[%get3A_4, %get3A_5, %get3A_6] : memref<1x1000x128xf32, #tpu.memory_space<vmem>>, vector<1x1000x1xf32>
    %get3A_8 = vector.shape_cast %get3A_7 : vector<1x1000x1xf32> to vector<1000x1xf32>
    %add3A = arith.addf %get3A_3, %get3A_8 : vector<1000x1xf32>
    %add3A_9 = arith.constant 1.000000e+00 : f32
    %add3A_10 = vector.broadcast %add3A_9 : f32 to vector<1000x1xf32>
    %add3A_11 = arith.addf %add3A, %add3A_10 : vector<1000x1xf32>
    %rsqrt3A = math.rsqrt %add3A_11 : vector<1000x1xf32>
    %swap3A = arith.constant 0 : index
    %swap3A_12 = arith.constant 0 : index
    %swap3A_13 = vector.load %arg5[%swap3A, %swap3A_12] : memref<1000x1xf32, #tpu.memory_space<vmem>>, vector<1000x1xf32>
    tpu.vector_store %arg5[%swap3A, %swap3A_12], %rsqrt3A {strides = array<i32>} : memref<1000x1xf32, #tpu.memory_space<vmem>>, vector<1000x1xf32>,
    %get3A_14 = arith.constant 0 : index
    %get3A_15 = arith.constant 0 : index
    %get3A_16 = vector.load %arg1[%get3A_14, %get3A_15] : memref<1000x128xf32, #tpu.memory_space<vmem>>, vector<1000x128xf32>
    %get3A_17 = arith.constant 0 : index
    %get3A_18 = arith.constant 0 : index
    %get3A_19 = vector.load %arg2[%get3A_17, %get3A_18] : memref<128x128xf32, #tpu.memory_space<vmem>>, vector<128x128xf32>
    %dot_general3A = arith.constant dense<0.000000e+00> : vector<1000x128xf32>
    %dot_general3A_20 = tpu.matmul %get3A_16, %get3A_19, %dot_general3A {dimension_numbers = #tpu.dot_dimension_numbers<[1], [0], [0], [1], [0, 0, 1, 1], [], []>, transpose_lhs_hint = false} : vector<1000x128xf32>, vector<128x128xf32>, vector<1000x128xf32> -> vector<1000x128xf32>
    %mul3A = vector.broadcast %rsqrt3A : vector<1000x1xf32> to vector<1000x128xf32>
    %mul3A_21 = arith.mulf %mul3A, %dot_general3A_20 : vector<1000x128xf32>
    %swap3A_22 = arith.constant 0 : index
    %swap3A_23 = arith.constant 0 : index
    %swap3A_24 = vector.load %arg6[%swap3A_22, %swap3A_23] : memref<1000x128xf32, #tpu.memory_space<vmem>>, vector<1000x128xf32>
    tpu.vector_store %arg6[%swap3A_22, %swap3A_23], %mul3A_21 {strides = array<i32>} : memref<1000x128xf32, #tpu.memory_space<vmem>>, vector<1000x128xf32>,
    return
  }
  func.func @transform_0(%arg0: i32) -> (i32, i32) {
    %c0_i32 = arith.constant 0 : i32
    %c0_i32_0 = arith.constant 0 : i32
    return %arg0, %c0_i32 : i32, i32
  }
  func.func @transform_1(%arg0: i32) -> (i32, i32) {
    %c0_i32 = arith.constant 0 : i32
    %c0_i32_0 = arith.constant 0 : i32
    %c0_i32_1 = arith.constant 0 : i32
    return %c0_i32, %c0_i32_0 : i32, i32
  }
  func.func @transform_2(%arg0: i32) -> (i32, i32, i32) {
    %c0_i32 = arith.constant 0 : i32
    %c0_i32_0 = arith.constant 0 : i32
    %c0_i32_1 = arith.constant 0 : i32
    return %c0_i32, %arg0, %c0_i32_0 : i32, i32, i32
  }
  func.func @transform_3(%arg0: i32) -> (i32, i32, i32) {
    %c1_i32 = arith.constant 1 : i32
    %c0_i32 = arith.constant 0 : i32
    %c0_i32_0 = arith.constant 0 : i32
    return %c1_i32, %arg0, %c0_i32 : i32, i32, i32
  }
  func.func @transform_4(%arg0: i32) -> (i32, i32) {
    %c0_i32 = arith.constant 0 : i32
    %c0_i32_0 = arith.constant 0 : i32
    return %arg0, %c0_i32 : i32, i32
  }
  func.func @transform_5(%arg0: i32) -> (i32, i32) {
    %c0_i32 = arith.constant 0 : i32
    %c0_i32_0 = arith.constant 0 : i32
    return %arg0, %c0_i32 : i32, i32
  }
}

module attributes {stable_mosaic.version = 14 : i64} {
  func.func @_mid_body(%arg0: i32, %arg1: memref<1x1000x128xf32, #tpu.memory_space<vmem>>, %arg2: memref<1x1000x128xf32, #tpu.memory_space<vmem>>, %arg3: memref<1000x128xf32, #tpu.memory_space<vmem>>, %arg4: memref<1000x1xf32, #tpu.memory_space<vmem>>, %arg5: memref<1x128xf32, #tpu.memory_space<vmem>>, %arg6: memref<128x128xf32, #tpu.memory_space<vmem>>, %arg7: memref<1000x128xf32, #tpu.memory_space<vmem>>) attributes {dimension_semantics = [#tpu.dimension_semantics<arbitrary>], iteration_bounds = array<i64: 10>, scalar_prefetch = 0 : i64, scratch_operands = 0 : i64, tpu.core_type = #tpu.core_type<tc>, window_params = [{transform_indices = @transform_0, window_bounds = array<i64: 1, 1000, 128>}, {transform_indices = @transform_1, window_bounds = array<i64: 1, 1000, 128>}, {transform_indices = @transform_2, window_bounds = array<i64: 1000, 128>}, {transform_indices = @transform_3, window_bounds = array<i64: 1000, 1>}, {pipeline_mode = #tpu.pipeline_mode<synchronous>, transform_indices = @transform_4, window_bounds = array<i64: 1, 128>}, {pipeline_mode = #tpu.pipeline_mode<synchronous>, transform_indices = @transform_5, window_bounds = array<i64: 128, 128>}, {transform_indices = @transform_6, window_bounds = array<i64: 1000, 128>}]} {
    %get3A = arith.constant 0 : index
    %get3A_0 = arith.constant 0 : index
    %get3A_1 = vector.load %arg4[%get3A, %get3A_0] : memref<1000x1xf32, #tpu.memory_space<vmem>>, vector<1000x1xf32>
    %get3A_2 = arith.constant 0 : index
    %get3A_3 = arith.constant 0 : index
    %get3A_4 = arith.constant 0 : index
    %get3A_5 = vector.load %arg1[%get3A_2, %get3A_3, %get3A_4] : memref<1x1000x128xf32, #tpu.memory_space<vmem>>, vector<1x1000x128xf32>
    %get3A_6 = vector.shape_cast %get3A_5 : vector<1x1000x128xf32> to vector<1000x128xf32>
    %get3A_7 = arith.constant 0 : index
    %get3A_8 = arith.constant 0 : index
    %get3A_9 = arith.constant 0 : index
    %get3A_10 = vector.load %arg2[%get3A_7, %get3A_8, %get3A_9] : memref<1x1000x128xf32, #tpu.memory_space<vmem>>, vector<1x1000x128xf32>
    %get3A_11 = vector.shape_cast %get3A_10 : vector<1x1000x128xf32> to vector<1000x128xf32>
    %add3A = arith.addf %get3A_6, %get3A_11 : vector<1000x128xf32>
    %get3A_12 = arith.constant 0 : index
    %get3A_13 = arith.constant 0 : index
    %get3A_14 = vector.load %arg3[%get3A_12, %get3A_13] : memref<1000x128xf32, #tpu.memory_space<vmem>>, vector<1000x128xf32>
    %add3A_15 = arith.addf %add3A, %get3A_14 : vector<1000x128xf32>
    %mul3A = vector.broadcast %get3A_1 : vector<1000x1xf32> to vector<1000x128xf32>
    %mul3A_16 = arith.mulf %mul3A, %add3A_15 : vector<1000x128xf32>
    %get3A_17 = arith.constant 0 : index
    %get3A_18 = arith.constant 0 : index
    %get3A_19 = vector.load %arg5[%get3A_17, %get3A_18] : memref<1x128xf32, #tpu.memory_space<vmem>>, vector<1x128xf32>
    %add3A_20 = vector.broadcast %get3A_19 : vector<1x128xf32> to vector<1000x128xf32>
    %add3A_21 = arith.addf %mul3A_16, %add3A_20 : vector<1000x128xf32>
    %max3A = arith.constant 0.000000e+00 : f32
    %max3A_22 = vector.broadcast %max3A : f32 to vector<1000x128xf32>
    %max3A_23 = arith.maximumf %add3A_21, %max3A_22 : vector<1000x128xf32>
    %get3A_24 = arith.constant 0 : index
    %get3A_25 = arith.constant 0 : index
    %get3A_26 = vector.load %arg6[%get3A_24, %get3A_25] : memref<128x128xf32, #tpu.memory_space<vmem>>, vector<128x128xf32>
    %dot_general3A = arith.constant dense<0.000000e+00> : vector<1000x128xf32>
    %dot_general3A_27 = tpu.matmul %max3A_23, %get3A_26, %dot_general3A {dimension_numbers = #tpu.dot_dimension_numbers<[1], [0], [0], [1], [0, 0, 1, 1], [], []>, transpose_lhs_hint = false} : vector<1000x128xf32>, vector<128x128xf32>, vector<1000x128xf32> -> vector<1000x128xf32>
    %mul3A_28 = vector.broadcast %get3A_1 : vector<1000x1xf32> to vector<1000x128xf32>
    %mul3A_29 = arith.mulf %mul3A_28, %dot_general3A_27 : vector<1000x128xf32>
    %swap3A = arith.constant 0 : index
    %swap3A_30 = arith.constant 0 : index
    %swap3A_31 = vector.load %arg7[%swap3A, %swap3A_30] : memref<1000x128xf32, #tpu.memory_space<vmem>>, vector<1000x128xf32>
    tpu.vector_store %arg7[%swap3A, %swap3A_30], %mul3A_29 {strides = array<i32>} : memref<1000x128xf32, #tpu.memory_space<vmem>>, vector<1000x128xf32>,
    return
  }
  func.func @transform_0(%arg0: i32) -> (i32, i32, i32) {
    %c0_i32 = arith.constant 0 : i32
    %c0_i32_0 = arith.constant 0 : i32
    %c0_i32_1 = arith.constant 0 : i32
    return %c0_i32, %arg0, %c0_i32_0 : i32, i32, i32
  }
  func.func @transform_1(%arg0: i32) -> (i32, i32, i32) {
    %c1_i32 = arith.constant 1 : i32
    %c0_i32 = arith.constant 0 : i32
    %c0_i32_0 = arith.constant 0 : i32
    return %c1_i32, %arg0, %c0_i32 : i32, i32, i32
  }
  func.func @transform_2(%arg0: i32) -> (i32, i32) {
    %c0_i32 = arith.constant 0 : i32
    %c0_i32_0 = arith.constant 0 : i32
    return %arg0, %c0_i32 : i32, i32
  }
  func.func @transform_3(%arg0: i32) -> (i32, i32) {
    %c0_i32 = arith.constant 0 : i32
    %c0_i32_0 = arith.constant 0 : i32
    return %arg0, %c0_i32 : i32, i32
  }
  func.func @transform_4(%arg0: i32) -> (i32, i32) {
    %c0_i32 = arith.constant 0 : i32
    %c0_i32_0 = arith.constant 0 : i32
    %c0_i32_1 = arith.constant 0 : i32
    return %c0_i32, %c0_i32_0 : i32, i32
  }
  func.func @transform_5(%arg0: i32) -> (i32, i32) {
    %c0_i32 = arith.constant 0 : i32
    %c0_i32_0 = arith.constant 0 : i32
    %c0_i32_1 = arith.constant 0 : i32
    return %c0_i32, %c0_i32_0 : i32, i32
  }
  func.func @transform_6(%arg0: i32) -> (i32, i32) {
    %c0_i32 = arith.constant 0 : i32
    %c0_i32_0 = arith.constant 0 : i32
    return %arg0, %c0_i32 : i32, i32
  }
}

module attributes {stable_mosaic.version = 14 : i64} {
  func.func @_final_body(%arg0: i32, %arg1: memref<1x1000x128xf32, #tpu.memory_space<vmem>>, %arg2: memref<1x1000x128xf32, #tpu.memory_space<vmem>>, %arg3: memref<1000x128xf32, #tpu.memory_space<vmem>>, %arg4: memref<1000x1xf32, #tpu.memory_space<vmem>>, %arg5: memref<1x128xf32, #tpu.memory_space<vmem>>, %arg6: memref<1x1x1000xi32, #tpu.memory_space<vmem>>, %arg7: memref<128x128xf32, #tpu.memory_space<vmem>>, %arg8: memref<1x128xf32, #tpu.memory_space<vmem>>, %arg9: memref<128x128xf32, #tpu.memory_space<vmem>>, %arg10: memref<1x128xf32, #tpu.memory_space<vmem>>, %arg11: memref<64x128xf32, #tpu.memory_space<vmem>>, %arg12: memref<64x128xf32, #tpu.memory_space<vmem>>, %arg13: memref<64x128xf32, #tpu.memory_space<vmem>>) attributes {dimension_semantics = [#tpu.dimension_semantics<arbitrary>], iteration_bounds = array<i64: 10>, scalar_prefetch = 0 : i64, scratch_operands = 2 : i64, tpu.core_type = #tpu.core_type<tc>, window_params = [{transform_indices = @transform_0, window_bounds = array<i64: 1, 1000, 128>}, {transform_indices = @transform_1, window_bounds = array<i64: 1, 1000, 128>}, {transform_indices = @transform_2, window_bounds = array<i64: 1000, 128>}, {transform_indices = @transform_3, window_bounds = array<i64: 1000, 1>}, {pipeline_mode = #tpu.pipeline_mode<synchronous>, transform_indices = @transform_4, window_bounds = array<i64: 1, 128>}, {transform_indices = @transform_5, window_bounds = array<i64: 1, 1, 1000>}, {pipeline_mode = #tpu.pipeline_mode<synchronous>, transform_indices = @transform_6, window_bounds = array<i64: 128, 128>}, {pipeline_mode = #tpu.pipeline_mode<synchronous>, transform_indices = @transform_7, window_bounds = array<i64: 1, 128>}, {pipeline_mode = #tpu.pipeline_mode<synchronous>, transform_indices = @transform_8, window_bounds = array<i64: 128, 128>}, {pipeline_mode = #tpu.pipeline_mode<synchronous>, transform_indices = @transform_9, window_bounds = array<i64: 1, 128>}, {pipeline_mode = #tpu.pipeline_mode<synchronous>, transform_indices = @transform_10, window_bounds = array<i64: 64, 128>}]} {
    %eq3A = arith.constant 0 : i32
    %eq3A_0 = arith.cmpi eq, %arg0, %eq3A : i32
    %convert_element_type3A = arith.extui %eq3A_0 : i1 to i32
    %cond3A = arith.constant 0 : i32
    %cond3A_1 = arith.cmpi ne, %convert_element_type3A, %cond3A : i32
    scf.if %cond3A_1 {
      %broadcast_in_dim3A_56 = arith.constant 0.000000e+00 : f32
      %broadcast_in_dim3A_57 = vector.broadcast %broadcast_in_dim3A_56 : f32 to vector<64x128xf32>
      %swap3A_58 = arith.constant 0 : index
      %swap3A_59 = arith.constant 0 : index
      %swap3A_60 = vector.load %arg12[%swap3A_58, %swap3A_59] : memref<64x128xf32, #tpu.memory_space<vmem>>, vector<64x128xf32>
      tpu.vector_store %arg12[%swap3A_58, %swap3A_59], %broadcast_in_dim3A_57 {strides = array<i32>} : memref<64x128xf32, #tpu.memory_space<vmem>>, vector<64x128xf32>,
      %broadcast_in_dim3A_61 = arith.constant 0.000000e+00 : f32
      %broadcast_in_dim3A_62 = vector.broadcast %broadcast_in_dim3A_61 : f32 to vector<64x128xf32>
      %swap3A_63 = arith.constant 0 : index
      %swap3A_64 = arith.constant 0 : index
      %swap3A_65 = vector.load %arg13[%swap3A_63, %swap3A_64] : memref<64x128xf32, #tpu.memory_space<vmem>>, vector<64x128xf32>
      tpu.vector_store %arg13[%swap3A_63, %swap3A_64], %broadcast_in_dim3A_62 {strides = array<i32>} : memref<64x128xf32, #tpu.memory_space<vmem>>, vector<64x128xf32>,
    } else {
    }
    %get3A = arith.constant 0 : index
    %get3A_2 = arith.constant 0 : index
    %get3A_3 = vector.load %arg4[%get3A, %get3A_2] : memref<1000x1xf32, #tpu.memory_space<vmem>>, vector<1000x1xf32>
    %get3A_4 = arith.constant 0 : index
    %get3A_5 = arith.constant 0 : index
    %get3A_6 = arith.constant 0 : index
    %get3A_7 = vector.load %arg1[%get3A_4, %get3A_5, %get3A_6] : memref<1x1000x128xf32, #tpu.memory_space<vmem>>, vector<1x1000x128xf32>
    %get3A_8 = vector.shape_cast %get3A_7 : vector<1x1000x128xf32> to vector<1000x128xf32>
    %get3A_9 = arith.constant 0 : index
    %get3A_10 = arith.constant 0 : index
    %get3A_11 = arith.constant 0 : index
    %get3A_12 = vector.load %arg2[%get3A_9, %get3A_10, %get3A_11] : memref<1x1000x128xf32, #tpu.memory_space<vmem>>, vector<1x1000x128xf32>
    %get3A_13 = vector.shape_cast %get3A_12 : vector<1x1000x128xf32> to vector<1000x128xf32>
    %add3A = arith.addf %get3A_8, %get3A_13 : vector<1000x128xf32>
    %get3A_14 = arith.constant 0 : index
    %get3A_15 = arith.constant 0 : index
    %get3A_16 = vector.load %arg3[%get3A_14, %get3A_15] : memref<1000x128xf32, #tpu.memory_space<vmem>>, vector<1000x128xf32>
    %add3A_17 = arith.addf %add3A, %get3A_16 : vector<1000x128xf32>
    %mul3A = vector.broadcast %get3A_3 : vector<1000x1xf32> to vector<1000x128xf32>
    %mul3A_18 = arith.mulf %mul3A, %add3A_17 : vector<1000x128xf32>
    %get3A_19 = arith.constant 0 : index
    %get3A_20 = arith.constant 0 : index
    %get3A_21 = vector.load %arg5[%get3A_19, %get3A_20] : memref<1x128xf32, #tpu.memory_space<vmem>>, vector<1x128xf32>
    %add3A_22 = vector.broadcast %get3A_21 : vector<1x128xf32> to vector<1000x128xf32>
    %add3A_23 = arith.addf %mul3A_18, %add3A_22 : vector<1000x128xf32>
    %get3A_24 = arith.constant 0 : index
    %get3A_25 = arith.constant 0 : index
    %get3A_26 = arith.constant 0 : index
    %get3A_27 = vector.load %arg6[%get3A_24, %get3A_25, %get3A_26] : memref<1x1x1000xi32, #tpu.memory_space<vmem>>, vector<1x1x1000xi32>
    %get3A_28 = vector.shape_cast %get3A_27 : vector<1x1x1000xi32> to vector<1000xi32>
    %iota3A = tpu.iota {dimensions = array<i32: 0>} : vector<64x1000xi32>
    %broadcast_in_dim3A = vector.shape_cast %get3A_28 : vector<1000xi32> to vector<1x1000xi32>
    %eq3A_29 = vector.broadcast %broadcast_in_dim3A : vector<1x1000xi32> to vector<64x1000xi32>
    %eq3A_30 = arith.cmpi eq, %eq3A_29, %iota3A : vector<64x1000xi32>
    %convert_element_type3A_31 = arith.extui %eq3A_30 : vector<64x1000xi1> to vector<64x1000xi32>
    %convert_element_type3A_32 = arith.sitofp %convert_element_type3A_31 : vector<64x1000xi32> to vector<64x1000xf32>
    %get3A_33 = arith.constant 0 : index
    %get3A_34 = arith.constant 0 : index
    %get3A_35 = vector.load %arg12[%get3A_33, %get3A_34] : memref<64x128xf32, #tpu.memory_space<vmem>>, vector<64x128xf32>
    %dot_general3A = arith.constant dense<0.000000e+00> : vector<64x128xf32>
    %dot_general3A_36 = tpu.matmul %convert_element_type3A_32, %add3A_23, %dot_general3A {dimension_numbers = #tpu.dot_dimension_numbers<[1], [0], [0], [1], [0, 0, 1, 1], [], []>, transpose_lhs_hint = false} : vector<64x1000xf32>, vector<1000x128xf32>, vector<64x128xf32> -> vector<64x128xf32>
    %add3A_37 = arith.addf %get3A_35, %dot_general3A_36 : vector<64x128xf32>
    %swap3A = arith.constant 0 : index
    %swap3A_38 = arith.constant 0 : index
    %swap3A_39 = vector.load %arg12[%swap3A, %swap3A_38] : memref<64x128xf32, #tpu.memory_space<vmem>>, vector<64x128xf32>
    tpu.vector_store %arg12[%swap3A, %swap3A_38], %add3A_37 {strides = array<i32>} : memref<64x128xf32, #tpu.memory_space<vmem>>, vector<64x128xf32>,
    %get3A_40 = arith.constant 0 : index
    %get3A_41 = arith.constant 0 : index
    %get3A_42 = vector.load %arg13[%get3A_40, %get3A_41] : memref<64x128xf32, #tpu.memory_space<vmem>>, vector<64x128xf32>
    %reduce_sum3A = arith.constant dense<0.000000e+00> : vector<64xf32>
    %reduce_sum3A_43 = vector.multi_reduction <add>, %convert_element_type3A_32, %reduce_sum3A [1] : vector<64x1000xf32> to vector<64xf32>
    %broadcast_in_dim3A_44 = vector.shape_cast %reduce_sum3A_43 : vector<64xf32> to vector<64x1xf32>
    %broadcast_in_dim3A_45 = vector.shape_cast %broadcast_in_dim3A_44 : vector<64x1xf32> to vector<64x1xf32>
    %broadcast_in_dim3A_46 = vector.broadcast %broadcast_in_dim3A_45 : vector<64x1xf32> to vector<64x128xf32>
    %add3A_47 = arith.addf %get3A_42, %broadcast_in_dim3A_46 : vector<64x128xf32>
    %swap3A_48 = arith.constant 0 : index
    %swap3A_49 = arith.constant 0 : index
    %swap3A_50 = vector.load %arg13[%swap3A_48, %swap3A_49] : memref<64x128xf32, #tpu.memory_space<vmem>>, vector<64x128xf32>
    tpu.vector_store %arg13[%swap3A_48, %swap3A_49], %add3A_47 {strides = array<i32>} : memref<64x128xf32, #tpu.memory_space<vmem>>, vector<64x128xf32>,
    %eq3A_51 = arith.constant 9 : i32
    %eq3A_52 = arith.cmpi eq, %arg0, %eq3A_51 : i32
    %convert_element_type3A_53 = arith.extui %eq3A_52 : i1 to i32
    %cond3A_54 = arith.constant 0 : i32
    %cond3A_55 = arith.cmpi ne, %convert_element_type3A_53, %cond3A_54 : i32
    scf.if %cond3A_55 {
      %get3A_56 = arith.constant 0 : index
      %get3A_57 = arith.constant 0 : index
      %get3A_58 = vector.load %arg12[%get3A_56, %get3A_57] : memref<64x128xf32, #tpu.memory_space<vmem>>, vector<64x128xf32>
      %get3A_59 = arith.constant 0 : index
      %get3A_60 = arith.constant 0 : index
      %get3A_61 = vector.load %arg13[%get3A_59, %get3A_60] : memref<64x128xf32, #tpu.memory_space<vmem>>, vector<64x128xf32>
      %max3A = arith.constant 1.000000e+00 : f32
      %max3A_62 = vector.broadcast %max3A : f32 to vector<64x128xf32>
      %max3A_63 = arith.maximumf %get3A_61, %max3A_62 : vector<64x128xf32>
      %div3A = arith.divf %get3A_58, %max3A_63 : vector<64x128xf32>
      %get3A_64 = arith.constant 0 : index
      %get3A_65 = arith.constant 0 : index
      %get3A_66 = vector.load %arg7[%get3A_64, %get3A_65] : memref<128x128xf32, #tpu.memory_space<vmem>>, vector<128x128xf32>
      %dot_general3A_67 = arith.constant dense<0.000000e+00> : vector<64x128xf32>
      %dot_general3A_68 = tpu.matmul %div3A, %get3A_66, %dot_general3A_67 {dimension_numbers = #tpu.dot_dimension_numbers<[1], [0], [0], [1], [0, 0, 1, 1], [], []>, transpose_lhs_hint = false} : vector<64x128xf32>, vector<128x128xf32>, vector<64x128xf32> -> vector<64x128xf32>
      %get3A_69 = arith.constant 0 : index
      %get3A_70 = arith.constant 0 : index
      %get3A_71 = vector.load %arg8[%get3A_69, %get3A_70] : memref<1x128xf32, #tpu.memory_space<vmem>>, vector<1x128xf32>
      %add3A_72 = vector.broadcast %get3A_71 : vector<1x128xf32> to vector<64x128xf32>
      %add3A_73 = arith.addf %dot_general3A_68, %add3A_72 : vector<64x128xf32>
      %max3A_74 = arith.constant 0.000000e+00 : f32
      %max3A_75 = vector.broadcast %max3A_74 : f32 to vector<64x128xf32>
      %max3A_76 = arith.maximumf %add3A_73, %max3A_75 : vector<64x128xf32>
      %get3A_77 = arith.constant 0 : index
      %get3A_78 = arith.constant 0 : index
      %get3A_79 = vector.load %arg9[%get3A_77, %get3A_78] : memref<128x128xf32, #tpu.memory_space<vmem>>, vector<128x128xf32>
      %dot_general3A_80 = arith.constant dense<0.000000e+00> : vector<64x128xf32>
      %dot_general3A_81 = tpu.matmul %max3A_76, %get3A_79, %dot_general3A_80 {dimension_numbers = #tpu.dot_dimension_numbers<[1], [0], [0], [1], [0, 0, 1, 1], [], []>, transpose_lhs_hint = false} : vector<64x128xf32>, vector<128x128xf32>, vector<64x128xf32> -> vector<64x128xf32>
      %get3A_82 = arith.constant 0 : index
      %get3A_83 = arith.constant 0 : index
      %get3A_84 = vector.load %arg10[%get3A_82, %get3A_83] : memref<1x128xf32, #tpu.memory_space<vmem>>, vector<1x128xf32>
      %add3A_85 = vector.broadcast %get3A_84 : vector<1x128xf32> to vector<64x128xf32>
      %add3A_86 = arith.addf %dot_general3A_81, %add3A_85 : vector<64x128xf32>
      %swap3A_87 = arith.constant 0 : index
      %swap3A_88 = arith.constant 0 : index
      %swap3A_89 = vector.load %arg11[%swap3A_87, %swap3A_88] : memref<64x128xf32, #tpu.memory_space<vmem>>, vector<64x128xf32>
      tpu.vector_store %arg11[%swap3A_87, %swap3A_88], %add3A_86 {strides = array<i32>} : memref<64x128xf32, #tpu.memory_space<vmem>>, vector<64x128xf32>,
    } else {
    }
    return
  }
  func.func @transform_0(%arg0: i32) -> (i32, i32, i32) {
    %c0_i32 = arith.constant 0 : i32
    %c0_i32_0 = arith.constant 0 : i32
    %c0_i32_1 = arith.constant 0 : i32
    return %c0_i32, %arg0, %c0_i32_0 : i32, i32, i32
  }
  func.func @transform_1(%arg0: i32) -> (i32, i32, i32) {
    %c1_i32 = arith.constant 1 : i32
    %c0_i32 = arith.constant 0 : i32
    %c0_i32_0 = arith.constant 0 : i32
    return %c1_i32, %arg0, %c0_i32 : i32, i32, i32
  }
  func.func @transform_2(%arg0: i32) -> (i32, i32) {
    %c0_i32 = arith.constant 0 : i32
    %c0_i32_0 = arith.constant 0 : i32
    return %arg0, %c0_i32 : i32, i32
  }
  func.func @transform_3(%arg0: i32) -> (i32, i32) {
    %c0_i32 = arith.constant 0 : i32
    %c0_i32_0 = arith.constant 0 : i32
    return %arg0, %c0_i32 : i32, i32
  }
  func.func @transform_4(%arg0: i32) -> (i32, i32) {
    %c0_i32 = arith.constant 0 : i32
    %c0_i32_0 = arith.constant 0 : i32
    %c0_i32_1 = arith.constant 0 : i32
    return %c0_i32, %c0_i32_0 : i32, i32
  }
  func.func @transform_5(%arg0: i32) -> (i32, i32, i32) {
    %c0_i32 = arith.constant 0 : i32
    %c0_i32_0 = arith.constant 0 : i32
    %c0_i32_1 = arith.constant 0 : i32
    return %arg0, %c0_i32, %c0_i32_0 : i32, i32, i32
  }
  func.func @transform_6(%arg0: i32) -> (i32, i32) {
    %c0_i32 = arith.constant 0 : i32
    %c0_i32_0 = arith.constant 0 : i32
    %c0_i32_1 = arith.constant 0 : i32
    return %c0_i32, %c0_i32_0 : i32, i32
  }
  func.func @transform_7(%arg0: i32) -> (i32, i32) {
    %c0_i32 = arith.constant 0 : i32
    %c0_i32_0 = arith.constant 0 : i32
    %c0_i32_1 = arith.constant 0 : i32
    return %c0_i32, %c0_i32_0 : i32, i32
  }
  func.func @transform_8(%arg0: i32) -> (i32, i32) {
    %c0_i32 = arith.constant 0 : i32
    %c0_i32_0 = arith.constant 0 : i32
    %c0_i32_1 = arith.constant 0 : i32
    return %c0_i32, %c0_i32_0 : i32, i32
  }
  func.func @transform_9(%arg0: i32) -> (i32, i32) {
    %c0_i32 = arith.constant 0 : i32
    %c0_i32_0 = arith.constant 0 : i32
    %c0_i32_1 = arith.constant 0 : i32
    return %c0_i32, %c0_i32_0 : i32, i32
  }
  func.func @transform_10(%arg0: i32) -> (i32, i32) {
    %c0_i32 = arith.constant 0 : i32
    %c0_i32_0 = arith.constant 0 : i32
    %c0_i32_1 = arith.constant 0 : i32
    return %c0_i32, %c0_i32_0 : i32, i32
  }
}

</mosaic_0001>

<sc_bundles>
// kernel: kernel.10.cloned.1.call-start
scs
__scs_entry_jumppad:
0x0: {  	(pc) =	sbr.rel $0x88, $3  }
0x1: {  	(tag) =	ssettag $0x0;
	lr =	simm.s32 $0x1  }
0x2: {  	[smem:$0x3F94] =	sst lr;
	_ =	strace $0xD0000000  }
0x3: {  	_ = 	snop  }
0x4: {  	_ = 	snop  }
0x5: {  	_ = 	snop  }
0x6: {  	_ = 	snop  }
0x7: {  	_ = 	snop  }
__scs_overlays_trampoline_lowered:
0x8: {  	[smem:$0x3FA3] =	sst s0  }
0x9: {  	[smem:$0x3FA4] =	sst s1  }
0xa: {  	[smem:$0x3FA5] =	sst s2  }
0xb: {  	[smem:$0x3FA6] =	sst s3  }
0xc: {  	[smem:$0x3FA7] =	sst s4  }
0xd: {  	[smem:$0x3FA8] =	sst s5  }
0xe: {  	[smem:$0x3FA9] =	sst s6  }
0xf: {  	[smem:$0x3FAA] =	sst s7  }
0x10: {  	[smem:$0x3FAB] =	sst s8  }
0x11: {  	[smem:$0x3FAC] =	sst s9;
	s0 =	simm.s32 @!p0 $0x0  }
0x12: {  	s1 =	sld [smem:$0x3F92];
	s0 =	simm.s32 @p0 $0x1  }
0x13: {  	[smem:$0x3FAD] =	sst s0;
	s0 =	simm.s32 @!p1 $0x0  }
0x14: {  	s2 =	sld [smem:$0x3F91];
	s0 =	simm.s32 @p1 $0x1  }
0x15: {  	[smem:$0x3FAE] =	sst s0;
	s0 =	simm.s32 @!p2 $0x0  }
0x16: {  	s3 =	sld [smem:$0x3FDB];
	s0 =	simm.s32 @p2 $0x1  }
0x17: {  	s4 =	simm.s32 $0x1BF5;
	[smem:$0x3FB0] =	sst s0  }
0x18: {  	s0 =	sld [smem:$0x3F93];
	_ =	swait.ge [sflag:s4], $0x0  }
0x19: {  	s7 =	sld [smem:$0x3F94]  }
0x1a: {  	s8 =	sadd.s32 $0xFFFFE003, lr  }
0x1b: {  	s9 =	sadd.s32 $0xFFFFFEF7, lr;
	s5 =	simm.s32 $0xFFFFFFFF;
	p2 =	slt.u32 s8, $0xFFFFF086  }
0x1c: {  	p1 =	slt.u32 s9, $0xF7A;
	s5 =	simm.s32 @!p2 $0x0  }
0x1d: {  	s5 =	simm.s32 @p1 $0x1;
	p0 =	seq.s32 s7, s2  }
0x1e: {  	s7 =	smul.u32 @!p0 $0xF7A, s2;
	p2 =	seq.s32 @!p0 s5, $0x0  }
0x1f: {  	s9 =	smul.u32 $0xF7A, s1;
	s8 =	simm.s32 @!p0 $0x1BF5;
	p2 =	por !p2, p0  }
0x20: {  	[sflag:s8] =	ssyncset.s32 @!p0 $0xFFFFF086;
	s6 =	sadd.s32 @!p0 s3, s7;
	s7 =	simm.s32 @!p0 $0x108  }
0x21: {  	s3 =	sadd.s32 s3, s9;
	s6 =	sadd.s32 @!p0 $0x88, s6;
	s7 =	simm.s32 @p2 $0x1082  }
0x22: {  	[simem:s7], [sflag:s8] =	dma.local @!p0 [hbm:s6], $0xF7A  }
0x23: {  	s9 =	sor.u32 $0xD0000000, s2;
	s6 =	simm.s32 $0x108;
	_ =	swait.ge @!p0 [sflag:s8], $0x0  }
0x24: {  	s3 =	sadd.s32 $0x88, s3;
	s6 =	simm.s32 @!p1 $0x1082;
	[sflag:s4] =	ssyncset.s32 $0xFFFFF086  }
0x25: {  	[simem:s6], [sflag:s4] =	dma.local [hbm:s3], $0xF7A  }
0x26: {  	[smem:$0x3F94] =	sst s1;
	(tag) =	ssettag s2;
	_ =	strace s9  }
0x27: {  	s1 =	sld [smem:$0x3FA4]  }
0x28: {  	s2 =	sld [smem:$0x3FA5]  }
0x29: {  	s4 =	sld [smem:$0x3FA7]  }
0x2a: {  	p0 =	seq.s32 s5, $0x0;
	s5 =	sld [smem:$0x3FA8]  }
0x2b: {  	s6 =	sld [smem:$0x3FA9]  }
0x2c: {  	s7 =	sld [smem:$0x3FAA]  }
0x2d: {  	s3 =	simm.s32 $0x108;
	s8 =	sld [smem:$0x3FAB]  }
0x2e: {  	s3 =	simm.s32 @!p0 $0x1082;
	s9 =	sld [smem:$0x3FAC]  }
0x2f: {  	lr =	sadd.s32 s0, s3;
	s0 =	sld [smem:$0x3FA3]  }
0x30: {  	s3 =	sld [smem:$0x3FA6]  }
0x31: {  	[smem:$0x3FAF] =	sst s10  }
0x32: {  	s10 =	sld [smem:$0x3FAD];
	_ =	sdelay $0x3  }
0x33: {  	p0 =	seq.s32 s10, $0x1;
	s10 =	sld [smem:$0x3FAF];
	_ =	sdelay $0x3  }
0x34: {  	[smem:$0x3FAF] =	sst s10  }
0x35: {  	s10 =	sld [smem:$0x3FAE];
	_ =	sdelay $0x3  }
0x36: {  	p1 =	seq.s32 s10, $0x1;
	s10 =	sld [smem:$0x3FAF];
	_ =	sdelay $0x3  }
0x37: {  	[smem:$0x3FAF] =	sst s10  }
0x38: {  	s10 =	sld [smem:$0x3FB0]  }
0x39: {  	_ = 	snop;
	(pc) =	sbr.ind lr, $3  }
0x3a: {  	_ = 	snop  }
0x3b: {  	_ = 	snop  }
0x3c: {  	p2 =	seq.s32 s10, $0x1;
	s10 =	sld [smem:$0x3FAF]  }
0x3d: {  	_ =	shalt  }
0x3e: {  	_ =	shalt  }
0x3f: {  	_ =	shalt  }
0x40: {  	_ =	shalt  }
0x41: {  	_ =	shalt  }
0x42: {  	_ =	shalt  }
0x43: {  	_ =	shalt  }
0x44: {  	_ =	shalt  }
0x45: {  	_ =	shalt  }
0x46: {  	_ =	shalt  }
0x47: {  	_ =	shalt  }
0x48: {  	_ =	shalt  }
0x49: {  	_ =	shalt  }
0x4a: {  	_ =	shalt  }
0x4b: {  	_ =	shalt  }
0x4c: {  	_ =	shalt  }
0x4d: {  	_ =	shalt  }
0x4e: {  	_ =	shalt  }
0x4f: {  	_ =	shalt  }
0x50: {  	_ =	shalt  }
0x51: {  	_ =	shalt  }
0x52: {  	_ =	shalt  }
0x53: {  	_ =	shalt  }
0x54: {  	_ =	shalt  }
0x55: {  	_ =	shalt  }
0x56: {  	_ =	shalt  }
0x57: {  	_ =	shalt  }
0x58: {  	_ =	shalt  }
0x59: {  	_ =	shalt  }
0x5a: {  	_ =	shalt  }
0x5b: {  	_ =	shalt  }
0x5c: {  	_ =	shalt  }
0x5d: {  	_ =	shalt  }
0x5e: {  	_ =	shalt  }
0x5f: {  	_ =	shalt  }
0x60: {  	_ =	shalt  }
0x61: {  	_ =	shalt  }
0x62: {  	_ =	shalt  }
0x63: {  	_ =	shalt  }
0x64: {  	_ =	shalt  }
0x65: {  	_ =	shalt  }
0x66: {  	_ =	shalt  }
0x67: {  	_ =	shalt  }
0x68: {  	_ =	shalt  }
0x69: {  	_ =	shalt  }
0x6a: {  	_ =	shalt  }
0x6b: {  	_ =	shalt  }
0x6c: {  	_ =	shalt  }
0x6d: {  	_ =	shalt  }
0x6e: {  	_ =	shalt  }
0x6f: {  	_ =	shalt  }
0x70: {  	_ =	shalt  }
0x71: {  	_ =	shalt  }
0x72: {  	_ =	shalt  }
0x73: {  	_ =	shalt  }
0x74: {  	_ =	shalt  }
0x75: {  	_ =	shalt  }
0x76: {  	_ =	shalt  }
0x77: {  	_ =	shalt  }
0x78: {  	_ =	shalt  }
0x79: {  	_ =	shalt  }
0x7a: {  	_ =	shalt  }
0x7b: {  	_ =	shalt  }
0x7c: {  	_ =	shalt  }
0x7d: {  	_ =	shalt  }
0x7e: {  	_ =	shalt  }
0x7f: {  	_ =	shalt  }
0x80: {  	_ =	shalt  }
0x81: {  	_ =	shalt  }
0x82: {  	_ =	shalt  }
0x83: {  	_ =	shalt  }
0x84: {  	_ =	shalt  }
0x85: {  	_ =	shalt  }
0x86: {  	_ =	shalt  }
0x87: {  	_ =	shalt  }
.Lfunc_end0:
.L_simem_size_0:
called_computation_lowered:
.L_overlay_start_0:
0x88: {  	s2 =	sld [smem:$0x3FD9]  }
0x89: {  	s3 =	sld [smem:$0x3FFE];
	_ =	sdelay $0x1  }
0x8a: {  	s1 =	srdreg.scid  }
0x8b: {  	s0 =	sand.u32 $0x1, s1  }
0x8c: {  	s16 =	sshll.u32 s0, $0xA;
	s2 =	sadd.s32 s3, s2  }
0x8d: {  	s2 =	sadd.s32 s2, s16  }
0x8e: {  	[smem:$0x3FBB] =	sst s2  }
0x8f: {  	_ = 	snop  }
0x90: {  	(tm) =	ssettm $0x1  }
0x91: {  	s17 =	sld [smem:$0x3FFB];
	_ =	sdelay $0x3  }
0x92: {  	_ =	strace s17  }
0x93: {  	s2 =	sld [smem:$0x3FFC];
	_ =	sdelay $0x3  }
0x94: {  	_ =	strace s2  }
0x95: {  	s2 =	sld [smem:$0x3FFD];
	_ =	sdelay $0x3  }
0x96: {  	_ =	strace s2  }
0x97: {  	_ =	strace $0x8FFFFFFF  }
0x98: {  	s18 =	sld [smem:$0x3FDB];
	_ =	sdelay $0x1  }
0x99: {  	s19 =	simm.s32 $_scs_section_size  }
0x9a: {  	s4 =	simm.s32 $_size__tile_overlayer_lowered;
	s5 =	simm.s32 $_tile_overlayer_lowered  }
0x9b: {  	s22 =	simm.s32 $0x1BFF;
	s21 =	sshll.u32 s5, $0x1;
	s2 =	sadd.s32 s19, s18  }
0x9c: {  	s6 =	simm.s32 $0x0;
	s20 =	sshll.u32 s4, $0x1;
	s4 =	sadd.s32 s21, s2  }
0x9d: {  	[timem:s6], [sflag:s22] =	dma.local [hbm:s4], s20  }
0x9e: {  	_ =	swait.ge [sflag:s22], s20  }
0x9f: {  	s3 =	ssub.s32 $0x0, s20;
	[sflag:s22] =	ssyncset.done $0x0  }
0xa0: {  	[sflag:s22] =	ssyncadd.s32 s3;
	_ =	sdelay $0x1  }
0xa1: {  	s23 =	simm.s32 $0x1B8B  }
0xa2: {  	_ =	swait.ge [sflag:s23], $0x1  }
0xa3: {  	[sflag:s23] =	ssyncset.done $0x0  }
0xa4: {  	s25 =	simm.s32 $0x1B8E;
	s24 =	sld [smem:$0x3FFE];
	[sflag:s23] =	ssyncadd.s32 $0xFFFFFFFF  }
0xa5: {  	s26 =	simm.s32 $execute0_lowered;
	[smem:$0x3FD2] =	sst s25  }
0xa6: {  	s4 =	sshll.u32 s26, $0x1;
	_ =	strace $0x80000046;
	[dreg:$0x1] =	wrdreg $0xFFFFFFFF  }
0xa7: {  	s28 =	simm.s32 $_size_execute0_lowered;
	s2 =	sadd.s32 s2, s4;
	[dreg:$0x0] =	wrdreg $0x0  }
0xa8: {  	s4 =	sshll.u32 s28, $0x1;
	[dreg:$0x2] =	wrdreg s2  }
0xa9: {  	[dreg:$0x3] =	wrdreg s4  }
0xaa: {  	[dreg:$0x4] =	wrdreg $0xC0  }
0xab: {  	_ =	task [dreg:s6], $0x5FFFF  }
0xac: {  	[dreg:$0x1] =	wrdreg $0xFFFFFFFF  }
0xad: {  	[dreg:$0x0] =	wrdreg $0x60  }
0xae: {  	[dreg:$0x2] =	wrdreg s24  }
0xaf: {  	[dreg:$0x3] =	wrdreg $0x68000  }
0xb0: {  	[dreg:$0x4] =	wrdreg $0x9  }
0xb1: {  	_ =	task.clear_ibuf [dreg:s6], $0x5FFFF;
	_ =	strace $0x90000046  }
0xb2: {  	s29 =	simm.s32 $0x9;
	_ =	strace $0x80000048  }
0xb3: {  	_ =	swait.ge [sflag:s29], $0x1  }
0xb4: {  	[sflag:s29] =	ssyncadd.s32 $0xFFFFFFFF  }
0xb5: {  	_ =	strace $0x90000048  }
0xb6: {  	_ =	sfence  }
0xb7: {  	s30 =	sld [smem:$0x0];
	_ =	sdelay $0x2  }
0xb8: {  	s31 =	sshll.u32 s1, $0xD;
	s1 =	sshrl.u32 s1, $0x2  }
0xb9: {  	s3 =	sand.u32 $0x4000, s31;
	s1 =	sadd.s32 s1, s30  }
0xba: {  	s0 =	sor.u32 s3, s0;
	s1 =	sshll.u32 s1, $0x11  }
0xbb: {  	s0 =	sor.u32 s1, s0  }
0xbc: {  	s0 =	sadd.s32 $0x8F2B, s0  }
0xbd: {  	[sflag:s0] =	ssyncadd.remote.s32 $0x1  }
0xbe: {  	_ =	sfence.sel $0xFFFF  }
0xbf: {  	[dreg:$0x0] =	wrdreg $0xFFFFFFFF;
	(pc) =	sbr.abs _section_cstart, $3  }
0xc0: {  	[dreg:$0x1] =	wrdreg $0xFFFFFFFF  }
0xc1: {  	_ =	task.clear_ibuf [dreg:s6], $0x2FFFF;
	_ =	strace $0x9FFFFFFF  }
0xc2: {  	(tm) =	ssettm $0x7FFFFFFF  }
0xc3: {  	_ =	shalt  }
tec
execute0_lowered:
.L_overlay_start_1:
0x0: {  	(tag) =	ssettag $0x1  }
0x1: {  	s0 =	srdreg.scid;
	s5 =	rddreg [dreg:$0x0]  }
0x2: {  	s2 =	rddreg [dreg:$0x1];
	s3 =	simm.s32 $0x0;
	s12 =	simm.s32 $0x1  }
0x3: {  	s13 =	simm.s32 $0x2800;
	s14 =	simm.s32 $0x80;
	s4 =	sand.u32 $0x1, s0  }
0x4: {  	s17 =	simm.s32 $0x0;
	s0 =	stileid.u32;
	s7 =	smul.u32 $0x140000, s4  }
0x5: {  	[smem:$0x7FF] =	sst s3;
	s1 =	sshll.u32 s4, $0x4;
	s8 =	smul.u32 $0x14000, s0  }
0x6: {  	s9 =	smul.u32 $0x50000, s0;
	s29 =	ssub.s32 $0x2, s4;
	s15 =	sshll.u32 s0, $0x6  }
0x7: {  	s1 =	sor.u32 s0, s1;
	s31 =	sshrl.u32 s29, $0x1;
	s15 =	sor.u32 $0x1C01, s15  }
0x8: {  	s6 =	smul.u32 $0x500, s1;
	s1 =	rddreg [dreg:$0x2];
	_ =	strace $0x80000047  }
0x9: {  	s7 =	sadd.s32 s8, s7;
	s30 =	sshrl.u32 s9, $0x2;
	s11 =	ssub.s32 s29, s31  }
0xa: {  	s7 =	sshrl.u32 s7, $0x3;
	s4 =	sadd.s32 s30, s2;
	s11 =	smax.u32 s11, $0x1  }
0xb: {  	s6 =	sadd.s32 s6, s5;
	s10 =	sadd.s32 s7, s5;
	s7 =	sadd.s32 $0x8000, s4  }
0xc: {  	s8 =	sadd.s32 $0xC000, s4;
	s9 =	sadd.s32 $0x10000, s4;
	s16 =	sshrl.u32 s4, $0x3  }
0xd: {  	v0 =	vimm.f32 $0.0e+00;
	v1 =	vimm.f32 $1.000000000e+00;
	s5 =	sadd.s32 $0x3000, s6;
	s6 =	sadd.s32 $0x4000, s4;
	s10 =	sadd.s32 $0xD000, s10  }
.LBB2_1:
0xe: {  	[tilespmem:s3], [sflag:$0x1] =	stream.linear.gather [hbm4b:s5+s3], $0x2800, $0x38;
	[tilespmem:$0x1A800] =	vst v63  }
0xf: {  	_ =	swait.ge [sflag:s12], $0x2800  }
0x10: {  	[sflag:s12] =	ssyncset.done $0x0  }
0x11: {  	s18 =	simm.s32 $0x0;
	s19 =	simm.s32 $0x200;
	[sflag:s12] =	ssyncadd.s32 $0xFFFFD800  }
.LBB2_2:
0x12: {  	p0 =	sne.s32 s19, $0xFE00;
	[tilespmem:s18+$0x2870] =	vst v0  }
0x13: {  	[tilespmem:s18+$0x2800] =	vst v0  }
0x14: {  	[tilespmem:s18+$0x2810] =	vst v0  }
.Ltmp0:
0x15: {  	[tilespmem:s18+$0x2820] =	vst v0;
	(pc) =	sbr.rel @p0 .LBB2_2-.Ltmp0, $4  }
0x16: {  	[tilespmem:s18+$0x2830] =	vst v0  }
0x17: {  	[tilespmem:s18+$0x2840] =	vst v0  }
0x18: {  	[tilespmem:s18+$0x2850] =	vst v0  }
0x19: {  	[tilespmem:s18+$0x2860] =	vst v0;
	s18 =	sshra.s32 s19, $0x2;
	s19 =	sadd.s32 $0x200, s19  }
0x1a: {  	[tilespmem:s18+$0x2870] =	vst v0  }
0x1b: {  	[tilespmem:s18+$0x2800] =	vst v0  }
0x1c: {  	[tilespmem:s18+$0x2810] =	vst v0  }
0x1d: {  	[tilespmem:s18+$0x2820] =	vst v0  }
0x1e: {  	[tilespmem:s18+$0x2830] =	vst v0  }
0x1f: {  	[tilespmem:s18+$0x2840] =	vst v0  }
0x20: {  	[tilespmem:s18+$0x2850] =	vst v0  }
0x21: {  	[tilespmem:s18+$0x2860] =	vst v0  }
0x22: {  	[spmem:s4] =	stream.linear.scatter [tilespmem:s13], [sflag:$0x1], $0x4000, $0x38;
	[tilespmem:$0x1A800] =	vst v63  }
0x23: {  	_ =	swait.ge [sflag:s12], $0x4000  }
0x24: {  	[sflag:s12] =	ssyncset.done $0x0  }
0x25: {  	[sflag:s12] =	ssyncadd.s32 $0xFFFFC000  }
0x26: {  	[spmem:s6] =	stream.linear.scatter [tilespmem:s13], [sflag:$0x1], $0x4000, $0x38;
	[tilespmem:$0x1A800] =	vst v63  }
0x27: {  	_ =	swait.ge [sflag:s12], $0x4000  }
0x28: {  	[sflag:s12] =	ssyncset.done $0x0  }
0x29: {  	[sflag:s12] =	ssyncadd.s32 $0xFFFFC000  }
0x2a: {  	[spmem:s7] =	stream.linear.scatter [tilespmem:s13], [sflag:$0x1], $0x4000, $0x38;
	[tilespmem:$0x1A800] =	vst v63  }
0x2b: {  	_ =	swait.ge [sflag:s12], $0x4000  }
0x2c: {  	[sflag:s12] =	ssyncset.done $0x0  }
0x2d: {  	[sflag:s12] =	ssyncadd.s32 $0xFFFFC000  }
0x2e: {  	[spmem:s8] =	stream.linear.scatter [tilespmem:s13], [sflag:$0x1], $0x4000, $0x38;
	[tilespmem:$0x1A800] =	vst v63  }
0x2f: {  	_ =	swait.ge [sflag:s12], $0x4000  }
0x30: {  	[sflag:s12] =	ssyncset.done $0x0  }
0x31: {  	[sflag:s12] =	ssyncadd.s32 $0xFFFFC000  }
0x32: {  	[spmem:s9] =	stream.linear.scatter [tilespmem:s13], [sflag:$0x1], $0x4000, $0x38;
	[tilespmem:$0x1A800] =	vst v63  }
0x33: {  	_ =	swait.ge [sflag:s12], $0x4000  }
0x34: {  	[sflag:s12] =	ssyncset.done $0x0  }
0x35: {  	[sflag:s12] =	ssyncadd.s32 $0xFFFFC000  }
0x36: {  	s18 =	simm.s32 $0x0;
	s19 =	simm.s32 $0x200;
	[bflag:$0x0] =	sbarrier.arrive $0xFFFF  }
.LBB2_4:
0x37: {  	p0 =	sne.s32 s19, $0xFE00;
	[tilespmem:s18+$0x2870] =	vst v1  }
0x38: {  	[tilespmem:s18+$0x2800] =	vst v1  }
0x39: {  	[tilespmem:s18+$0x2810] =	vst v1  }
.Ltmp1:
0x3a: {  	[tilespmem:s18+$0x2820] =	vst v1;
	(pc) =	sbr.rel @p0 .LBB2_4-.Ltmp1, $4  }
0x3b: {  	[tilespmem:s18+$0x2830] =	vst v1  }
0x3c: {  	[tilespmem:s18+$0x2840] =	vst v1  }
0x3d: {  	[tilespmem:s18+$0x2850] =	vst v1  }
0x3e: {  	[tilespmem:s18+$0x2860] =	vst v1;
	s18 =	sshra.s32 s19, $0x2;
	s19 =	sadd.s32 $0x200, s19  }
0x3f: {  	[tilespmem:s18+$0x2870] =	vst v1  }
0x40: {  	[tilespmem:s18+$0x2800] =	vst v1  }
0x41: {  	[tilespmem:s18+$0x2810] =	vst v1  }
0x42: {  	[tilespmem:s18+$0x2820] =	vst v1  }
0x43: {  	[tilespmem:s18+$0x2830] =	vst v1  }
0x44: {  	[tilespmem:s18+$0x2840] =	vst v1  }
0x45: {  	[tilespmem:s18+$0x2850] =	vst v1  }
0x46: {  	[tilespmem:s18+$0x2860] =	vst v1;
	s31 =	simm.s32 $0x0  }
0x47: {  	[spmem:s2] =	stream.indirect.scatter.add.f32 [tilespmem:s13], [sflag:$0x1], $0x80, s31, s14, $0xb8;
	[tilespmem:$0x1A800] =	vst v63  }
0x48: {  	_ =	swait.ge [sflag:s12], $0x4000  }
0x49: {  	s18 =	simm.s32 $0x200;
	[sflag:s12] =	ssyncset.done $0x0  }
.LBB2_6:
0x4a: {  	s19 =	sshra.s32 s18, $0x2;
	[sflag:s12] =	ssyncadd.s32 $0xFFFFC000;
	p0 =	sne.s32 s18, $0x9E00  }
0x4b: {  	[spmem:s2] =	stream.indirect.scatter.add.f32 [tilespmem:s13], [sflag:$0x1], $0x80, s19, s14, $0xb8;
	[tilespmem:$0x1A800] =	vst v63  }
.Ltmp2:
0x4c: {  	_ = 	snop;
	(pc) =	sbr.rel @p0 .LBB2_6-.Ltmp2, $4  }
0x4d: {  	_ = 	snop  }
0x4e: {  	s18 =	sadd.s32 $0x200, s18  }
0x4f: {  	_ =	swait.ge [sflag:s12], $0x4000  }
0x50: {  	[sflag:s12] =	ssyncset.done $0x0  }
0x51: {  	s17 =	sadd.s32 $0x1, s17  }
0x52: {  	[sflag:s12] =	ssyncadd.s32 $0xFFFFC000;
	p0 =	sne.s32 s17, s11  }
.Ltmp3:
0x53: {  	[bflag:$0x0] =	sbarrier.arrive $0xFFFF;
	(pc) =	sbr.rel @p0 .LBB2_1-.Ltmp3, $4  }
0x54: {  	[hbm:s10], [sflag:s15] =	dma.local [spmem:s16], $0x2800  }
0x55: {  	_ =	swait.ge [sflag:s12], $0x2800  }
0x56: {  	[sflag:s12] =	ssyncset.done $0x0  }
0x57: {  	[sflag:s12] =	ssyncadd.s32 $0xFFFFD800  }
0x58: {  	_ =	sfence.sel $0x180000  }
0x59: {  	[bflag:$0x0] =	sbarrier.arrive $0xFFFF  }
0x5a: {  	p0 =	sne.s32 s0, $0x0;
	_ =	strace $0x90000047  }
0x5b: {  	s0 =	sadd.s32 @!p0 $0x100000, s1;
	[bflag:$0x2] =	sbarrier.arrive $0xFFFF  }
0x5c: {  	[sflag:s0] =	ssyncadd.tile.s32 @!p0 $0x1;
	_ =	shalt  }
.Lfunc_end2:
_tile_overlayer_lowered:
.L_overlay_start_2:
0x5d: {  	(tag) =	ssettag $0x2  }
0x5e: {  	s0 =	rddreg [dreg:$0x0];
	s2 =	stileid.u32  }
0x5f: {  	s1 =	rddreg [dreg:$0x1];
	p0 =	sne.s32 s2, $0x0  }
0x60: {  	s3 =	rddreg [dreg:$0x2];
	[bflag:$0x3] =	sbarrier.arrive $0xFFFF;
	s2 =	simm.s32 @!p0 $0x1C01  }
0x61: {  	[timem:s3], [sflag:s2] =	dma.local @!p0 [hbm:s0], s1  }
0x62: {  	s0 =	simm.s32 @!p0 $0x1  }
0x63: {  	_ =	swait.ge @!p0 [sflag:s0], s1  }
0x64: {  	s1 =	ssub.s32 @!p0 $0x0, s1;
	[sflag:s0] =	ssyncset.done @!p0 $0x0  }
0x65: {  	[sflag:s0] =	ssyncadd.s32 @!p0 s1  }
0x66: {  	[bflag:$0x3] =	sbarrier.arrive $0xFFFF  }
0x67: {  	_ =	shalt  }

// kernel: kernel.13.cloned.1.call-start
scs
__scs_entry_jumppad:
0x0: {  	(pc) =	sbr.rel $0x88, $3  }
0x1: {  	(tag) =	ssettag $0x0;
	lr =	simm.s32 $0x1  }
0x2: {  	[smem:$0x3F94] =	sst lr;
	_ =	strace $0xD0000000  }
0x3: {  	_ = 	snop  }
0x4: {  	_ = 	snop  }
0x5: {  	_ = 	snop  }
0x6: {  	_ = 	snop  }
0x7: {  	_ = 	snop  }
__scs_overlays_trampoline_lowered:
0x8: {  	[smem:$0x3FA3] =	sst s0  }
0x9: {  	[smem:$0x3FA4] =	sst s1  }
0xa: {  	[smem:$0x3FA5] =	sst s2  }
0xb: {  	[smem:$0x3FA6] =	sst s3  }
0xc: {  	[smem:$0x3FA7] =	sst s4  }
0xd: {  	[smem:$0x3FA8] =	sst s5  }
0xe: {  	[smem:$0x3FA9] =	sst s6  }
0xf: {  	[smem:$0x3FAA] =	sst s7  }
0x10: {  	[smem:$0x3FAB] =	sst s8  }
0x11: {  	[smem:$0x3FAC] =	sst s9;
	s0 =	simm.s32 @!p0 $0x0  }
0x12: {  	s1 =	sld [smem:$0x3F92];
	s0 =	simm.s32 @p0 $0x1  }
0x13: {  	[smem:$0x3FAD] =	sst s0;
	s0 =	simm.s32 @!p1 $0x0  }
0x14: {  	s2 =	sld [smem:$0x3F91];
	s0 =	simm.s32 @p1 $0x1  }
0x15: {  	[smem:$0x3FAE] =	sst s0;
	s0 =	simm.s32 @!p2 $0x0  }
0x16: {  	s3 =	sld [smem:$0x3FDB];
	s0 =	simm.s32 @p2 $0x1  }
0x17: {  	s4 =	simm.s32 $0x1BF5;
	[smem:$0x3FB0] =	sst s0  }
0x18: {  	s0 =	sld [smem:$0x3F93];
	_ =	swait.ge [sflag:s4], $0x0  }
0x19: {  	s7 =	sld [smem:$0x3F94]  }
0x1a: {  	s8 =	sadd.s32 $0xFFFFE003, lr  }
0x1b: {  	s9 =	sadd.s32 $0xFFFFFEF7, lr;
	s5 =	simm.s32 $0xFFFFFFFF;
	p2 =	slt.u32 s8, $0xFFFFF086  }
0x1c: {  	p1 =	slt.u32 s9, $0xF7A;
	s5 =	simm.s32 @!p2 $0x0  }
0x1d: {  	s5 =	simm.s32 @p1 $0x1;
	p0 =	seq.s32 s7, s2  }
0x1e: {  	s7 =	smul.u32 @!p0 $0xF7A, s2;
	p2 =	seq.s32 @!p0 s5, $0x0  }
0x1f: {  	s9 =	smul.u32 $0xF7A, s1;
	s8 =	simm.s32 @!p0 $0x1BF5;
	p2 =	por !p2, p0  }
0x20: {  	[sflag:s8] =	ssyncset.s32 @!p0 $0xFFFFF086;
	s6 =	sadd.s32 @!p0 s3, s7;
	s7 =	simm.s32 @!p0 $0x108  }
0x21: {  	s3 =	sadd.s32 s3, s9;
	s6 =	sadd.s32 @!p0 $0x88, s6;
	s7 =	simm.s32 @p2 $0x1082  }
0x22: {  	[simem:s7], [sflag:s8] =	dma.local @!p0 [hbm:s6], $0xF7A  }
0x23: {  	s9 =	sor.u32 $0xD0000000, s2;
	s6 =	simm.s32 $0x108;
	_ =	swait.ge @!p0 [sflag:s8], $0x0  }
0x24: {  	s3 =	sadd.s32 $0x88, s3;
	s6 =	simm.s32 @!p1 $0x1082;
	[sflag:s4] =	ssyncset.s32 $0xFFFFF086  }
0x25: {  	[simem:s6], [sflag:s4] =	dma.local [hbm:s3], $0xF7A  }
0x26: {  	[smem:$0x3F94] =	sst s1;
	(tag) =	ssettag s2;
	_ =	strace s9  }
0x27: {  	s1 =	sld [smem:$0x3FA4]  }
0x28: {  	s2 =	sld [smem:$0x3FA5]  }
0x29: {  	s4 =	sld [smem:$0x3FA7]  }
0x2a: {  	p0 =	seq.s32 s5, $0x0;
	s5 =	sld [smem:$0x3FA8]  }
0x2b: {  	s6 =	sld [smem:$0x3FA9]  }
0x2c: {  	s7 =	sld [smem:$0x3FAA]  }
0x2d: {  	s3 =	simm.s32 $0x108;
	s8 =	sld [smem:$0x3FAB]  }
0x2e: {  	s3 =	simm.s32 @!p0 $0x1082;
	s9 =	sld [smem:$0x3FAC]  }
0x2f: {  	lr =	sadd.s32 s0, s3;
	s0 =	sld [smem:$0x3FA3]  }
0x30: {  	s3 =	sld [smem:$0x3FA6]  }
0x31: {  	[smem:$0x3FAF] =	sst s10  }
0x32: {  	s10 =	sld [smem:$0x3FAD];
	_ =	sdelay $0x3  }
0x33: {  	p0 =	seq.s32 s10, $0x1;
	s10 =	sld [smem:$0x3FAF];
	_ =	sdelay $0x3  }
0x34: {  	[smem:$0x3FAF] =	sst s10  }
0x35: {  	s10 =	sld [smem:$0x3FAE];
	_ =	sdelay $0x3  }
0x36: {  	p1 =	seq.s32 s10, $0x1;
	s10 =	sld [smem:$0x3FAF];
	_ =	sdelay $0x3  }
0x37: {  	[smem:$0x3FAF] =	sst s10  }
0x38: {  	s10 =	sld [smem:$0x3FB0]  }
0x39: {  	_ = 	snop;
	(pc) =	sbr.ind lr, $3  }
0x3a: {  	_ = 	snop  }
0x3b: {  	_ = 	snop  }
0x3c: {  	p2 =	seq.s32 s10, $0x1;
	s10 =	sld [smem:$0x3FAF]  }
0x3d: {  	_ =	shalt  }
0x3e: {  	_ =	shalt  }
0x3f: {  	_ =	shalt  }
0x40: {  	_ =	shalt  }
0x41: {  	_ =	shalt  }
0x42: {  	_ =	shalt  }
0x43: {  	_ =	shalt  }
0x44: {  	_ =	shalt  }
0x45: {  	_ =	shalt  }
0x46: {  	_ =	shalt  }
0x47: {  	_ =	shalt  }
0x48: {  	_ =	shalt  }
0x49: {  	_ =	shalt  }
0x4a: {  	_ =	shalt  }
0x4b: {  	_ =	shalt  }
0x4c: {  	_ =	shalt  }
0x4d: {  	_ =	shalt  }
0x4e: {  	_ =	shalt  }
0x4f: {  	_ =	shalt  }
0x50: {  	_ =	shalt  }
0x51: {  	_ =	shalt  }
0x52: {  	_ =	shalt  }
0x53: {  	_ =	shalt  }
0x54: {  	_ =	shalt  }
0x55: {  	_ =	shalt  }
0x56: {  	_ =	shalt  }
0x57: {  	_ =	shalt  }
0x58: {  	_ =	shalt  }
0x59: {  	_ =	shalt  }
0x5a: {  	_ =	shalt  }
0x5b: {  	_ =	shalt  }
0x5c: {  	_ =	shalt  }
0x5d: {  	_ =	shalt  }
0x5e: {  	_ =	shalt  }
0x5f: {  	_ =	shalt  }
0x60: {  	_ =	shalt  }
0x61: {  	_ =	shalt  }
0x62: {  	_ =	shalt  }
0x63: {  	_ =	shalt  }
0x64: {  	_ =	shalt  }
0x65: {  	_ =	shalt  }
0x66: {  	_ =	shalt  }
0x67: {  	_ =	shalt  }
0x68: {  	_ =	shalt  }
0x69: {  	_ =	shalt  }
0x6a: {  	_ =	shalt  }
0x6b: {  	_ =	shalt  }
0x6c: {  	_ =	shalt  }
0x6d: {  	_ =	shalt  }
0x6e: {  	_ =	shalt  }
0x6f: {  	_ =	shalt  }
0x70: {  	_ =	shalt  }
0x71: {  	_ =	shalt  }
0x72: {  	_ =	shalt  }
0x73: {  	_ =	shalt  }
0x74: {  	_ =	shalt  }
0x75: {  	_ =	shalt  }
0x76: {  	_ =	shalt  }
0x77: {  	_ =	shalt  }
0x78: {  	_ =	shalt  }
0x79: {  	_ =	shalt  }
0x7a: {  	_ =	shalt  }
0x7b: {  	_ =	shalt  }
0x7c: {  	_ =	shalt  }
0x7d: {  	_ =	shalt  }
0x7e: {  	_ =	shalt  }
0x7f: {  	_ =	shalt  }
0x80: {  	_ =	shalt  }
0x81: {  	_ =	shalt  }
0x82: {  	_ =	shalt  }
0x83: {  	_ =	shalt  }
0x84: {  	_ =	shalt  }
0x85: {  	_ =	shalt  }
0x86: {  	_ =	shalt  }
0x87: {  	_ =	shalt  }
.Lfunc_end0:
.L_simem_size_0:
called_computation.1_lowered:
.L_overlay_start_0:
0x88: {  	s2 =	sld [smem:$0x3FD9]  }
0x89: {  	s3 =	sld [smem:$0x3FFE];
	_ =	sdelay $0x1  }
0x8a: {  	s1 =	srdreg.scid  }
0x8b: {  	s0 =	sand.u32 $0x1, s1  }
0x8c: {  	s16 =	sshll.u32 s0, $0xA;
	s2 =	sadd.s32 s3, s2  }
0x8d: {  	s2 =	sadd.s32 s2, s16  }
0x8e: {  	[smem:$0x3FBB] =	sst s2  }
0x8f: {  	_ = 	snop  }
0x90: {  	(tm) =	ssettm $0x1  }
0x91: {  	s17 =	sld [smem:$0x3FFB];
	_ =	sdelay $0x3  }
0x92: {  	_ =	strace s17  }
0x93: {  	s2 =	sld [smem:$0x3FFC];
	_ =	sdelay $0x3  }
0x94: {  	_ =	strace s2  }
0x95: {  	s2 =	sld [smem:$0x3FFD];
	_ =	sdelay $0x3  }
0x96: {  	_ =	strace s2  }
0x97: {  	_ =	strace $0x8FFFFFFF  }
0x98: {  	s18 =	sld [smem:$0x3FDB];
	_ =	sdelay $0x1  }
0x99: {  	s19 =	simm.s32 $_scs_section_size  }
0x9a: {  	s4 =	simm.s32 $_size__tile_overlayer_lowered;
	s5 =	simm.s32 $_tile_overlayer_lowered  }
0x9b: {  	s22 =	simm.s32 $0x1BFF;
	s21 =	sshll.u32 s5, $0x1;
	s2 =	sadd.s32 s19, s18  }
0x9c: {  	s6 =	simm.s32 $0x0;
	s20 =	sshll.u32 s4, $0x1;
	s4 =	sadd.s32 s21, s2  }
0x9d: {  	[timem:s6], [sflag:s22] =	dma.local [hbm:s4], s20  }
0x9e: {  	_ =	swait.ge [sflag:s22], s20  }
0x9f: {  	s3 =	ssub.s32 $0x0, s20;
	[sflag:s22] =	ssyncset.done $0x0  }
0xa0: {  	[sflag:s22] =	ssyncadd.s32 s3;
	_ =	sdelay $0x1  }
0xa1: {  	s23 =	simm.s32 $0x1B8B  }
0xa2: {  	_ =	swait.ge [sflag:s23], $0x1  }
0xa3: {  	[sflag:s23] =	ssyncset.done $0x0  }
0xa4: {  	s25 =	simm.s32 $0x1B8E;
	s24 =	sld [smem:$0x3FFE];
	[sflag:s23] =	ssyncadd.s32 $0xFFFFFFFF  }
0xa5: {  	s26 =	simm.s32 $execute0_lowered;
	[smem:$0x3FD2] =	sst s25  }
0xa6: {  	s4 =	sshll.u32 s26, $0x1;
	_ =	strace $0x80000049;
	[dreg:$0x1] =	wrdreg $0xFFFFFFFF  }
0xa7: {  	s28 =	simm.s32 $_size_execute0_lowered;
	s2 =	sadd.s32 s2, s4;
	[dreg:$0x0] =	wrdreg $0x0  }
0xa8: {  	s4 =	sshll.u32 s28, $0x1;
	[dreg:$0x2] =	wrdreg s2  }
0xa9: {  	[dreg:$0x3] =	wrdreg s4  }
0xaa: {  	[dreg:$0x4] =	wrdreg $0xC0  }
0xab: {  	_ =	task [dreg:s6], $0x5FFFF  }
0xac: {  	[dreg:$0x1] =	wrdreg $0xFFFFFFFF  }
0xad: {  	[dreg:$0x0] =	wrdreg $0x60  }
0xae: {  	[dreg:$0x2] =	wrdreg s24  }
0xaf: {  	[dreg:$0x3] =	wrdreg $0x90000  }
0xb0: {  	[dreg:$0x4] =	wrdreg $0x9  }
0xb1: {  	_ =	task.clear_ibuf [dreg:s6], $0x5FFFF;
	_ =	strace $0x90000049  }
0xb2: {  	s29 =	simm.s32 $0x9;
	_ =	strace $0x8000004B  }
0xb3: {  	_ =	swait.ge [sflag:s29], $0x1  }
0xb4: {  	[sflag:s29] =	ssyncadd.s32 $0xFFFFFFFF  }
0xb5: {  	_ =	strace $0x9000004B  }
0xb6: {  	_ =	sfence  }
0xb7: {  	s30 =	sld [smem:$0x0];
	_ =	sdelay $0x2  }
0xb8: {  	s31 =	sshll.u32 s1, $0xD;
	s1 =	sshrl.u32 s1, $0x2  }
0xb9: {  	s3 =	sand.u32 $0x4000, s31;
	s1 =	sadd.s32 s1, s30  }
0xba: {  	s0 =	sor.u32 s3, s0;
	s1 =	sshll.u32 s1, $0x11  }
0xbb: {  	s0 =	sor.u32 s1, s0  }
0xbc: {  	s0 =	sadd.s32 $0x8F2B, s0  }
0xbd: {  	[sflag:s0] =	ssyncadd.remote.s32 $0x1  }
0xbe: {  	_ =	sfence.sel $0xFFFF  }
0xbf: {  	[dreg:$0x0] =	wrdreg $0xFFFFFFFF;
	(pc) =	sbr.abs _section_cstart, $3  }
0xc0: {  	[dreg:$0x1] =	wrdreg $0xFFFFFFFF  }
0xc1: {  	_ =	task.clear_ibuf [dreg:s6], $0x2FFFF;
	_ =	strace $0x9FFFFFFF  }
0xc2: {  	(tm) =	ssettm $0x7FFFFFFF  }
0xc3: {  	_ =	shalt  }
tec
execute0_lowered:
.L_overlay_start_1:
0x0: {  	(tag) =	ssettag $0x1  }
0x1: {  	s0 =	srdreg.scid;
	s1 =	rddreg [dreg:$0x0]  }
0x2: {  	s8 =	stileid.u32;
	s2 =	rddreg [dreg:$0x1]  }
0x3: {  	s3 =	simm.s32 $0x0;
	s13 =	simm.s32 $0x880;
	s14 =	simm.s32 $0x100  }
0x4: {  	s16 =	simm.s32 $0x900;
	s18 =	simm.s32 $0x180;
	[smem:$0x7FF] =	sst s3  }
0x5: {  	s19 =	simm.s32 $0x980;
	_ =	strace $0x8000004A;
	[dreg:$0x5] =	wrdreg s13  }
0x6: {  	s20 =	simm.s32 $0x200;
	s21 =	simm.s32 $0xA00;
	[dreg:$0x6] =	wrdreg s14  }
0x7: {  	s22 =	simm.s32 $0x280;
	s23 =	simm.s32 $0xA80;
	[dreg:$0x7] =	wrdreg s16  }
0x8: {  	s24 =	simm.s32 $0x300;
	s25 =	simm.s32 $0xB00;
	[dreg:$0x8] =	wrdreg s18  }
0x9: {  	s26 =	simm.s32 $0x380;
	s28 =	simm.s32 $0xD80;
	[dreg:$0x9] =	wrdreg s19  }
0xa: {  	s29 =	simm.s32 $0x600;
	s5 =	smul.u32 $0x2800, s8;
	[dreg:$0xa] =	wrdreg s20  }
0xb: {  	s30 =	simm.s32 $0xE00;
	s7 =	smul.u32 $0x14000, s8;
	[dreg:$0xb] =	wrdreg s21  }
0xc: {  	s0 =	sand.u32 $0x1, s0;
	s8 =	smul.u32 $0x50000, s8;
	[dreg:$0xc] =	wrdreg s22  }
0xd: {  	s31 =	simm.s32 $0x680;
	s4 =	smul.u32 $0x28000, s0;
	[dreg:$0xd] =	wrdreg s23  }
0xe: {  	s6 =	smul.u32 $0x140000, s0;
	s0 =	ssub.s32 $0x2, s0;
	[dreg:$0xe] =	wrdreg s24  }
0xf: {  	s13 =	simm.s32 $0x3;
	s14 =	simm.s32 $0x800;
	[dreg:$0xf] =	wrdreg s25  }
0x10: {  	s16 =	simm.s32 $0x1;
	s18 =	simm.s32 $0x2;
	[dreg:$0x10] =	wrdreg s26  }
0x11: {  	s19 =	simm.s32 $0xB80;
	s20 =	simm.s32 $0x400;
	s21 =	simm.s32 $0xC00  }
0x12: {  	s22 =	simm.s32 $0x480;
	s23 =	simm.s32 $0xC80;
	s24 =	simm.s32 $0x500  }
0x13: {  	s25 =	simm.s32 $0xD00;
	s26 =	simm.s32 $0x580;
	s9 =	sshrl.u32 s0, $0x1  }
0x14: {  	s11 =	sshrl.u32 s8, $0x2;
	s8 =	simm.s32 $0xF80;
	s5 =	sadd.s32 s5, s4  }
0x15: {  	s4 =	sadd.s32 $0xD000, s1;
	s6 =	sadd.s32 s7, s6;
	s0 =	ssub.s32 s0, s9  }
0x16: {  	s12 =	sadd.s32 s11, s2;
	s9 =	simm.s32 $0x0;
	s5 =	sshrl.u32 s5, $0x3  }
0x17: {  	s6 =	sshrl.u32 s6, $0x3;
	s7 =	sadd.s32 $0x4000, s12;
	[dreg:$0x11] =	wrdreg s12  }
0x18: {  	s15 =	sadd.s32 $0x8000, s12;
	s17 =	sadd.s32 $0xC000, s12;
	[dreg:$0x12] =	wrdreg s7  }
0x19: {  	s0 =	smax.u32 s0, $0x1;
	s5 =	sadd.s32 s5, s1;
	[dreg:$0x13] =	wrdreg s15  }
0x1a: {  	s1 =	sadd.s32 s6, s1;
	[dreg:$0x14] =	wrdreg s17;
	s6 =	sadd.s32 $0x10000, s12  }
0x1b: {  	[dreg:$0x17] =	wrdreg s0;
	s12 =	simm.s32 $0x1000;
	s15 =	simm.s32 $0x80  }
0x1c: {  	s17 =	simm.s32 $0x5000;
	s10 =	sadd.s32 $0x3000, s5;
	[dreg:$0x15] =	wrdreg s6  }
0x1d: {  	s0 =	simm.s32 $0x700;
	s5 =	sadd.s32 $0x5D000, s5;
	[dreg:$0x3] =	wrdreg s10  }
0x1e: {  	s7 =	simm.s32 $0x780;
	s1 =	sadd.s32 $0x67000, s1;
	[dreg:$0x4] =	wrdreg s5  }
0x1f: {  	v0 =	vimm.f32 $0.0e+00;
	s6 =	simm.s32 $0xF00;
	[dreg:$0x16] =	wrdreg s1;
	s1 =	simm.s32 $0xE80  }
.LBB2_1:
0x20: {  	s10 =	simm.s32 $0x0;
	s11 =	simm.s32 $0x200  }
.LBB2_2:
0x21: {  	p0 =	sne.s32 s11, $0xFE00;
	[tilespmem:s10+$0x1070] =	vst v0  }
0x22: {  	[tilespmem:s10+$0x1000] =	vst v0  }
0x23: {  	[tilespmem:s10+$0x1010] =	vst v0  }
.Ltmp0:
0x24: {  	[tilespmem:s10+$0x1020] =	vst v0;
	(pc) =	sbr.rel @p0 .LBB2_2-.Ltmp0, $4  }
0x25: {  	[tilespmem:s10+$0x1030] =	vst v0  }
0x26: {  	[tilespmem:s10+$0x1040] =	vst v0  }
0x27: {  	[tilespmem:s10+$0x1050] =	vst v0  }
0x28: {  	[tilespmem:s10+$0x1060] =	vst v0;
	s10 =	sshra.s32 s11, $0x2;
	s11 =	sadd.s32 $0x200, s11  }
0x29: {  	[tilespmem:s10+$0x1070] =	vst v0  }
0x2a: {  	[tilespmem:s10+$0x1000] =	vst v0  }
0x2b: {  	[tilespmem:s10+$0x1010] =	vst v0  }
0x2c: {  	[tilespmem:s10+$0x1020] =	vst v0  }
0x2d: {  	[tilespmem:s10+$0x1030] =	vst v0  }
0x2e: {  	[tilespmem:s10+$0x1040] =	vst v0  }
0x2f: {  	[dreg:$0x18] =	wrdreg s9;
	[tilespmem:s10+$0x1050] =	vst v0  }
0x30: {  	[tilespmem:s10+$0x1060] =	vst v0;
	s5 =	rddreg [dreg:$0x11]  }
0x31: {  	[spmem:s5] =	stream.linear.scatter [tilespmem:s12], [sflag:$0x3], $0x4000, $0x38;
	[tilespmem:$0x1D000] =	vst v63  }
0x32: {  	_ =	swait.ge [sflag:s13], $0x4000  }
0x33: {  	[sflag:s13] =	ssyncset.done $0x0  }
0x34: {  	s9 =	rddreg [dreg:$0x12];
	[sflag:s13] =	ssyncadd.s32 $0xFFFFC000  }
0x35: {  	[spmem:s9] =	stream.linear.scatter [tilespmem:s12], [sflag:$0x3], $0x4000, $0x38;
	[tilespmem:$0x1D000] =	vst v63  }
0x36: {  	_ =	swait.ge [sflag:s13], $0x4000  }
0x37: {  	[sflag:s13] =	ssyncset.done $0x0  }
0x38: {  	s10 =	rddreg [dreg:$0x13];
	[sflag:s13] =	ssyncadd.s32 $0xFFFFC000  }
0x39: {  	[spmem:s10] =	stream.linear.scatter [tilespmem:s12], [sflag:$0x3], $0x4000, $0x38;
	[tilespmem:$0x1D000] =	vst v63  }
0x3a: {  	_ =	swait.ge [sflag:s13], $0x4000  }
0x3b: {  	[sflag:s13] =	ssyncset.done $0x0  }
0x3c: {  	s11 =	rddreg [dreg:$0x14];
	[sflag:s13] =	ssyncadd.s32 $0xFFFFC000  }
0x3d: {  	[spmem:s11] =	stream.linear.scatter [tilespmem:s12], [sflag:$0x3], $0x4000, $0x38;
	[tilespmem:$0x1D000] =	vst v63  }
0x3e: {  	_ =	swait.ge [sflag:s13], $0x4000  }
0x3f: {  	[sflag:s13] =	ssyncset.done $0x0  }
0x40: {  	s9 =	rddreg [dreg:$0x15];
	[sflag:s13] =	ssyncadd.s32 $0xFFFFC000  }
0x41: {  	[spmem:s9] =	stream.linear.scatter [tilespmem:s12], [sflag:$0x3], $0x4000, $0x38;
	[tilespmem:$0x1D000] =	vst v63  }
0x42: {  	_ =	swait.ge [sflag:s13], $0x4000  }
0x43: {  	[sflag:s13] =	ssyncset.done $0x0  }
0x44: {  	[sflag:s13] =	ssyncadd.s32 $0xFFFFC000  }
0x45: {  	[bflag:$0x0] =	sbarrier.arrive $0xFFFF  }
0x46: {  	s10 =	rddreg [dreg:$0x4]  }
0x47: {  	s5 =	sadd.s32 $0x0, s10  }
0x48: {  	[tilespmem:s3], [sflag:$0x3] =	stream.linear.gather [hbm4b:s5+s3], $0x800, $0x38;
	[tilespmem:$0x1D000] =	vst v63  }
0x49: {  	_ =	swait.ge [sflag:s13], $0x800  }
0x4a: {  	s11 =	rddreg [dreg:$0x3];
	[sflag:s13] =	ssyncset.done $0x0  }
0x4b: {  	[sflag:s13] =	ssyncadd.s32 $0xFFFFF800;
	s5 =	sadd.s32 $0x0, s11  }
0x4c: {  	[tilespmem:s14], [sflag:$0x3] =	stream.linear.gather [hbm4b:s5+s3], $0x800, $0x38;
	[tilespmem:$0x1D000] =	vst v63  }
0x4d: {  	_ =	swait.ge [sflag:s13], $0x800  }
0x4e: {  	[sflag:s13] =	ssyncset.done $0x0  }
0x4f: {  	[sflag:s13] =	ssyncadd.s32 $0xFFFFF800  }
0x50: {  	[tilespmem:s12], [sflag:$0x1] =	stream.indirect.gather [hbm4b:s4+s15], $0x80, s3, s15, $0xb8;
	[tilespmem:$0x1D000] =	vst v63  }
0x51: {  	_ =	swait.ge [sflag:s16], $0x4000  }
0x52: {  	[sflag:s16] =	ssyncset.done $0x0  }
0x53: {  	[sflag:s16] =	ssyncadd.s32 $0xFFFFC000  }
0x54: {  	[spmem:s2] =	stream.indirect.scatter.add.f32 [tilespmem:s12], [sflag:$0x2], $0x80, s14, s15, $0xb8;
	[tilespmem:$0x1D000] =	vst v63  }
0x55: {  	_ = 	snop  }
0x56: {  	[tilespmem:s17], [sflag:$0x1] =	stream.indirect.gather [hbm4b:s4+s15], $0x80, s15, s15, $0xb8;
	[tilespmem:$0x1D000] =	vst v63  }
0x57: {  	_ =	swait.ge [sflag:s16], $0x4000  }
0x58: {  	[sflag:s16] =	ssyncset.done $0x0  }
0x59: {  	s9 =	rddreg [dreg:$0x5];
	[sflag:s16] =	ssyncadd.s32 $0xFFFFC000  }
0x5a: {  	[spmem:s2] =	stream.indirect.scatter.add.f32 [tilespmem:s17], [sflag:$0x2], $0x80, s9, s15, $0xb8;
	[tilespmem:$0x1D000] =	vst v63  }
0x5b: {  	_ =	swait.ge [sflag:s18], $0x4000  }
0x5c: {  	[sflag:s18] =	ssyncset.done $0x0  }
0x5d: {  	s10 =	rddreg [dreg:$0x6];
	[sflag:s18] =	ssyncadd.s32 $0xFFFFC000  }
0x5e: {  	[tilespmem:s12], [sflag:$0x1] =	stream.indirect.gather [hbm4b:s4+s15], $0x80, s10, s15, $0xb8;
	[tilespmem:$0x1D000] =	vst v63  }
0x5f: {  	_ =	swait.ge [sflag:s16], $0x4000  }
0x60: {  	[sflag:s16] =	ssyncset.done $0x0  }
0x61: {  	s11 =	rddreg [dreg:$0x7];
	[sflag:s16] =	ssyncadd.s32 $0xFFFFC000  }
0x62: {  	[spmem:s2] =	stream.indirect.scatter.add.f32 [tilespmem:s12], [sflag:$0x2], $0x80, s11, s15, $0xb8;
	[tilespmem:$0x1D000] =	vst v63  }
0x63: {  	_ =	swait.ge [sflag:s18], $0x4000  }
0x64: {  	[sflag:s18] =	ssyncset.done $0x0  }
0x65: {  	s9 =	rddreg [dreg:$0x8];
	[sflag:s18] =	ssyncadd.s32 $0xFFFFC000  }
0x66: {  	[tilespmem:s17], [sflag:$0x1] =	stream.indirect.gather [hbm4b:s4+s15], $0x80, s9, s15, $0xb8;
	[tilespmem:$0x1D000] =	vst v63  }
0x67: {  	_ =	swait.ge [sflag:s16], $0x4000  }
0x68: {  	[sflag:s16] =	ssyncset.done $0x0  }
0x69: {  	s10 =	rddreg [dreg:$0x9];
	[sflag:s16] =	ssyncadd.s32 $0xFFFFC000  }
0x6a: {  	[spmem:s2] =	stream.indirect.scatter.add.f32 [tilespmem:s17], [sflag:$0x2], $0x80, s10, s15, $0xb8;
	[tilespmem:$0x1D000] =	vst v63  }
0x6b: {  	_ =	swait.ge [sflag:s18], $0x4000  }
0x6c: {  	[sflag:s18] =	ssyncset.done $0x0  }
0x6d: {  	s11 =	rddreg [dreg:$0xa];
	[sflag:s18] =	ssyncadd.s32 $0xFFFFC000  }
0x6e: {  	[tilespmem:s12], [sflag:$0x1] =	stream.indirect.gather [hbm4b:s4+s15], $0x80, s11, s15, $0xb8;
	[tilespmem:$0x1D000] =	vst v63  }
0x6f: {  	_ =	swait.ge [sflag:s16], $0x4000  }
0x70: {  	[sflag:s16] =	ssyncset.done $0x0  }
0x71: {  	s9 =	rddreg [dreg:$0xb];
	[sflag:s16] =	ssyncadd.s32 $0xFFFFC000  }
0x72: {  	[spmem:s2] =	stream.indirect.scatter.add.f32 [tilespmem:s12], [sflag:$0x2], $0x80, s9, s15, $0xb8;
	[tilespmem:$0x1D000] =	vst v63  }
0x73: {  	_ =	swait.ge [sflag:s18], $0x4000  }
0x74: {  	[sflag:s18] =	ssyncset.done $0x0  }
0x75: {  	s10 =	rddreg [dreg:$0xc];
	[sflag:s18] =	ssyncadd.s32 $0xFFFFC000  }
0x76: {  	[tilespmem:s17], [sflag:$0x1] =	stream.indirect.gather [hbm4b:s4+s15], $0x80, s10, s15, $0xb8;
	[tilespmem:$0x1D000] =	vst v63  }
0x77: {  	_ =	swait.ge [sflag:s16], $0x4000  }
0x78: {  	[sflag:s16] =	ssyncset.done $0x0  }
0x79: {  	s11 =	rddreg [dreg:$0xd];
	[sflag:s16] =	ssyncadd.s32 $0xFFFFC000  }
0x7a: {  	[spmem:s2] =	stream.indirect.scatter.add.f32 [tilespmem:s17], [sflag:$0x2], $0x80, s11, s15, $0xb8;
	[tilespmem:$0x1D000] =	vst v63  }
0x7b: {  	_ =	swait.ge [sflag:s18], $0x4000  }
0x7c: {  	[sflag:s18] =	ssyncset.done $0x0  }
0x7d: {  	s9 =	rddreg [dreg:$0xe];
	[sflag:s18] =	ssyncadd.s32 $0xFFFFC000  }
0x7e: {  	[tilespmem:s12], [sflag:$0x1] =	stream.indirect.gather [hbm4b:s4+s15], $0x80, s9, s15, $0xb8;
	[tilespmem:$0x1D000] =	vst v63  }
0x7f: {  	_ =	swait.ge [sflag:s16], $0x4000  }
0x80: {  	[sflag:s16] =	ssyncset.done $0x0  }
0x81: {  	s10 =	rddreg [dreg:$0xf];
	[sflag:s16] =	ssyncadd.s32 $0xFFFFC000  }
0x82: {  	[spmem:s2] =	stream.indirect.scatter.add.f32 [tilespmem:s12], [sflag:$0x2], $0x80, s10, s15, $0xb8;
	[tilespmem:$0x1D000] =	vst v63  }
0x83: {  	_ =	swait.ge [sflag:s18], $0x4000  }
0x84: {  	[sflag:s18] =	ssyncset.done $0x0  }
0x85: {  	s11 =	rddreg [dreg:$0x10];
	[sflag:s18] =	ssyncadd.s32 $0xFFFFC000  }
0x86: {  	[tilespmem:s17], [sflag:$0x1] =	stream.indirect.gather [hbm4b:s4+s15], $0x80, s11, s15, $0xb8;
	[tilespmem:$0x1D000] =	vst v63  }
0x87: {  	_ =	swait.ge [sflag:s16], $0x4000  }
0x88: {  	[sflag:s16] =	ssyncset.done $0x0  }
0x89: {  	[sflag:s16] =	ssyncadd.s32 $0xFFFFC000  }
0x8a: {  	[spmem:s2] =	stream.indirect.scatter.add.f32 [tilespmem:s17], [sflag:$0x2], $0x80, s19, s15, $0xb8;
	[tilespmem:$0x1D000] =	vst v63  }
0x8b: {  	_ =	swait.ge [sflag:s18], $0x4000  }
0x8c: {  	[sflag:s18] =	ssyncset.done $0x0  }
0x8d: {  	[sflag:s18] =	ssyncadd.s32 $0xFFFFC000  }
0x8e: {  	[tilespmem:s12], [sflag:$0x1] =	stream.indirect.gather [hbm4b:s4+s15], $0x80, s20, s15, $0xb8;
	[tilespmem:$0x1D000] =	vst v63  }
0x8f: {  	_ =	swait.ge [sflag:s16], $0x4000  }
0x90: {  	[sflag:s16] =	ssyncset.done $0x0  }
0x91: {  	[sflag:s16] =	ssyncadd.s32 $0xFFFFC000  }
0x92: {  	[spmem:s2] =	stream.indirect.scatter.add.f32 [tilespmem:s12], [sflag:$0x2], $0x80, s21, s15, $0xb8;
	[tilespmem:$0x1D000] =	vst v63  }
0x93: {  	_ =	swait.ge [sflag:s18], $0x4000  }
0x94: {  	[sflag:s18] =	ssyncset.done $0x0  }
0x95: {  	[sflag:s18] =	ssyncadd.s32 $0xFFFFC000  }
0x96: {  	[tilespmem:s17], [sflag:$0x1] =	stream.indirect.gather [hbm4b:s4+s15], $0x80, s22, s15, $0xb8;
	[tilespmem:$0x1D000] =	vst v63  }
0x97: {  	_ =	swait.ge [sflag:s16], $0x4000  }
0x98: {  	[sflag:s16] =	ssyncset.done $0x0  }
0x99: {  	[sflag:s16] =	ssyncadd.s32 $0xFFFFC000  }
0x9a: {  	[spmem:s2] =	stream.indirect.scatter.add.f32 [tilespmem:s17], [sflag:$0x2], $0x80, s23, s15, $0xb8;
	[tilespmem:$0x1D000] =	vst v63  }
0x9b: {  	_ =	swait.ge [sflag:s18], $0x4000  }
0x9c: {  	[sflag:s18] =	ssyncset.done $0x0  }
0x9d: {  	[sflag:s18] =	ssyncadd.s32 $0xFFFFC000  }
0x9e: {  	[tilespmem:s12], [sflag:$0x1] =	stream.indirect.gather [hbm4b:s4+s15], $0x80, s24, s15, $0xb8;
	[tilespmem:$0x1D000] =	vst v63  }
0x9f: {  	_ =	swait.ge [sflag:s16], $0x4000  }
0xa0: {  	[sflag:s16] =	ssyncset.done $0x0  }
0xa1: {  	[sflag:s16] =	ssyncadd.s32 $0xFFFFC000  }
0xa2: {  	[spmem:s2] =	stream.indirect.scatter.add.f32 [tilespmem:s12], [sflag:$0x2], $0x80, s25, s15, $0xb8;
	[tilespmem:$0x1D000] =	vst v63  }
0xa3: {  	_ =	swait.ge [sflag:s18], $0x4000  }
0xa4: {  	[sflag:s18] =	ssyncset.done $0x0  }
0xa5: {  	[sflag:s18] =	ssyncadd.s32 $0xFFFFC000  }
0xa6: {  	[tilespmem:s17], [sflag:$0x1] =	stream.indirect.gather [hbm4b:s4+s15], $0x80, s26, s15, $0xb8;
	[tilespmem:$0x1D000] =	vst v63  }
0xa7: {  	_ =	swait.ge [sflag:s16], $0x4000  }
0xa8: {  	[sflag:s16] =	ssyncset.done $0x0  }
0xa9: {  	[sflag:s16] =	ssyncadd.s32 $0xFFFFC000  }
0xaa: {  	[spmem:s2] =	stream.indirect.scatter.add.f32 [tilespmem:s17], [sflag:$0x2], $0x80, s28, s15, $0xb8;
	[tilespmem:$0x1D000] =	vst v63  }
0xab: {  	_ =	swait.ge [sflag:s18], $0x4000  }
0xac: {  	[sflag:s18] =	ssyncset.done $0x0  }
0xad: {  	[sflag:s18] =	ssyncadd.s32 $0xFFFFC000  }
0xae: {  	[tilespmem:s12], [sflag:$0x1] =	stream.indirect.gather [hbm4b:s4+s15], $0x80, s29, s15, $0xb8;
	[tilespmem:$0x1D000] =	vst v63  }
0xaf: {  	_ =	swait.ge [sflag:s16], $0x4000  }
0xb0: {  	[sflag:s16] =	ssyncset.done $0x0  }
0xb1: {  	[sflag:s16] =	ssyncadd.s32 $0xFFFFC000  }
0xb2: {  	[spmem:s2] =	stream.indirect.scatter.add.f32 [tilespmem:s12], [sflag:$0x2], $0x80, s30, s15, $0xb8;
	[tilespmem:$0x1D000] =	vst v63  }
0xb3: {  	_ =	swait.ge [sflag:s18], $0x4000  }
0xb4: {  	[sflag:s18] =	ssyncset.done $0x0  }
0xb5: {  	[sflag:s18] =	ssyncadd.s32 $0xFFFFC000  }
0xb6: {  	[tilespmem:s17], [sflag:$0x1] =	stream.indirect.gather [hbm4b:s4+s15], $0x80, s31, s15, $0xb8;
	[tilespmem:$0x1D000] =	vst v63  }
0xb7: {  	_ =	swait.ge [sflag:s16], $0x4000  }
0xb8: {  	[sflag:s16] =	ssyncset.done $0x0  }
0xb9: {  	[sflag:s16] =	ssyncadd.s32 $0xFFFFC000  }
0xba: {  	[spmem:s2] =	stream.indirect.scatter.add.f32 [tilespmem:s17], [sflag:$0x2], $0x80, s1, s15, $0xb8;
	[tilespmem:$0x1D000] =	vst v63  }
0xbb: {  	_ =	swait.ge [sflag:s18], $0x4000  }
0xbc: {  	[sflag:s18] =	ssyncset.done $0x0  }
0xbd: {  	[sflag:s18] =	ssyncadd.s32 $0xFFFFC000  }
0xbe: {  	[tilespmem:s12], [sflag:$0x1] =	stream.indirect.gather [hbm4b:s4+s15], $0x80, s0, s15, $0xb8;
	[tilespmem:$0x1D000] =	vst v63  }
0xbf: {  	_ =	swait.ge [sflag:s16], $0x4000  }
0xc0: {  	[sflag:s16] =	ssyncset.done $0x0  }
0xc1: {  	[sflag:s16] =	ssyncadd.s32 $0xFFFFC000  }
0xc2: {  	[spmem:s2] =	stream.indirect.scatter.add.f32 [tilespmem:s12], [sflag:$0x2], $0x80, s6, s15, $0xb8;
	[tilespmem:$0x1D000] =	vst v63  }
0xc3: {  	_ =	swait.ge [sflag:s18], $0x4000  }
0xc4: {  	[sflag:s18] =	ssyncset.done $0x0  }
0xc5: {  	[sflag:s18] =	ssyncadd.s32 $0xFFFFC000  }
0xc6: {  	[tilespmem:s17], [sflag:$0x1] =	stream.indirect.gather [hbm4b:s4+s15], $0x80, s7, s15, $0xb8;
	[tilespmem:$0x1D000] =	vst v63  }
0xc7: {  	_ =	swait.ge [sflag:s16], $0x4000  }
0xc8: {  	[sflag:s16] =	ssyncset.done $0x0  }
0xc9: {  	[sflag:s16] =	ssyncadd.s32 $0xFFFFC000  }
0xca: {  	[spmem:s2] =	stream.indirect.scatter.add.f32 [tilespmem:s17], [sflag:$0x2], $0x80, s8, s15, $0xb8;
	[tilespmem:$0x1D000] =	vst v63  }
0xcb: {  	_ =	swait.ge [sflag:s18], $0x4000  }
0xcc: {  	[sflag:s18] =	ssyncset.done $0x0  }
0xcd: {  	[sflag:s18] =	ssyncadd.s32 $0xFFFFC000  }
0xce: {  	s10 =	simm.s32 $0x100;
	_ =	swait.ge [sflag:s18], $0x4000  }
0xcf: {  	s11 =	simm.s32 $0x200;
	s5 =	rddreg [dreg:$0x4];
	[sflag:s18] =	ssyncset.done $0x0  }
.LBB2_4:
0xd0: {  	[sflag:s18] =	ssyncadd.s32 $0xFFFFC000;
	s5 =	sadd.s32 s10, s5  }
0xd1: {  	[tilespmem:s3], [sflag:$0x3] =	stream.linear.gather [hbm4b:s5+s3], $0x800, $0x38;
	[tilespmem:$0x1D000] =	vst v63  }
0xd2: {  	_ =	swait.ge [sflag:s13], $0x800  }
0xd3: {  	s5 =	rddreg [dreg:$0x3];
	[sflag:s13] =	ssyncset.done $0x0  }
0xd4: {  	[sflag:s13] =	ssyncadd.s32 $0xFFFFF800;
	s5 =	sadd.s32 s10, s5  }
0xd5: {  	[tilespmem:s14], [sflag:$0x3] =	stream.linear.gather [hbm4b:s5+s3], $0x800, $0x38;
	[tilespmem:$0x1D000] =	vst v63  }
0xd6: {  	_ =	swait.ge [sflag:s13], $0x800  }
0xd7: {  	[sflag:s13] =	ssyncset.done $0x0  }
0xd8: {  	[sflag:s13] =	ssyncadd.s32 $0xFFFFF800  }
0xd9: {  	[tilespmem:s12], [sflag:$0x1] =	stream.indirect.gather [hbm4b:s4+s15], $0x80, s3, s15, $0xb8;
	[tilespmem:$0x1D000] =	vst v63  }
0xda: {  	_ =	swait.ge [sflag:s16], $0x4000  }
0xdb: {  	[sflag:s16] =	ssyncset.done $0x0  }
0xdc: {  	[sflag:s16] =	ssyncadd.s32 $0xFFFFC000  }
0xdd: {  	[spmem:s2] =	stream.indirect.scatter.add.f32 [tilespmem:s12], [sflag:$0x2], $0x80, s14, s15, $0xb8;
	[tilespmem:$0x1D000] =	vst v63  }
0xde: {  	_ = 	snop  }
0xdf: {  	[tilespmem:s17], [sflag:$0x1] =	stream.indirect.gather [hbm4b:s4+s15], $0x80, s15, s15, $0xb8;
	[tilespmem:$0x1D000] =	vst v63  }
0xe0: {  	_ =	swait.ge [sflag:s16], $0x4000  }
0xe1: {  	s9 =	smov.u32 s11;
	[sflag:s16] =	ssyncset.done $0x0  }
0xe2: {  	s10 =	smov.u32 s9;
	s9 =	rddreg [dreg:$0x5];
	[sflag:s16] =	ssyncadd.s32 $0xFFFFC000  }
0xe3: {  	[spmem:s2] =	stream.indirect.scatter.add.f32 [tilespmem:s17], [sflag:$0x2], $0x80, s9, s15, $0xb8;
	[tilespmem:$0x1D000] =	vst v63  }
0xe4: {  	_ =	swait.ge [sflag:s18], $0x4000  }
0xe5: {  	[sflag:s18] =	ssyncset.done $0x0  }
0xe6: {  	s9 =	rddreg [dreg:$0x6];
	[sflag:s18] =	ssyncadd.s32 $0xFFFFC000  }
0xe7: {  	[tilespmem:s12], [sflag:$0x1] =	stream.indirect.gather [hbm4b:s4+s15], $0x80, s9, s15, $0xb8;
	[tilespmem:$0x1D000] =	vst v63  }
0xe8: {  	_ =	swait.ge [sflag:s16], $0x4000  }
0xe9: {  	[sflag:s16] =	ssyncset.done $0x0  }
0xea: {  	s9 =	rddreg [dreg:$0x7];
	[sflag:s16] =	ssyncadd.s32 $0xFFFFC000  }
0xeb: {  	[spmem:s2] =	stream.indirect.scatter.add.f32 [tilespmem:s12], [sflag:$0x2], $0x80, s9, s15, $0xb8;
	[tilespmem:$0x1D000] =	vst v63  }
0xec: {  	_ =	swait.ge [sflag:s18], $0x4000  }
0xed: {  	[sflag:s18] =	ssyncset.done $0x0  }
0xee: {  	s9 =	rddreg [dreg:$0x8];
	[sflag:s18] =	ssyncadd.s32 $0xFFFFC000  }
0xef: {  	[tilespmem:s17], [sflag:$0x1] =	stream.indirect.gather [hbm4b:s4+s15], $0x80, s9, s15, $0xb8;
	[tilespmem:$0x1D000] =	vst v63  }
0xf0: {  	_ =	swait.ge [sflag:s16], $0x4000  }
0xf1: {  	[sflag:s16] =	ssyncset.done $0x0  }
0xf2: {  	s9 =	rddreg [dreg:$0x9];
	[sflag:s16] =	ssyncadd.s32 $0xFFFFC000  }
0xf3: {  	[spmem:s2] =	stream.indirect.scatter.add.f32 [tilespmem:s17], [sflag:$0x2], $0x80, s9, s15, $0xb8;
	[tilespmem:$0x1D000] =	vst v63  }
0xf4: {  	_ =	swait.ge [sflag:s18], $0x4000  }
0xf5: {  	[sflag:s18] =	ssyncset.done $0x0  }
0xf6: {  	s9 =	rddreg [dreg:$0xa];
	[sflag:s18] =	ssyncadd.s32 $0xFFFFC000  }
0xf7: {  	[tilespmem:s12], [sflag:$0x1] =	stream.indirect.gather [hbm4b:s4+s15], $0x80, s9, s15, $0xb8;
	[tilespmem:$0x1D000] =	vst v63  }
0xf8: {  	_ =	swait.ge [sflag:s16], $0x4000  }
0xf9: {  	[sflag:s16] =	ssyncset.done $0x0  }
0xfa: {  	s9 =	rddreg [dreg:$0xb];
	[sflag:s16] =	ssyncadd.s32 $0xFFFFC000  }
0xfb: {  	[spmem:s2] =	stream.indirect.scatter.add.f32 [tilespmem:s12], [sflag:$0x2], $0x80, s9, s15, $0xb8;
	[tilespmem:$0x1D000] =	vst v63  }
0xfc: {  	_ =	swait.ge [sflag:s18], $0x4000  }
0xfd: {  	[sflag:s18] =	ssyncset.done $0x0  }
0xfe: {  	s9 =	rddreg [dreg:$0xc];
	[sflag:s18] =	ssyncadd.s32 $0xFFFFC000  }
0xff: {  	[tilespmem:s17], [sflag:$0x1] =	stream.indirect.gather [hbm4b:s4+s15], $0x80, s9, s15, $0xb8;
	[tilespmem:$0x1D000] =	vst v63  }
0x100: {  	_ =	swait.ge [sflag:s16], $0x4000  }
0x101: {  	[sflag:s16] =	ssyncset.done $0x0  }
0x102: {  	s9 =	rddreg [dreg:$0xd];
	[sflag:s16] =	ssyncadd.s32 $0xFFFFC000  }
0x103: {  	[spmem:s2] =	stream.indirect.scatter.add.f32 [tilespmem:s17], [sflag:$0x2], $0x80, s9, s15, $0xb8;
	[tilespmem:$0x1D000] =	vst v63  }
0x104: {  	_ =	swait.ge [sflag:s18], $0x4000  }
0x105: {  	[sflag:s18] =	ssyncset.done $0x0  }
0x106: {  	s9 =	rddreg [dreg:$0xe];
	[sflag:s18] =	ssyncadd.s32 $0xFFFFC000  }
0x107: {  	[tilespmem:s12], [sflag:$0x1] =	stream.indirect.gather [hbm4b:s4+s15], $0x80, s9, s15, $0xb8;
	[tilespmem:$0x1D000] =	vst v63  }
0x108: {  	_ =	swait.ge [sflag:s16], $0x4000  }
0x109: {  	[sflag:s16] =	ssyncset.done $0x0  }
0x10a: {  	s9 =	rddreg [dreg:$0xf];
	[sflag:s16] =	ssyncadd.s32 $0xFFFFC000  }
0x10b: {  	[spmem:s2] =	stream.indirect.scatter.add.f32 [tilespmem:s12], [sflag:$0x2], $0x80, s9, s15, $0xb8;
	[tilespmem:$0x1D000] =	vst v63  }
0x10c: {  	_ =	swait.ge [sflag:s18], $0x4000  }
0x10d: {  	[sflag:s18] =	ssyncset.done $0x0  }
0x10e: {  	s9 =	rddreg [dreg:$0x10];
	[sflag:s18] =	ssyncadd.s32 $0xFFFFC000  }
0x10f: {  	[tilespmem:s17], [sflag:$0x1] =	stream.indirect.gather [hbm4b:s4+s15], $0x80, s9, s15, $0xb8;
	[tilespmem:$0x1D000] =	vst v63  }
0x110: {  	_ =	swait.ge [sflag:s16], $0x4000  }
0x111: {  	[sflag:s16] =	ssyncset.done $0x0  }
0x112: {  	[sflag:s16] =	ssyncadd.s32 $0xFFFFC000  }
0x113: {  	[spmem:s2] =	stream.indirect.scatter.add.f32 [tilespmem:s17], [sflag:$0x2], $0x80, s19, s15, $0xb8;
	[tilespmem:$0x1D000] =	vst v63  }
0x114: {  	_ =	swait.ge [sflag:s18], $0x4000  }
0x115: {  	[sflag:s18] =	ssyncset.done $0x0  }
0x116: {  	[sflag:s18] =	ssyncadd.s32 $0xFFFFC000  }
0x117: {  	[tilespmem:s12], [sflag:$0x1] =	stream.indirect.gather [hbm4b:s4+s15], $0x80, s20, s15, $0xb8;
	[tilespmem:$0x1D000] =	vst v63  }
0x118: {  	_ =	swait.ge [sflag:s16], $0x4000  }
0x119: {  	[sflag:s16] =	ssyncset.done $0x0  }
0x11a: {  	[sflag:s16] =	ssyncadd.s32 $0xFFFFC000  }
0x11b: {  	[spmem:s2] =	stream.indirect.scatter.add.f32 [tilespmem:s12], [sflag:$0x2], $0x80, s21, s15, $0xb8;
	[tilespmem:$0x1D000] =	vst v63  }
0x11c: {  	_ =	swait.ge [sflag:s18], $0x4000  }
0x11d: {  	[sflag:s18] =	ssyncset.done $0x0  }
0x11e: {  	[sflag:s18] =	ssyncadd.s32 $0xFFFFC000  }
0x11f: {  	[tilespmem:s17], [sflag:$0x1] =	stream.indirect.gather [hbm4b:s4+s15], $0x80, s22, s15, $0xb8;
	[tilespmem:$0x1D000] =	vst v63  }
0x120: {  	_ =	swait.ge [sflag:s16], $0x4000  }
0x121: {  	[sflag:s16] =	ssyncset.done $0x0  }
0x122: {  	[sflag:s16] =	ssyncadd.s32 $0xFFFFC000  }
0x123: {  	[spmem:s2] =	stream.indirect.scatter.add.f32 [tilespmem:s17], [sflag:$0x2], $0x80, s23, s15, $0xb8;
	[tilespmem:$0x1D000] =	vst v63  }
0x124: {  	_ =	swait.ge [sflag:s18], $0x4000  }
0x125: {  	[sflag:s18] =	ssyncset.done $0x0  }
0x126: {  	[sflag:s18] =	ssyncadd.s32 $0xFFFFC000  }
0x127: {  	[tilespmem:s12], [sflag:$0x1] =	stream.indirect.gather [hbm4b:s4+s15], $0x80, s24, s15, $0xb8;
	[tilespmem:$0x1D000] =	vst v63  }
0x128: {  	_ =	swait.ge [sflag:s16], $0x4000  }
0x129: {  	[sflag:s16] =	ssyncset.done $0x0  }
0x12a: {  	[sflag:s16] =	ssyncadd.s32 $0xFFFFC000  }
0x12b: {  	[spmem:s2] =	stream.indirect.scatter.add.f32 [tilespmem:s12], [sflag:$0x2], $0x80, s25, s15, $0xb8;
	[tilespmem:$0x1D000] =	vst v63  }
0x12c: {  	_ =	swait.ge [sflag:s18], $0x4000  }
0x12d: {  	[sflag:s18] =	ssyncset.done $0x0  }
0x12e: {  	[sflag:s18] =	ssyncadd.s32 $0xFFFFC000  }
0x12f: {  	[tilespmem:s17], [sflag:$0x1] =	stream.indirect.gather [hbm4b:s4+s15], $0x80, s26, s15, $0xb8;
	[tilespmem:$0x1D000] =	vst v63  }
0x130: {  	_ =	swait.ge [sflag:s16], $0x4000  }
0x131: {  	[sflag:s16] =	ssyncset.done $0x0  }
0x132: {  	[sflag:s16] =	ssyncadd.s32 $0xFFFFC000  }
0x133: {  	[spmem:s2] =	stream.indirect.scatter.add.f32 [tilespmem:s17], [sflag:$0x2], $0x80, s28, s15, $0xb8;
	[tilespmem:$0x1D000] =	vst v63  }
0x134: {  	_ =	swait.ge [sflag:s18], $0x4000  }
0x135: {  	[sflag:s18] =	ssyncset.done $0x0  }
0x136: {  	[sflag:s18] =	ssyncadd.s32 $0xFFFFC000  }
0x137: {  	[tilespmem:s12], [sflag:$0x1] =	stream.indirect.gather [hbm4b:s4+s15], $0x80, s29, s15, $0xb8;
	[tilespmem:$0x1D000] =	vst v63  }
0x138: {  	_ =	swait.ge [sflag:s16], $0x4000  }
0x139: {  	[sflag:s16] =	ssyncset.done $0x0  }
0x13a: {  	[sflag:s16] =	ssyncadd.s32 $0xFFFFC000  }
0x13b: {  	[spmem:s2] =	stream.indirect.scatter.add.f32 [tilespmem:s12], [sflag:$0x2], $0x80, s30, s15, $0xb8;
	[tilespmem:$0x1D000] =	vst v63  }
0x13c: {  	_ =	swait.ge [sflag:s18], $0x4000  }
0x13d: {  	[sflag:s18] =	ssyncset.done $0x0  }
0x13e: {  	[sflag:s18] =	ssyncadd.s32 $0xFFFFC000  }
0x13f: {  	[tilespmem:s17], [sflag:$0x1] =	stream.indirect.gather [hbm4b:s4+s15], $0x80, s31, s15, $0xb8;
	[tilespmem:$0x1D000] =	vst v63  }
0x140: {  	_ =	swait.ge [sflag:s16], $0x4000  }
0x141: {  	[sflag:s16] =	ssyncset.done $0x0  }
0x142: {  	[sflag:s16] =	ssyncadd.s32 $0xFFFFC000  }
0x143: {  	[spmem:s2] =	stream.indirect.scatter.add.f32 [tilespmem:s17], [sflag:$0x2], $0x80, s1, s15, $0xb8;
	[tilespmem:$0x1D000] =	vst v63  }
0x144: {  	_ =	swait.ge [sflag:s18], $0x4000  }
0x145: {  	[sflag:s18] =	ssyncset.done $0x0  }
0x146: {  	[sflag:s18] =	ssyncadd.s32 $0xFFFFC000  }
0x147: {  	[tilespmem:s12], [sflag:$0x1] =	stream.indirect.gather [hbm4b:s4+s15], $0x80, s0, s15, $0xb8;
	[tilespmem:$0x1D000] =	vst v63  }
0x148: {  	_ =	swait.ge [sflag:s16], $0x4000  }
0x149: {  	[sflag:s16] =	ssyncset.done $0x0  }
0x14a: {  	[sflag:s16] =	ssyncadd.s32 $0xFFFFC000  }
0x14b: {  	[spmem:s2] =	stream.indirect.scatter.add.f32 [tilespmem:s12], [sflag:$0x2], $0x80, s6, s15, $0xb8;
	[tilespmem:$0x1D000] =	vst v63  }
0x14c: {  	_ =	swait.ge [sflag:s18], $0x4000  }
0x14d: {  	[sflag:s18] =	ssyncset.done $0x0  }
0x14e: {  	[sflag:s18] =	ssyncadd.s32 $0xFFFFC000  }
0x14f: {  	[tilespmem:s17], [sflag:$0x1] =	stream.indirect.gather [hbm4b:s4+s15], $0x80, s7, s15, $0xb8;
	[tilespmem:$0x1D000] =	vst v63  }
0x150: {  	_ =	swait.ge [sflag:s16], $0x4000  }
0x151: {  	[sflag:s16] =	ssyncset.done $0x0  }
0x152: {  	p0 =	sne.s32 s11, $0x400;
	[sflag:s16] =	ssyncadd.s32 $0xFFFFC000  }
0x153: {  	[spmem:s2] =	stream.indirect.scatter.add.f32 [tilespmem:s17], [sflag:$0x2], $0x80, s8, s15, $0xb8;
	[tilespmem:$0x1D000] =	vst v63  }
.Ltmp1:
0x154: {  	_ =	swait.ge [sflag:s18], $0x4000;
	(pc) =	sbr.rel @p0 .LBB2_4-.Ltmp1, $4  }
0x155: {  	[sflag:s18] =	ssyncset.done $0x0  }
0x156: {  	[sflag:s18] =	ssyncadd.s32 $0xFFFFC000  }
0x157: {  	_ =	swait.ge [sflag:s18], $0x4000  }
0x158: {  	s11 =	sadd.s32 $0x100, s11;
	s5 =	rddreg [dreg:$0x4];
	[sflag:s18] =	ssyncset.done $0x0  }
0x159: {  	[sflag:s18] =	ssyncadd.s32 $0xFFFFC000;
	s5 =	sadd.s32 s10, s5  }
0x15a: {  	[tilespmem:s3], [sflag:$0x3] =	stream.linear.gather [hbm4b:s5+s3], $0x800, $0x38;
	[tilespmem:$0x1D000] =	vst v63  }
0x15b: {  	_ =	swait.ge [sflag:s13], $0x800  }
0x15c: {  	s9 =	rddreg [dreg:$0x3];
	[sflag:s13] =	ssyncset.done $0x0  }
0x15d: {  	[sflag:s13] =	ssyncadd.s32 $0xFFFFF800;
	s5 =	sadd.s32 s10, s9  }
0x15e: {  	[tilespmem:s14], [sflag:$0x3] =	stream.linear.gather [hbm4b:s5+s3], $0x800, $0x38;
	[tilespmem:$0x1D000] =	vst v63  }
0x15f: {  	_ =	swait.ge [sflag:s13], $0x800  }
0x160: {  	[sflag:s13] =	ssyncset.done $0x0  }
0x161: {  	[sflag:s13] =	ssyncadd.s32 $0xFFFFF800  }
0x162: {  	[tilespmem:s12], [sflag:$0x1] =	stream.indirect.gather [hbm4b:s4+s15], $0x80, s3, s15, $0xb8;
	[tilespmem:$0x1D000] =	vst v63  }
0x163: {  	_ =	swait.ge [sflag:s16], $0x4000  }
0x164: {  	[sflag:s16] =	ssyncset.done $0x0  }
0x165: {  	[sflag:s16] =	ssyncadd.s32 $0xFFFFC000  }
0x166: {  	[spmem:s2] =	stream.indirect.scatter.add.f32 [tilespmem:s12], [sflag:$0x2], $0x80, s14, s15, $0xb8;
	[tilespmem:$0x1D000] =	vst v63  }
0x167: {  	_ = 	snop  }
0x168: {  	[tilespmem:s17], [sflag:$0x1] =	stream.indirect.gather [hbm4b:s4+s15], $0x80, s15, s15, $0xb8;
	[tilespmem:$0x1D000] =	vst v63  }
0x169: {  	_ =	swait.ge [sflag:s16], $0x4000  }
0x16a: {  	[sflag:s16] =	ssyncset.done $0x0  }
0x16b: {  	s10 =	rddreg [dreg:$0x5];
	[sflag:s16] =	ssyncadd.s32 $0xFFFFC000  }
0x16c: {  	[spmem:s2] =	stream.indirect.scatter.add.f32 [tilespmem:s17], [sflag:$0x2], $0x80, s10, s15, $0xb8;
	[tilespmem:$0x1D000] =	vst v63  }
0x16d: {  	_ =	swait.ge [sflag:s18], $0x4000  }
0x16e: {  	[sflag:s18] =	ssyncset.done $0x0  }
0x16f: {  	s11 =	rddreg [dreg:$0x6];
	[sflag:s18] =	ssyncadd.s32 $0xFFFFC000  }
0x170: {  	[tilespmem:s12], [sflag:$0x1] =	stream.indirect.gather [hbm4b:s4+s15], $0x80, s11, s15, $0xb8;
	[tilespmem:$0x1D000] =	vst v63  }
0x171: {  	_ =	swait.ge [sflag:s16], $0x4000  }
0x172: {  	[sflag:s16] =	ssyncset.done $0x0  }
0x173: {  	s9 =	rddreg [dreg:$0x7];
	[sflag:s16] =	ssyncadd.s32 $0xFFFFC000  }
0x174: {  	[spmem:s2] =	stream.indirect.scatter.add.f32 [tilespmem:s12], [sflag:$0x2], $0x80, s9, s15, $0xb8;
	[tilespmem:$0x1D000] =	vst v63  }
0x175: {  	_ =	swait.ge [sflag:s18], $0x4000  }
0x176: {  	[sflag:s18] =	ssyncset.done $0x0  }
0x177: {  	s10 =	rddreg [dreg:$0x8];
	[sflag:s18] =	ssyncadd.s32 $0xFFFFC000  }
0x178: {  	[tilespmem:s17], [sflag:$0x1] =	stream.indirect.gather [hbm4b:s4+s15], $0x80, s10, s15, $0xb8;
	[tilespmem:$0x1D000] =	vst v63  }
0x179: {  	_ =	swait.ge [sflag:s16], $0x4000  }
0x17a: {  	[sflag:s16] =	ssyncset.done $0x0  }
0x17b: {  	s11 =	rddreg [dreg:$0x9];
	[sflag:s16] =	ssyncadd.s32 $0xFFFFC000  }
0x17c: {  	[spmem:s2] =	stream.indirect.scatter.add.f32 [tilespmem:s17], [sflag:$0x2], $0x80, s11, s15, $0xb8;
	[tilespmem:$0x1D000] =	vst v63  }
0x17d: {  	_ =	swait.ge [sflag:s18], $0x4000  }
0x17e: {  	[sflag:s18] =	ssyncset.done $0x0  }
0x17f: {  	s9 =	rddreg [dreg:$0xa];
	[sflag:s18] =	ssyncadd.s32 $0xFFFFC000  }
0x180: {  	[tilespmem:s12], [sflag:$0x1] =	stream.indirect.gather [hbm4b:s4+s15], $0x80, s9, s15, $0xb8;
	[tilespmem:$0x1D000] =	vst v63  }
0x181: {  	_ =	swait.ge [sflag:s16], $0x4000  }
0x182: {  	[sflag:s16] =	ssyncset.done $0x0  }
0x183: {  	s10 =	rddreg [dreg:$0xb];
	[sflag:s16] =	ssyncadd.s32 $0xFFFFC000  }
0x184: {  	[spmem:s2] =	stream.indirect.scatter.add.f32 [tilespmem:s12], [sflag:$0x2], $0x80, s10, s15, $0xb8;
	[tilespmem:$0x1D000] =	vst v63  }
0x185: {  	_ =	swait.ge [sflag:s18], $0x4000  }
0x186: {  	[sflag:s18] =	ssyncset.done $0x0  }
0x187: {  	s11 =	rddreg [dreg:$0xc];
	[sflag:s18] =	ssyncadd.s32 $0xFFFFC000  }
0x188: {  	[tilespmem:s17], [sflag:$0x1] =	stream.indirect.gather [hbm4b:s4+s15], $0x80, s11, s15, $0xb8;
	[tilespmem:$0x1D000] =	vst v63  }
0x189: {  	_ =	swait.ge [sflag:s16], $0x4000  }
0x18a: {  	[sflag:s16] =	ssyncset.done $0x0  }
0x18b: {  	s9 =	rddreg [dreg:$0xd];
	[sflag:s16] =	ssyncadd.s32 $0xFFFFC000  }
0x18c: {  	[spmem:s2] =	stream.indirect.scatter.add.f32 [tilespmem:s17], [sflag:$0x2], $0x80, s9, s15, $0xb8;
	[tilespmem:$0x1D000] =	vst v63  }
0x18d: {  	_ =	swait.ge [sflag:s18], $0x4000  }
0x18e: {  	[sflag:s18] =	ssyncset.done $0x0  }
0x18f: {  	s10 =	rddreg [dreg:$0xe];
	[sflag:s18] =	ssyncadd.s32 $0xFFFFC000  }
0x190: {  	[tilespmem:s12], [sflag:$0x1] =	stream.indirect.gather [hbm4b:s4+s15], $0x80, s10, s15, $0xb8;
	[tilespmem:$0x1D000] =	vst v63  }
0x191: {  	_ =	swait.ge [sflag:s16], $0x4000  }
0x192: {  	[sflag:s16] =	ssyncset.done $0x0  }
0x193: {  	s11 =	rddreg [dreg:$0xf];
	[sflag:s16] =	ssyncadd.s32 $0xFFFFC000  }
0x194: {  	[spmem:s2] =	stream.indirect.scatter.add.f32 [tilespmem:s12], [sflag:$0x2], $0x80, s11, s15, $0xb8;
	[tilespmem:$0x1D000] =	vst v63  }
0x195: {  	_ =	swait.ge [sflag:s18], $0x4000  }
0x196: {  	[sflag:s18] =	ssyncset.done $0x0  }
0x197: {  	s9 =	rddreg [dreg:$0x10];
	[sflag:s18] =	ssyncadd.s32 $0xFFFFC000  }
0x198: {  	[tilespmem:s17], [sflag:$0x1] =	stream.indirect.gather [hbm4b:s4+s15], $0x80, s9, s15, $0xb8;
	[tilespmem:$0x1D000] =	vst v63  }
0x199: {  	_ =	swait.ge [sflag:s16], $0x4000  }
0x19a: {  	[sflag:s16] =	ssyncset.done $0x0  }
0x19b: {  	[sflag:s16] =	ssyncadd.s32 $0xFFFFC000  }
0x19c: {  	[spmem:s2] =	stream.indirect.scatter.add.f32 [tilespmem:s17], [sflag:$0x2], $0x80, s19, s15, $0xb8;
	[tilespmem:$0x1D000] =	vst v63  }
0x19d: {  	_ =	swait.ge [sflag:s18], $0x4000  }
0x19e: {  	[sflag:s18] =	ssyncset.done $0x0  }
0x19f: {  	[sflag:s18] =	ssyncadd.s32 $0xFFFFC000  }
0x1a0: {  	[tilespmem:s12], [sflag:$0x1] =	stream.indirect.gather [hbm4b:s4+s15], $0x80, s20, s15, $0xb8;
	[tilespmem:$0x1D000] =	vst v63  }
0x1a1: {  	_ =	swait.ge [sflag:s16], $0x4000  }
0x1a2: {  	[sflag:s16] =	ssyncset.done $0x0  }
0x1a3: {  	[sflag:s16] =	ssyncadd.s32 $0xFFFFC000  }
0x1a4: {  	[spmem:s2] =	stream.indirect.scatter.add.f32 [tilespmem:s12], [sflag:$0x2], $0x80, s21, s15, $0xb8;
	[tilespmem:$0x1D000] =	vst v63  }
0x1a5: {  	_ =	swait.ge [sflag:s18], $0x4000  }
0x1a6: {  	[sflag:s18] =	ssyncset.done $0x0  }
0x1a7: {  	[sflag:s18] =	ssyncadd.s32 $0xFFFFC000  }
0x1a8: {  	[tilespmem:s17], [sflag:$0x1] =	stream.indirect.gather [hbm4b:s4+s15], $0x80, s22, s15, $0xb8;
	[tilespmem:$0x1D000] =	vst v63  }
0x1a9: {  	_ =	swait.ge [sflag:s16], $0x4000  }
0x1aa: {  	[sflag:s16] =	ssyncset.done $0x0  }
0x1ab: {  	[sflag:s16] =	ssyncadd.s32 $0xFFFFC000  }
0x1ac: {  	[spmem:s2] =	stream.indirect.scatter.add.f32 [tilespmem:s17], [sflag:$0x2], $0x80, s23, s15, $0xb8;
	[tilespmem:$0x1D000] =	vst v63  }
0x1ad: {  	_ =	swait.ge [sflag:s18], $0x4000  }
0x1ae: {  	[sflag:s18] =	ssyncset.done $0x0  }
0x1af: {  	[sflag:s18] =	ssyncadd.s32 $0xFFFFC000  }
0x1b0: {  	[tilespmem:s12], [sflag:$0x1] =	stream.indirect.gather [hbm4b:s4+s15], $0x80, s24, s15, $0xb8;
	[tilespmem:$0x1D000] =	vst v63  }
0x1b1: {  	_ =	swait.ge [sflag:s16], $0x4000  }
0x1b2: {  	[sflag:s16] =	ssyncset.done $0x0  }
0x1b3: {  	[sflag:s16] =	ssyncadd.s32 $0xFFFFC000  }
0x1b4: {  	[spmem:s2] =	stream.indirect.scatter.add.f32 [tilespmem:s12], [sflag:$0x2], $0x80, s25, s15, $0xb8;
	[tilespmem:$0x1D000] =	vst v63  }
0x1b5: {  	_ =	swait.ge [sflag:s18], $0x4000  }
0x1b6: {  	[sflag:s18] =	ssyncset.done $0x0  }
0x1b7: {  	[sflag:s18] =	ssyncadd.s32 $0xFFFFC000  }
0x1b8: {  	[tilespmem:s17], [sflag:$0x1] =	stream.indirect.gather [hbm4b:s4+s15], $0x80, s26, s15, $0xb8;
	[tilespmem:$0x1D000] =	vst v63  }
0x1b9: {  	_ =	swait.ge [sflag:s16], $0x4000  }
0x1ba: {  	[sflag:s16] =	ssyncset.done $0x0  }
0x1bb: {  	[sflag:s16] =	ssyncadd.s32 $0xFFFFC000  }
0x1bc: {  	[spmem:s2] =	stream.indirect.scatter.add.f32 [tilespmem:s17], [sflag:$0x2], $0x80, s28, s15, $0xb8;
	[tilespmem:$0x1D000] =	vst v63  }
0x1bd: {  	_ =	swait.ge [sflag:s18], $0x4000  }
0x1be: {  	[sflag:s18] =	ssyncset.done $0x0  }
0x1bf: {  	[sflag:s18] =	ssyncadd.s32 $0xFFFFC000  }
0x1c0: {  	[tilespmem:s12], [sflag:$0x1] =	stream.indirect.gather [hbm4b:s4+s15], $0x80, s29, s15, $0xb8;
	[tilespmem:$0x1D000] =	vst v63  }
0x1c1: {  	_ =	swait.ge [sflag:s16], $0x4000  }
0x1c2: {  	[sflag:s16] =	ssyncset.done $0x0  }
0x1c3: {  	[sflag:s16] =	ssyncadd.s32 $0xFFFFC000  }
0x1c4: {  	[spmem:s2] =	stream.indirect.scatter.add.f32 [tilespmem:s12], [sflag:$0x2], $0x80, s30, s15, $0xb8;
	[tilespmem:$0x1D000] =	vst v63  }
0x1c5: {  	_ =	swait.ge [sflag:s18], $0x4000  }
0x1c6: {  	[sflag:s18] =	ssyncset.done $0x0  }
0x1c7: {  	[sflag:s18] =	ssyncadd.s32 $0xFFFFC000  }
0x1c8: {  	[tilespmem:s17], [sflag:$0x1] =	stream.indirect.gather [hbm4b:s4+s15], $0x80, s31, s15, $0xb8;
	[tilespmem:$0x1D000] =	vst v63  }
0x1c9: {  	_ =	swait.ge [sflag:s16], $0x4000  }
0x1ca: {  	[sflag:s16] =	ssyncset.done $0x0  }
0x1cb: {  	[sflag:s16] =	ssyncadd.s32 $0xFFFFC000  }
0x1cc: {  	[spmem:s2] =	stream.indirect.scatter.add.f32 [tilespmem:s17], [sflag:$0x2], $0x80, s1, s15, $0xb8;
	[tilespmem:$0x1D000] =	vst v63  }
0x1cd: {  	_ =	swait.ge [sflag:s18], $0x4000  }
0x1ce: {  	[sflag:s18] =	ssyncset.done $0x0  }
0x1cf: {  	[sflag:s18] =	ssyncadd.s32 $0xFFFFC000  }
0x1d0: {  	[tilespmem:s12], [sflag:$0x1] =	stream.indirect.gather [hbm4b:s4+s15], $0x80, s0, s15, $0xb8;
	[tilespmem:$0x1D000] =	vst v63  }
0x1d1: {  	_ =	swait.ge [sflag:s16], $0x4000  }
0x1d2: {  	[sflag:s16] =	ssyncset.done $0x0  }
0x1d3: {  	[sflag:s16] =	ssyncadd.s32 $0xFFFFC000  }
0x1d4: {  	[spmem:s2] =	stream.indirect.scatter.add.f32 [tilespmem:s12], [sflag:$0x2], $0x80, s6, s15, $0xb8;
	[tilespmem:$0x1D000] =	vst v63  }
0x1d5: {  	_ =	swait.ge [sflag:s18], $0x4000  }
0x1d6: {  	[sflag:s18] =	ssyncset.done $0x0  }
0x1d7: {  	[sflag:s18] =	ssyncadd.s32 $0xFFFFC000  }
0x1d8: {  	[tilespmem:s17], [sflag:$0x1] =	stream.indirect.gather [hbm4b:s4+s15], $0x80, s7, s15, $0xb8;
	[tilespmem:$0x1D000] =	vst v63  }
0x1d9: {  	_ =	swait.ge [sflag:s16], $0x4000  }
0x1da: {  	[sflag:s16] =	ssyncset.done $0x0  }
0x1db: {  	[sflag:s16] =	ssyncadd.s32 $0xFFFFC000  }
0x1dc: {  	[spmem:s2] =	stream.indirect.scatter.add.f32 [tilespmem:s17], [sflag:$0x2], $0x80, s8, s15, $0xb8;
	[tilespmem:$0x1D000] =	vst v63  }
0x1dd: {  	_ =	swait.ge [sflag:s18], $0x4000  }
0x1de: {  	[sflag:s18] =	ssyncset.done $0x0  }
0x1df: {  	[sflag:s18] =	ssyncadd.s32 $0xFFFFC000  }
0x1e0: {  	_ =	swait.ge [sflag:s18], $0x4000  }
0x1e1: {  	[sflag:s18] =	ssyncset.done $0x0  }
0x1e2: {  	[sflag:s18] =	ssyncadd.s32 $0xFFFFC000  }
0x1e3: {  	s10 =	stileid.u32;
	[bflag:$0x0] =	sbarrier.arrive $0xFFFF  }
0x1e4: {  	s5 =	sshll.u32 s10, $0x6;
	s9 =	rddreg [dreg:$0x11]  }
0x1e5: {  	s5 =	sor.u32 $0x1C03, s5;
	s11 =	rddreg [dreg:$0x16];
	s9 =	sshrl.u32 s9, $0x3  }
0x1e6: {  	[hbm:s11], [sflag:s5] =	dma.local [spmem:s9], $0x2800  }
0x1e7: {  	_ =	swait.ge [sflag:s13], $0x2800  }
0x1e8: {  	s10 =	rddreg [dreg:$0x18]  }
0x1e9: {  	s11 =	rddreg [dreg:$0x17];
	s9 =	sadd.s32 $0x1, s10  }
0x1ea: {  	p0 =	sne.s32 s9, s11  }
.Ltmp2:
0x1eb: {  	_ = 	snop;
	(pc) =	sbr.rel @p0 .LBB2_1-.Ltmp2, $3  }
0x1ec: {  	_ =	sdelay $0x1  }
0x1ed: {  	[sflag:s13] =	ssyncset.done $0x0  }
0x1ee: {  	[sflag:s13] =	ssyncadd.s32 $0xFFFFD800  }
0x1ef: {  	_ =	sfence.sel $0x180000  }
0x1f0: {  	[bflag:$0x0] =	sbarrier.arrive $0xFFFF  }
0x1f1: {  	_ =	strace $0x9000004A  }
0x1f2: {  	s0 =	stileid.u32;
	[bflag:$0x2] =	sbarrier.arrive $0xFFFF  }
0x1f3: {  	p0 =	sne.s32 s0, $0x0;
	s0 =	rddreg [dreg:$0x2]  }
0x1f4: {  	s0 =	sadd.s32 @!p0 $0x100000, s0  }
0x1f5: {  	[sflag:s0] =	ssyncadd.tile.s32 @!p0 $0x1;
	_ =	shalt  }
.Lfunc_end2:
_tile_overlayer_lowered:
.L_overlay_start_2:
0x1f6: {  	(tag) =	ssettag $0x2  }
0x1f7: {  	s0 =	rddreg [dreg:$0x0];
	s2 =	stileid.u32  }
0x1f8: {  	s1 =	rddreg [dreg:$0x1];
	p0 =	sne.s32 s2, $0x0  }
0x1f9: {  	s3 =	rddreg [dreg:$0x2];
	[bflag:$0x3] =	sbarrier.arrive $0xFFFF;
	s2 =	simm.s32 @!p0 $0x1C03  }
0x1fa: {  	[timem:s3], [sflag:s2] =	dma.local @!p0 [hbm:s0], s1  }
0x1fb: {  	s0 =	simm.s32 @!p0 $0x3  }
0x1fc: {  	_ =	swait.ge @!p0 [sflag:s0], s1  }
0x1fd: {  	s1 =	ssub.s32 @!p0 $0x0, s1;
	[sflag:s0] =	ssyncset.done @!p0 $0x0  }
0x1fe: {  	[sflag:s0] =	ssyncadd.s32 @!p0 s1  }
0x1ff: {  	[bflag:$0x3] =	sbarrier.arrive $0xFFFF  }
0x200: {  	_ =	shalt  }

// kernel: kernel.16.cloned.1.call-start
scs
__scs_entry_jumppad:
0x0: {  	(pc) =	sbr.rel $0x88, $3  }
0x1: {  	(tag) =	ssettag $0x0;
	lr =	simm.s32 $0x1  }
0x2: {  	[smem:$0x3F94] =	sst lr;
	_ =	strace $0xD0000000  }
0x3: {  	_ = 	snop  }
0x4: {  	_ = 	snop  }
0x5: {  	_ = 	snop  }
0x6: {  	_ = 	snop  }
0x7: {  	_ = 	snop  }
__scs_overlays_trampoline_lowered:
0x8: {  	[smem:$0x3FA3] =	sst s0  }
0x9: {  	[smem:$0x3FA4] =	sst s1  }
0xa: {  	[smem:$0x3FA5] =	sst s2  }
0xb: {  	[smem:$0x3FA6] =	sst s3  }
0xc: {  	[smem:$0x3FA7] =	sst s4  }
0xd: {  	[smem:$0x3FA8] =	sst s5  }
0xe: {  	[smem:$0x3FA9] =	sst s6  }
0xf: {  	[smem:$0x3FAA] =	sst s7  }
0x10: {  	[smem:$0x3FAB] =	sst s8  }
0x11: {  	[smem:$0x3FAC] =	sst s9;
	s0 =	simm.s32 @!p0 $0x0  }
0x12: {  	s1 =	sld [smem:$0x3F92];
	s0 =	simm.s32 @p0 $0x1  }
0x13: {  	[smem:$0x3FAD] =	sst s0;
	s0 =	simm.s32 @!p1 $0x0  }
0x14: {  	s2 =	sld [smem:$0x3F91];
	s0 =	simm.s32 @p1 $0x1  }
0x15: {  	[smem:$0x3FAE] =	sst s0;
	s0 =	simm.s32 @!p2 $0x0  }
0x16: {  	s3 =	sld [smem:$0x3FDB];
	s0 =	simm.s32 @p2 $0x1  }
0x17: {  	s4 =	simm.s32 $0x1BF5;
	[smem:$0x3FB0] =	sst s0  }
0x18: {  	s0 =	sld [smem:$0x3F93];
	_ =	swait.ge [sflag:s4], $0x0  }
0x19: {  	s7 =	sld [smem:$0x3F94]  }
0x1a: {  	s8 =	sadd.s32 $0xFFFFE003, lr  }
0x1b: {  	s9 =	sadd.s32 $0xFFFFFEF7, lr;
	s5 =	simm.s32 $0xFFFFFFFF;
	p2 =	slt.u32 s8, $0xFFFFF086  }
0x1c: {  	p1 =	slt.u32 s9, $0xF7A;
	s5 =	simm.s32 @!p2 $0x0  }
0x1d: {  	s5 =	simm.s32 @p1 $0x1;
	p0 =	seq.s32 s7, s2  }
0x1e: {  	s7 =	smul.u32 @!p0 $0xF7A, s2;
	p2 =	seq.s32 @!p0 s5, $0x0  }
0x1f: {  	s9 =	smul.u32 $0xF7A, s1;
	s8 =	simm.s32 @!p0 $0x1BF5;
	p2 =	por !p2, p0  }
0x20: {  	[sflag:s8] =	ssyncset.s32 @!p0 $0xFFFFF086;
	s6 =	sadd.s32 @!p0 s3, s7;
	s7 =	simm.s32 @!p0 $0x108  }
0x21: {  	s3 =	sadd.s32 s3, s9;
	s6 =	sadd.s32 @!p0 $0x88, s6;
	s7 =	simm.s32 @p2 $0x1082  }
0x22: {  	[simem:s7], [sflag:s8] =	dma.local @!p0 [hbm:s6], $0xF7A  }
0x23: {  	s9 =	sor.u32 $0xD0000000, s2;
	s6 =	simm.s32 $0x108;
	_ =	swait.ge @!p0 [sflag:s8], $0x0  }
0x24: {  	s3 =	sadd.s32 $0x88, s3;
	s6 =	simm.s32 @!p1 $0x1082;
	[sflag:s4] =	ssyncset.s32 $0xFFFFF086  }
0x25: {  	[simem:s6], [sflag:s4] =	dma.local [hbm:s3], $0xF7A  }
0x26: {  	[smem:$0x3F94] =	sst s1;
	(tag) =	ssettag s2;
	_ =	strace s9  }
0x27: {  	s1 =	sld [smem:$0x3FA4]  }
0x28: {  	s2 =	sld [smem:$0x3FA5]  }
0x29: {  	s4 =	sld [smem:$0x3FA7]  }
0x2a: {  	p0 =	seq.s32 s5, $0x0;
	s5 =	sld [smem:$0x3FA8]  }
0x2b: {  	s6 =	sld [smem:$0x3FA9]  }
0x2c: {  	s7 =	sld [smem:$0x3FAA]  }
0x2d: {  	s3 =	simm.s32 $0x108;
	s8 =	sld [smem:$0x3FAB]  }
0x2e: {  	s3 =	simm.s32 @!p0 $0x1082;
	s9 =	sld [smem:$0x3FAC]  }
0x2f: {  	lr =	sadd.s32 s0, s3;
	s0 =	sld [smem:$0x3FA3]  }
0x30: {  	s3 =	sld [smem:$0x3FA6]  }
0x31: {  	[smem:$0x3FAF] =	sst s10  }
0x32: {  	s10 =	sld [smem:$0x3FAD];
	_ =	sdelay $0x3  }
0x33: {  	p0 =	seq.s32 s10, $0x1;
	s10 =	sld [smem:$0x3FAF];
	_ =	sdelay $0x3  }
0x34: {  	[smem:$0x3FAF] =	sst s10  }
0x35: {  	s10 =	sld [smem:$0x3FAE];
	_ =	sdelay $0x3  }
0x36: {  	p1 =	seq.s32 s10, $0x1;
	s10 =	sld [smem:$0x3FAF];
	_ =	sdelay $0x3  }
0x37: {  	[smem:$0x3FAF] =	sst s10  }
0x38: {  	s10 =	sld [smem:$0x3FB0]  }
0x39: {  	_ = 	snop;
	(pc) =	sbr.ind lr, $3  }
0x3a: {  	_ = 	snop  }
0x3b: {  	_ = 	snop  }
0x3c: {  	p2 =	seq.s32 s10, $0x1;
	s10 =	sld [smem:$0x3FAF]  }
0x3d: {  	_ =	shalt  }
0x3e: {  	_ =	shalt  }
0x3f: {  	_ =	shalt  }
0x40: {  	_ =	shalt  }
0x41: {  	_ =	shalt  }
0x42: {  	_ =	shalt  }
0x43: {  	_ =	shalt  }
0x44: {  	_ =	shalt  }
0x45: {  	_ =	shalt  }
0x46: {  	_ =	shalt  }
0x47: {  	_ =	shalt  }
0x48: {  	_ =	shalt  }
0x49: {  	_ =	shalt  }
0x4a: {  	_ =	shalt  }
0x4b: {  	_ =	shalt  }
0x4c: {  	_ =	shalt  }
0x4d: {  	_ =	shalt  }
0x4e: {  	_ =	shalt  }
0x4f: {  	_ =	shalt  }
0x50: {  	_ =	shalt  }
0x51: {  	_ =	shalt  }
0x52: {  	_ =	shalt  }
0x53: {  	_ =	shalt  }
0x54: {  	_ =	shalt  }
0x55: {  	_ =	shalt  }
0x56: {  	_ =	shalt  }
0x57: {  	_ =	shalt  }
0x58: {  	_ =	shalt  }
0x59: {  	_ =	shalt  }
0x5a: {  	_ =	shalt  }
0x5b: {  	_ =	shalt  }
0x5c: {  	_ =	shalt  }
0x5d: {  	_ =	shalt  }
0x5e: {  	_ =	shalt  }
0x5f: {  	_ =	shalt  }
0x60: {  	_ =	shalt  }
0x61: {  	_ =	shalt  }
0x62: {  	_ =	shalt  }
0x63: {  	_ =	shalt  }
0x64: {  	_ =	shalt  }
0x65: {  	_ =	shalt  }
0x66: {  	_ =	shalt  }
0x67: {  	_ =	shalt  }
0x68: {  	_ =	shalt  }
0x69: {  	_ =	shalt  }
0x6a: {  	_ =	shalt  }
0x6b: {  	_ =	shalt  }
0x6c: {  	_ =	shalt  }
0x6d: {  	_ =	shalt  }
0x6e: {  	_ =	shalt  }
0x6f: {  	_ =	shalt  }
0x70: {  	_ =	shalt  }
0x71: {  	_ =	shalt  }
0x72: {  	_ =	shalt  }
0x73: {  	_ =	shalt  }
0x74: {  	_ =	shalt  }
0x75: {  	_ =	shalt  }
0x76: {  	_ =	shalt  }
0x77: {  	_ =	shalt  }
0x78: {  	_ =	shalt  }
0x79: {  	_ =	shalt  }
0x7a: {  	_ =	shalt  }
0x7b: {  	_ =	shalt  }
0x7c: {  	_ =	shalt  }
0x7d: {  	_ =	shalt  }
0x7e: {  	_ =	shalt  }
0x7f: {  	_ =	shalt  }
0x80: {  	_ =	shalt  }
0x81: {  	_ =	shalt  }
0x82: {  	_ =	shalt  }
0x83: {  	_ =	shalt  }
0x84: {  	_ =	shalt  }
0x85: {  	_ =	shalt  }
0x86: {  	_ =	shalt  }
0x87: {  	_ =	shalt  }
.Lfunc_end0:
.L_simem_size_0:
called_computation.2_lowered:
.L_overlay_start_0:
0x88: {  	s2 =	sld [smem:$0x3FD9]  }
0x89: {  	s3 =	sld [smem:$0x3FFE];
	_ =	sdelay $0x1  }
0x8a: {  	s1 =	srdreg.scid  }
0x8b: {  	s0 =	sand.u32 $0x1, s1  }
0x8c: {  	s16 =	sshll.u32 s0, $0xA;
	s2 =	sadd.s32 s3, s2  }
0x8d: {  	s2 =	sadd.s32 s2, s16  }
0x8e: {  	[smem:$0x3FBB] =	sst s2  }
0x8f: {  	_ = 	snop  }
0x90: {  	(tm) =	ssettm $0x1  }
0x91: {  	s17 =	sld [smem:$0x3FFB];
	_ =	sdelay $0x3  }
0x92: {  	_ =	strace s17  }
0x93: {  	s2 =	sld [smem:$0x3FFC];
	_ =	sdelay $0x3  }
0x94: {  	_ =	strace s2  }
0x95: {  	s2 =	sld [smem:$0x3FFD];
	_ =	sdelay $0x3  }
0x96: {  	_ =	strace s2  }
0x97: {  	_ =	strace $0x8FFFFFFF  }
0x98: {  	s18 =	sld [smem:$0x3FDB];
	_ =	sdelay $0x1  }
0x99: {  	s19 =	simm.s32 $_scs_section_size  }
0x9a: {  	s4 =	simm.s32 $_size__tile_overlayer_lowered;
	s5 =	simm.s32 $_tile_overlayer_lowered  }
0x9b: {  	s22 =	simm.s32 $0x1BFF;
	s21 =	sshll.u32 s5, $0x1;
	s2 =	sadd.s32 s19, s18  }
0x9c: {  	s6 =	simm.s32 $0x0;
	s20 =	sshll.u32 s4, $0x1;
	s4 =	sadd.s32 s21, s2  }
0x9d: {  	[timem:s6], [sflag:s22] =	dma.local [hbm:s4], s20  }
0x9e: {  	_ =	swait.ge [sflag:s22], s20  }
0x9f: {  	s3 =	ssub.s32 $0x0, s20;
	[sflag:s22] =	ssyncset.done $0x0  }
0xa0: {  	[sflag:s22] =	ssyncadd.s32 s3;
	_ =	sdelay $0x1  }
0xa1: {  	s23 =	simm.s32 $0x1B8B  }
0xa2: {  	_ =	swait.ge [sflag:s23], $0x1  }
0xa3: {  	[sflag:s23] =	ssyncset.done $0x0  }
0xa4: {  	s25 =	simm.s32 $0x1B8E;
	s24 =	sld [smem:$0x3FFE];
	[sflag:s23] =	ssyncadd.s32 $0xFFFFFFFF  }
0xa5: {  	s26 =	simm.s32 $execute0_lowered;
	[smem:$0x3FD2] =	sst s25  }
0xa6: {  	s4 =	sshll.u32 s26, $0x1;
	_ =	strace $0x8000004C;
	[dreg:$0x1] =	wrdreg $0xFFFFFFFF  }
0xa7: {  	s28 =	simm.s32 $_size_execute0_lowered;
	s2 =	sadd.s32 s2, s4;
	[dreg:$0x0] =	wrdreg $0x0  }
0xa8: {  	s4 =	sshll.u32 s28, $0x1;
	[dreg:$0x2] =	wrdreg s2  }
0xa9: {  	[dreg:$0x3] =	wrdreg s4  }
0xaa: {  	[dreg:$0x4] =	wrdreg $0xC0  }
0xab: {  	_ =	task [dreg:s6], $0x5FFFF  }
0xac: {  	[dreg:$0x1] =	wrdreg $0xFFFFFFFF  }
0xad: {  	[dreg:$0x0] =	wrdreg $0x60  }
0xae: {  	[dreg:$0x2] =	wrdreg s24  }
0xaf: {  	[dreg:$0x3] =	wrdreg $0x90000  }
0xb0: {  	[dreg:$0x4] =	wrdreg $0x9  }
0xb1: {  	_ =	task.clear_ibuf [dreg:s6], $0x5FFFF;
	_ =	strace $0x9000004C  }
0xb2: {  	s29 =	simm.s32 $0x9;
	_ =	strace $0x8000004E  }
0xb3: {  	_ =	swait.ge [sflag:s29], $0x1  }
0xb4: {  	[sflag:s29] =	ssyncadd.s32 $0xFFFFFFFF  }
0xb5: {  	_ =	strace $0x9000004E  }
0xb6: {  	_ =	sfence  }
0xb7: {  	s30 =	sld [smem:$0x0];
	_ =	sdelay $0x2  }
0xb8: {  	s31 =	sshll.u32 s1, $0xD;
	s1 =	sshrl.u32 s1, $0x2  }
0xb9: {  	s3 =	sand.u32 $0x4000, s31;
	s1 =	sadd.s32 s1, s30  }
0xba: {  	s0 =	sor.u32 s3, s0;
	s1 =	sshll.u32 s1, $0x11  }
0xbb: {  	s0 =	sor.u32 s1, s0  }
0xbc: {  	s0 =	sadd.s32 $0x8F2B, s0  }
0xbd: {  	[sflag:s0] =	ssyncadd.remote.s32 $0x1  }
0xbe: {  	_ =	sfence.sel $0xFFFF  }
0xbf: {  	[dreg:$0x0] =	wrdreg $0xFFFFFFFF;
	(pc) =	sbr.abs _section_cstart, $3  }
0xc0: {  	[dreg:$0x1] =	wrdreg $0xFFFFFFFF  }
0xc1: {  	_ =	task.clear_ibuf [dreg:s6], $0x2FFFF;
	_ =	strace $0x9FFFFFFF  }
0xc2: {  	(tm) =	ssettm $0x7FFFFFFF  }
0xc3: {  	_ =	shalt  }
tec
execute0_lowered:
.L_overlay_start_1:
0x0: {  	(tag) =	ssettag $0x1  }
0x1: {  	s0 =	srdreg.scid;
	s1 =	rddreg [dreg:$0x0]  }
0x2: {  	s8 =	stileid.u32;
	s2 =	rddreg [dreg:$0x1]  }
0x3: {  	s3 =	simm.s32 $0x0;
	s13 =	simm.s32 $0x880;
	s14 =	simm.s32 $0x100  }
0x4: {  	s16 =	simm.s32 $0x900;
	s18 =	simm.s32 $0x180;
	[smem:$0x7FF] =	sst s3  }
0x5: {  	s19 =	simm.s32 $0x980;
	_ =	strace $0x8000004D;
	[dreg:$0x5] =	wrdreg s13  }
0x6: {  	s20 =	simm.s32 $0x200;
	s21 =	simm.s32 $0xA00;
	[dreg:$0x6] =	wrdreg s14  }
0x7: {  	s22 =	simm.s32 $0x280;
	s23 =	simm.s32 $0xA80;
	[dreg:$0x7] =	wrdreg s16  }
0x8: {  	s24 =	simm.s32 $0x300;
	s25 =	simm.s32 $0xB00;
	[dreg:$0x8] =	wrdreg s18  }
0x9: {  	s26 =	simm.s32 $0x380;
	s28 =	simm.s32 $0xD80;
	[dreg:$0x9] =	wrdreg s19  }
0xa: {  	s29 =	simm.s32 $0x600;
	s5 =	smul.u32 $0x2800, s8;
	[dreg:$0xa] =	wrdreg s20  }
0xb: {  	s30 =	simm.s32 $0xE00;
	s7 =	smul.u32 $0x14000, s8;
	[dreg:$0xb] =	wrdreg s21  }
0xc: {  	s0 =	sand.u32 $0x1, s0;
	s8 =	smul.u32 $0x50000, s8;
	[dreg:$0xc] =	wrdreg s22  }
0xd: {  	s31 =	simm.s32 $0x680;
	s4 =	smul.u32 $0x28000, s0;
	[dreg:$0xd] =	wrdreg s23  }
0xe: {  	s6 =	smul.u32 $0x140000, s0;
	s0 =	ssub.s32 $0x2, s0;
	[dreg:$0xe] =	wrdreg s24  }
0xf: {  	s13 =	simm.s32 $0x3;
	s14 =	simm.s32 $0x800;
	[dreg:$0xf] =	wrdreg s25  }
0x10: {  	s16 =	simm.s32 $0x1;
	s18 =	simm.s32 $0x2;
	[dreg:$0x10] =	wrdreg s26  }
0x11: {  	s19 =	simm.s32 $0xB80;
	s20 =	simm.s32 $0x400;
	s21 =	simm.s32 $0xC00  }
0x12: {  	s22 =	simm.s32 $0x480;
	s23 =	simm.s32 $0xC80;
	s24 =	simm.s32 $0x500  }
0x13: {  	s25 =	simm.s32 $0xD00;
	s26 =	simm.s32 $0x580;
	s9 =	sshrl.u32 s0, $0x1  }
0x14: {  	s11 =	sshrl.u32 s8, $0x2;
	s8 =	simm.s32 $0xF80;
	s5 =	sadd.s32 s5, s4  }
0x15: {  	s4 =	sadd.s32 $0xD000, s1;
	s6 =	sadd.s32 s7, s6;
	s0 =	ssub.s32 s0, s9  }
0x16: {  	s12 =	sadd.s32 s11, s2;
	s9 =	simm.s32 $0x0;
	s5 =	sshrl.u32 s5, $0x3  }
0x17: {  	s6 =	sshrl.u32 s6, $0x3;
	s7 =	sadd.s32 $0x4000, s12;
	[dreg:$0x11] =	wrdreg s12  }
0x18: {  	s15 =	sadd.s32 $0x8000, s12;
	s17 =	sadd.s32 $0xC000, s12;
	[dreg:$0x12] =	wrdreg s7  }
0x19: {  	s0 =	smax.u32 s0, $0x1;
	s5 =	sadd.s32 s5, s1;
	[dreg:$0x13] =	wrdreg s15  }
0x1a: {  	s1 =	sadd.s32 s6, s1;
	[dreg:$0x14] =	wrdreg s17;
	s6 =	sadd.s32 $0x10000, s12  }
0x1b: {  	[dreg:$0x17] =	wrdreg s0;
	s12 =	simm.s32 $0x1000;
	s15 =	simm.s32 $0x80  }
0x1c: {  	s17 =	simm.s32 $0x5000;
	s10 =	sadd.s32 $0x3000, s5;
	[dreg:$0x15] =	wrdreg s6  }
0x1d: {  	s0 =	simm.s32 $0x700;
	s5 =	sadd.s32 $0x5D000, s5;
	[dreg:$0x3] =	wrdreg s10  }
0x1e: {  	s7 =	simm.s32 $0x780;
	s1 =	sadd.s32 $0x67000, s1;
	[dreg:$0x4] =	wrdreg s5  }
0x1f: {  	v0 =	vimm.f32 $0.0e+00;
	s6 =	simm.s32 $0xF00;
	[dreg:$0x16] =	wrdreg s1;
	s1 =	simm.s32 $0xE80  }
.LBB2_1:
0x20: {  	s10 =	simm.s32 $0x0;
	s11 =	simm.s32 $0x200  }
.LBB2_2:
0x21: {  	p0 =	sne.s32 s11, $0xFE00;
	[tilespmem:s10+$0x1070] =	vst v0  }
0x22: {  	[tilespmem:s10+$0x1000] =	vst v0  }
0x23: {  	[tilespmem:s10+$0x1010] =	vst v0  }
.Ltmp0:
0x24: {  	[tilespmem:s10+$0x1020] =	vst v0;
	(pc) =	sbr.rel @p0 .LBB2_2-.Ltmp0, $4  }
0x25: {  	[tilespmem:s10+$0x1030] =	vst v0  }
0x26: {  	[tilespmem:s10+$0x1040] =	vst v0  }
0x27: {  	[tilespmem:s10+$0x1050] =	vst v0  }
0x28: {  	[tilespmem:s10+$0x1060] =	vst v0;
	s10 =	sshra.s32 s11, $0x2;
	s11 =	sadd.s32 $0x200, s11  }
0x29: {  	[tilespmem:s10+$0x1070] =	vst v0  }
0x2a: {  	[tilespmem:s10+$0x1000] =	vst v0  }
0x2b: {  	[tilespmem:s10+$0x1010] =	vst v0  }
0x2c: {  	[tilespmem:s10+$0x1020] =	vst v0  }
0x2d: {  	[tilespmem:s10+$0x1030] =	vst v0  }
0x2e: {  	[tilespmem:s10+$0x1040] =	vst v0  }
0x2f: {  	[dreg:$0x18] =	wrdreg s9;
	[tilespmem:s10+$0x1050] =	vst v0  }
0x30: {  	[tilespmem:s10+$0x1060] =	vst v0;
	s5 =	rddreg [dreg:$0x11]  }
0x31: {  	[spmem:s5] =	stream.linear.scatter [tilespmem:s12], [sflag:$0x3], $0x4000, $0x38;
	[tilespmem:$0x1D000] =	vst v63  }
0x32: {  	_ =	swait.ge [sflag:s13], $0x4000  }
0x33: {  	[sflag:s13] =	ssyncset.done $0x0  }
0x34: {  	s9 =	rddreg [dreg:$0x12];
	[sflag:s13] =	ssyncadd.s32 $0xFFFFC000  }
0x35: {  	[spmem:s9] =	stream.linear.scatter [tilespmem:s12], [sflag:$0x3], $0x4000, $0x38;
	[tilespmem:$0x1D000] =	vst v63  }
0x36: {  	_ =	swait.ge [sflag:s13], $0x4000  }
0x37: {  	[sflag:s13] =	ssyncset.done $0x0  }
0x38: {  	s10 =	rddreg [dreg:$0x13];
	[sflag:s13] =	ssyncadd.s32 $0xFFFFC000  }
0x39: {  	[spmem:s10] =	stream.linear.scatter [tilespmem:s12], [sflag:$0x3], $0x4000, $0x38;
	[tilespmem:$0x1D000] =	vst v63  }
0x3a: {  	_ =	swait.ge [sflag:s13], $0x4000  }
0x3b: {  	[sflag:s13] =	ssyncset.done $0x0  }
0x3c: {  	s11 =	rddreg [dreg:$0x14];
	[sflag:s13] =	ssyncadd.s32 $0xFFFFC000  }
0x3d: {  	[spmem:s11] =	stream.linear.scatter [tilespmem:s12], [sflag:$0x3], $0x4000, $0x38;
	[tilespmem:$0x1D000] =	vst v63  }
0x3e: {  	_ =	swait.ge [sflag:s13], $0x4000  }
0x3f: {  	[sflag:s13] =	ssyncset.done $0x0  }
0x40: {  	s9 =	rddreg [dreg:$0x15];
	[sflag:s13] =	ssyncadd.s32 $0xFFFFC000  }
0x41: {  	[spmem:s9] =	stream.linear.scatter [tilespmem:s12], [sflag:$0x3], $0x4000, $0x38;
	[tilespmem:$0x1D000] =	vst v63  }
0x42: {  	_ =	swait.ge [sflag:s13], $0x4000  }
0x43: {  	[sflag:s13] =	ssyncset.done $0x0  }
0x44: {  	[sflag:s13] =	ssyncadd.s32 $0xFFFFC000  }
0x45: {  	[bflag:$0x0] =	sbarrier.arrive $0xFFFF  }
0x46: {  	s10 =	rddreg [dreg:$0x4]  }
0x47: {  	s5 =	sadd.s32 $0x0, s10  }
0x48: {  	[tilespmem:s3], [sflag:$0x3] =	stream.linear.gather [hbm4b:s5+s3], $0x800, $0x38;
	[tilespmem:$0x1D000] =	vst v63  }
0x49: {  	_ =	swait.ge [sflag:s13], $0x800  }
0x4a: {  	s11 =	rddreg [dreg:$0x3];
	[sflag:s13] =	ssyncset.done $0x0  }
0x4b: {  	[sflag:s13] =	ssyncadd.s32 $0xFFFFF800;
	s5 =	sadd.s32 $0x0, s11  }
0x4c: {  	[tilespmem:s14], [sflag:$0x3] =	stream.linear.gather [hbm4b:s5+s3], $0x800, $0x38;
	[tilespmem:$0x1D000] =	vst v63  }
0x4d: {  	_ =	swait.ge [sflag:s13], $0x800  }
0x4e: {  	[sflag:s13] =	ssyncset.done $0x0  }
0x4f: {  	[sflag:s13] =	ssyncadd.s32 $0xFFFFF800  }
0x50: {  	[tilespmem:s12], [sflag:$0x1] =	stream.indirect.gather [hbm4b:s4+s15], $0x80, s3, s15, $0xb8;
	[tilespmem:$0x1D000] =	vst v63  }
0x51: {  	_ =	swait.ge [sflag:s16], $0x4000  }
0x52: {  	[sflag:s16] =	ssyncset.done $0x0  }
0x53: {  	[sflag:s16] =	ssyncadd.s32 $0xFFFFC000  }
0x54: {  	[spmem:s2] =	stream.indirect.scatter.add.f32 [tilespmem:s12], [sflag:$0x2], $0x80, s14, s15, $0xb8;
	[tilespmem:$0x1D000] =	vst v63  }
0x55: {  	_ = 	snop  }
0x56: {  	[tilespmem:s17], [sflag:$0x1] =	stream.indirect.gather [hbm4b:s4+s15], $0x80, s15, s15, $0xb8;
	[tilespmem:$0x1D000] =	vst v63  }
0x57: {  	_ =	swait.ge [sflag:s16], $0x4000  }
0x58: {  	[sflag:s16] =	ssyncset.done $0x0  }
0x59: {  	s9 =	rddreg [dreg:$0x5];
	[sflag:s16] =	ssyncadd.s32 $0xFFFFC000  }
0x5a: {  	[spmem:s2] =	stream.indirect.scatter.add.f32 [tilespmem:s17], [sflag:$0x2], $0x80, s9, s15, $0xb8;
	[tilespmem:$0x1D000] =	vst v63  }
0x5b: {  	_ =	swait.ge [sflag:s18], $0x4000  }
0x5c: {  	[sflag:s18] =	ssyncset.done $0x0  }
0x5d: {  	s10 =	rddreg [dreg:$0x6];
	[sflag:s18] =	ssyncadd.s32 $0xFFFFC000  }
0x5e: {  	[tilespmem:s12], [sflag:$0x1] =	stream.indirect.gather [hbm4b:s4+s15], $0x80, s10, s15, $0xb8;
	[tilespmem:$0x1D000] =	vst v63  }
0x5f: {  	_ =	swait.ge [sflag:s16], $0x4000  }
0x60: {  	[sflag:s16] =	ssyncset.done $0x0  }
0x61: {  	s11 =	rddreg [dreg:$0x7];
	[sflag:s16] =	ssyncadd.s32 $0xFFFFC000  }
0x62: {  	[spmem:s2] =	stream.indirect.scatter.add.f32 [tilespmem:s12], [sflag:$0x2], $0x80, s11, s15, $0xb8;
	[tilespmem:$0x1D000] =	vst v63  }
0x63: {  	_ =	swait.ge [sflag:s18], $0x4000  }
0x64: {  	[sflag:s18] =	ssyncset.done $0x0  }
0x65: {  	s9 =	rddreg [dreg:$0x8];
	[sflag:s18] =	ssyncadd.s32 $0xFFFFC000  }
0x66: {  	[tilespmem:s17], [sflag:$0x1] =	stream.indirect.gather [hbm4b:s4+s15], $0x80, s9, s15, $0xb8;
	[tilespmem:$0x1D000] =	vst v63  }
0x67: {  	_ =	swait.ge [sflag:s16], $0x4000  }
0x68: {  	[sflag:s16] =	ssyncset.done $0x0  }
0x69: {  	s10 =	rddreg [dreg:$0x9];
	[sflag:s16] =	ssyncadd.s32 $0xFFFFC000  }
0x6a: {  	[spmem:s2] =	stream.indirect.scatter.add.f32 [tilespmem:s17], [sflag:$0x2], $0x80, s10, s15, $0xb8;
	[tilespmem:$0x1D000] =	vst v63  }
0x6b: {  	_ =	swait.ge [sflag:s18], $0x4000  }
0x6c: {  	[sflag:s18] =	ssyncset.done $0x0  }
0x6d: {  	s11 =	rddreg [dreg:$0xa];
	[sflag:s18] =	ssyncadd.s32 $0xFFFFC000  }
0x6e: {  	[tilespmem:s12], [sflag:$0x1] =	stream.indirect.gather [hbm4b:s4+s15], $0x80, s11, s15, $0xb8;
	[tilespmem:$0x1D000] =	vst v63  }
0x6f: {  	_ =	swait.ge [sflag:s16], $0x4000  }
0x70: {  	[sflag:s16] =	ssyncset.done $0x0  }
0x71: {  	s9 =	rddreg [dreg:$0xb];
	[sflag:s16] =	ssyncadd.s32 $0xFFFFC000  }
0x72: {  	[spmem:s2] =	stream.indirect.scatter.add.f32 [tilespmem:s12], [sflag:$0x2], $0x80, s9, s15, $0xb8;
	[tilespmem:$0x1D000] =	vst v63  }
0x73: {  	_ =	swait.ge [sflag:s18], $0x4000  }
0x74: {  	[sflag:s18] =	ssyncset.done $0x0  }
0x75: {  	s10 =	rddreg [dreg:$0xc];
	[sflag:s18] =	ssyncadd.s32 $0xFFFFC000  }
0x76: {  	[tilespmem:s17], [sflag:$0x1] =	stream.indirect.gather [hbm4b:s4+s15], $0x80, s10, s15, $0xb8;
	[tilespmem:$0x1D000] =	vst v63  }
0x77: {  	_ =	swait.ge [sflag:s16], $0x4000  }
0x78: {  	[sflag:s16] =	ssyncset.done $0x0  }
0x79: {  	s11 =	rddreg [dreg:$0xd];
	[sflag:s16] =	ssyncadd.s32 $0xFFFFC000  }
0x7a: {  	[spmem:s2] =	stream.indirect.scatter.add.f32 [tilespmem:s17], [sflag:$0x2], $0x80, s11, s15, $0xb8;
	[tilespmem:$0x1D000] =	vst v63  }
0x7b: {  	_ =	swait.ge [sflag:s18], $0x4000  }
0x7c: {  	[sflag:s18] =	ssyncset.done $0x0  }
0x7d: {  	s9 =	rddreg [dreg:$0xe];
	[sflag:s18] =	ssyncadd.s32 $0xFFFFC000  }
0x7e: {  	[tilespmem:s12], [sflag:$0x1] =	stream.indirect.gather [hbm4b:s4+s15], $0x80, s9, s15, $0xb8;
	[tilespmem:$0x1D000] =	vst v63  }
0x7f: {  	_ =	swait.ge [sflag:s16], $0x4000  }
0x80: {  	[sflag:s16] =	ssyncset.done $0x0  }
0x81: {  	s10 =	rddreg [dreg:$0xf];
	[sflag:s16] =	ssyncadd.s32 $0xFFFFC000  }
0x82: {  	[spmem:s2] =	stream.indirect.scatter.add.f32 [tilespmem:s12], [sflag:$0x2], $0x80, s10, s15, $0xb8;
	[tilespmem:$0x1D000] =	vst v63  }
0x83: {  	_ =	swait.ge [sflag:s18], $0x4000  }
0x84: {  	[sflag:s18] =	ssyncset.done $0x0  }
0x85: {  	s11 =	rddreg [dreg:$0x10];
	[sflag:s18] =	ssyncadd.s32 $0xFFFFC000  }
0x86: {  	[tilespmem:s17], [sflag:$0x1] =	stream.indirect.gather [hbm4b:s4+s15], $0x80, s11, s15, $0xb8;
	[tilespmem:$0x1D000] =	vst v63  }
0x87: {  	_ =	swait.ge [sflag:s16], $0x4000  }
0x88: {  	[sflag:s16] =	ssyncset.done $0x0  }
0x89: {  	[sflag:s16] =	ssyncadd.s32 $0xFFFFC000  }
0x8a: {  	[spmem:s2] =	stream.indirect.scatter.add.f32 [tilespmem:s17], [sflag:$0x2], $0x80, s19, s15, $0xb8;
	[tilespmem:$0x1D000] =	vst v63  }
0x8b: {  	_ =	swait.ge [sflag:s18], $0x4000  }
0x8c: {  	[sflag:s18] =	ssyncset.done $0x0  }
0x8d: {  	[sflag:s18] =	ssyncadd.s32 $0xFFFFC000  }
0x8e: {  	[tilespmem:s12], [sflag:$0x1] =	stream.indirect.gather [hbm4b:s4+s15], $0x80, s20, s15, $0xb8;
	[tilespmem:$0x1D000] =	vst v63  }
0x8f: {  	_ =	swait.ge [sflag:s16], $0x4000  }
0x90: {  	[sflag:s16] =	ssyncset.done $0x0  }
0x91: {  	[sflag:s16] =	ssyncadd.s32 $0xFFFFC000  }
0x92: {  	[spmem:s2] =	stream.indirect.scatter.add.f32 [tilespmem:s12], [sflag:$0x2], $0x80, s21, s15, $0xb8;
	[tilespmem:$0x1D000] =	vst v63  }
0x93: {  	_ =	swait.ge [sflag:s18], $0x4000  }
0x94: {  	[sflag:s18] =	ssyncset.done $0x0  }
0x95: {  	[sflag:s18] =	ssyncadd.s32 $0xFFFFC000  }
0x96: {  	[tilespmem:s17], [sflag:$0x1] =	stream.indirect.gather [hbm4b:s4+s15], $0x80, s22, s15, $0xb8;
	[tilespmem:$0x1D000] =	vst v63  }
0x97: {  	_ =	swait.ge [sflag:s16], $0x4000  }
0x98: {  	[sflag:s16] =	ssyncset.done $0x0  }
0x99: {  	[sflag:s16] =	ssyncadd.s32 $0xFFFFC000  }
0x9a: {  	[spmem:s2] =	stream.indirect.scatter.add.f32 [tilespmem:s17], [sflag:$0x2], $0x80, s23, s15, $0xb8;
	[tilespmem:$0x1D000] =	vst v63  }
0x9b: {  	_ =	swait.ge [sflag:s18], $0x4000  }
0x9c: {  	[sflag:s18] =	ssyncset.done $0x0  }
0x9d: {  	[sflag:s18] =	ssyncadd.s32 $0xFFFFC000  }
0x9e: {  	[tilespmem:s12], [sflag:$0x1] =	stream.indirect.gather [hbm4b:s4+s15], $0x80, s24, s15, $0xb8;
	[tilespmem:$0x1D000] =	vst v63  }
0x9f: {  	_ =	swait.ge [sflag:s16], $0x4000  }
0xa0: {  	[sflag:s16] =	ssyncset.done $0x0  }
0xa1: {  	[sflag:s16] =	ssyncadd.s32 $0xFFFFC000  }
0xa2: {  	[spmem:s2] =	stream.indirect.scatter.add.f32 [tilespmem:s12], [sflag:$0x2], $0x80, s25, s15, $0xb8;
	[tilespmem:$0x1D000] =	vst v63  }
0xa3: {  	_ =	swait.ge [sflag:s18], $0x4000  }
0xa4: {  	[sflag:s18] =	ssyncset.done $0x0  }
0xa5: {  	[sflag:s18] =	ssyncadd.s32 $0xFFFFC000  }
0xa6: {  	[tilespmem:s17], [sflag:$0x1] =	stream.indirect.gather [hbm4b:s4+s15], $0x80, s26, s15, $0xb8;
	[tilespmem:$0x1D000] =	vst v63  }
0xa7: {  	_ =	swait.ge [sflag:s16], $0x4000  }
0xa8: {  	[sflag:s16] =	ssyncset.done $0x0  }
0xa9: {  	[sflag:s16] =	ssyncadd.s32 $0xFFFFC000  }
0xaa: {  	[spmem:s2] =	stream.indirect.scatter.add.f32 [tilespmem:s17], [sflag:$0x2], $0x80, s28, s15, $0xb8;
	[tilespmem:$0x1D000] =	vst v63  }
0xab: {  	_ =	swait.ge [sflag:s18], $0x4000  }
0xac: {  	[sflag:s18] =	ssyncset.done $0x0  }
0xad: {  	[sflag:s18] =	ssyncadd.s32 $0xFFFFC000  }
0xae: {  	[tilespmem:s12], [sflag:$0x1] =	stream.indirect.gather [hbm4b:s4+s15], $0x80, s29, s15, $0xb8;
	[tilespmem:$0x1D000] =	vst v63  }
0xaf: {  	_ =	swait.ge [sflag:s16], $0x4000  }
0xb0: {  	[sflag:s16] =	ssyncset.done $0x0  }
0xb1: {  	[sflag:s16] =	ssyncadd.s32 $0xFFFFC000  }
0xb2: {  	[spmem:s2] =	stream.indirect.scatter.add.f32 [tilespmem:s12], [sflag:$0x2], $0x80, s30, s15, $0xb8;
	[tilespmem:$0x1D000] =	vst v63  }
0xb3: {  	_ =	swait.ge [sflag:s18], $0x4000  }
0xb4: {  	[sflag:s18] =	ssyncset.done $0x0  }
0xb5: {  	[sflag:s18] =	ssyncadd.s32 $0xFFFFC000  }
0xb6: {  	[tilespmem:s17], [sflag:$0x1] =	stream.indirect.gather [hbm4b:s4+s15], $0x80, s31, s15, $0xb8;
	[tilespmem:$0x1D000] =	vst v63  }
0xb7: {  	_ =	swait.ge [sflag:s16], $0x4000  }
0xb8: {  	[sflag:s16] =	ssyncset.done $0x0  }
0xb9: {  	[sflag:s16] =	ssyncadd.s32 $0xFFFFC000  }
0xba: {  	[spmem:s2] =	stream.indirect.scatter.add.f32 [tilespmem:s17], [sflag:$0x2], $0x80, s1, s15, $0xb8;
	[tilespmem:$0x1D000] =	vst v63  }
0xbb: {  	_ =	swait.ge [sflag:s18], $0x4000  }
0xbc: {  	[sflag:s18] =	ssyncset.done $0x0  }
0xbd: {  	[sflag:s18] =	ssyncadd.s32 $0xFFFFC000  }
0xbe: {  	[tilespmem:s12], [sflag:$0x1] =	stream.indirect.gather [hbm4b:s4+s15], $0x80, s0, s15, $0xb8;
	[tilespmem:$0x1D000] =	vst v63  }
0xbf: {  	_ =	swait.ge [sflag:s16], $0x4000  }
0xc0: {  	[sflag:s16] =	ssyncset.done $0x0  }
0xc1: {  	[sflag:s16] =	ssyncadd.s32 $0xFFFFC000  }
0xc2: {  	[spmem:s2] =	stream.indirect.scatter.add.f32 [tilespmem:s12], [sflag:$0x2], $0x80, s6, s15, $0xb8;
	[tilespmem:$0x1D000] =	vst v63  }
0xc3: {  	_ =	swait.ge [sflag:s18], $0x4000  }
0xc4: {  	[sflag:s18] =	ssyncset.done $0x0  }
0xc5: {  	[sflag:s18] =	ssyncadd.s32 $0xFFFFC000  }
0xc6: {  	[tilespmem:s17], [sflag:$0x1] =	stream.indirect.gather [hbm4b:s4+s15], $0x80, s7, s15, $0xb8;
	[tilespmem:$0x1D000] =	vst v63  }
0xc7: {  	_ =	swait.ge [sflag:s16], $0x4000  }
0xc8: {  	[sflag:s16] =	ssyncset.done $0x0  }
0xc9: {  	[sflag:s16] =	ssyncadd.s32 $0xFFFFC000  }
0xca: {  	[spmem:s2] =	stream.indirect.scatter.add.f32 [tilespmem:s17], [sflag:$0x2], $0x80, s8, s15, $0xb8;
	[tilespmem:$0x1D000] =	vst v63  }
0xcb: {  	_ =	swait.ge [sflag:s18], $0x4000  }
0xcc: {  	[sflag:s18] =	ssyncset.done $0x0  }
0xcd: {  	[sflag:s18] =	ssyncadd.s32 $0xFFFFC000  }
0xce: {  	s10 =	simm.s32 $0x100;
	_ =	swait.ge [sflag:s18], $0x4000  }
0xcf: {  	s11 =	simm.s32 $0x200;
	s5 =	rddreg [dreg:$0x4];
	[sflag:s18] =	ssyncset.done $0x0  }
.LBB2_4:
0xd0: {  	[sflag:s18] =	ssyncadd.s32 $0xFFFFC000;
	s5 =	sadd.s32 s10, s5  }
0xd1: {  	[tilespmem:s3], [sflag:$0x3] =	stream.linear.gather [hbm4b:s5+s3], $0x800, $0x38;
	[tilespmem:$0x1D000] =	vst v63  }
0xd2: {  	_ =	swait.ge [sflag:s13], $0x800  }
0xd3: {  	s5 =	rddreg [dreg:$0x3];
	[sflag:s13] =	ssyncset.done $0x0  }
0xd4: {  	[sflag:s13] =	ssyncadd.s32 $0xFFFFF800;
	s5 =	sadd.s32 s10, s5  }
0xd5: {  	[tilespmem:s14], [sflag:$0x3] =	stream.linear.gather [hbm4b:s5+s3], $0x800, $0x38;
	[tilespmem:$0x1D000] =	vst v63  }
0xd6: {  	_ =	swait.ge [sflag:s13], $0x800  }
0xd7: {  	[sflag:s13] =	ssyncset.done $0x0  }
0xd8: {  	[sflag:s13] =	ssyncadd.s32 $0xFFFFF800  }
0xd9: {  	[tilespmem:s12], [sflag:$0x1] =	stream.indirect.gather [hbm4b:s4+s15], $0x80, s3, s15, $0xb8;
	[tilespmem:$0x1D000] =	vst v63  }
0xda: {  	_ =	swait.ge [sflag:s16], $0x4000  }
0xdb: {  	[sflag:s16] =	ssyncset.done $0x0  }
0xdc: {  	[sflag:s16] =	ssyncadd.s32 $0xFFFFC000  }
0xdd: {  	[spmem:s2] =	stream.indirect.scatter.add.f32 [tilespmem:s12], [sflag:$0x2], $0x80, s14, s15, $0xb8;
	[tilespmem:$0x1D000] =	vst v63  }
0xde: {  	_ = 	snop  }
0xdf: {  	[tilespmem:s17], [sflag:$0x1] =	stream.indirect.gather [hbm4b:s4+s15], $0x80, s15, s15, $0xb8;
	[tilespmem:$0x1D000] =	vst v63  }
0xe0: {  	_ =	swait.ge [sflag:s16], $0x4000  }
0xe1: {  	s9 =	smov.u32 s11;
	[sflag:s16] =	ssyncset.done $0x0  }
0xe2: {  	s10 =	smov.u32 s9;
	s9 =	rddreg [dreg:$0x5];
	[sflag:s16] =	ssyncadd.s32 $0xFFFFC000  }
0xe3: {  	[spmem:s2] =	stream.indirect.scatter.add.f32 [tilespmem:s17], [sflag:$0x2], $0x80, s9, s15, $0xb8;
	[tilespmem:$0x1D000] =	vst v63  }
0xe4: {  	_ =	swait.ge [sflag:s18], $0x4000  }
0xe5: {  	[sflag:s18] =	ssyncset.done $0x0  }
0xe6: {  	s9 =	rddreg [dreg:$0x6];
	[sflag:s18] =	ssyncadd.s32 $0xFFFFC000  }
0xe7: {  	[tilespmem:s12], [sflag:$0x1] =	stream.indirect.gather [hbm4b:s4+s15], $0x80, s9, s15, $0xb8;
	[tilespmem:$0x1D000] =	vst v63  }
0xe8: {  	_ =	swait.ge [sflag:s16], $0x4000  }
0xe9: {  	[sflag:s16] =	ssyncset.done $0x0  }
0xea: {  	s9 =	rddreg [dreg:$0x7];
	[sflag:s16] =	ssyncadd.s32 $0xFFFFC000  }
0xeb: {  	[spmem:s2] =	stream.indirect.scatter.add.f32 [tilespmem:s12], [sflag:$0x2], $0x80, s9, s15, $0xb8;
	[tilespmem:$0x1D000] =	vst v63  }
0xec: {  	_ =	swait.ge [sflag:s18], $0x4000  }
0xed: {  	[sflag:s18] =	ssyncset.done $0x0  }
0xee: {  	s9 =	rddreg [dreg:$0x8];
	[sflag:s18] =	ssyncadd.s32 $0xFFFFC000  }
0xef: {  	[tilespmem:s17], [sflag:$0x1] =	stream.indirect.gather [hbm4b:s4+s15], $0x80, s9, s15, $0xb8;
	[tilespmem:$0x1D000] =	vst v63  }
0xf0: {  	_ =	swait.ge [sflag:s16], $0x4000  }
0xf1: {  	[sflag:s16] =	ssyncset.done $0x0  }
0xf2: {  	s9 =	rddreg [dreg:$0x9];
	[sflag:s16] =	ssyncadd.s32 $0xFFFFC000  }
0xf3: {  	[spmem:s2] =	stream.indirect.scatter.add.f32 [tilespmem:s17], [sflag:$0x2], $0x80, s9, s15, $0xb8;
	[tilespmem:$0x1D000] =	vst v63  }
0xf4: {  	_ =	swait.ge [sflag:s18], $0x4000  }
0xf5: {  	[sflag:s18] =	ssyncset.done $0x0  }
0xf6: {  	s9 =	rddreg [dreg:$0xa];
	[sflag:s18] =	ssyncadd.s32 $0xFFFFC000  }
0xf7: {  	[tilespmem:s12], [sflag:$0x1] =	stream.indirect.gather [hbm4b:s4+s15], $0x80, s9, s15, $0xb8;
	[tilespmem:$0x1D000] =	vst v63  }
0xf8: {  	_ =	swait.ge [sflag:s16], $0x4000  }
0xf9: {  	[sflag:s16] =	ssyncset.done $0x0  }
0xfa: {  	s9 =	rddreg [dreg:$0xb];
	[sflag:s16] =	ssyncadd.s32 $0xFFFFC000  }
0xfb: {  	[spmem:s2] =	stream.indirect.scatter.add.f32 [tilespmem:s12], [sflag:$0x2], $0x80, s9, s15, $0xb8;
	[tilespmem:$0x1D000] =	vst v63  }
0xfc: {  	_ =	swait.ge [sflag:s18], $0x4000  }
0xfd: {  	[sflag:s18] =	ssyncset.done $0x0  }
0xfe: {  	s9 =	rddreg [dreg:$0xc];
	[sflag:s18] =	ssyncadd.s32 $0xFFFFC000  }
0xff: {  	[tilespmem:s17], [sflag:$0x1] =	stream.indirect.gather [hbm4b:s4+s15], $0x80, s9, s15, $0xb8;
	[tilespmem:$0x1D000] =	vst v63  }
0x100: {  	_ =	swait.ge [sflag:s16], $0x4000  }
0x101: {  	[sflag:s16] =	ssyncset.done $0x0  }
0x102: {  	s9 =	rddreg [dreg:$0xd];
	[sflag:s16] =	ssyncadd.s32 $0xFFFFC000  }
0x103: {  	[spmem:s2] =	stream.indirect.scatter.add.f32 [tilespmem:s17], [sflag:$0x2], $0x80, s9, s15, $0xb8;
	[tilespmem:$0x1D000] =	vst v63  }
0x104: {  	_ =	swait.ge [sflag:s18], $0x4000  }
0x105: {  	[sflag:s18] =	ssyncset.done $0x0  }
0x106: {  	s9 =	rddreg [dreg:$0xe];
	[sflag:s18] =	ssyncadd.s32 $0xFFFFC000  }
0x107: {  	[tilespmem:s12], [sflag:$0x1] =	stream.indirect.gather [hbm4b:s4+s15], $0x80, s9, s15, $0xb8;
	[tilespmem:$0x1D000] =	vst v63  }
0x108: {  	_ =	swait.ge [sflag:s16], $0x4000  }
0x109: {  	[sflag:s16] =	ssyncset.done $0x0  }
0x10a: {  	s9 =	rddreg [dreg:$0xf];
	[sflag:s16] =	ssyncadd.s32 $0xFFFFC000  }
0x10b: {  	[spmem:s2] =	stream.indirect.scatter.add.f32 [tilespmem:s12], [sflag:$0x2], $0x80, s9, s15, $0xb8;
	[tilespmem:$0x1D000] =	vst v63  }
0x10c: {  	_ =	swait.ge [sflag:s18], $0x4000  }
0x10d: {  	[sflag:s18] =	ssyncset.done $0x0  }
0x10e: {  	s9 =	rddreg [dreg:$0x10];
	[sflag:s18] =	ssyncadd.s32 $0xFFFFC000  }
0x10f: {  	[tilespmem:s17], [sflag:$0x1] =	stream.indirect.gather [hbm4b:s4+s15], $0x80, s9, s15, $0xb8;
	[tilespmem:$0x1D000] =	vst v63  }
0x110: {  	_ =	swait.ge [sflag:s16], $0x4000  }
0x111: {  	[sflag:s16] =	ssyncset.done $0x0  }
0x112: {  	[sflag:s16] =	ssyncadd.s32 $0xFFFFC000  }
0x113: {  	[spmem:s2] =	stream.indirect.scatter.add.f32 [tilespmem:s17], [sflag:$0x2], $0x80, s19, s15, $0xb8;
	[tilespmem:$0x1D000] =	vst v63  }
0x114: {  	_ =	swait.ge [sflag:s18], $0x4000  }
0x115: {  	[sflag:s18] =	ssyncset.done $0x0  }
0x116: {  	[sflag:s18] =	ssyncadd.s32 $0xFFFFC000  }
0x117: {  	[tilespmem:s12], [sflag:$0x1] =	stream.indirect.gather [hbm4b:s4+s15], $0x80, s20, s15, $0xb8;
	[tilespmem:$0x1D000] =	vst v63  }
0x118: {  	_ =	swait.ge [sflag:s16], $0x4000  }
0x119: {  	[sflag:s16] =	ssyncset.done $0x0  }
0x11a: {  	[sflag:s16] =	ssyncadd.s32 $0xFFFFC000  }
0x11b: {  	[spmem:s2] =	stream.indirect.scatter.add.f32 [tilespmem:s12], [sflag:$0x2], $0x80, s21, s15, $0xb8;
	[tilespmem:$0x1D000] =	vst v63  }
0x11c: {  	_ =	swait.ge [sflag:s18], $0x4000  }
0x11d: {  	[sflag:s18] =	ssyncset.done $0x0  }
0x11e: {  	[sflag:s18] =	ssyncadd.s32 $0xFFFFC000  }
0x11f: {  	[tilespmem:s17], [sflag:$0x1] =	stream.indirect.gather [hbm4b:s4+s15], $0x80, s22, s15, $0xb8;
	[tilespmem:$0x1D000] =	vst v63  }
0x120: {  	_ =	swait.ge [sflag:s16], $0x4000  }
0x121: {  	[sflag:s16] =	ssyncset.done $0x0  }
0x122: {  	[sflag:s16] =	ssyncadd.s32 $0xFFFFC000  }
0x123: {  	[spmem:s2] =	stream.indirect.scatter.add.f32 [tilespmem:s17], [sflag:$0x2], $0x80, s23, s15, $0xb8;
	[tilespmem:$0x1D000] =	vst v63  }
0x124: {  	_ =	swait.ge [sflag:s18], $0x4000  }
0x125: {  	[sflag:s18] =	ssyncset.done $0x0  }
0x126: {  	[sflag:s18] =	ssyncadd.s32 $0xFFFFC000  }
0x127: {  	[tilespmem:s12], [sflag:$0x1] =	stream.indirect.gather [hbm4b:s4+s15], $0x80, s24, s15, $0xb8;
	[tilespmem:$0x1D000] =	vst v63  }
0x128: {  	_ =	swait.ge [sflag:s16], $0x4000  }
0x129: {  	[sflag:s16] =	ssyncset.done $0x0  }
0x12a: {  	[sflag:s16] =	ssyncadd.s32 $0xFFFFC000  }
0x12b: {  	[spmem:s2] =	stream.indirect.scatter.add.f32 [tilespmem:s12], [sflag:$0x2], $0x80, s25, s15, $0xb8;
	[tilespmem:$0x1D000] =	vst v63  }
0x12c: {  	_ =	swait.ge [sflag:s18], $0x4000  }
0x12d: {  	[sflag:s18] =	ssyncset.done $0x0  }
0x12e: {  	[sflag:s18] =	ssyncadd.s32 $0xFFFFC000  }
0x12f: {  	[tilespmem:s17], [sflag:$0x1] =	stream.indirect.gather [hbm4b:s4+s15], $0x80, s26, s15, $0xb8;
	[tilespmem:$0x1D000] =	vst v63  }
0x130: {  	_ =	swait.ge [sflag:s16], $0x4000  }
0x131: {  	[sflag:s16] =	ssyncset.done $0x0  }
0x132: {  	[sflag:s16] =	ssyncadd.s32 $0xFFFFC000  }
0x133: {  	[spmem:s2] =	stream.indirect.scatter.add.f32 [tilespmem:s17], [sflag:$0x2], $0x80, s28, s15, $0xb8;
	[tilespmem:$0x1D000] =	vst v63  }
0x134: {  	_ =	swait.ge [sflag:s18], $0x4000  }
0x135: {  	[sflag:s18] =	ssyncset.done $0x0  }
0x136: {  	[sflag:s18] =	ssyncadd.s32 $0xFFFFC000  }
0x137: {  	[tilespmem:s12], [sflag:$0x1] =	stream.indirect.gather [hbm4b:s4+s15], $0x80, s29, s15, $0xb8;
	[tilespmem:$0x1D000] =	vst v63  }
0x138: {  	_ =	swait.ge [sflag:s16], $0x4000  }
0x139: {  	[sflag:s16] =	ssyncset.done $0x0  }
0x13a: {  	[sflag:s16] =	ssyncadd.s32 $0xFFFFC000  }
0x13b: {  	[spmem:s2] =	stream.indirect.scatter.add.f32 [tilespmem:s12], [sflag:$0x2], $0x80, s30, s15, $0xb8;
	[tilespmem:$0x1D000] =	vst v63  }
0x13c: {  	_ =	swait.ge [sflag:s18], $0x4000  }
0x13d: {  	[sflag:s18] =	ssyncset.done $0x0  }
0x13e: {  	[sflag:s18] =	ssyncadd.s32 $0xFFFFC000  }
0x13f: {  	[tilespmem:s17], [sflag:$0x1] =	stream.indirect.gather [hbm4b:s4+s15], $0x80, s31, s15, $0xb8;
	[tilespmem:$0x1D000] =	vst v63  }
0x140: {  	_ =	swait.ge [sflag:s16], $0x4000  }
0x141: {  	[sflag:s16] =	ssyncset.done $0x0  }
0x142: {  	[sflag:s16] =	ssyncadd.s32 $0xFFFFC000  }
0x143: {  	[spmem:s2] =	stream.indirect.scatter.add.f32 [tilespmem:s17], [sflag:$0x2], $0x80, s1, s15, $0xb8;
	[tilespmem:$0x1D000] =	vst v63  }
0x144: {  	_ =	swait.ge [sflag:s18], $0x4000  }
0x145: {  	[sflag:s18] =	ssyncset.done $0x0  }
0x146: {  	[sflag:s18] =	ssyncadd.s32 $0xFFFFC000  }
0x147: {  	[tilespmem:s12], [sflag:$0x1] =	stream.indirect.gather [hbm4b:s4+s15], $0x80, s0, s15, $0xb8;
	[tilespmem:$0x1D000] =	vst v63  }
0x148: {  	_ =	swait.ge [sflag:s16], $0x4000  }
0x149: {  	[sflag:s16] =	ssyncset.done $0x0  }
0x14a: {  	[sflag:s16] =	ssyncadd.s32 $0xFFFFC000  }
0x14b: {  	[spmem:s2] =	stream.indirect.scatter.add.f32 [tilespmem:s12], [sflag:$0x2], $0x80, s6, s15, $0xb8;
	[tilespmem:$0x1D000] =	vst v63  }
0x14c: {  	_ =	swait.ge [sflag:s18], $0x4000  }
0x14d: {  	[sflag:s18] =	ssyncset.done $0x0  }
0x14e: {  	[sflag:s18] =	ssyncadd.s32 $0xFFFFC000  }
0x14f: {  	[tilespmem:s17], [sflag:$0x1] =	stream.indirect.gather [hbm4b:s4+s15], $0x80, s7, s15, $0xb8;
	[tilespmem:$0x1D000] =	vst v63  }
0x150: {  	_ =	swait.ge [sflag:s16], $0x4000  }
0x151: {  	[sflag:s16] =	ssyncset.done $0x0  }
0x152: {  	p0 =	sne.s32 s11, $0x400;
	[sflag:s16] =	ssyncadd.s32 $0xFFFFC000  }
0x153: {  	[spmem:s2] =	stream.indirect.scatter.add.f32 [tilespmem:s17], [sflag:$0x2], $0x80, s8, s15, $0xb8;
	[tilespmem:$0x1D000] =	vst v63  }
.Ltmp1:
0x154: {  	_ =	swait.ge [sflag:s18], $0x4000;
	(pc) =	sbr.rel @p0 .LBB2_4-.Ltmp1, $4  }
0x155: {  	[sflag:s18] =	ssyncset.done $0x0  }
0x156: {  	[sflag:s18] =	ssyncadd.s32 $0xFFFFC000  }
0x157: {  	_ =	swait.ge [sflag:s18], $0x4000  }
0x158: {  	s11 =	sadd.s32 $0x100, s11;
	s5 =	rddreg [dreg:$0x4];
	[sflag:s18] =	ssyncset.done $0x0  }
0x159: {  	[sflag:s18] =	ssyncadd.s32 $0xFFFFC000;
	s5 =	sadd.s32 s10, s5  }
0x15a: {  	[tilespmem:s3], [sflag:$0x3] =	stream.linear.gather [hbm4b:s5+s3], $0x800, $0x38;
	[tilespmem:$0x1D000] =	vst v63  }
0x15b: {  	_ =	swait.ge [sflag:s13], $0x800  }
0x15c: {  	s9 =	rddreg [dreg:$0x3];
	[sflag:s13] =	ssyncset.done $0x0  }
0x15d: {  	[sflag:s13] =	ssyncadd.s32 $0xFFFFF800;
	s5 =	sadd.s32 s10, s9  }
0x15e: {  	[tilespmem:s14], [sflag:$0x3] =	stream.linear.gather [hbm4b:s5+s3], $0x800, $0x38;
	[tilespmem:$0x1D000] =	vst v63  }
0x15f: {  	_ =	swait.ge [sflag:s13], $0x800  }
0x160: {  	[sflag:s13] =	ssyncset.done $0x0  }
0x161: {  	[sflag:s13] =	ssyncadd.s32 $0xFFFFF800  }
0x162: {  	[tilespmem:s12], [sflag:$0x1] =	stream.indirect.gather [hbm4b:s4+s15], $0x80, s3, s15, $0xb8;
	[tilespmem:$0x1D000] =	vst v63  }
0x163: {  	_ =	swait.ge [sflag:s16], $0x4000  }
0x164: {  	[sflag:s16] =	ssyncset.done $0x0  }
0x165: {  	[sflag:s16] =	ssyncadd.s32 $0xFFFFC000  }
0x166: {  	[spmem:s2] =	stream.indirect.scatter.add.f32 [tilespmem:s12], [sflag:$0x2], $0x80, s14, s15, $0xb8;
	[tilespmem:$0x1D000] =	vst v63  }
0x167: {  	_ = 	snop  }
0x168: {  	[tilespmem:s17], [sflag:$0x1] =	stream.indirect.gather [hbm4b:s4+s15], $0x80, s15, s15, $0xb8;
	[tilespmem:$0x1D000] =	vst v63  }
0x169: {  	_ =	swait.ge [sflag:s16], $0x4000  }
0x16a: {  	[sflag:s16] =	ssyncset.done $0x0  }
0x16b: {  	s10 =	rddreg [dreg:$0x5];
	[sflag:s16] =	ssyncadd.s32 $0xFFFFC000  }
0x16c: {  	[spmem:s2] =	stream.indirect.scatter.add.f32 [tilespmem:s17], [sflag:$0x2], $0x80, s10, s15, $0xb8;
	[tilespmem:$0x1D000] =	vst v63  }
0x16d: {  	_ =	swait.ge [sflag:s18], $0x4000  }
0x16e: {  	[sflag:s18] =	ssyncset.done $0x0  }
0x16f: {  	s11 =	rddreg [dreg:$0x6];
	[sflag:s18] =	ssyncadd.s32 $0xFFFFC000  }
0x170: {  	[tilespmem:s12], [sflag:$0x1] =	stream.indirect.gather [hbm4b:s4+s15], $0x80, s11, s15, $0xb8;
	[tilespmem:$0x1D000] =	vst v63  }
0x171: {  	_ =	swait.ge [sflag:s16], $0x4000  }
0x172: {  	[sflag:s16] =	ssyncset.done $0x0  }
0x173: {  	s9 =	rddreg [dreg:$0x7];
	[sflag:s16] =	ssyncadd.s32 $0xFFFFC000  }
0x174: {  	[spmem:s2] =	stream.indirect.scatter.add.f32 [tilespmem:s12], [sflag:$0x2], $0x80, s9, s15, $0xb8;
	[tilespmem:$0x1D000] =	vst v63  }
0x175: {  	_ =	swait.ge [sflag:s18], $0x4000  }
0x176: {  	[sflag:s18] =	ssyncset.done $0x0  }
0x177: {  	s10 =	rddreg [dreg:$0x8];
	[sflag:s18] =	ssyncadd.s32 $0xFFFFC000  }
0x178: {  	[tilespmem:s17], [sflag:$0x1] =	stream.indirect.gather [hbm4b:s4+s15], $0x80, s10, s15, $0xb8;
	[tilespmem:$0x1D000] =	vst v63  }
0x179: {  	_ =	swait.ge [sflag:s16], $0x4000  }
0x17a: {  	[sflag:s16] =	ssyncset.done $0x0  }
0x17b: {  	s11 =	rddreg [dreg:$0x9];
	[sflag:s16] =	ssyncadd.s32 $0xFFFFC000  }
0x17c: {  	[spmem:s2] =	stream.indirect.scatter.add.f32 [tilespmem:s17], [sflag:$0x2], $0x80, s11, s15, $0xb8;
	[tilespmem:$0x1D000] =	vst v63  }
0x17d: {  	_ =	swait.ge [sflag:s18], $0x4000  }
0x17e: {  	[sflag:s18] =	ssyncset.done $0x0  }
0x17f: {  	s9 =	rddreg [dreg:$0xa];
	[sflag:s18] =	ssyncadd.s32 $0xFFFFC000  }
0x180: {  	[tilespmem:s12], [sflag:$0x1] =	stream.indirect.gather [hbm4b:s4+s15], $0x80, s9, s15, $0xb8;
	[tilespmem:$0x1D000] =	vst v63  }
0x181: {  	_ =	swait.ge [sflag:s16], $0x4000  }
0x182: {  	[sflag:s16] =	ssyncset.done $0x0  }
0x183: {  	s10 =	rddreg [dreg:$0xb];
	[sflag:s16] =	ssyncadd.s32 $0xFFFFC000  }
0x184: {  	[spmem:s2] =	stream.indirect.scatter.add.f32 [tilespmem:s12], [sflag:$0x2], $0x80, s10, s15, $0xb8;
	[tilespmem:$0x1D000] =	vst v63  }
0x185: {  	_ =	swait.ge [sflag:s18], $0x4000  }
0x186: {  	[sflag:s18] =	ssyncset.done $0x0  }
0x187: {  	s11 =	rddreg [dreg:$0xc];
	[sflag:s18] =	ssyncadd.s32 $0xFFFFC000  }
0x188: {  	[tilespmem:s17], [sflag:$0x1] =	stream.indirect.gather [hbm4b:s4+s15], $0x80, s11, s15, $0xb8;
	[tilespmem:$0x1D000] =	vst v63  }
0x189: {  	_ =	swait.ge [sflag:s16], $0x4000  }
0x18a: {  	[sflag:s16] =	ssyncset.done $0x0  }
0x18b: {  	s9 =	rddreg [dreg:$0xd];
	[sflag:s16] =	ssyncadd.s32 $0xFFFFC000  }
0x18c: {  	[spmem:s2] =	stream.indirect.scatter.add.f32 [tilespmem:s17], [sflag:$0x2], $0x80, s9, s15, $0xb8;
	[tilespmem:$0x1D000] =	vst v63  }
0x18d: {  	_ =	swait.ge [sflag:s18], $0x4000  }
0x18e: {  	[sflag:s18] =	ssyncset.done $0x0  }
0x18f: {  	s10 =	rddreg [dreg:$0xe];
	[sflag:s18] =	ssyncadd.s32 $0xFFFFC000  }
0x190: {  	[tilespmem:s12], [sflag:$0x1] =	stream.indirect.gather [hbm4b:s4+s15], $0x80, s10, s15, $0xb8;
	[tilespmem:$0x1D000] =	vst v63  }
0x191: {  	_ =	swait.ge [sflag:s16], $0x4000  }
0x192: {  	[sflag:s16] =	ssyncset.done $0x0  }
0x193: {  	s11 =	rddreg [dreg:$0xf];
	[sflag:s16] =	ssyncadd.s32 $0xFFFFC000  }
0x194: {  	[spmem:s2] =	stream.indirect.scatter.add.f32 [tilespmem:s12], [sflag:$0x2], $0x80, s11, s15, $0xb8;
	[tilespmem:$0x1D000] =	vst v63  }
0x195: {  	_ =	swait.ge [sflag:s18], $0x4000  }
0x196: {  	[sflag:s18] =	ssyncset.done $0x0  }
0x197: {  	s9 =	rddreg [dreg:$0x10];
	[sflag:s18] =	ssyncadd.s32 $0xFFFFC000  }
0x198: {  	[tilespmem:s17], [sflag:$0x1] =	stream.indirect.gather [hbm4b:s4+s15], $0x80, s9, s15, $0xb8;
	[tilespmem:$0x1D000] =	vst v63  }
0x199: {  	_ =	swait.ge [sflag:s16], $0x4000  }
0x19a: {  	[sflag:s16] =	ssyncset.done $0x0  }
0x19b: {  	[sflag:s16] =	ssyncadd.s32 $0xFFFFC000  }
0x19c: {  	[spmem:s2] =	stream.indirect.scatter.add.f32 [tilespmem:s17], [sflag:$0x2], $0x80, s19, s15, $0xb8;
	[tilespmem:$0x1D000] =	vst v63  }
0x19d: {  	_ =	swait.ge [sflag:s18], $0x4000  }
0x19e: {  	[sflag:s18] =	ssyncset.done $0x0  }
0x19f: {  	[sflag:s18] =	ssyncadd.s32 $0xFFFFC000  }
0x1a0: {  	[tilespmem:s12], [sflag:$0x1] =	stream.indirect.gather [hbm4b:s4+s15], $0x80, s20, s15, $0xb8;
	[tilespmem:$0x1D000] =	vst v63  }
0x1a1: {  	_ =	swait.ge [sflag:s16], $0x4000  }
0x1a2: {  	[sflag:s16] =	ssyncset.done $0x0  }
0x1a3: {  	[sflag:s16] =	ssyncadd.s32 $0xFFFFC000  }
0x1a4: {  	[spmem:s2] =	stream.indirect.scatter.add.f32 [tilespmem:s12], [sflag:$0x2], $0x80, s21, s15, $0xb8;
	[tilespmem:$0x1D000] =	vst v63  }
0x1a5: {  	_ =	swait.ge [sflag:s18], $0x4000  }
0x1a6: {  	[sflag:s18] =	ssyncset.done $0x0  }
0x1a7: {  	[sflag:s18] =	ssyncadd.s32 $0xFFFFC000  }
0x1a8: {  	[tilespmem:s17], [sflag:$0x1] =	stream.indirect.gather [hbm4b:s4+s15], $0x80, s22, s15, $0xb8;
	[tilespmem:$0x1D000] =	vst v63  }
0x1a9: {  	_ =	swait.ge [sflag:s16], $0x4000  }
0x1aa: {  	[sflag:s16] =	ssyncset.done $0x0  }
0x1ab: {  	[sflag:s16] =	ssyncadd.s32 $0xFFFFC000  }
0x1ac: {  	[spmem:s2] =	stream.indirect.scatter.add.f32 [tilespmem:s17], [sflag:$0x2], $0x80, s23, s15, $0xb8;
	[tilespmem:$0x1D000] =	vst v63  }
0x1ad: {  	_ =	swait.ge [sflag:s18], $0x4000  }
0x1ae: {  	[sflag:s18] =	ssyncset.done $0x0  }
0x1af: {  	[sflag:s18] =	ssyncadd.s32 $0xFFFFC000  }
0x1b0: {  	[tilespmem:s12], [sflag:$0x1] =	stream.indirect.gather [hbm4b:s4+s15], $0x80, s24, s15, $0xb8;
	[tilespmem:$0x1D000] =	vst v63  }
0x1b1: {  	_ =	swait.ge [sflag:s16], $0x4000  }
0x1b2: {  	[sflag:s16] =	ssyncset.done $0x0  }
0x1b3: {  	[sflag:s16] =	ssyncadd.s32 $0xFFFFC000  }
0x1b4: {  	[spmem:s2] =	stream.indirect.scatter.add.f32 [tilespmem:s12], [sflag:$0x2], $0x80, s25, s15, $0xb8;
	[tilespmem:$0x1D000] =	vst v63  }
0x1b5: {  	_ =	swait.ge [sflag:s18], $0x4000  }
0x1b6: {  	[sflag:s18] =	ssyncset.done $0x0  }
0x1b7: {  	[sflag:s18] =	ssyncadd.s32 $0xFFFFC000  }
0x1b8: {  	[tilespmem:s17], [sflag:$0x1] =	stream.indirect.gather [hbm4b:s4+s15], $0x80, s26, s15, $0xb8;
	[tilespmem:$0x1D000] =	vst v63  }
0x1b9: {  	_ =	swait.ge [sflag:s16], $0x4000  }
0x1ba: {  	[sflag:s16] =	ssyncset.done $0x0  }
0x1bb: {  	[sflag:s16] =	ssyncadd.s32 $0xFFFFC000  }
0x1bc: {  	[spmem:s2] =	stream.indirect.scatter.add.f32 [tilespmem:s17], [sflag:$0x2], $0x80, s28, s15, $0xb8;
	[tilespmem:$0x1D000] =	vst v63  }
0x1bd: {  	_ =	swait.ge [sflag:s18], $0x4000  }
0x1be: {  	[sflag:s18] =	ssyncset.done $0x0  }
0x1bf: {  	[sflag:s18] =	ssyncadd.s32 $0xFFFFC000  }
0x1c0: {  	[tilespmem:s12], [sflag:$0x1] =	stream.indirect.gather [hbm4b:s4+s15], $0x80, s29, s15, $0xb8;
	[tilespmem:$0x1D000] =	vst v63  }
0x1c1: {  	_ =	swait.ge [sflag:s16], $0x4000  }
0x1c2: {  	[sflag:s16] =	ssyncset.done $0x0  }
0x1c3: {  	[sflag:s16] =	ssyncadd.s32 $0xFFFFC000  }
0x1c4: {  	[spmem:s2] =	stream.indirect.scatter.add.f32 [tilespmem:s12], [sflag:$0x2], $0x80, s30, s15, $0xb8;
	[tilespmem:$0x1D000] =	vst v63  }
0x1c5: {  	_ =	swait.ge [sflag:s18], $0x4000  }
0x1c6: {  	[sflag:s18] =	ssyncset.done $0x0  }
0x1c7: {  	[sflag:s18] =	ssyncadd.s32 $0xFFFFC000  }
0x1c8: {  	[tilespmem:s17], [sflag:$0x1] =	stream.indirect.gather [hbm4b:s4+s15], $0x80, s31, s15, $0xb8;
	[tilespmem:$0x1D000] =	vst v63  }
0x1c9: {  	_ =	swait.ge [sflag:s16], $0x4000  }
0x1ca: {  	[sflag:s16] =	ssyncset.done $0x0  }
0x1cb: {  	[sflag:s16] =	ssyncadd.s32 $0xFFFFC000  }
0x1cc: {  	[spmem:s2] =	stream.indirect.scatter.add.f32 [tilespmem:s17], [sflag:$0x2], $0x80, s1, s15, $0xb8;
	[tilespmem:$0x1D000] =	vst v63  }
0x1cd: {  	_ =	swait.ge [sflag:s18], $0x4000  }
0x1ce: {  	[sflag:s18] =	ssyncset.done $0x0  }
0x1cf: {  	[sflag:s18] =	ssyncadd.s32 $0xFFFFC000  }
0x1d0: {  	[tilespmem:s12], [sflag:$0x1] =	stream.indirect.gather [hbm4b:s4+s15], $0x80, s0, s15, $0xb8;
	[tilespmem:$0x1D000] =	vst v63  }
0x1d1: {  	_ =	swait.ge [sflag:s16], $0x4000  }
0x1d2: {  	[sflag:s16] =	ssyncset.done $0x0  }
0x1d3: {  	[sflag:s16] =	ssyncadd.s32 $0xFFFFC000  }
0x1d4: {  	[spmem:s2] =	stream.indirect.scatter.add.f32 [tilespmem:s12], [sflag:$0x2], $0x80, s6, s15, $0xb8;
	[tilespmem:$0x1D000] =	vst v63  }
0x1d5: {  	_ =	swait.ge [sflag:s18], $0x4000  }
0x1d6: {  	[sflag:s18] =	ssyncset.done $0x0  }
0x1d7: {  	[sflag:s18] =	ssyncadd.s32 $0xFFFFC000  }
0x1d8: {  	[tilespmem:s17], [sflag:$0x1] =	stream.indirect.gather [hbm4b:s4+s15], $0x80, s7, s15, $0xb8;
	[tilespmem:$0x1D000] =	vst v63  }
0x1d9: {  	_ =	swait.ge [sflag:s16], $0x4000  }
0x1da: {  	[sflag:s16] =	ssyncset.done $0x0  }
0x1db: {  	[sflag:s16] =	ssyncadd.s32 $0xFFFFC000  }
0x1dc: {  	[spmem:s2] =	stream.indirect.scatter.add.f32 [tilespmem:s17], [sflag:$0x2], $0x80, s8, s15, $0xb8;
	[tilespmem:$0x1D000] =	vst v63  }
0x1dd: {  	_ =	swait.ge [sflag:s18], $0x4000  }
0x1de: {  	[sflag:s18] =	ssyncset.done $0x0  }
0x1df: {  	[sflag:s18] =	ssyncadd.s32 $0xFFFFC000  }
0x1e0: {  	_ =	swait.ge [sflag:s18], $0x4000  }
0x1e1: {  	[sflag:s18] =	ssyncset.done $0x0  }
0x1e2: {  	[sflag:s18] =	ssyncadd.s32 $0xFFFFC000  }
0x1e3: {  	s10 =	stileid.u32;
	[bflag:$0x0] =	sbarrier.arrive $0xFFFF  }
0x1e4: {  	s5 =	sshll.u32 s10, $0x6;
	s9 =	rddreg [dreg:$0x11]  }
0x1e5: {  	s5 =	sor.u32 $0x1C03, s5;
	s11 =	rddreg [dreg:$0x16];
	s9 =	sshrl.u32 s9, $0x3  }
0x1e6: {  	[hbm:s11], [sflag:s5] =	dma.local [spmem:s9], $0x2800  }
0x1e7: {  	_ =	swait.ge [sflag:s13], $0x2800  }
0x1e8: {  	s10 =	rddreg [dreg:$0x18]  }
0x1e9: {  	s11 =	rddreg [dreg:$0x17];
	s9 =	sadd.s32 $0x1, s10  }
0x1ea: {  	p0 =	sne.s32 s9, s11  }
.Ltmp2:
0x1eb: {  	_ = 	snop;
	(pc) =	sbr.rel @p0 .LBB2_1-.Ltmp2, $3  }
0x1ec: {  	_ =	sdelay $0x1  }
0x1ed: {  	[sflag:s13] =	ssyncset.done $0x0  }
0x1ee: {  	[sflag:s13] =	ssyncadd.s32 $0xFFFFD800  }
0x1ef: {  	_ =	sfence.sel $0x180000  }
0x1f0: {  	[bflag:$0x0] =	sbarrier.arrive $0xFFFF  }
0x1f1: {  	_ =	strace $0x9000004D  }
0x1f2: {  	s0 =	stileid.u32;
	[bflag:$0x2] =	sbarrier.arrive $0xFFFF  }
0x1f3: {  	p0 =	sne.s32 s0, $0x0;
	s0 =	rddreg [dreg:$0x2]  }
0x1f4: {  	s0 =	sadd.s32 @!p0 $0x100000, s0  }
0x1f5: {  	[sflag:s0] =	ssyncadd.tile.s32 @!p0 $0x1;
	_ =	shalt  }
.Lfunc_end2:
_tile_overlayer_lowered:
.L_overlay_start_2:
0x1f6: {  	(tag) =	ssettag $0x2  }
0x1f7: {  	s0 =	rddreg [dreg:$0x0];
	s2 =	stileid.u32  }
0x1f8: {  	s1 =	rddreg [dreg:$0x1];
	p0 =	sne.s32 s2, $0x0  }
0x1f9: {  	s3 =	rddreg [dreg:$0x2];
	[bflag:$0x3] =	sbarrier.arrive $0xFFFF;
	s2 =	simm.s32 @!p0 $0x1C03  }
0x1fa: {  	[timem:s3], [sflag:s2] =	dma.local @!p0 [hbm:s0], s1  }
0x1fb: {  	s0 =	simm.s32 @!p0 $0x3  }
0x1fc: {  	_ =	swait.ge @!p0 [sflag:s0], s1  }
0x1fd: {  	s1 =	ssub.s32 @!p0 $0x0, s1;
	[sflag:s0] =	ssyncset.done @!p0 $0x0  }
0x1fe: {  	[sflag:s0] =	ssyncadd.s32 @!p0 s1  }
0x1ff: {  	[bflag:$0x3] =	sbarrier.arrive $0xFFFF  }
0x200: {  	_ =	shalt  }

// kernel: kernel.19.cloned.1.call-start
scs
__scs_entry_jumppad:
0x0: {  	(pc) =	sbr.rel $0x88, $3  }
0x1: {  	(tag) =	ssettag $0x0;
	lr =	simm.s32 $0x1  }
0x2: {  	[smem:$0x3F94] =	sst lr;
	_ =	strace $0xD0000000  }
0x3: {  	_ = 	snop  }
0x4: {  	_ = 	snop  }
0x5: {  	_ = 	snop  }
0x6: {  	_ = 	snop  }
0x7: {  	_ = 	snop  }
__scs_overlays_trampoline_lowered:
0x8: {  	[smem:$0x3FA3] =	sst s0  }
0x9: {  	[smem:$0x3FA4] =	sst s1  }
0xa: {  	[smem:$0x3FA5] =	sst s2  }
0xb: {  	[smem:$0x3FA6] =	sst s3  }
0xc: {  	[smem:$0x3FA7] =	sst s4  }
0xd: {  	[smem:$0x3FA8] =	sst s5  }
0xe: {  	[smem:$0x3FA9] =	sst s6  }
0xf: {  	[smem:$0x3FAA] =	sst s7  }
0x10: {  	[smem:$0x3FAB] =	sst s8  }
0x11: {  	[smem:$0x3FAC] =	sst s9;
	s0 =	simm.s32 @!p0 $0x0  }
0x12: {  	s1 =	sld [smem:$0x3F92];
	s0 =	simm.s32 @p0 $0x1  }
0x13: {  	[smem:$0x3FAD] =	sst s0;
	s0 =	simm.s32 @!p1 $0x0  }
0x14: {  	s2 =	sld [smem:$0x3F91];
	s0 =	simm.s32 @p1 $0x1  }
0x15: {  	[smem:$0x3FAE] =	sst s0;
	s0 =	simm.s32 @!p2 $0x0  }
0x16: {  	s3 =	sld [smem:$0x3FDB];
	s0 =	simm.s32 @p2 $0x1  }
0x17: {  	s4 =	simm.s32 $0x1BF5;
	[smem:$0x3FB0] =	sst s0  }
0x18: {  	s0 =	sld [smem:$0x3F93];
	_ =	swait.ge [sflag:s4], $0x0  }
0x19: {  	s7 =	sld [smem:$0x3F94]  }
0x1a: {  	s8 =	sadd.s32 $0xFFFFE003, lr  }
0x1b: {  	s9 =	sadd.s32 $0xFFFFFEF7, lr;
	s5 =	simm.s32 $0xFFFFFFFF;
	p2 =	slt.u32 s8, $0xFFFFF086  }
0x1c: {  	p1 =	slt.u32 s9, $0xF7A;
	s5 =	simm.s32 @!p2 $0x0  }
0x1d: {  	s5 =	simm.s32 @p1 $0x1;
	p0 =	seq.s32 s7, s2  }
0x1e: {  	s7 =	smul.u32 @!p0 $0xF7A, s2;
	p2 =	seq.s32 @!p0 s5, $0x0  }
0x1f: {  	s9 =	smul.u32 $0xF7A, s1;
	s8 =	simm.s32 @!p0 $0x1BF5;
	p2 =	por !p2, p0  }
0x20: {  	[sflag:s8] =	ssyncset.s32 @!p0 $0xFFFFF086;
	s6 =	sadd.s32 @!p0 s3, s7;
	s7 =	simm.s32 @!p0 $0x108  }
0x21: {  	s3 =	sadd.s32 s3, s9;
	s6 =	sadd.s32 @!p0 $0x88, s6;
	s7 =	simm.s32 @p2 $0x1082  }
0x22: {  	[simem:s7], [sflag:s8] =	dma.local @!p0 [hbm:s6], $0xF7A  }
0x23: {  	s9 =	sor.u32 $0xD0000000, s2;
	s6 =	simm.s32 $0x108;
	_ =	swait.ge @!p0 [sflag:s8], $0x0  }
0x24: {  	s3 =	sadd.s32 $0x88, s3;
	s6 =	simm.s32 @!p1 $0x1082;
	[sflag:s4] =	ssyncset.s32 $0xFFFFF086  }
0x25: {  	[simem:s6], [sflag:s4] =	dma.local [hbm:s3], $0xF7A  }
0x26: {  	[smem:$0x3F94] =	sst s1;
	(tag) =	ssettag s2;
	_ =	strace s9  }
0x27: {  	s1 =	sld [smem:$0x3FA4]  }
0x28: {  	s2 =	sld [smem:$0x3FA5]  }
0x29: {  	s4 =	sld [smem:$0x3FA7]  }
0x2a: {  	p0 =	seq.s32 s5, $0x0;
	s5 =	sld [smem:$0x3FA8]  }
0x2b: {  	s6 =	sld [smem:$0x3FA9]  }
0x2c: {  	s7 =	sld [smem:$0x3FAA]  }
0x2d: {  	s3 =	simm.s32 $0x108;
	s8 =	sld [smem:$0x3FAB]  }
0x2e: {  	s3 =	simm.s32 @!p0 $0x1082;
	s9 =	sld [smem:$0x3FAC]  }
0x2f: {  	lr =	sadd.s32 s0, s3;
	s0 =	sld [smem:$0x3FA3]  }
0x30: {  	s3 =	sld [smem:$0x3FA6]  }
0x31: {  	[smem:$0x3FAF] =	sst s10  }
0x32: {  	s10 =	sld [smem:$0x3FAD];
	_ =	sdelay $0x3  }
0x33: {  	p0 =	seq.s32 s10, $0x1;
	s10 =	sld [smem:$0x3FAF];
	_ =	sdelay $0x3  }
0x34: {  	[smem:$0x3FAF] =	sst s10  }
0x35: {  	s10 =	sld [smem:$0x3FAE];
	_ =	sdelay $0x3  }
0x36: {  	p1 =	seq.s32 s10, $0x1;
	s10 =	sld [smem:$0x3FAF];
	_ =	sdelay $0x3  }
0x37: {  	[smem:$0x3FAF] =	sst s10  }
0x38: {  	s10 =	sld [smem:$0x3FB0]  }
0x39: {  	_ = 	snop;
	(pc) =	sbr.ind lr, $3  }
0x3a: {  	_ = 	snop  }
0x3b: {  	_ = 	snop  }
0x3c: {  	p2 =	seq.s32 s10, $0x1;
	s10 =	sld [smem:$0x3FAF]  }
0x3d: {  	_ =	shalt  }
0x3e: {  	_ =	shalt  }
0x3f: {  	_ =	shalt  }
0x40: {  	_ =	shalt  }
0x41: {  	_ =	shalt  }
0x42: {  	_ =	shalt  }
0x43: {  	_ =	shalt  }
0x44: {  	_ =	shalt  }
0x45: {  	_ =	shalt  }
0x46: {  	_ =	shalt  }
0x47: {  	_ =	shalt  }
0x48: {  	_ =	shalt  }
0x49: {  	_ =	shalt  }
0x4a: {  	_ =	shalt  }
0x4b: {  	_ =	shalt  }
0x4c: {  	_ =	shalt  }
0x4d: {  	_ =	shalt  }
0x4e: {  	_ =	shalt  }
0x4f: {  	_ =	shalt  }
0x50: {  	_ =	shalt  }
0x51: {  	_ =	shalt  }
0x52: {  	_ =	shalt  }
0x53: {  	_ =	shalt  }
0x54: {  	_ =	shalt  }
0x55: {  	_ =	shalt  }
0x56: {  	_ =	shalt  }
0x57: {  	_ =	shalt  }
0x58: {  	_ =	shalt  }
0x59: {  	_ =	shalt  }
0x5a: {  	_ =	shalt  }
0x5b: {  	_ =	shalt  }
0x5c: {  	_ =	shalt  }
0x5d: {  	_ =	shalt  }
0x5e: {  	_ =	shalt  }
0x5f: {  	_ =	shalt  }
0x60: {  	_ =	shalt  }
0x61: {  	_ =	shalt  }
0x62: {  	_ =	shalt  }
0x63: {  	_ =	shalt  }
0x64: {  	_ =	shalt  }
0x65: {  	_ =	shalt  }
0x66: {  	_ =	shalt  }
0x67: {  	_ =	shalt  }
0x68: {  	_ =	shalt  }
0x69: {  	_ =	shalt  }
0x6a: {  	_ =	shalt  }
0x6b: {  	_ =	shalt  }
0x6c: {  	_ =	shalt  }
0x6d: {  	_ =	shalt  }
0x6e: {  	_ =	shalt  }
0x6f: {  	_ =	shalt  }
0x70: {  	_ =	shalt  }
0x71: {  	_ =	shalt  }
0x72: {  	_ =	shalt  }
0x73: {  	_ =	shalt  }
0x74: {  	_ =	shalt  }
0x75: {  	_ =	shalt  }
0x76: {  	_ =	shalt  }
0x77: {  	_ =	shalt  }
0x78: {  	_ =	shalt  }
0x79: {  	_ =	shalt  }
0x7a: {  	_ =	shalt  }
0x7b: {  	_ =	shalt  }
0x7c: {  	_ =	shalt  }
0x7d: {  	_ =	shalt  }
0x7e: {  	_ =	shalt  }
0x7f: {  	_ =	shalt  }
0x80: {  	_ =	shalt  }
0x81: {  	_ =	shalt  }
0x82: {  	_ =	shalt  }
0x83: {  	_ =	shalt  }
0x84: {  	_ =	shalt  }
0x85: {  	_ =	shalt  }
0x86: {  	_ =	shalt  }
0x87: {  	_ =	shalt  }
.Lfunc_end0:
.L_simem_size_0:
called_computation.3_lowered:
.L_overlay_start_0:
0x88: {  	s2 =	sld [smem:$0x3FD9]  }
0x89: {  	s3 =	sld [smem:$0x3FFE];
	_ =	sdelay $0x1  }
0x8a: {  	s1 =	srdreg.scid  }
0x8b: {  	s0 =	sand.u32 $0x1, s1  }
0x8c: {  	s16 =	sshll.u32 s0, $0xA;
	s2 =	sadd.s32 s3, s2  }
0x8d: {  	s2 =	sadd.s32 s2, s16  }
0x8e: {  	[smem:$0x3FBB] =	sst s2  }
0x8f: {  	_ = 	snop  }
0x90: {  	(tm) =	ssettm $0x1  }
0x91: {  	s17 =	sld [smem:$0x3FFB];
	_ =	sdelay $0x3  }
0x92: {  	_ =	strace s17  }
0x93: {  	s2 =	sld [smem:$0x3FFC];
	_ =	sdelay $0x3  }
0x94: {  	_ =	strace s2  }
0x95: {  	s2 =	sld [smem:$0x3FFD];
	_ =	sdelay $0x3  }
0x96: {  	_ =	strace s2  }
0x97: {  	_ =	strace $0x8FFFFFFF  }
0x98: {  	s18 =	sld [smem:$0x3FDB];
	_ =	sdelay $0x1  }
0x99: {  	s19 =	simm.s32 $_scs_section_size  }
0x9a: {  	s4 =	simm.s32 $_size__tile_overlayer_lowered;
	s5 =	simm.s32 $_tile_overlayer_lowered  }
0x9b: {  	s22 =	simm.s32 $0x1BFF;
	s21 =	sshll.u32 s5, $0x1;
	s2 =	sadd.s32 s19, s18  }
0x9c: {  	s6 =	simm.s32 $0x0;
	s20 =	sshll.u32 s4, $0x1;
	s4 =	sadd.s32 s21, s2  }
0x9d: {  	[timem:s6], [sflag:s22] =	dma.local [hbm:s4], s20  }
0x9e: {  	_ =	swait.ge [sflag:s22], s20  }
0x9f: {  	s3 =	ssub.s32 $0x0, s20;
	[sflag:s22] =	ssyncset.done $0x0  }
0xa0: {  	[sflag:s22] =	ssyncadd.s32 s3;
	_ =	sdelay $0x1  }
0xa1: {  	s23 =	simm.s32 $0x1B8B  }
0xa2: {  	_ =	swait.ge [sflag:s23], $0x1  }
0xa3: {  	[sflag:s23] =	ssyncset.done $0x0  }
0xa4: {  	s25 =	simm.s32 $0x1B8E;
	s24 =	sld [smem:$0x3FFE];
	[sflag:s23] =	ssyncadd.s32 $0xFFFFFFFF  }
0xa5: {  	s26 =	simm.s32 $execute0_lowered;
	[smem:$0x3FD2] =	sst s25  }
0xa6: {  	s4 =	sshll.u32 s26, $0x1;
	_ =	strace $0x8000004F;
	[dreg:$0x1] =	wrdreg $0xFFFFFFFF  }
0xa7: {  	s28 =	simm.s32 $_size_execute0_lowered;
	s2 =	sadd.s32 s2, s4;
	[dreg:$0x0] =	wrdreg $0x0  }
0xa8: {  	s4 =	sshll.u32 s28, $0x1;
	[dreg:$0x2] =	wrdreg s2  }
0xa9: {  	[dreg:$0x3] =	wrdreg s4  }
0xaa: {  	[dreg:$0x4] =	wrdreg $0xC0  }
0xab: {  	_ =	task [dreg:s6], $0x5FFFF  }
0xac: {  	[dreg:$0x1] =	wrdreg $0xFFFFFFFF  }
0xad: {  	[dreg:$0x0] =	wrdreg $0x60  }
0xae: {  	[dreg:$0x2] =	wrdreg s24  }
0xaf: {  	[dreg:$0x3] =	wrdreg $0x90000  }
0xb0: {  	[dreg:$0x4] =	wrdreg $0x9  }
0xb1: {  	_ =	task.clear_ibuf [dreg:s6], $0x5FFFF;
	_ =	strace $0x9000004F  }
0xb2: {  	s29 =	simm.s32 $0x9;
	_ =	strace $0x80000051  }
0xb3: {  	_ =	swait.ge [sflag:s29], $0x1  }
0xb4: {  	[sflag:s29] =	ssyncadd.s32 $0xFFFFFFFF  }
0xb5: {  	_ =	strace $0x90000051  }
0xb6: {  	_ =	sfence  }
0xb7: {  	s30 =	sld [smem:$0x0];
	_ =	sdelay $0x2  }
0xb8: {  	s31 =	sshll.u32 s1, $0xD;
	s1 =	sshrl.u32 s1, $0x2  }
0xb9: {  	s3 =	sand.u32 $0x4000, s31;
	s1 =	sadd.s32 s1, s30  }
0xba: {  	s0 =	sor.u32 s3, s0;
	s1 =	sshll.u32 s1, $0x11  }
0xbb: {  	s0 =	sor.u32 s1, s0  }
0xbc: {  	s0 =	sadd.s32 $0x8F2B, s0  }
0xbd: {  	[sflag:s0] =	ssyncadd.remote.s32 $0x1  }
0xbe: {  	_ =	sfence.sel $0xFFFF  }
0xbf: {  	[dreg:$0x0] =	wrdreg $0xFFFFFFFF;
	(pc) =	sbr.abs _section_cstart, $3  }
0xc0: {  	[dreg:$0x1] =	wrdreg $0xFFFFFFFF  }
0xc1: {  	_ =	task.clear_ibuf [dreg:s6], $0x2FFFF;
	_ =	strace $0x9FFFFFFF  }
0xc2: {  	(tm) =	ssettm $0x7FFFFFFF  }
0xc3: {  	_ =	shalt  }
tec
execute0_lowered:
.L_overlay_start_1:
0x0: {  	(tag) =	ssettag $0x1  }
0x1: {  	s0 =	srdreg.scid;
	s1 =	rddreg [dreg:$0x0]  }
0x2: {  	s8 =	stileid.u32;
	s2 =	rddreg [dreg:$0x1]  }
0x3: {  	s3 =	simm.s32 $0x0;
	s13 =	simm.s32 $0x880;
	s14 =	simm.s32 $0x100  }
0x4: {  	s16 =	simm.s32 $0x900;
	s18 =	simm.s32 $0x180;
	[smem:$0x7FF] =	sst s3  }
0x5: {  	s19 =	simm.s32 $0x980;
	_ =	strace $0x80000050;
	[dreg:$0x5] =	wrdreg s13  }
0x6: {  	s20 =	simm.s32 $0x200;
	s21 =	simm.s32 $0xA00;
	[dreg:$0x6] =	wrdreg s14  }
0x7: {  	s22 =	simm.s32 $0x280;
	s23 =	simm.s32 $0xA80;
	[dreg:$0x7] =	wrdreg s16  }
0x8: {  	s24 =	simm.s32 $0x300;
	s25 =	simm.s32 $0xB00;
	[dreg:$0x8] =	wrdreg s18  }
0x9: {  	s26 =	simm.s32 $0x380;
	s28 =	simm.s32 $0xD80;
	[dreg:$0x9] =	wrdreg s19  }
0xa: {  	s29 =	simm.s32 $0x600;
	s5 =	smul.u32 $0x2800, s8;
	[dreg:$0xa] =	wrdreg s20  }
0xb: {  	s30 =	simm.s32 $0xE00;
	s7 =	smul.u32 $0x14000, s8;
	[dreg:$0xb] =	wrdreg s21  }
0xc: {  	s0 =	sand.u32 $0x1, s0;
	s8 =	smul.u32 $0x50000, s8;
	[dreg:$0xc] =	wrdreg s22  }
0xd: {  	s31 =	simm.s32 $0x680;
	s4 =	smul.u32 $0x28000, s0;
	[dreg:$0xd] =	wrdreg s23  }
0xe: {  	s6 =	smul.u32 $0x140000, s0;
	s0 =	ssub.s32 $0x2, s0;
	[dreg:$0xe] =	wrdreg s24  }
0xf: {  	s13 =	simm.s32 $0x3;
	s14 =	simm.s32 $0x800;
	[dreg:$0xf] =	wrdreg s25  }
0x10: {  	s16 =	simm.s32 $0x1;
	s18 =	simm.s32 $0x2;
	[dreg:$0x10] =	wrdreg s26  }
0x11: {  	s19 =	simm.s32 $0xB80;
	s20 =	simm.s32 $0x400;
	s21 =	simm.s32 $0xC00  }
0x12: {  	s22 =	simm.s32 $0x480;
	s23 =	simm.s32 $0xC80;
	s24 =	simm.s32 $0x500  }
0x13: {  	s25 =	simm.s32 $0xD00;
	s26 =	simm.s32 $0x580;
	s9 =	sshrl.u32 s0, $0x1  }
0x14: {  	s11 =	sshrl.u32 s8, $0x2;
	s8 =	simm.s32 $0xF80;
	s5 =	sadd.s32 s5, s4  }
0x15: {  	s4 =	sadd.s32 $0xD000, s1;
	s6 =	sadd.s32 s7, s6;
	s0 =	ssub.s32 s0, s9  }
0x16: {  	s12 =	sadd.s32 s11, s2;
	s9 =	simm.s32 $0x0;
	s5 =	sshrl.u32 s5, $0x3  }
0x17: {  	s6 =	sshrl.u32 s6, $0x3;
	s7 =	sadd.s32 $0x4000, s12;
	[dreg:$0x11] =	wrdreg s12  }
0x18: {  	s15 =	sadd.s32 $0x8000, s12;
	s17 =	sadd.s32 $0xC000, s12;
	[dreg:$0x12] =	wrdreg s7  }
0x19: {  	s0 =	smax.u32 s0, $0x1;
	s5 =	sadd.s32 s5, s1;
	[dreg:$0x13] =	wrdreg s15  }
0x1a: {  	s1 =	sadd.s32 s6, s1;
	[dreg:$0x14] =	wrdreg s17;
	s6 =	sadd.s32 $0x10000, s12  }
0x1b: {  	[dreg:$0x17] =	wrdreg s0;
	s12 =	simm.s32 $0x1000;
	s15 =	simm.s32 $0x80  }
0x1c: {  	s17 =	simm.s32 $0x5000;
	s10 =	sadd.s32 $0x3000, s5;
	[dreg:$0x15] =	wrdreg s6  }
0x1d: {  	s0 =	simm.s32 $0x700;
	s5 =	sadd.s32 $0x5D000, s5;
	[dreg:$0x3] =	wrdreg s10  }
0x1e: {  	s7 =	simm.s32 $0x780;
	s1 =	sadd.s32 $0x67000, s1;
	[dreg:$0x4] =	wrdreg s5  }
0x1f: {  	v0 =	vimm.f32 $0.0e+00;
	s6 =	simm.s32 $0xF00;
	[dreg:$0x16] =	wrdreg s1;
	s1 =	simm.s32 $0xE80  }
.LBB2_1:
0x20: {  	s10 =	simm.s32 $0x0;
	s11 =	simm.s32 $0x200  }
.LBB2_2:
0x21: {  	p0 =	sne.s32 s11, $0xFE00;
	[tilespmem:s10+$0x1070] =	vst v0  }
0x22: {  	[tilespmem:s10+$0x1000] =	vst v0  }
0x23: {  	[tilespmem:s10+$0x1010] =	vst v0  }
.Ltmp0:
0x24: {  	[tilespmem:s10+$0x1020] =	vst v0;
	(pc) =	sbr.rel @p0 .LBB2_2-.Ltmp0, $4  }
0x25: {  	[tilespmem:s10+$0x1030] =	vst v0  }
0x26: {  	[tilespmem:s10+$0x1040] =	vst v0  }
0x27: {  	[tilespmem:s10+$0x1050] =	vst v0  }
0x28: {  	[tilespmem:s10+$0x1060] =	vst v0;
	s10 =	sshra.s32 s11, $0x2;
	s11 =	sadd.s32 $0x200, s11  }
0x29: {  	[tilespmem:s10+$0x1070] =	vst v0  }
0x2a: {  	[tilespmem:s10+$0x1000] =	vst v0  }
0x2b: {  	[tilespmem:s10+$0x1010] =	vst v0  }
0x2c: {  	[tilespmem:s10+$0x1020] =	vst v0  }
0x2d: {  	[tilespmem:s10+$0x1030] =	vst v0  }
0x2e: {  	[tilespmem:s10+$0x1040] =	vst v0  }
0x2f: {  	[dreg:$0x18] =	wrdreg s9;
	[tilespmem:s10+$0x1050] =	vst v0  }
0x30: {  	[tilespmem:s10+$0x1060] =	vst v0;
	s5 =	rddreg [dreg:$0x11]  }
0x31: {  	[spmem:s5] =	stream.linear.scatter [tilespmem:s12], [sflag:$0x3], $0x4000, $0x38;
	[tilespmem:$0x1D000] =	vst v63  }
0x32: {  	_ =	swait.ge [sflag:s13], $0x4000  }
0x33: {  	[sflag:s13] =	ssyncset.done $0x0  }
0x34: {  	s9 =	rddreg [dreg:$0x12];
	[sflag:s13] =	ssyncadd.s32 $0xFFFFC000  }
0x35: {  	[spmem:s9] =	stream.linear.scatter [tilespmem:s12], [sflag:$0x3], $0x4000, $0x38;
	[tilespmem:$0x1D000] =	vst v63  }
0x36: {  	_ =	swait.ge [sflag:s13], $0x4000  }
0x37: {  	[sflag:s13] =	ssyncset.done $0x0  }
0x38: {  	s10 =	rddreg [dreg:$0x13];
	[sflag:s13] =	ssyncadd.s32 $0xFFFFC000  }
0x39: {  	[spmem:s10] =	stream.linear.scatter [tilespmem:s12], [sflag:$0x3], $0x4000, $0x38;
	[tilespmem:$0x1D000] =	vst v63  }
0x3a: {  	_ =	swait.ge [sflag:s13], $0x4000  }
0x3b: {  	[sflag:s13] =	ssyncset.done $0x0  }
0x3c: {  	s11 =	rddreg [dreg:$0x14];
	[sflag:s13] =	ssyncadd.s32 $0xFFFFC000  }
0x3d: {  	[spmem:s11] =	stream.linear.scatter [tilespmem:s12], [sflag:$0x3], $0x4000, $0x38;
	[tilespmem:$0x1D000] =	vst v63  }
0x3e: {  	_ =	swait.ge [sflag:s13], $0x4000  }
0x3f: {  	[sflag:s13] =	ssyncset.done $0x0  }
0x40: {  	s9 =	rddreg [dreg:$0x15];
	[sflag:s13] =	ssyncadd.s32 $0xFFFFC000  }
0x41: {  	[spmem:s9] =	stream.linear.scatter [tilespmem:s12], [sflag:$0x3], $0x4000, $0x38;
	[tilespmem:$0x1D000] =	vst v63  }
0x42: {  	_ =	swait.ge [sflag:s13], $0x4000  }
0x43: {  	[sflag:s13] =	ssyncset.done $0x0  }
0x44: {  	[sflag:s13] =	ssyncadd.s32 $0xFFFFC000  }
0x45: {  	[bflag:$0x0] =	sbarrier.arrive $0xFFFF  }
0x46: {  	s10 =	rddreg [dreg:$0x4]  }
0x47: {  	s5 =	sadd.s32 $0x0, s10  }
0x48: {  	[tilespmem:s3], [sflag:$0x3] =	stream.linear.gather [hbm4b:s5+s3], $0x800, $0x38;
	[tilespmem:$0x1D000] =	vst v63  }
0x49: {  	_ =	swait.ge [sflag:s13], $0x800  }
0x4a: {  	s11 =	rddreg [dreg:$0x3];
	[sflag:s13] =	ssyncset.done $0x0  }
0x4b: {  	[sflag:s13] =	ssyncadd.s32 $0xFFFFF800;
	s5 =	sadd.s32 $0x0, s11  }
0x4c: {  	[tilespmem:s14], [sflag:$0x3] =	stream.linear.gather [hbm4b:s5+s3], $0x800, $0x38;
	[tilespmem:$0x1D000] =	vst v63  }
0x4d: {  	_ =	swait.ge [sflag:s13], $0x800  }
0x4e: {  	[sflag:s13] =	ssyncset.done $0x0  }
0x4f: {  	[sflag:s13] =	ssyncadd.s32 $0xFFFFF800  }
0x50: {  	[tilespmem:s12], [sflag:$0x1] =	stream.indirect.gather [hbm4b:s4+s15], $0x80, s3, s15, $0xb8;
	[tilespmem:$0x1D000] =	vst v63  }
0x51: {  	_ =	swait.ge [sflag:s16], $0x4000  }
0x52: {  	[sflag:s16] =	ssyncset.done $0x0  }
0x53: {  	[sflag:s16] =	ssyncadd.s32 $0xFFFFC000  }
0x54: {  	[spmem:s2] =	stream.indirect.scatter.add.f32 [tilespmem:s12], [sflag:$0x2], $0x80, s14, s15, $0xb8;
	[tilespmem:$0x1D000] =	vst v63  }
0x55: {  	_ = 	snop  }
0x56: {  	[tilespmem:s17], [sflag:$0x1] =	stream.indirect.gather [hbm4b:s4+s15], $0x80, s15, s15, $0xb8;
	[tilespmem:$0x1D000] =	vst v63  }
0x57: {  	_ =	swait.ge [sflag:s16], $0x4000  }
0x58: {  	[sflag:s16] =	ssyncset.done $0x0  }
0x59: {  	s9 =	rddreg [dreg:$0x5];
	[sflag:s16] =	ssyncadd.s32 $0xFFFFC000  }
0x5a: {  	[spmem:s2] =	stream.indirect.scatter.add.f32 [tilespmem:s17], [sflag:$0x2], $0x80, s9, s15, $0xb8;
	[tilespmem:$0x1D000] =	vst v63  }
0x5b: {  	_ =	swait.ge [sflag:s18], $0x4000  }
0x5c: {  	[sflag:s18] =	ssyncset.done $0x0  }
0x5d: {  	s10 =	rddreg [dreg:$0x6];
	[sflag:s18] =	ssyncadd.s32 $0xFFFFC000  }
0x5e: {  	[tilespmem:s12], [sflag:$0x1] =	stream.indirect.gather [hbm4b:s4+s15], $0x80, s10, s15, $0xb8;
	[tilespmem:$0x1D000] =	vst v63  }
0x5f: {  	_ =	swait.ge [sflag:s16], $0x4000  }
0x60: {  	[sflag:s16] =	ssyncset.done $0x0  }
0x61: {  	s11 =	rddreg [dreg:$0x7];
	[sflag:s16] =	ssyncadd.s32 $0xFFFFC000  }
0x62: {  	[spmem:s2] =	stream.indirect.scatter.add.f32 [tilespmem:s12], [sflag:$0x2], $0x80, s11, s15, $0xb8;
	[tilespmem:$0x1D000] =	vst v63  }
0x63: {  	_ =	swait.ge [sflag:s18], $0x4000  }
0x64: {  	[sflag:s18] =	ssyncset.done $0x0  }
0x65: {  	s9 =	rddreg [dreg:$0x8];
	[sflag:s18] =	ssyncadd.s32 $0xFFFFC000  }
0x66: {  	[tilespmem:s17], [sflag:$0x1] =	stream.indirect.gather [hbm4b:s4+s15], $0x80, s9, s15, $0xb8;
	[tilespmem:$0x1D000] =	vst v63  }
0x67: {  	_ =	swait.ge [sflag:s16], $0x4000  }
0x68: {  	[sflag:s16] =	ssyncset.done $0x0  }
0x69: {  	s10 =	rddreg [dreg:$0x9];
	[sflag:s16] =	ssyncadd.s32 $0xFFFFC000  }
0x6a: {  	[spmem:s2] =	stream.indirect.scatter.add.f32 [tilespmem:s17], [sflag:$0x2], $0x80, s10, s15, $0xb8;
	[tilespmem:$0x1D000] =	vst v63  }
0x6b: {  	_ =	swait.ge [sflag:s18], $0x4000  }
0x6c: {  	[sflag:s18] =	ssyncset.done $0x0  }
0x6d: {  	s11 =	rddreg [dreg:$0xa];
	[sflag:s18] =	ssyncadd.s32 $0xFFFFC000  }
0x6e: {  	[tilespmem:s12], [sflag:$0x1] =	stream.indirect.gather [hbm4b:s4+s15], $0x80, s11, s15, $0xb8;
	[tilespmem:$0x1D000] =	vst v63  }
0x6f: {  	_ =	swait.ge [sflag:s16], $0x4000  }
0x70: {  	[sflag:s16] =	ssyncset.done $0x0  }
0x71: {  	s9 =	rddreg [dreg:$0xb];
	[sflag:s16] =	ssyncadd.s32 $0xFFFFC000  }
0x72: {  	[spmem:s2] =	stream.indirect.scatter.add.f32 [tilespmem:s12], [sflag:$0x2], $0x80, s9, s15, $0xb8;
	[tilespmem:$0x1D000] =	vst v63  }
0x73: {  	_ =	swait.ge [sflag:s18], $0x4000  }
0x74: {  	[sflag:s18] =	ssyncset.done $0x0  }
0x75: {  	s10 =	rddreg [dreg:$0xc];
	[sflag:s18] =	ssyncadd.s32 $0xFFFFC000  }
0x76: {  	[tilespmem:s17], [sflag:$0x1] =	stream.indirect.gather [hbm4b:s4+s15], $0x80, s10, s15, $0xb8;
	[tilespmem:$0x1D000] =	vst v63  }
0x77: {  	_ =	swait.ge [sflag:s16], $0x4000  }
0x78: {  	[sflag:s16] =	ssyncset.done $0x0  }
0x79: {  	s11 =	rddreg [dreg:$0xd];
	[sflag:s16] =	ssyncadd.s32 $0xFFFFC000  }
0x7a: {  	[spmem:s2] =	stream.indirect.scatter.add.f32 [tilespmem:s17], [sflag:$0x2], $0x80, s11, s15, $0xb8;
	[tilespmem:$0x1D000] =	vst v63  }
0x7b: {  	_ =	swait.ge [sflag:s18], $0x4000  }
0x7c: {  	[sflag:s18] =	ssyncset.done $0x0  }
0x7d: {  	s9 =	rddreg [dreg:$0xe];
	[sflag:s18] =	ssyncadd.s32 $0xFFFFC000  }
0x7e: {  	[tilespmem:s12], [sflag:$0x1] =	stream.indirect.gather [hbm4b:s4+s15], $0x80, s9, s15, $0xb8;
	[tilespmem:$0x1D000] =	vst v63  }
0x7f: {  	_ =	swait.ge [sflag:s16], $0x4000  }
0x80: {  	[sflag:s16] =	ssyncset.done $0x0  }
0x81: {  	s10 =	rddreg [dreg:$0xf];
	[sflag:s16] =	ssyncadd.s32 $0xFFFFC000  }
0x82: {  	[spmem:s2] =	stream.indirect.scatter.add.f32 [tilespmem:s12], [sflag:$0x2], $0x80, s10, s15, $0xb8;
	[tilespmem:$0x1D000] =	vst v63  }
0x83: {  	_ =	swait.ge [sflag:s18], $0x4000  }
0x84: {  	[sflag:s18] =	ssyncset.done $0x0  }
0x85: {  	s11 =	rddreg [dreg:$0x10];
	[sflag:s18] =	ssyncadd.s32 $0xFFFFC000  }
0x86: {  	[tilespmem:s17], [sflag:$0x1] =	stream.indirect.gather [hbm4b:s4+s15], $0x80, s11, s15, $0xb8;
	[tilespmem:$0x1D000] =	vst v63  }
0x87: {  	_ =	swait.ge [sflag:s16], $0x4000  }
0x88: {  	[sflag:s16] =	ssyncset.done $0x0  }
0x89: {  	[sflag:s16] =	ssyncadd.s32 $0xFFFFC000  }
0x8a: {  	[spmem:s2] =	stream.indirect.scatter.add.f32 [tilespmem:s17], [sflag:$0x2], $0x80, s19, s15, $0xb8;
	[tilespmem:$0x1D000] =	vst v63  }
0x8b: {  	_ =	swait.ge [sflag:s18], $0x4000  }
0x8c: {  	[sflag:s18] =	ssyncset.done $0x0  }
0x8d: {  	[sflag:s18] =	ssyncadd.s32 $0xFFFFC000  }
0x8e: {  	[tilespmem:s12], [sflag:$0x1] =	stream.indirect.gather [hbm4b:s4+s15], $0x80, s20, s15, $0xb8;
	[tilespmem:$0x1D000] =	vst v63  }
0x8f: {  	_ =	swait.ge [sflag:s16], $0x4000  }
0x90: {  	[sflag:s16] =	ssyncset.done $0x0  }
0x91: {  	[sflag:s16] =	ssyncadd.s32 $0xFFFFC000  }
0x92: {  	[spmem:s2] =	stream.indirect.scatter.add.f32 [tilespmem:s12], [sflag:$0x2], $0x80, s21, s15, $0xb8;
	[tilespmem:$0x1D000] =	vst v63  }
0x93: {  	_ =	swait.ge [sflag:s18], $0x4000  }
0x94: {  	[sflag:s18] =	ssyncset.done $0x0  }
0x95: {  	[sflag:s18] =	ssyncadd.s32 $0xFFFFC000  }
0x96: {  	[tilespmem:s17], [sflag:$0x1] =	stream.indirect.gather [hbm4b:s4+s15], $0x80, s22, s15, $0xb8;
	[tilespmem:$0x1D000] =	vst v63  }
0x97: {  	_ =	swait.ge [sflag:s16], $0x4000  }
0x98: {  	[sflag:s16] =	ssyncset.done $0x0  }
0x99: {  	[sflag:s16] =	ssyncadd.s32 $0xFFFFC000  }
0x9a: {  	[spmem:s2] =	stream.indirect.scatter.add.f32 [tilespmem:s17], [sflag:$0x2], $0x80, s23, s15, $0xb8;
	[tilespmem:$0x1D000] =	vst v63  }
0x9b: {  	_ =	swait.ge [sflag:s18], $0x4000  }
0x9c: {  	[sflag:s18] =	ssyncset.done $0x0  }
0x9d: {  	[sflag:s18] =	ssyncadd.s32 $0xFFFFC000  }
0x9e: {  	[tilespmem:s12], [sflag:$0x1] =	stream.indirect.gather [hbm4b:s4+s15], $0x80, s24, s15, $0xb8;
	[tilespmem:$0x1D000] =	vst v63  }
0x9f: {  	_ =	swait.ge [sflag:s16], $0x4000  }
0xa0: {  	[sflag:s16] =	ssyncset.done $0x0  }
0xa1: {  	[sflag:s16] =	ssyncadd.s32 $0xFFFFC000  }
0xa2: {  	[spmem:s2] =	stream.indirect.scatter.add.f32 [tilespmem:s12], [sflag:$0x2], $0x80, s25, s15, $0xb8;
	[tilespmem:$0x1D000] =	vst v63  }
0xa3: {  	_ =	swait.ge [sflag:s18], $0x4000  }
0xa4: {  	[sflag:s18] =	ssyncset.done $0x0  }
0xa5: {  	[sflag:s18] =	ssyncadd.s32 $0xFFFFC000  }
0xa6: {  	[tilespmem:s17], [sflag:$0x1] =	stream.indirect.gather [hbm4b:s4+s15], $0x80, s26, s15, $0xb8;
	[tilespmem:$0x1D000] =	vst v63  }
0xa7: {  	_ =	swait.ge [sflag:s16], $0x4000  }
0xa8: {  	[sflag:s16] =	ssyncset.done $0x0  }
0xa9: {  	[sflag:s16] =	ssyncadd.s32 $0xFFFFC000  }
0xaa: {  	[spmem:s2] =	stream.indirect.scatter.add.f32 [tilespmem:s17], [sflag:$0x2], $0x80, s28, s15, $0xb8;
	[tilespmem:$0x1D000] =	vst v63  }
0xab: {  	_ =	swait.ge [sflag:s18], $0x4000  }
0xac: {  	[sflag:s18] =	ssyncset.done $0x0  }
0xad: {  	[sflag:s18] =	ssyncadd.s32 $0xFFFFC000  }
0xae: {  	[tilespmem:s12], [sflag:$0x1] =	stream.indirect.gather [hbm4b:s4+s15], $0x80, s29, s15, $0xb8;
	[tilespmem:$0x1D000] =	vst v63  }
0xaf: {  	_ =	swait.ge [sflag:s16], $0x4000  }
0xb0: {  	[sflag:s16] =	ssyncset.done $0x0  }
0xb1: {  	[sflag:s16] =	ssyncadd.s32 $0xFFFFC000  }
0xb2: {  	[spmem:s2] =	stream.indirect.scatter.add.f32 [tilespmem:s12], [sflag:$0x2], $0x80, s30, s15, $0xb8;
	[tilespmem:$0x1D000] =	vst v63  }
0xb3: {  	_ =	swait.ge [sflag:s18], $0x4000  }
0xb4: {  	[sflag:s18] =	ssyncset.done $0x0  }
0xb5: {  	[sflag:s18] =	ssyncadd.s32 $0xFFFFC000  }
0xb6: {  	[tilespmem:s17], [sflag:$0x1] =	stream.indirect.gather [hbm4b:s4+s15], $0x80, s31, s15, $0xb8;
	[tilespmem:$0x1D000] =	vst v63  }
0xb7: {  	_ =	swait.ge [sflag:s16], $0x4000  }
0xb8: {  	[sflag:s16] =	ssyncset.done $0x0  }
0xb9: {  	[sflag:s16] =	ssyncadd.s32 $0xFFFFC000  }
0xba: {  	[spmem:s2] =	stream.indirect.scatter.add.f32 [tilespmem:s17], [sflag:$0x2], $0x80, s1, s15, $0xb8;
	[tilespmem:$0x1D000] =	vst v63  }
0xbb: {  	_ =	swait.ge [sflag:s18], $0x4000  }
0xbc: {  	[sflag:s18] =	ssyncset.done $0x0  }
0xbd: {  	[sflag:s18] =	ssyncadd.s32 $0xFFFFC000  }
0xbe: {  	[tilespmem:s12], [sflag:$0x1] =	stream.indirect.gather [hbm4b:s4+s15], $0x80, s0, s15, $0xb8;
	[tilespmem:$0x1D000] =	vst v63  }
0xbf: {  	_ =	swait.ge [sflag:s16], $0x4000  }
0xc0: {  	[sflag:s16] =	ssyncset.done $0x0  }
0xc1: {  	[sflag:s16] =	ssyncadd.s32 $0xFFFFC000  }
0xc2: {  	[spmem:s2] =	stream.indirect.scatter.add.f32 [tilespmem:s12], [sflag:$0x2], $0x80, s6, s15, $0xb8;
	[tilespmem:$0x1D000] =	vst v63  }
0xc3: {  	_ =	swait.ge [sflag:s18], $0x4000  }
0xc4: {  	[sflag:s18] =	ssyncset.done $0x0  }
0xc5: {  	[sflag:s18] =	ssyncadd.s32 $0xFFFFC000  }
0xc6: {  	[tilespmem:s17], [sflag:$0x1] =	stream.indirect.gather [hbm4b:s4+s15], $0x80, s7, s15, $0xb8;
	[tilespmem:$0x1D000] =	vst v63  }
0xc7: {  	_ =	swait.ge [sflag:s16], $0x4000  }
0xc8: {  	[sflag:s16] =	ssyncset.done $0x0  }
0xc9: {  	[sflag:s16] =	ssyncadd.s32 $0xFFFFC000  }
0xca: {  	[spmem:s2] =	stream.indirect.scatter.add.f32 [tilespmem:s17], [sflag:$0x2], $0x80, s8, s15, $0xb8;
	[tilespmem:$0x1D000] =	vst v63  }
0xcb: {  	_ =	swait.ge [sflag:s18], $0x4000  }
0xcc: {  	[sflag:s18] =	ssyncset.done $0x0  }
0xcd: {  	[sflag:s18] =	ssyncadd.s32 $0xFFFFC000  }
0xce: {  	s10 =	simm.s32 $0x100;
	_ =	swait.ge [sflag:s18], $0x4000  }
0xcf: {  	s11 =	simm.s32 $0x200;
	s5 =	rddreg [dreg:$0x4];
	[sflag:s18] =	ssyncset.done $0x0  }
.LBB2_4:
0xd0: {  	[sflag:s18] =	ssyncadd.s32 $0xFFFFC000;
	s5 =	sadd.s32 s10, s5  }
0xd1: {  	[tilespmem:s3], [sflag:$0x3] =	stream.linear.gather [hbm4b:s5+s3], $0x800, $0x38;
	[tilespmem:$0x1D000] =	vst v63  }
0xd2: {  	_ =	swait.ge [sflag:s13], $0x800  }
0xd3: {  	s5 =	rddreg [dreg:$0x3];
	[sflag:s13] =	ssyncset.done $0x0  }
0xd4: {  	[sflag:s13] =	ssyncadd.s32 $0xFFFFF800;
	s5 =	sadd.s32 s10, s5  }
0xd5: {  	[tilespmem:s14], [sflag:$0x3] =	stream.linear.gather [hbm4b:s5+s3], $0x800, $0x38;
	[tilespmem:$0x1D000] =	vst v63  }
0xd6: {  	_ =	swait.ge [sflag:s13], $0x800  }
0xd7: {  	[sflag:s13] =	ssyncset.done $0x0  }
0xd8: {  	[sflag:s13] =	ssyncadd.s32 $0xFFFFF800  }
0xd9: {  	[tilespmem:s12], [sflag:$0x1] =	stream.indirect.gather [hbm4b:s4+s15], $0x80, s3, s15, $0xb8;
	[tilespmem:$0x1D000] =	vst v63  }
0xda: {  	_ =	swait.ge [sflag:s16], $0x4000  }
0xdb: {  	[sflag:s16] =	ssyncset.done $0x0  }
0xdc: {  	[sflag:s16] =	ssyncadd.s32 $0xFFFFC000  }
0xdd: {  	[spmem:s2] =	stream.indirect.scatter.add.f32 [tilespmem:s12], [sflag:$0x2], $0x80, s14, s15, $0xb8;
	[tilespmem:$0x1D000] =	vst v63  }
0xde: {  	_ = 	snop  }
0xdf: {  	[tilespmem:s17], [sflag:$0x1] =	stream.indirect.gather [hbm4b:s4+s15], $0x80, s15, s15, $0xb8;
	[tilespmem:$0x1D000] =	vst v63  }
0xe0: {  	_ =	swait.ge [sflag:s16], $0x4000  }
0xe1: {  	s9 =	smov.u32 s11;
	[sflag:s16] =	ssyncset.done $0x0  }
0xe2: {  	s10 =	smov.u32 s9;
	s9 =	rddreg [dreg:$0x5];
	[sflag:s16] =	ssyncadd.s32 $0xFFFFC000  }
0xe3: {  	[spmem:s2] =	stream.indirect.scatter.add.f32 [tilespmem:s17], [sflag:$0x2], $0x80, s9, s15, $0xb8;
	[tilespmem:$0x1D000] =	vst v63  }
0xe4: {  	_ =	swait.ge [sflag:s18], $0x4000  }
0xe5: {  	[sflag:s18] =	ssyncset.done $0x0  }
0xe6: {  	s9 =	rddreg [dreg:$0x6];
	[sflag:s18] =	ssyncadd.s32 $0xFFFFC000  }
0xe7: {  	[tilespmem:s12], [sflag:$0x1] =	stream.indirect.gather [hbm4b:s4+s15], $0x80, s9, s15, $0xb8;
	[tilespmem:$0x1D000] =	vst v63  }
0xe8: {  	_ =	swait.ge [sflag:s16], $0x4000  }
0xe9: {  	[sflag:s16] =	ssyncset.done $0x0  }
0xea: {  	s9 =	rddreg [dreg:$0x7];
	[sflag:s16] =	ssyncadd.s32 $0xFFFFC000  }
0xeb: {  	[spmem:s2] =	stream.indirect.scatter.add.f32 [tilespmem:s12], [sflag:$0x2], $0x80, s9, s15, $0xb8;
	[tilespmem:$0x1D000] =	vst v63  }
0xec: {  	_ =	swait.ge [sflag:s18], $0x4000  }
0xed: {  	[sflag:s18] =	ssyncset.done $0x0  }
0xee: {  	s9 =	rddreg [dreg:$0x8];
	[sflag:s18] =	ssyncadd.s32 $0xFFFFC000  }
0xef: {  	[tilespmem:s17], [sflag:$0x1] =	stream.indirect.gather [hbm4b:s4+s15], $0x80, s9, s15, $0xb8;
	[tilespmem:$0x1D000] =	vst v63  }
0xf0: {  	_ =	swait.ge [sflag:s16], $0x4000  }
0xf1: {  	[sflag:s16] =	ssyncset.done $0x0  }
0xf2: {  	s9 =	rddreg [dreg:$0x9];
	[sflag:s16] =	ssyncadd.s32 $0xFFFFC000  }
0xf3: {  	[spmem:s2] =	stream.indirect.scatter.add.f32 [tilespmem:s17], [sflag:$0x2], $0x80, s9, s15, $0xb8;
	[tilespmem:$0x1D000] =	vst v63  }
0xf4: {  	_ =	swait.ge [sflag:s18], $0x4000  }
0xf5: {  	[sflag:s18] =	ssyncset.done $0x0  }
0xf6: {  	s9 =	rddreg [dreg:$0xa];
	[sflag:s18] =	ssyncadd.s32 $0xFFFFC000  }
0xf7: {  	[tilespmem:s12], [sflag:$0x1] =	stream.indirect.gather [hbm4b:s4+s15], $0x80, s9, s15, $0xb8;
	[tilespmem:$0x1D000] =	vst v63  }
0xf8: {  	_ =	swait.ge [sflag:s16], $0x4000  }
0xf9: {  	[sflag:s16] =	ssyncset.done $0x0  }
0xfa: {  	s9 =	rddreg [dreg:$0xb];
	[sflag:s16] =	ssyncadd.s32 $0xFFFFC000  }
0xfb: {  	[spmem:s2] =	stream.indirect.scatter.add.f32 [tilespmem:s12], [sflag:$0x2], $0x80, s9, s15, $0xb8;
	[tilespmem:$0x1D000] =	vst v63  }
0xfc: {  	_ =	swait.ge [sflag:s18], $0x4000  }
0xfd: {  	[sflag:s18] =	ssyncset.done $0x0  }
0xfe: {  	s9 =	rddreg [dreg:$0xc];
	[sflag:s18] =	ssyncadd.s32 $0xFFFFC000  }
0xff: {  	[tilespmem:s17], [sflag:$0x1] =	stream.indirect.gather [hbm4b:s4+s15], $0x80, s9, s15, $0xb8;
	[tilespmem:$0x1D000] =	vst v63  }
0x100: {  	_ =	swait.ge [sflag:s16], $0x4000  }
0x101: {  	[sflag:s16] =	ssyncset.done $0x0  }
0x102: {  	s9 =	rddreg [dreg:$0xd];
	[sflag:s16] =	ssyncadd.s32 $0xFFFFC000  }
0x103: {  	[spmem:s2] =	stream.indirect.scatter.add.f32 [tilespmem:s17], [sflag:$0x2], $0x80, s9, s15, $0xb8;
	[tilespmem:$0x1D000] =	vst v63  }
0x104: {  	_ =	swait.ge [sflag:s18], $0x4000  }
0x105: {  	[sflag:s18] =	ssyncset.done $0x0  }
0x106: {  	s9 =	rddreg [dreg:$0xe];
	[sflag:s18] =	ssyncadd.s32 $0xFFFFC000  }
0x107: {  	[tilespmem:s12], [sflag:$0x1] =	stream.indirect.gather [hbm4b:s4+s15], $0x80, s9, s15, $0xb8;
	[tilespmem:$0x1D000] =	vst v63  }
0x108: {  	_ =	swait.ge [sflag:s16], $0x4000  }
0x109: {  	[sflag:s16] =	ssyncset.done $0x0  }
0x10a: {  	s9 =	rddreg [dreg:$0xf];
	[sflag:s16] =	ssyncadd.s32 $0xFFFFC000  }
0x10b: {  	[spmem:s2] =	stream.indirect.scatter.add.f32 [tilespmem:s12], [sflag:$0x2], $0x80, s9, s15, $0xb8;
	[tilespmem:$0x1D000] =	vst v63  }
0x10c: {  	_ =	swait.ge [sflag:s18], $0x4000  }
0x10d: {  	[sflag:s18] =	ssyncset.done $0x0  }
0x10e: {  	s9 =	rddreg [dreg:$0x10];
	[sflag:s18] =	ssyncadd.s32 $0xFFFFC000  }
0x10f: {  	[tilespmem:s17], [sflag:$0x1] =	stream.indirect.gather [hbm4b:s4+s15], $0x80, s9, s15, $0xb8;
	[tilespmem:$0x1D000] =	vst v63  }
0x110: {  	_ =	swait.ge [sflag:s16], $0x4000  }
0x111: {  	[sflag:s16] =	ssyncset.done $0x0  }
0x112: {  	[sflag:s16] =	ssyncadd.s32 $0xFFFFC000  }
0x113: {  	[spmem:s2] =	stream.indirect.scatter.add.f32 [tilespmem:s17], [sflag:$0x2], $0x80, s19, s15, $0xb8;
	[tilespmem:$0x1D000] =	vst v63  }
0x114: {  	_ =	swait.ge [sflag:s18], $0x4000  }
0x115: {  	[sflag:s18] =	ssyncset.done $0x0  }
0x116: {  	[sflag:s18] =	ssyncadd.s32 $0xFFFFC000  }
0x117: {  	[tilespmem:s12], [sflag:$0x1] =	stream.indirect.gather [hbm4b:s4+s15], $0x80, s20, s15, $0xb8;
	[tilespmem:$0x1D000] =	vst v63  }
0x118: {  	_ =	swait.ge [sflag:s16], $0x4000  }
0x119: {  	[sflag:s16] =	ssyncset.done $0x0  }
0x11a: {  	[sflag:s16] =	ssyncadd.s32 $0xFFFFC000  }
0x11b: {  	[spmem:s2] =	stream.indirect.scatter.add.f32 [tilespmem:s12], [sflag:$0x2], $0x80, s21, s15, $0xb8;
	[tilespmem:$0x1D000] =	vst v63  }
0x11c: {  	_ =	swait.ge [sflag:s18], $0x4000  }
0x11d: {  	[sflag:s18] =	ssyncset.done $0x0  }
0x11e: {  	[sflag:s18] =	ssyncadd.s32 $0xFFFFC000  }
0x11f: {  	[tilespmem:s17], [sflag:$0x1] =	stream.indirect.gather [hbm4b:s4+s15], $0x80, s22, s15, $0xb8;
	[tilespmem:$0x1D000] =	vst v63  }
0x120: {  	_ =	swait.ge [sflag:s16], $0x4000  }
0x121: {  	[sflag:s16] =	ssyncset.done $0x0  }
0x122: {  	[sflag:s16] =	ssyncadd.s32 $0xFFFFC000  }
0x123: {  	[spmem:s2] =	stream.indirect.scatter.add.f32 [tilespmem:s17], [sflag:$0x2], $0x80, s23, s15, $0xb8;
	[tilespmem:$0x1D000] =	vst v63  }
0x124: {  	_ =	swait.ge [sflag:s18], $0x4000  }
0x125: {  	[sflag:s18] =	ssyncset.done $0x0  }
0x126: {  	[sflag:s18] =	ssyncadd.s32 $0xFFFFC000  }
0x127: {  	[tilespmem:s12], [sflag:$0x1] =	stream.indirect.gather [hbm4b:s4+s15], $0x80, s24, s15, $0xb8;
	[tilespmem:$0x1D000] =	vst v63  }
0x128: {  	_ =	swait.ge [sflag:s16], $0x4000  }
0x129: {  	[sflag:s16] =	ssyncset.done $0x0  }
0x12a: {  	[sflag:s16] =	ssyncadd.s32 $0xFFFFC000  }
0x12b: {  	[spmem:s2] =	stream.indirect.scatter.add.f32 [tilespmem:s12], [sflag:$0x2], $0x80, s25, s15, $0xb8;
	[tilespmem:$0x1D000] =	vst v63  }
0x12c: {  	_ =	swait.ge [sflag:s18], $0x4000  }
0x12d: {  	[sflag:s18] =	ssyncset.done $0x0  }
0x12e: {  	[sflag:s18] =	ssyncadd.s32 $0xFFFFC000  }
0x12f: {  	[tilespmem:s17], [sflag:$0x1] =	stream.indirect.gather [hbm4b:s4+s15], $0x80, s26, s15, $0xb8;
	[tilespmem:$0x1D000] =	vst v63  }
0x130: {  	_ =	swait.ge [sflag:s16], $0x4000  }
0x131: {  	[sflag:s16] =	ssyncset.done $0x0  }
0x132: {  	[sflag:s16] =	ssyncadd.s32 $0xFFFFC000  }
0x133: {  	[spmem:s2] =	stream.indirect.scatter.add.f32 [tilespmem:s17], [sflag:$0x2], $0x80, s28, s15, $0xb8;
	[tilespmem:$0x1D000] =	vst v63  }
0x134: {  	_ =	swait.ge [sflag:s18], $0x4000  }
0x135: {  	[sflag:s18] =	ssyncset.done $0x0  }
0x136: {  	[sflag:s18] =	ssyncadd.s32 $0xFFFFC000  }
0x137: {  	[tilespmem:s12], [sflag:$0x1] =	stream.indirect.gather [hbm4b:s4+s15], $0x80, s29, s15, $0xb8;
	[tilespmem:$0x1D000] =	vst v63  }
0x138: {  	_ =	swait.ge [sflag:s16], $0x4000  }
0x139: {  	[sflag:s16] =	ssyncset.done $0x0  }
0x13a: {  	[sflag:s16] =	ssyncadd.s32 $0xFFFFC000  }
0x13b: {  	[spmem:s2] =	stream.indirect.scatter.add.f32 [tilespmem:s12], [sflag:$0x2], $0x80, s30, s15, $0xb8;
	[tilespmem:$0x1D000] =	vst v63  }
0x13c: {  	_ =	swait.ge [sflag:s18], $0x4000  }
0x13d: {  	[sflag:s18] =	ssyncset.done $0x0  }
0x13e: {  	[sflag:s18] =	ssyncadd.s32 $0xFFFFC000  }
0x13f: {  	[tilespmem:s17], [sflag:$0x1] =	stream.indirect.gather [hbm4b:s4+s15], $0x80, s31, s15, $0xb8;
	[tilespmem:$0x1D000] =	vst v63  }
0x140: {  	_ =	swait.ge [sflag:s16], $0x4000  }
0x141: {  	[sflag:s16] =	ssyncset.done $0x0  }
0x142: {  	[sflag:s16] =	ssyncadd.s32 $0xFFFFC000  }
0x143: {  	[spmem:s2] =	stream.indirect.scatter.add.f32 [tilespmem:s17], [sflag:$0x2], $0x80, s1, s15, $0xb8;
	[tilespmem:$0x1D000] =	vst v63  }
0x144: {  	_ =	swait.ge [sflag:s18], $0x4000  }
0x145: {  	[sflag:s18] =	ssyncset.done $0x0  }
0x146: {  	[sflag:s18] =	ssyncadd.s32 $0xFFFFC000  }
0x147: {  	[tilespmem:s12], [sflag:$0x1] =	stream.indirect.gather [hbm4b:s4+s15], $0x80, s0, s15, $0xb8;
	[tilespmem:$0x1D000] =	vst v63  }
0x148: {  	_ =	swait.ge [sflag:s16], $0x4000  }
0x149: {  	[sflag:s16] =	ssyncset.done $0x0  }
0x14a: {  	[sflag:s16] =	ssyncadd.s32 $0xFFFFC000  }
0x14b: {  	[spmem:s2] =	stream.indirect.scatter.add.f32 [tilespmem:s12], [sflag:$0x2], $0x80, s6, s15, $0xb8;
	[tilespmem:$0x1D000] =	vst v63  }
0x14c: {  	_ =	swait.ge [sflag:s18], $0x4000  }
0x14d: {  	[sflag:s18] =	ssyncset.done $0x0  }
0x14e: {  	[sflag:s18] =	ssyncadd.s32 $0xFFFFC000  }
0x14f: {  	[tilespmem:s17], [sflag:$0x1] =	stream.indirect.gather [hbm4b:s4+s15], $0x80, s7, s15, $0xb8;
	[tilespmem:$0x1D000] =	vst v63  }
0x150: {  	_ =	swait.ge [sflag:s16], $0x4000  }
0x151: {  	[sflag:s16] =	ssyncset.done $0x0  }
0x152: {  	p0 =	sne.s32 s11, $0x400;
	[sflag:s16] =	ssyncadd.s32 $0xFFFFC000  }
0x153: {  	[spmem:s2] =	stream.indirect.scatter.add.f32 [tilespmem:s17], [sflag:$0x2], $0x80, s8, s15, $0xb8;
	[tilespmem:$0x1D000] =	vst v63  }
.Ltmp1:
0x154: {  	_ =	swait.ge [sflag:s18], $0x4000;
	(pc) =	sbr.rel @p0 .LBB2_4-.Ltmp1, $4  }
0x155: {  	[sflag:s18] =	ssyncset.done $0x0  }
0x156: {  	[sflag:s18] =	ssyncadd.s32 $0xFFFFC000  }
0x157: {  	_ =	swait.ge [sflag:s18], $0x4000  }
0x158: {  	s11 =	sadd.s32 $0x100, s11;
	s5 =	rddreg [dreg:$0x4];
	[sflag:s18] =	ssyncset.done $0x0  }
0x159: {  	[sflag:s18] =	ssyncadd.s32 $0xFFFFC000;
	s5 =	sadd.s32 s10, s5  }
0x15a: {  	[tilespmem:s3], [sflag:$0x3] =	stream.linear.gather [hbm4b:s5+s3], $0x800, $0x38;
	[tilespmem:$0x1D000] =	vst v63  }
0x15b: {  	_ =	swait.ge [sflag:s13], $0x800  }
0x15c: {  	s9 =	rddreg [dreg:$0x3];
	[sflag:s13] =	ssyncset.done $0x0  }
0x15d: {  	[sflag:s13] =	ssyncadd.s32 $0xFFFFF800;
	s5 =	sadd.s32 s10, s9  }
0x15e: {  	[tilespmem:s14], [sflag:$0x3] =	stream.linear.gather [hbm4b:s5+s3], $0x800, $0x38;
	[tilespmem:$0x1D000] =	vst v63  }
0x15f: {  	_ =	swait.ge [sflag:s13], $0x800  }
0x160: {  	[sflag:s13] =	ssyncset.done $0x0  }
0x161: {  	[sflag:s13] =	ssyncadd.s32 $0xFFFFF800  }
0x162: {  	[tilespmem:s12], [sflag:$0x1] =	stream.indirect.gather [hbm4b:s4+s15], $0x80, s3, s15, $0xb8;
	[tilespmem:$0x1D000] =	vst v63  }
0x163: {  	_ =	swait.ge [sflag:s16], $0x4000  }
0x164: {  	[sflag:s16] =	ssyncset.done $0x0  }
0x165: {  	[sflag:s16] =	ssyncadd.s32 $0xFFFFC000  }
0x166: {  	[spmem:s2] =	stream.indirect.scatter.add.f32 [tilespmem:s12], [sflag:$0x2], $0x80, s14, s15, $0xb8;
	[tilespmem:$0x1D000] =	vst v63  }
0x167: {  	_ = 	snop  }
0x168: {  	[tilespmem:s17], [sflag:$0x1] =	stream.indirect.gather [hbm4b:s4+s15], $0x80, s15, s15, $0xb8;
	[tilespmem:$0x1D000] =	vst v63  }
0x169: {  	_ =	swait.ge [sflag:s16], $0x4000  }
0x16a: {  	[sflag:s16] =	ssyncset.done $0x0  }
0x16b: {  	s10 =	rddreg [dreg:$0x5];
	[sflag:s16] =	ssyncadd.s32 $0xFFFFC000  }
0x16c: {  	[spmem:s2] =	stream.indirect.scatter.add.f32 [tilespmem:s17], [sflag:$0x2], $0x80, s10, s15, $0xb8;
	[tilespmem:$0x1D000] =	vst v63  }
0x16d: {  	_ =	swait.ge [sflag:s18], $0x4000  }
0x16e: {  	[sflag:s18] =	ssyncset.done $0x0  }
0x16f: {  	s11 =	rddreg [dreg:$0x6];
	[sflag:s18] =	ssyncadd.s32 $0xFFFFC000  }
0x170: {  	[tilespmem:s12], [sflag:$0x1] =	stream.indirect.gather [hbm4b:s4+s15], $0x80, s11, s15, $0xb8;
	[tilespmem:$0x1D000] =	vst v63  }
0x171: {  	_ =	swait.ge [sflag:s16], $0x4000  }
0x172: {  	[sflag:s16] =	ssyncset.done $0x0  }
0x173: {  	s9 =	rddreg [dreg:$0x7];
	[sflag:s16] =	ssyncadd.s32 $0xFFFFC000  }
0x174: {  	[spmem:s2] =	stream.indirect.scatter.add.f32 [tilespmem:s12], [sflag:$0x2], $0x80, s9, s15, $0xb8;
	[tilespmem:$0x1D000] =	vst v63  }
0x175: {  	_ =	swait.ge [sflag:s18], $0x4000  }
0x176: {  	[sflag:s18] =	ssyncset.done $0x0  }
0x177: {  	s10 =	rddreg [dreg:$0x8];
	[sflag:s18] =	ssyncadd.s32 $0xFFFFC000  }
0x178: {  	[tilespmem:s17], [sflag:$0x1] =	stream.indirect.gather [hbm4b:s4+s15], $0x80, s10, s15, $0xb8;
	[tilespmem:$0x1D000] =	vst v63  }
0x179: {  	_ =	swait.ge [sflag:s16], $0x4000  }
0x17a: {  	[sflag:s16] =	ssyncset.done $0x0  }
0x17b: {  	s11 =	rddreg [dreg:$0x9];
	[sflag:s16] =	ssyncadd.s32 $0xFFFFC000  }
0x17c: {  	[spmem:s2] =	stream.indirect.scatter.add.f32 [tilespmem:s17], [sflag:$0x2], $0x80, s11, s15, $0xb8;
	[tilespmem:$0x1D000] =	vst v63  }
0x17d: {  	_ =	swait.ge [sflag:s18], $0x4000  }
0x17e: {  	[sflag:s18] =	ssyncset.done $0x0  }
0x17f: {  	s9 =	rddreg [dreg:$0xa];
	[sflag:s18] =	ssyncadd.s32 $0xFFFFC000  }
0x180: {  	[tilespmem:s12], [sflag:$0x1] =	stream.indirect.gather [hbm4b:s4+s15], $0x80, s9, s15, $0xb8;
	[tilespmem:$0x1D000] =	vst v63  }
0x181: {  	_ =	swait.ge [sflag:s16], $0x4000  }
0x182: {  	[sflag:s16] =	ssyncset.done $0x0  }
0x183: {  	s10 =	rddreg [dreg:$0xb];
	[sflag:s16] =	ssyncadd.s32 $0xFFFFC000  }
0x184: {  	[spmem:s2] =	stream.indirect.scatter.add.f32 [tilespmem:s12], [sflag:$0x2], $0x80, s10, s15, $0xb8;
	[tilespmem:$0x1D000] =	vst v63  }
0x185: {  	_ =	swait.ge [sflag:s18], $0x4000  }
0x186: {  	[sflag:s18] =	ssyncset.done $0x0  }
0x187: {  	s11 =	rddreg [dreg:$0xc];
	[sflag:s18] =	ssyncadd.s32 $0xFFFFC000  }
0x188: {  	[tilespmem:s17], [sflag:$0x1] =	stream.indirect.gather [hbm4b:s4+s15], $0x80, s11, s15, $0xb8;
	[tilespmem:$0x1D000] =	vst v63  }
0x189: {  	_ =	swait.ge [sflag:s16], $0x4000  }
0x18a: {  	[sflag:s16] =	ssyncset.done $0x0  }
0x18b: {  	s9 =	rddreg [dreg:$0xd];
	[sflag:s16] =	ssyncadd.s32 $0xFFFFC000  }
0x18c: {  	[spmem:s2] =	stream.indirect.scatter.add.f32 [tilespmem:s17], [sflag:$0x2], $0x80, s9, s15, $0xb8;
	[tilespmem:$0x1D000] =	vst v63  }
0x18d: {  	_ =	swait.ge [sflag:s18], $0x4000  }
0x18e: {  	[sflag:s18] =	ssyncset.done $0x0  }
0x18f: {  	s10 =	rddreg [dreg:$0xe];
	[sflag:s18] =	ssyncadd.s32 $0xFFFFC000  }
0x190: {  	[tilespmem:s12], [sflag:$0x1] =	stream.indirect.gather [hbm4b:s4+s15], $0x80, s10, s15, $0xb8;
	[tilespmem:$0x1D000] =	vst v63  }
0x191: {  	_ =	swait.ge [sflag:s16], $0x4000  }
0x192: {  	[sflag:s16] =	ssyncset.done $0x0  }
0x193: {  	s11 =	rddreg [dreg:$0xf];
	[sflag:s16] =	ssyncadd.s32 $0xFFFFC000  }
0x194: {  	[spmem:s2] =	stream.indirect.scatter.add.f32 [tilespmem:s12], [sflag:$0x2], $0x80, s11, s15, $0xb8;
	[tilespmem:$0x1D000] =	vst v63  }
0x195: {  	_ =	swait.ge [sflag:s18], $0x4000  }
0x196: {  	[sflag:s18] =	ssyncset.done $0x0  }
0x197: {  	s9 =	rddreg [dreg:$0x10];
	[sflag:s18] =	ssyncadd.s32 $0xFFFFC000  }
0x198: {  	[tilespmem:s17], [sflag:$0x1] =	stream.indirect.gather [hbm4b:s4+s15], $0x80, s9, s15, $0xb8;
	[tilespmem:$0x1D000] =	vst v63  }
0x199: {  	_ =	swait.ge [sflag:s16], $0x4000  }
0x19a: {  	[sflag:s16] =	ssyncset.done $0x0  }
0x19b: {  	[sflag:s16] =	ssyncadd.s32 $0xFFFFC000  }
0x19c: {  	[spmem:s2] =	stream.indirect.scatter.add.f32 [tilespmem:s17], [sflag:$0x2], $0x80, s19, s15, $0xb8;
	[tilespmem:$0x1D000] =	vst v63  }
0x19d: {  	_ =	swait.ge [sflag:s18], $0x4000  }
0x19e: {  	[sflag:s18] =	ssyncset.done $0x0  }
0x19f: {  	[sflag:s18] =	ssyncadd.s32 $0xFFFFC000  }
0x1a0: {  	[tilespmem:s12], [sflag:$0x1] =	stream.indirect.gather [hbm4b:s4+s15], $0x80, s20, s15, $0xb8;
	[tilespmem:$0x1D000] =	vst v63  }
0x1a1: {  	_ =	swait.ge [sflag:s16], $0x4000  }
0x1a2: {  	[sflag:s16] =	ssyncset.done $0x0  }
0x1a3: {  	[sflag:s16] =	ssyncadd.s32 $0xFFFFC000  }
0x1a4: {  	[spmem:s2] =	stream.indirect.scatter.add.f32 [tilespmem:s12], [sflag:$0x2], $0x80, s21, s15, $0xb8;
	[tilespmem:$0x1D000] =	vst v63  }
0x1a5: {  	_ =	swait.ge [sflag:s18], $0x4000  }
0x1a6: {  	[sflag:s18] =	ssyncset.done $0x0  }
0x1a7: {  	[sflag:s18] =	ssyncadd.s32 $0xFFFFC000  }
0x1a8: {  	[tilespmem:s17], [sflag:$0x1] =	stream.indirect.gather [hbm4b:s4+s15], $0x80, s22, s15, $0xb8;
	[tilespmem:$0x1D000] =	vst v63  }
0x1a9: {  	_ =	swait.ge [sflag:s16], $0x4000  }
0x1aa: {  	[sflag:s16] =	ssyncset.done $0x0  }
0x1ab: {  	[sflag:s16] =	ssyncadd.s32 $0xFFFFC000  }
0x1ac: {  	[spmem:s2] =	stream.indirect.scatter.add.f32 [tilespmem:s17], [sflag:$0x2], $0x80, s23, s15, $0xb8;
	[tilespmem:$0x1D000] =	vst v63  }
0x1ad: {  	_ =	swait.ge [sflag:s18], $0x4000  }
0x1ae: {  	[sflag:s18] =	ssyncset.done $0x0  }
0x1af: {  	[sflag:s18] =	ssyncadd.s32 $0xFFFFC000  }
0x1b0: {  	[tilespmem:s12], [sflag:$0x1] =	stream.indirect.gather [hbm4b:s4+s15], $0x80, s24, s15, $0xb8;
	[tilespmem:$0x1D000] =	vst v63  }
0x1b1: {  	_ =	swait.ge [sflag:s16], $0x4000  }
0x1b2: {  	[sflag:s16] =	ssyncset.done $0x0  }
0x1b3: {  	[sflag:s16] =	ssyncadd.s32 $0xFFFFC000  }
0x1b4: {  	[spmem:s2] =	stream.indirect.scatter.add.f32 [tilespmem:s12], [sflag:$0x2], $0x80, s25, s15, $0xb8;
	[tilespmem:$0x1D000] =	vst v63  }
0x1b5: {  	_ =	swait.ge [sflag:s18], $0x4000  }
0x1b6: {  	[sflag:s18] =	ssyncset.done $0x0  }
0x1b7: {  	[sflag:s18] =	ssyncadd.s32 $0xFFFFC000  }
0x1b8: {  	[tilespmem:s17], [sflag:$0x1] =	stream.indirect.gather [hbm4b:s4+s15], $0x80, s26, s15, $0xb8;
	[tilespmem:$0x1D000] =	vst v63  }
0x1b9: {  	_ =	swait.ge [sflag:s16], $0x4000  }
0x1ba: {  	[sflag:s16] =	ssyncset.done $0x0  }
0x1bb: {  	[sflag:s16] =	ssyncadd.s32 $0xFFFFC000  }
0x1bc: {  	[spmem:s2] =	stream.indirect.scatter.add.f32 [tilespmem:s17], [sflag:$0x2], $0x80, s28, s15, $0xb8;
	[tilespmem:$0x1D000] =	vst v63  }
0x1bd: {  	_ =	swait.ge [sflag:s18], $0x4000  }
0x1be: {  	[sflag:s18] =	ssyncset.done $0x0  }
0x1bf: {  	[sflag:s18] =	ssyncadd.s32 $0xFFFFC000  }
0x1c0: {  	[tilespmem:s12], [sflag:$0x1] =	stream.indirect.gather [hbm4b:s4+s15], $0x80, s29, s15, $0xb8;
	[tilespmem:$0x1D000] =	vst v63  }
0x1c1: {  	_ =	swait.ge [sflag:s16], $0x4000  }
0x1c2: {  	[sflag:s16] =	ssyncset.done $0x0  }
0x1c3: {  	[sflag:s16] =	ssyncadd.s32 $0xFFFFC000  }
0x1c4: {  	[spmem:s2] =	stream.indirect.scatter.add.f32 [tilespmem:s12], [sflag:$0x2], $0x80, s30, s15, $0xb8;
	[tilespmem:$0x1D000] =	vst v63  }
0x1c5: {  	_ =	swait.ge [sflag:s18], $0x4000  }
0x1c6: {  	[sflag:s18] =	ssyncset.done $0x0  }
0x1c7: {  	[sflag:s18] =	ssyncadd.s32 $0xFFFFC000  }
0x1c8: {  	[tilespmem:s17], [sflag:$0x1] =	stream.indirect.gather [hbm4b:s4+s15], $0x80, s31, s15, $0xb8;
	[tilespmem:$0x1D000] =	vst v63  }
0x1c9: {  	_ =	swait.ge [sflag:s16], $0x4000  }
0x1ca: {  	[sflag:s16] =	ssyncset.done $0x0  }
0x1cb: {  	[sflag:s16] =	ssyncadd.s32 $0xFFFFC000  }
0x1cc: {  	[spmem:s2] =	stream.indirect.scatter.add.f32 [tilespmem:s17], [sflag:$0x2], $0x80, s1, s15, $0xb8;
	[tilespmem:$0x1D000] =	vst v63  }
0x1cd: {  	_ =	swait.ge [sflag:s18], $0x4000  }
0x1ce: {  	[sflag:s18] =	ssyncset.done $0x0  }
0x1cf: {  	[sflag:s18] =	ssyncadd.s32 $0xFFFFC000  }
0x1d0: {  	[tilespmem:s12], [sflag:$0x1] =	stream.indirect.gather [hbm4b:s4+s15], $0x80, s0, s15, $0xb8;
	[tilespmem:$0x1D000] =	vst v63  }
0x1d1: {  	_ =	swait.ge [sflag:s16], $0x4000  }
0x1d2: {  	[sflag:s16] =	ssyncset.done $0x0  }
0x1d3: {  	[sflag:s16] =	ssyncadd.s32 $0xFFFFC000  }
0x1d4: {  	[spmem:s2] =	stream.indirect.scatter.add.f32 [tilespmem:s12], [sflag:$0x2], $0x80, s6, s15, $0xb8;
	[tilespmem:$0x1D000] =	vst v63  }
0x1d5: {  	_ =	swait.ge [sflag:s18], $0x4000  }
0x1d6: {  	[sflag:s18] =	ssyncset.done $0x0  }
0x1d7: {  	[sflag:s18] =	ssyncadd.s32 $0xFFFFC000  }
0x1d8: {  	[tilespmem:s17], [sflag:$0x1] =	stream.indirect.gather [hbm4b:s4+s15], $0x80, s7, s15, $0xb8;
	[tilespmem:$0x1D000] =	vst v63  }
0x1d9: {  	_ =	swait.ge [sflag:s16], $0x4000  }
0x1da: {  	[sflag:s16] =	ssyncset.done $0x0  }
0x1db: {  	[sflag:s16] =	ssyncadd.s32 $0xFFFFC000  }
0x1dc: {  	[spmem:s2] =	stream.indirect.scatter.add.f32 [tilespmem:s17], [sflag:$0x2], $0x80, s8, s15, $0xb8;
	[tilespmem:$0x1D000] =	vst v63  }
0x1dd: {  	_ =	swait.ge [sflag:s18], $0x4000  }
0x1de: {  	[sflag:s18] =	ssyncset.done $0x0  }
0x1df: {  	[sflag:s18] =	ssyncadd.s32 $0xFFFFC000  }
0x1e0: {  	_ =	swait.ge [sflag:s18], $0x4000  }
0x1e1: {  	[sflag:s18] =	ssyncset.done $0x0  }
0x1e2: {  	[sflag:s18] =	ssyncadd.s32 $0xFFFFC000  }
0x1e3: {  	s10 =	stileid.u32;
	[bflag:$0x0] =	sbarrier.arrive $0xFFFF  }
0x1e4: {  	s5 =	sshll.u32 s10, $0x6;
	s9 =	rddreg [dreg:$0x11]  }
0x1e5: {  	s5 =	sor.u32 $0x1C03, s5;
	s11 =	rddreg [dreg:$0x16];
	s9 =	sshrl.u32 s9, $0x3  }
0x1e6: {  	[hbm:s11], [sflag:s5] =	dma.local [spmem:s9], $0x2800  }
0x1e7: {  	_ =	swait.ge [sflag:s13], $0x2800  }
0x1e8: {  	s10 =	rddreg [dreg:$0x18]  }
0x1e9: {  	s11 =	rddreg [dreg:$0x17];
	s9 =	sadd.s32 $0x1, s10  }
0x1ea: {  	p0 =	sne.s32 s9, s11  }
.Ltmp2:
0x1eb: {  	_ = 	snop;
	(pc) =	sbr.rel @p0 .LBB2_1-.Ltmp2, $3  }
0x1ec: {  	_ =	sdelay $0x1  }
0x1ed: {  	[sflag:s13] =	ssyncset.done $0x0  }
0x1ee: {  	[sflag:s13] =	ssyncadd.s32 $0xFFFFD800  }
0x1ef: {  	_ =	sfence.sel $0x180000  }
0x1f0: {  	[bflag:$0x0] =	sbarrier.arrive $0xFFFF  }
0x1f1: {  	_ =	strace $0x90000050  }
0x1f2: {  	s0 =	stileid.u32;
	[bflag:$0x2] =	sbarrier.arrive $0xFFFF  }
0x1f3: {  	p0 =	sne.s32 s0, $0x0;
	s0 =	rddreg [dreg:$0x2]  }
0x1f4: {  	s0 =	sadd.s32 @!p0 $0x100000, s0  }
0x1f5: {  	[sflag:s0] =	ssyncadd.tile.s32 @!p0 $0x1;
	_ =	shalt  }
.Lfunc_end2:
_tile_overlayer_lowered:
.L_overlay_start_2:
0x1f6: {  	(tag) =	ssettag $0x2  }
0x1f7: {  	s0 =	rddreg [dreg:$0x0];
	s2 =	stileid.u32  }
0x1f8: {  	s1 =	rddreg [dreg:$0x1];
	p0 =	sne.s32 s2, $0x0  }
0x1f9: {  	s3 =	rddreg [dreg:$0x2];
	[bflag:$0x3] =	sbarrier.arrive $0xFFFF;
	s2 =	simm.s32 @!p0 $0x1C03  }
0x1fa: {  	[timem:s3], [sflag:s2] =	dma.local @!p0 [hbm:s0], s1  }
0x1fb: {  	s0 =	simm.s32 @!p0 $0x3  }
0x1fc: {  	_ =	swait.ge @!p0 [sflag:s0], s1  }
0x1fd: {  	s1 =	ssub.s32 @!p0 $0x0, s1;
	[sflag:s0] =	ssyncset.done @!p0 $0x0  }
0x1fe: {  	[sflag:s0] =	ssyncadd.s32 @!p0 s1  }
0x1ff: {  	[bflag:$0x3] =	sbarrier.arrive $0xFFFF  }
0x200: {  	_ =	shalt  }

</sc_bundles>
